<compile_context>
chip_gen: v7x
topology: tpu7x:2x2x1
jax: 0.10.2.dev20260603
libtpu: 0.0.44.dev20260713+nightly
codegen_flags: <defaults>
</compile_context>

<pallas_src>
import jax
import jax.numpy as jnp
from jax import lax
from jax.experimental import pallas as pl
from jax.experimental.pallas import tpu as pltpu
from jax.experimental.pallas import tpu_sc as plsc

N, E, DIN, H, OUT, B = 10000, 320000, 128, 128, 64, 128

NP = 10240
BLK = 512
NBLK = NP // BLK
EK = 3456
EKB = 6912
ETOT = E + N
NTILES = 32
EP = ((ETOT + NTILES * EK - 1) // (NTILES * EK)) * (NTILES * EK)
EPT = EP // NTILES
ACH = EPT // EK
NCH = EP // EKB



def _pack_pairs(hb):
    lo = lax.bitcast_convert_type(hb[:H // 2].astype(jnp.bfloat16),
                                  jnp.uint16).astype(jnp.uint32)
    hi = lax.bitcast_convert_type(hb[H // 2:].astype(jnp.bfloat16),
                                  jnp.uint16).astype(jnp.uint32)
    return lax.bitcast_convert_type(
        jnp.bitwise_or(lo, jnp.left_shift(hi, 16)), jnp.int32)


def _tc_dense_body(x_ref, w_ref, asr_ref, adr_ref, h_ref, as_ref, ad_ref):
    xb = x_ref[...]
    hb = lax.dot_general(w_ref[...], xb, (((0,), (1,)), ((), ())),
                         preferred_element_type=jnp.float32)
    h_ref[...] = _pack_pairs(hb)
    as_ref[...] = lax.dot_general(asr_ref[...], hb, (((1,), (0,)), ((), ())),
                                  preferred_element_type=jnp.float32)
    ad_ref[...] = lax.dot_general(adr_ref[...], hb, (((1,), (0,)), ((), ())),
                                  preferred_element_type=jnp.float32)


def _tc_dense(x_t, w, a_src, a_dst):
    return pl.pallas_call(
        _tc_dense_body,
        grid=(NBLK,),
        in_specs=[
            pl.BlockSpec((BLK, DIN), lambda j: (j, 0)),
            pl.BlockSpec((DIN, H), lambda j: (0, 0)),
            pl.BlockSpec((1, H), lambda j: (0, 0)),
            pl.BlockSpec((1, H), lambda j: (0, 0)),
        ],
        out_specs=[
            pl.BlockSpec((H // 2, BLK), lambda j: (0, j)),
            pl.BlockSpec((1, BLK), lambda j: (0, j)),
            pl.BlockSpec((1, BLK), lambda j: (0, j)),
        ],
        out_shape=[
            jax.ShapeDtypeStruct((H // 2, NP), jnp.int32),
            jax.ShapeDtypeStruct((1, NP), jnp.float32),
            jax.ShapeDtypeStruct((1, NP), jnp.float32),
        ],
    )(x_t, w, a_src, a_dst)


def _tc_mid_body(acc_ref, denp_ref, b_ref, w_ref, asr_ref, adr_ref,
                 h_ref, as_ref, ad_ref):
    den = jnp.sum(denp_ref[...], axis=0, keepdims=True)
    g = acc_ref[...] / (den + 1e-30) + b_ref[...]
    g = jnp.maximum(g, 0.0)
    hb = lax.dot_general(w_ref[...], g, (((0,), (0,)), ((), ())),
                         preferred_element_type=jnp.float32)
    h_ref[...] = _pack_pairs(hb)
    as_ref[...] = lax.dot_general(asr_ref[...], hb, (((1,), (0,)), ((), ())),
                                  preferred_element_type=jnp.float32)
    ad_ref[...] = lax.dot_general(adr_ref[...], hb, (((1,), (0,)), ((), ())),
                                  preferred_element_type=jnp.float32)


def _tc_mid(acc_t, den_p, b_col, w, a_src, a_dst):
    return pl.pallas_call(
        _tc_mid_body,
        grid=(NBLK,),
        in_specs=[
            pl.BlockSpec((H, BLK), lambda j: (0, j)),
            pl.BlockSpec((NTILES, BLK), lambda j: (0, j)),
            pl.BlockSpec((H, 1), lambda j: (0, 0)),
            pl.BlockSpec((H, H), lambda j: (0, 0)),
            pl.BlockSpec((1, H), lambda j: (0, 0)),
            pl.BlockSpec((1, H), lambda j: (0, 0)),
        ],
        out_specs=[
            pl.BlockSpec((H // 2, BLK), lambda j: (0, j)),
            pl.BlockSpec((1, BLK), lambda j: (0, j)),
            pl.BlockSpec((1, BLK), lambda j: (0, j)),
        ],
        out_shape=[
            jax.ShapeDtypeStruct((H // 2, NP), jnp.int32),
            jax.ShapeDtypeStruct((1, NP), jnp.float32),
            jax.ShapeDtypeStruct((1, NP), jnp.float32),
        ],
    )(acc_t, den_p, b_col, w, a_src, a_dst)


def _tc_final_body(acc_ref, denp_ref, b_ref, batch_ref, wfc_ref, bfc_ref,
                   out_ref, pooled_ref, cnt_ref):
    j = pl.program_id(0)

    @pl.when(j == 0)
    def _():
        pooled_ref[...] = jnp.zeros_like(pooled_ref)
        cnt_ref[...] = jnp.zeros_like(cnt_ref)

    den = jnp.sum(denp_ref[...], axis=0, keepdims=True)
    g = acc_ref[...] / (den + 1e-30) + b_ref[...]
    g = jnp.maximum(g, 0.0)
    ids = lax.broadcasted_iota(jnp.int32, (BLK, B), 1)
    pb = (batch_ref[...] == ids).astype(jnp.float32)
    pooled_ref[...] += jnp.dot(g, pb, preferred_element_type=jnp.float32)
    cnt_ref[...] += jnp.sum(pb, axis=0, keepdims=True)

    @pl.when(j == NBLK - 1)
    def _():
        pooled = pooled_ref[...] / jnp.maximum(cnt_ref[...], 1.0)
        out_ref[...] = lax.dot_general(
            pooled, wfc_ref[...], (((0,), (0,)), ((), ())),
            preferred_element_type=jnp.float32) + bfc_ref[...]


def _tc_final(acc_t, den_p, b_col, batch_col, wfc, bfc_row):
    return pl.pallas_call(
        _tc_final_body,
        grid=(NBLK,),
        in_specs=[
            pl.BlockSpec((H, BLK), lambda j: (0, j)),
            pl.BlockSpec((NTILES, BLK), lambda j: (0, j)),
            pl.BlockSpec((H, 1), lambda j: (0, 0)),
            pl.BlockSpec((BLK, 1), lambda j: (j, 0)),
            pl.BlockSpec((H, OUT), lambda j: (0, 0)),
            pl.BlockSpec((1, OUT), lambda j: (0, 0)),
        ],
        out_specs=pl.BlockSpec((B, OUT), lambda j: (0, 0)),
        out_shape=jax.ShapeDtypeStruct((B, OUT), jnp.float32),
        scratch_shapes=[
            pltpu.VMEM((H, B), jnp.float32),
            pltpu.VMEM((1, B), jnp.float32),
        ],
    )(acc_t, den_p, b_col, batch_col, wfc, bfc_row)



def _sc_mesh():
    return plsc.VectorSubcoreMesh(core_axis_name="c", subcore_axis_name="s",
                                  num_cores=2, num_subcores=16)


def _sc_pass_a_body(as_hbm, ad_hbm, sd_hbm, w_hbm, denp_hbm,
                    asv, adv, denv, sdbuf, wbuf):
    wid = lax.axis_index("c") * 16 + lax.axis_index("s")

    pltpu.sync_copy(as_hbm, asv)
    pltpu.sync_copy(ad_hbm, adv)

    neg = jnp.full((16,), -3.0e38, jnp.float32)

    def _mx(i, carry):
        ma, md = carry
        sl = pl.ds(i * 16, 16)
        return jnp.maximum(ma, asv[sl]), jnp.maximum(md, adv[sl])

    ma, md = lax.fori_loop(0, NP // 16, _mx, (neg, neg))

    def _hmax(v):
        idx = lax.iota(jnp.int32, 16)
        for k in (1, 2, 4, 8):
            perm = jnp.bitwise_xor(idx, k)
            g = lax.gather(
                v, perm[:, None],
                lax.GatherDimensionNumbers(
                    offset_dims=(), collapsed_slice_dims=(0,),
                    start_index_map=(0,)),
                (1,), mode=lax.GatherScatterMode.PROMISE_IN_BOUNDS)
            v = jnp.maximum(v, g)
        return v

    m_all = jnp.maximum(_hmax(ma) + _hmax(md), 0.0)

    zero = jnp.zeros((16,), jnp.float32)

    def _z(i, _):
        denv[pl.ds(i * 16, 16)] = zero
        return 0

    lax.fori_loop(0, NP // 16, _z, 0)

    for c in range(ACH):
        base = wid * EPT + c * EK
        pltpu.sync_copy(sd_hbm.at[pl.ds(base, EK)], sdbuf)

        @plsc.parallel_loop(0, EK, step=16, unroll=4)
        def _g(g):
            sl = pl.ds(g, 16)
            sd16 = sdbuf[sl]
            s16 = jnp.bitwise_and(sd16, 0xFFFF)
            d16 = lax.shift_right_logical(sd16, 16)
            z = plsc.load_gather(asv, [s16]) + plsc.load_gather(adv, [d16])
            e = jnp.where(z > 0.0, z, 0.2 * z)
            w16 = jnp.exp(e - m_all)
            wbuf[sl] = w16
            plsc.addupdate_scatter(denv, [d16], w16)
        pltpu.sync_copy(wbuf, w_hbm.at[pl.ds(base, EK)])

    pltpu.sync_copy(denv, denp_hbm.at[wid])


def _sc_pass_a(as_n, ad_n, sd):
    f = pl.kernel(
        _sc_pass_a_body,
        out_type=[
            jax.ShapeDtypeStruct((EP,), jnp.float32),
            jax.ShapeDtypeStruct((NTILES, NP), jnp.float32),
        ],
        mesh=_sc_mesh(),
        compiler_params=pltpu.CompilerParams(needs_layout_passes=False),
        scratch_types=[
            pltpu.VMEM((NP,), jnp.float32),
            pltpu.VMEM((NP,), jnp.float32),
            pltpu.VMEM((NP,), jnp.float32),
            pltpu.VMEM((EK,), jnp.int32),
            pltpu.VMEM((EK,), jnp.float32),
        ],
    )
    return f(as_n, ad_n, sd)


def _sc_pass_b_body(h_hbm, sd_hbm, w_hbm, out_hbm,
                    hp0, hp1, ar0, ar1, ar2, ar3,
                    sd0, sd1, w0, w1, sems):
    wid = lax.axis_index("c") * 16 + lax.axis_index("s")
    hprows = (hp0, hp1)
    arows = (ar0, ar1, ar2, ar3)
    sdb = (sd0, sd1)
    wb = (w0, w1)

    for i in range(2):
        pltpu.sync_copy(h_hbm.at[wid * 2 + i], hprows[i])

    zero = jnp.zeros((16,), jnp.float32)

    def _z(i, _):
        for f in range(4):
            arows[f][pl.ds(i * 16, 16)] = zero
        return 0

    lax.fori_loop(0, NP // 16, _z, 0)

    def _start(c, slot):
        base = c * EKB
        pltpu.async_copy(sd_hbm.at[pl.ds(base, EKB)], sdb[slot],
                         sems.at[slot])
        pltpu.async_copy(w_hbm.at[pl.ds(base, EKB)], wb[slot],
                         sems.at[slot])

    def _wait(c, slot):
        base = c * EKB
        pltpu.make_async_copy(sd_hbm.at[pl.ds(base, EKB)], sdb[slot],
                              sems.at[slot]).wait()
        pltpu.make_async_copy(w_hbm.at[pl.ds(base, EKB)], wb[slot],
                              sems.at[slot]).wait()

    def _process(slot):
        @plsc.parallel_loop(0, EKB, step=16, unroll=4)
        def _g(g):
            sl = pl.ds(g, 16)
            sd16 = sdb[slot][sl]
            s16 = jnp.bitwise_and(sd16, 0xFFFF)
            d16 = lax.shift_right_logical(sd16, 16)
            w16 = wb[slot][sl]
            for p in range(2):
                vp = plsc.load_gather(hprows[p], [s16])
                bb = plsc.bitcast(vp, jnp.bfloat16)
                lo, hi = plsc.unpack(bb, format=plsc.PackFormat.INTERLEAVED)
                plsc.addupdate_scatter(arows[p], [d16], lo * w16)
                plsc.addupdate_scatter(arows[2 + p], [d16], hi * w16)

    _start(0, 0)

    def _outer(p, _):
        c0 = p * 2
        _wait(c0, 0)
        _start(c0 + 1, 1)
        _process(0)
        _wait(c0 + 1, 1)
        _start(c0 + 2, 0)
        _process(1)
        return 0

    lax.fori_loop(0, NCH // 2 - 1, _outer, 0)
    c0 = NCH - 2
    _wait(c0, 0)
    _start(c0 + 1, 1)
    _process(0)
    _wait(c0 + 1, 1)
    _process(1)

    pltpu.sync_copy(arows[0], out_hbm.at[wid * 2])
    pltpu.sync_copy(arows[1], out_hbm.at[wid * 2 + 1])
    pltpu.sync_copy(arows[2], out_hbm.at[wid * 2 + H // 2])
    pltpu.sync_copy(arows[3], out_hbm.at[wid * 2 + 1 + H // 2])


def _sc_pass_b(h_t, sd, w):
    f = pl.kernel(
        _sc_pass_b_body,
        out_type=jax.ShapeDtypeStruct((H, NP), jnp.float32),
        mesh=_sc_mesh(),
        compiler_params=pltpu.CompilerParams(needs_layout_passes=False),
        scratch_types=[
            pltpu.VMEM((NP,), jnp.int32),
            pltpu.VMEM((NP,), jnp.int32),
            pltpu.VMEM((NP,), jnp.float32),
            pltpu.VMEM((NP,), jnp.float32),
            pltpu.VMEM((NP,), jnp.float32),
            pltpu.VMEM((NP,), jnp.float32),
            pltpu.VMEM((EKB,), jnp.int32),
            pltpu.VMEM((EKB,), jnp.int32),
            pltpu.VMEM((EKB,), jnp.float32),
            pltpu.VMEM((EKB,), jnp.float32),
            pltpu.SemaphoreType.DMA((2,)),
        ],
    )
    return f(h_t, sd, w)



def kernel(x, edge_index, batch, W1, a_src1, a_dst1, b1,
           W2, a_src2, a_dst2, b2, Wfc, bfc):
    n = x.shape[0]
    loops = jnp.arange(n, dtype=edge_index.dtype)
    src = jnp.concatenate([edge_index[0], loops])
    dst = jnp.concatenate([edge_index[1], loops])
    src = jnp.concatenate(
        [src, jnp.zeros((EP - ETOT,), src.dtype)])
    dst = jnp.concatenate(
        [dst, jnp.full((EP - ETOT,), NP - 1, dst.dtype)])
    sd = jnp.bitwise_or(src, jnp.left_shift(dst, 16))

    x_p = jnp.pad(x, ((0, NP - n), (0, 0)))

    h1, as1, ad1 = _tc_dense(x_p, W1, a_src1, a_dst1)
    w1, den1 = _sc_pass_a(as1.reshape(NP), ad1.reshape(NP), sd)
    acc1 = _sc_pass_b(h1, sd, w1)

    h2, as2, ad2 = _tc_mid(acc1, den1, b1.reshape(H, 1), W2, a_src2, a_dst2)
    w2, den2 = _sc_pass_a(as2.reshape(NP), ad2.reshape(NP), sd)
    acc2 = _sc_pass_b(h2, sd, w2)

    batch_pad = jnp.concatenate([batch, jnp.full((NP - n,), B, batch.dtype)])

    return _tc_final(acc2, den2, b2.reshape(H, 1), batch_pad.reshape(NP, 1),
                     Wfc, bfc.reshape(1, OUT))

# --- scband reference (transcript-rebuilt; emitter-appended) ---
"""Pipeline reference for scband-gat-8177617732164 (READ-ONLY COPY).

The authoritative reference and input builder live on the scoring server;
editing this copy changes nothing except your own understanding.
"""

import jax, jax.numpy as jnp
import numpy as np

N, E, DIN, H, OUT, B = 10000, 320000, 128, 128, 64, 128


def gat_conv(x, src, dst, W, a_src, a_dst, b, heads):
    n = x.shape[0]
    out_ch = W.shape[1] // heads
    h = (x @ W).reshape(n, heads, out_ch)
    alpha_src = (h * a_src).sum(-1)  # [n, heads]
    alpha_dst = (h * a_dst).sum(-1)
    e = alpha_src[src] + alpha_dst[dst]
    e = jax.nn.leaky_relu(e, 0.2)
    m = jax.ops.segment_max(e, dst, num_segments=n)
    ex = jnp.exp(e - m[dst])
    den = jax.ops.segment_sum(ex, dst, num_segments=n)
    alpha = ex / (den[dst] + 1e-16)
    out = jax.ops.segment_sum(h[src] * alpha[:, :, None], dst, num_segments=n)
    return out.reshape(n, heads * out_ch) + b


def setup_inputs(seed: int = 0):
    key = jax.random.key(seed)
    ks = jax.random.split(key, 12)
    x = jax.random.normal(ks[0], (N, DIN), dtype=jnp.float32)
    edge_index = jax.random.randint(ks[1], (2, E), 0, N, dtype=jnp.int32)
    batch = jnp.sort(jax.random.randint(ks[2], (N,), 0, B, dtype=jnp.int32))
    s = 0.1
    W1 = jax.random.normal(ks[3], (DIN, H), dtype=jnp.float32) * s
    a_src1 = jax.random.normal(ks[4], (1, H), dtype=jnp.float32) * s
    a_dst1 = jax.random.normal(ks[5], (1, H), dtype=jnp.float32) * s
    b1 = jnp.zeros((H,), dtype=jnp.float32)
    W2 = jax.random.normal(ks[6], (H, H), dtype=jnp.float32) * s
    a_src2 = jax.random.normal(ks[7], (1, H), dtype=jnp.float32) * s
    a_dst2 = jax.random.normal(ks[8], (1, H), dtype=jnp.float32) * s
    b2 = jnp.zeros((H,), dtype=jnp.float32)
    Wfc = jax.random.normal(ks[9], (H, OUT), dtype=jnp.float32) * s
    bfc = jnp.zeros((OUT,), dtype=jnp.float32)
    return {"x": x, "edge_index": edge_index, "batch": batch, "W1": W1, "a_src1": a_src1, "a_dst1": a_dst1, "b1": b1, "W2": W2, "a_src2": a_src2, "a_dst2": a_dst2, "b2": b2, "Wfc": Wfc, "bfc": bfc}


def reference(x, edge_index, batch, W1, a_src1, a_dst1, b1, W2, a_src2, a_dst2, b2, Wfc, bfc):
    n = x.shape[0]
    loops = jnp.arange(n, dtype=edge_index.dtype)
    src = jnp.concatenate([edge_index[0], loops])  # add self-loops (PyG default)
    dst = jnp.concatenate([edge_index[1], loops])
    h = jax.nn.relu(gat_conv(x, src, dst, W1, a_src1, a_dst1, b1, 1))
    h = jax.nn.relu(gat_conv(h, src, dst, W2, a_src2, a_dst2, b2, 1))
    sums = jax.ops.segment_sum(h, batch, num_segments=B)
    cnt = jax.ops.segment_sum(jnp.ones((n,), h.dtype), batch, num_segments=B)
    pooled = sums / jnp.maximum(cnt, 1.0)[:, None]
    return pooled @ Wfc + bfc

if __name__ == "__main__":
    import jax
    _d = setup_inputs()
    print(jax.jit(kernel)(*tuple(_d.values())))

</pallas_src>

<mosaic_0001>
#map = affine_map<(d0, d1) -> (0, 0)>
#map1 = affine_map<(d0, d1) -> (0)>
module attributes {stable_mosaic.version = 14 : i64} {
  func.func @_sc_pass_b_body(%arg0: i32, %arg1: i32, %arg2: memref<64x10240xi32, #tpu.memory_space<hbm>>, %arg3: memref<331776xi32, #tpu.memory_space<hbm>>, %arg4: memref<331776xf32, #tpu.memory_space<hbm>>, %arg5: memref<128x10240xf32, #tpu.memory_space<hbm>>, %arg6: memref<10240xi32, #tpu.memory_space<vmem>>, %arg7: memref<10240xi32, #tpu.memory_space<vmem>>, %arg8: memref<10240xf32, #tpu.memory_space<vmem>>, %arg9: memref<10240xf32, #tpu.memory_space<vmem>>, %arg10: memref<10240xf32, #tpu.memory_space<vmem>>, %arg11: memref<10240xf32, #tpu.memory_space<vmem>>, %arg12: memref<6912xi32, #tpu.memory_space<vmem>>, %arg13: memref<6912xi32, #tpu.memory_space<vmem>>, %arg14: memref<6912xf32, #tpu.memory_space<vmem>>, %arg15: memref<6912xf32, #tpu.memory_space<vmem>>, %arg16: memref<2x!tpu.dma_semaphore, #tpu.memory_space<semaphore_mem>>) attributes {dimension_semantics = [#tpu.dimension_semantics<core_parallel>, #tpu.dimension_semantics<subcore_parallel>], iteration_bounds = array<i64: 2, 16>, scalar_prefetch = 0 : i64, scratch_operands = 11 : i64, tpu.core_type = #tpu.core_type<sc_vector_subcore>, window_params = [{transform_indices = #map}, {transform_indices = #map1}, {transform_indices = #map1}, {transform_indices = #map}]} {
    %mul3A = arith.constant 16 : i32
    %mul3A_0 = arith.muli %arg0, %mul3A : i32
    %add3A = arith.addi %mul3A_0, %arg1 : i32
    %mul3A_1 = arith.constant 2 : i32
    %mul3A_2 = arith.muli %add3A, %mul3A_1 : i32
    %add3A_3 = arith.constant 0 : i32
    %add3A_4 = arith.addi %mul3A_2, %add3A_3 : i32
    "tpu.region"() ({
      %run_scoped3A = tpu.sem_alloc : memref<!tpu.dma_semaphore, #tpu.memory_space<semaphore_mem>>
      %dma_start3A_98 = arith.constant 0 : i32
      %dma_start3A_99 = tpu.memref_slice %arg2[%add3A_4, %dma_start3A_98] : memref<64x10240xi32, #tpu.memory_space<hbm>> -> memref<1x10240xi32, #tpu.memory_space<hbm>>
      %dma_start3A_100 = tpu.memref_squeeze %dma_start3A_99 : memref<1x10240xi32, #tpu.memory_space<hbm>> -> memref<10240xi32, #tpu.memory_space<hbm>>
      %dma_start3A_101 = arith.constant 0 : i32
      %dma_start3A_102 = tpu.memref_slice %arg2[%add3A_4, %dma_start3A_101] : memref<64x10240xi32, #tpu.memory_space<hbm>> -> memref<1x10240xi32, #tpu.memory_space<hbm>>
      %dma_start3A_103 = tpu.memref_squeeze %dma_start3A_102 : memref<1x10240xi32, #tpu.memory_space<hbm>> -> memref<10240xi32, #tpu.memory_space<hbm>>
      tpu.enqueue_dma source(%dma_start3A_103 : memref<10240xi32, #tpu.memory_space<hbm>>) target(%arg6 : memref<10240xi32, #tpu.memory_space<vmem>>) target_semaphore(%run_scoped3A : memref<!tpu.dma_semaphore, #tpu.memory_space<semaphore_mem>>)
      %dma_wait3A_104 = arith.constant 0 : i32
      %dma_wait3A_105 = tpu.memref_slice %arg2[%add3A_4, %dma_wait3A_104] : memref<64x10240xi32, #tpu.memory_space<hbm>> -> memref<1x10240xi32, #tpu.memory_space<hbm>>
      %dma_wait3A_106 = tpu.memref_squeeze %dma_wait3A_105 : memref<1x10240xi32, #tpu.memory_space<hbm>> -> memref<10240xi32, #tpu.memory_space<hbm>>
      %dma_wait3A_107 = arith.constant 0 : i32
      %dma_wait3A_108 = tpu.memref_slice %arg2[%add3A_4, %dma_wait3A_107] : memref<64x10240xi32, #tpu.memory_space<hbm>> -> memref<1x10240xi32, #tpu.memory_space<hbm>>
      %dma_wait3A_109 = tpu.memref_squeeze %dma_wait3A_108 : memref<1x10240xi32, #tpu.memory_space<hbm>> -> memref<10240xi32, #tpu.memory_space<hbm>>
      tpu.wait_dma2 semaphore(%run_scoped3A : memref<!tpu.dma_semaphore, #tpu.memory_space<semaphore_mem>>) src(%dma_wait3A_109 : memref<10240xi32, #tpu.memory_space<hbm>>) dst(%arg6 : memref<10240xi32, #tpu.memory_space<vmem>>)
      tpu.yield
    }) : () -> ()
    %mul3A_5 = arith.constant 2 : i32
    %mul3A_6 = arith.muli %add3A, %mul3A_5 : i32
    %add3A_7 = arith.constant 1 : i32
    %add3A_8 = arith.addi %mul3A_6, %add3A_7 : i32
    "tpu.region"() ({
      %run_scoped3A = tpu.sem_alloc : memref<!tpu.dma_semaphore, #tpu.memory_space<semaphore_mem>>
      %dma_start3A_98 = arith.constant 0 : i32
      %dma_start3A_99 = tpu.memref_slice %arg2[%add3A_8, %dma_start3A_98] : memref<64x10240xi32, #tpu.memory_space<hbm>> -> memref<1x10240xi32, #tpu.memory_space<hbm>>
      %dma_start3A_100 = tpu.memref_squeeze %dma_start3A_99 : memref<1x10240xi32, #tpu.memory_space<hbm>> -> memref<10240xi32, #tpu.memory_space<hbm>>
      %dma_start3A_101 = arith.constant 0 : i32
      %dma_start3A_102 = tpu.memref_slice %arg2[%add3A_8, %dma_start3A_101] : memref<64x10240xi32, #tpu.memory_space<hbm>> -> memref<1x10240xi32, #tpu.memory_space<hbm>>
      %dma_start3A_103 = tpu.memref_squeeze %dma_start3A_102 : memref<1x10240xi32, #tpu.memory_space<hbm>> -> memref<10240xi32, #tpu.memory_space<hbm>>
      tpu.enqueue_dma source(%dma_start3A_103 : memref<10240xi32, #tpu.memory_space<hbm>>) target(%arg7 : memref<10240xi32, #tpu.memory_space<vmem>>) target_semaphore(%run_scoped3A : memref<!tpu.dma_semaphore, #tpu.memory_space<semaphore_mem>>)
      %dma_wait3A_104 = arith.constant 0 : i32
      %dma_wait3A_105 = tpu.memref_slice %arg2[%add3A_8, %dma_wait3A_104] : memref<64x10240xi32, #tpu.memory_space<hbm>> -> memref<1x10240xi32, #tpu.memory_space<hbm>>
      %dma_wait3A_106 = tpu.memref_squeeze %dma_wait3A_105 : memref<1x10240xi32, #tpu.memory_space<hbm>> -> memref<10240xi32, #tpu.memory_space<hbm>>
      %dma_wait3A_107 = arith.constant 0 : i32
      %dma_wait3A_108 = tpu.memref_slice %arg2[%add3A_8, %dma_wait3A_107] : memref<64x10240xi32, #tpu.memory_space<hbm>> -> memref<1x10240xi32, #tpu.memory_space<hbm>>
      %dma_wait3A_109 = tpu.memref_squeeze %dma_wait3A_108 : memref<1x10240xi32, #tpu.memory_space<hbm>> -> memref<10240xi32, #tpu.memory_space<hbm>>
      tpu.wait_dma2 semaphore(%run_scoped3A : memref<!tpu.dma_semaphore, #tpu.memory_space<semaphore_mem>>) src(%dma_wait3A_109 : memref<10240xi32, #tpu.memory_space<hbm>>) dst(%arg7 : memref<10240xi32, #tpu.memory_space<vmem>>)
      tpu.yield
    }) : () -> ()
    %broadcast_in_dim3A = arith.constant 0.000000e+00 : f32
    %broadcast_in_dim3A_9 = vector.broadcast %broadcast_in_dim3A : f32 to vector<16xf32>
    %scan3A = arith.constant 0 : i32
    %scan3A_10 = arith.constant 0 : i32
    %scan3A_11 = arith.constant 640 : i32
    %scan3A_12 = arith.addi %scan3A_10, %scan3A_11 : i32
    %scan3A_13 = arith.constant 1 : i32
    %scan3A_14 = scf.for %scan3A_98 = %scan3A_10 to %scan3A_12 step %scan3A_13 iter_args(%scan3A_99 = %scan3A) -> (i32)  : i32 {
      %mul3A_100 = arith.constant 16 : i32
      %mul3A_101 = arith.muli %scan3A_98, %mul3A_100 : i32
      %swap3A = arith.index_cast %mul3A_101 : i32 to index
      %swap3A_102 = tpu.vector_load %arg8[%swap3A] {strides = array<i32>} : memref<10240xf32, #tpu.memory_space<vmem>>, vector<16xf32>,
      tpu.vector_store %arg8[%swap3A], %broadcast_in_dim3A_9 {strides = array<i32>} : memref<10240xf32, #tpu.memory_space<vmem>>, vector<16xf32>,
      %mul3A_103 = arith.constant 16 : i32
      %mul3A_104 = arith.muli %scan3A_98, %mul3A_103 : i32
      %swap3A_105 = arith.index_cast %mul3A_104 : i32 to index
      %swap3A_106 = tpu.vector_load %arg9[%swap3A_105] {strides = array<i32>} : memref<10240xf32, #tpu.memory_space<vmem>>, vector<16xf32>,
      tpu.vector_store %arg9[%swap3A_105], %broadcast_in_dim3A_9 {strides = array<i32>} : memref<10240xf32, #tpu.memory_space<vmem>>, vector<16xf32>,
      %mul3A_107 = arith.constant 16 : i32
      %mul3A_108 = arith.muli %scan3A_98, %mul3A_107 : i32
      %swap3A_109 = arith.index_cast %mul3A_108 : i32 to index
      %swap3A_110 = tpu.vector_load %arg10[%swap3A_109] {strides = array<i32>} : memref<10240xf32, #tpu.memory_space<vmem>>, vector<16xf32>,
      tpu.vector_store %arg10[%swap3A_109], %broadcast_in_dim3A_9 {strides = array<i32>} : memref<10240xf32, #tpu.memory_space<vmem>>, vector<16xf32>,
      %mul3A_111 = arith.constant 16 : i32
      %mul3A_112 = arith.muli %scan3A_98, %mul3A_111 : i32
      %swap3A_113 = arith.index_cast %mul3A_112 : i32 to index
      %swap3A_114 = tpu.vector_load %arg11[%swap3A_113] {strides = array<i32>} : memref<10240xf32, #tpu.memory_space<vmem>>, vector<16xf32>,
      tpu.vector_store %arg11[%swap3A_113], %broadcast_in_dim3A_9 {strides = array<i32>} : memref<10240xf32, #tpu.memory_space<vmem>>, vector<16xf32>,
      %scan3A_115 = arith.constant 0 : i32
      scf.yield %scan3A_115 : i32
    }
    %scan3A_15 = arith.constant 640 : i32
    %dma_start3A = arith.constant 0 : i32
    %dma_start3A_16 = arith.constant 0 : i32
    %dma_start3A_17 = tpu.memref_slice %arg3[%dma_start3A_16] : memref<331776xi32, #tpu.memory_space<hbm>> -> memref<6912xi32, #tpu.memory_space<hbm>>
    %dma_start3A_18 = tpu.memref_slice %arg16[%dma_start3A] : memref<2x!tpu.dma_semaphore, #tpu.memory_space<semaphore_mem>> -> memref<1x!tpu.dma_semaphore, #tpu.memory_space<semaphore_mem>>
    %dma_start3A_19 = tpu.memref_squeeze %dma_start3A_18 : memref<1x!tpu.dma_semaphore, #tpu.memory_space<semaphore_mem>> -> memref<!tpu.dma_semaphore, #tpu.memory_space<semaphore_mem>>
    %dma_start3A_20 = arith.constant 0 : i32
    %dma_start3A_21 = tpu.memref_slice %arg3[%dma_start3A_20] : memref<331776xi32, #tpu.memory_space<hbm>> -> memref<6912xi32, #tpu.memory_space<hbm>>
    tpu.enqueue_dma source(%dma_start3A_21 : memref<6912xi32, #tpu.memory_space<hbm>>) target(%arg12 : memref<6912xi32, #tpu.memory_space<vmem>>) target_semaphore(%dma_start3A_19 : memref<!tpu.dma_semaphore, #tpu.memory_space<semaphore_mem>>)
    %dma_start3A_22 = arith.constant 0 : i32
    %dma_start3A_23 = arith.constant 0 : i32
    %dma_start3A_24 = tpu.memref_slice %arg4[%dma_start3A_23] : memref<331776xf32, #tpu.memory_space<hbm>> -> memref<6912xf32, #tpu.memory_space<hbm>>
    %dma_start3A_25 = tpu.memref_slice %arg16[%dma_start3A_22] : memref<2x!tpu.dma_semaphore, #tpu.memory_space<semaphore_mem>> -> memref<1x!tpu.dma_semaphore, #tpu.memory_space<semaphore_mem>>
    %dma_start3A_26 = tpu.memref_squeeze %dma_start3A_25 : memref<1x!tpu.dma_semaphore, #tpu.memory_space<semaphore_mem>> -> memref<!tpu.dma_semaphore, #tpu.memory_space<semaphore_mem>>
    %dma_start3A_27 = arith.constant 0 : i32
    %dma_start3A_28 = tpu.memref_slice %arg4[%dma_start3A_27] : memref<331776xf32, #tpu.memory_space<hbm>> -> memref<6912xf32, #tpu.memory_space<hbm>>
    tpu.enqueue_dma source(%dma_start3A_28 : memref<6912xf32, #tpu.memory_space<hbm>>) target(%arg14 : memref<6912xf32, #tpu.memory_space<vmem>>) target_semaphore(%dma_start3A_26 : memref<!tpu.dma_semaphore, #tpu.memory_space<semaphore_mem>>)
    %scan3A_29 = arith.constant 0 : i32
    %scan3A_30 = arith.constant 0 : i32
    %scan3A_31 = arith.constant 23 : i32
    %scan3A_32 = arith.addi %scan3A_30, %scan3A_31 : i32
    %scan3A_33 = arith.constant 1 : i32
    %scan3A_34 = scf.for %scan3A_98 = %scan3A_30 to %scan3A_32 step %scan3A_33 iter_args(%scan3A_99 = %scan3A_29) -> (i32)  : i32 {
      %mul3A_100 = arith.constant 2 : i32
      %mul3A_101 = arith.muli %scan3A_98, %mul3A_100 : i32
      %mul3A_102 = arith.constant 6912 : i32
      %mul3A_103 = arith.muli %mul3A_101, %mul3A_102 : i32
      %dma_wait3A_104 = arith.constant 0 : i32
      %dma_wait3A_105 = tpu.memref_slice %arg3[%mul3A_103] : memref<331776xi32, #tpu.memory_space<hbm>> -> memref<6912xi32, #tpu.memory_space<hbm>>
      %dma_wait3A_106 = tpu.memref_slice %arg16[%dma_wait3A_104] : memref<2x!tpu.dma_semaphore, #tpu.memory_space<semaphore_mem>> -> memref<1x!tpu.dma_semaphore, #tpu.memory_space<semaphore_mem>>
      %dma_wait3A_107 = tpu.memref_squeeze %dma_wait3A_106 : memref<1x!tpu.dma_semaphore, #tpu.memory_space<semaphore_mem>> -> memref<!tpu.dma_semaphore, #tpu.memory_space<semaphore_mem>>
      %dma_wait3A_108 = tpu.memref_slice %arg3[%mul3A_103] : memref<331776xi32, #tpu.memory_space<hbm>> -> memref<6912xi32, #tpu.memory_space<hbm>>
      tpu.wait_dma2 semaphore(%dma_wait3A_107 : memref<!tpu.dma_semaphore, #tpu.memory_space<semaphore_mem>>) src(%dma_wait3A_108 : memref<6912xi32, #tpu.memory_space<hbm>>) dst(%arg12 : memref<6912xi32, #tpu.memory_space<vmem>>)
      %dma_wait3A_109 = arith.constant 0 : i32
      %dma_wait3A_110 = tpu.memref_slice %arg4[%mul3A_103] : memref<331776xf32, #tpu.memory_space<hbm>> -> memref<6912xf32, #tpu.memory_space<hbm>>
      %dma_wait3A_111 = tpu.memref_slice %arg16[%dma_wait3A_109] : memref<2x!tpu.dma_semaphore, #tpu.memory_space<semaphore_mem>> -> memref<1x!tpu.dma_semaphore, #tpu.memory_space<semaphore_mem>>
      %dma_wait3A_112 = tpu.memref_squeeze %dma_wait3A_111 : memref<1x!tpu.dma_semaphore, #tpu.memory_space<semaphore_mem>> -> memref<!tpu.dma_semaphore, #tpu.memory_space<semaphore_mem>>
      %dma_wait3A_113 = tpu.memref_slice %arg4[%mul3A_103] : memref<331776xf32, #tpu.memory_space<hbm>> -> memref<6912xf32, #tpu.memory_space<hbm>>
      tpu.wait_dma2 semaphore(%dma_wait3A_112 : memref<!tpu.dma_semaphore, #tpu.memory_space<semaphore_mem>>) src(%dma_wait3A_113 : memref<6912xf32, #tpu.memory_space<hbm>>) dst(%arg14 : memref<6912xf32, #tpu.memory_space<vmem>>)
      %add3A_114 = arith.constant 1 : i32
      %add3A_115 = arith.addi %mul3A_101, %add3A_114 : i32
      %mul3A_116 = arith.constant 6912 : i32
      %mul3A_117 = arith.muli %add3A_115, %mul3A_116 : i32
      %dma_start3A_118 = arith.constant 1 : i32
      %dma_start3A_119 = tpu.memref_slice %arg3[%mul3A_117] : memref<331776xi32, #tpu.memory_space<hbm>> -> memref<6912xi32, #tpu.memory_space<hbm>>
      %dma_start3A_120 = tpu.memref_slice %arg16[%dma_start3A_118] : memref<2x!tpu.dma_semaphore, #tpu.memory_space<semaphore_mem>> -> memref<1x!tpu.dma_semaphore, #tpu.memory_space<semaphore_mem>>
      %dma_start3A_121 = tpu.memref_squeeze %dma_start3A_120 : memref<1x!tpu.dma_semaphore, #tpu.memory_space<semaphore_mem>> -> memref<!tpu.dma_semaphore, #tpu.memory_space<semaphore_mem>>
      %dma_start3A_122 = tpu.memref_slice %arg3[%mul3A_117] : memref<331776xi32, #tpu.memory_space<hbm>> -> memref<6912xi32, #tpu.memory_space<hbm>>
      tpu.enqueue_dma source(%dma_start3A_122 : memref<6912xi32, #tpu.memory_space<hbm>>) target(%arg13 : memref<6912xi32, #tpu.memory_space<vmem>>) target_semaphore(%dma_start3A_121 : memref<!tpu.dma_semaphore, #tpu.memory_space<semaphore_mem>>)
      %dma_start3A_123 = arith.constant 1 : i32
      %dma_start3A_124 = tpu.memref_slice %arg4[%mul3A_117] : memref<331776xf32, #tpu.memory_space<hbm>> -> memref<6912xf32, #tpu.memory_space<hbm>>
      %dma_start3A_125 = tpu.memref_slice %arg16[%dma_start3A_123] : memref<2x!tpu.dma_semaphore, #tpu.memory_space<semaphore_mem>> -> memref<1x!tpu.dma_semaphore, #tpu.memory_space<semaphore_mem>>
      %dma_start3A_126 = tpu.memref_squeeze %dma_start3A_125 : memref<1x!tpu.dma_semaphore, #tpu.memory_space<semaphore_mem>> -> memref<!tpu.dma_semaphore, #tpu.memory_space<semaphore_mem>>
      %dma_start3A_127 = tpu.memref_slice %arg4[%mul3A_117] : memref<331776xf32, #tpu.memory_space<hbm>> -> memref<6912xf32, #tpu.memory_space<hbm>>
      tpu.enqueue_dma source(%dma_start3A_127 : memref<6912xf32, #tpu.memory_space<hbm>>) target(%arg15 : memref<6912xf32, #tpu.memory_space<vmem>>) target_semaphore(%dma_start3A_126 : memref<!tpu.dma_semaphore, #tpu.memory_space<semaphore_mem>>)
      %parallel_loop3A_128 = arith.constant 0 : i32
      %parallel_loop3A_129 = arith.constant 6912 : i32
      %parallel_loop3A_130 = arith.constant 16 : i32
      scf.for %parallel_loop3A_163 = %parallel_loop3A_128 to %parallel_loop3A_129 step %parallel_loop3A_130  : i32 {
        %parallel_loop3A_164 = arith.index_cast %parallel_loop3A_163 : i32 to index
        %parallel_loop3A_165 = tpu.vector_load %arg12[%parallel_loop3A_164] {strides = array<i32>} : memref<6912xi32, #tpu.memory_space<vmem>>, vector<16xi32>,
        %parallel_loop3A_166 = arith.constant 65535 : i32
        %parallel_loop3A_167 = vector.broadcast %parallel_loop3A_166 : i32 to vector<16xi32>
        %parallel_loop3A_168 = arith.andi %parallel_loop3A_165, %parallel_loop3A_167 : vector<16xi32>
        %parallel_loop3A_169 = arith.constant 16 : i32
        %parallel_loop3A_170 = vector.broadcast %parallel_loop3A_169 : i32 to vector<16xi32>
        %parallel_loop3A_171 = arith.shrui %parallel_loop3A_165, %parallel_loop3A_170 : vector<16xi32>
        %parallel_loop3A_172 = arith.index_cast %parallel_loop3A_163 : i32 to index
        %parallel_loop3A_173 = tpu.vector_load %arg14[%parallel_loop3A_172] {strides = array<i32>} : memref<6912xf32, #tpu.memory_space<vmem>>, vector<16xf32>,
        %parallel_loop3A_174 = tpu.vector_load_idx %arg6[%parallel_loop3A_168] : memref<10240xi32, #tpu.memory_space<vmem>>[vector<16xi32>], vector<16xi32>,
        %parallel_loop3A_175 = vector.bitcast %parallel_loop3A_174 : vector<16xi32> to vector<32xbf16>
        %parallel_loop3A_176 = tpu.unpack_subelements %parallel_loop3A_175, 0 {pack_format = #tpu.pack_format<interleaved>} : vector<32xbf16> -> vector<16xf32>
        %parallel_loop3A_177 = tpu.unpack_subelements %parallel_loop3A_175, 1 {pack_format = #tpu.pack_format<interleaved>} : vector<32xbf16> -> vector<16xf32>
        %parallel_loop3A_178 = arith.mulf %parallel_loop3A_176, %parallel_loop3A_173 : vector<16xf32>
        tpu.vector_store_idx %arg8[%parallel_loop3A_171], %parallel_loop3A_178 {add = true} : memref<10240xf32, #tpu.memory_space<vmem>>[vector<16xi32>], vector<16xf32>,
        %parallel_loop3A_179 = arith.mulf %parallel_loop3A_177, %parallel_loop3A_173 : vector<16xf32>
        tpu.vector_store_idx %arg10[%parallel_loop3A_171], %parallel_loop3A_179 {add = true} : memref<10240xf32, #tpu.memory_space<vmem>>[vector<16xi32>], vector<16xf32>,
        %parallel_loop3A_180 = tpu.vector_load_idx %arg7[%parallel_loop3A_168] : memref<10240xi32, #tpu.memory_space<vmem>>[vector<16xi32>], vector<16xi32>,
        %parallel_loop3A_181 = vector.bitcast %parallel_loop3A_180 : vector<16xi32> to vector<32xbf16>
        %parallel_loop3A_182 = tpu.unpack_subelements %parallel_loop3A_181, 0 {pack_format = #tpu.pack_format<interleaved>} : vector<32xbf16> -> vector<16xf32>
        %parallel_loop3A_183 = tpu.unpack_subelements %parallel_loop3A_181, 1 {pack_format = #tpu.pack_format<interleaved>} : vector<32xbf16> -> vector<16xf32>
        %parallel_loop3A_184 = arith.mulf %parallel_loop3A_182, %parallel_loop3A_173 : vector<16xf32>
        tpu.vector_store_idx %arg9[%parallel_loop3A_171], %parallel_loop3A_184 {add = true} : memref<10240xf32, #tpu.memory_space<vmem>>[vector<16xi32>], vector<16xf32>,
        %parallel_loop3A_185 = arith.mulf %parallel_loop3A_183, %parallel_loop3A_173 : vector<16xf32>
        tpu.vector_store_idx %arg11[%parallel_loop3A_171], %parallel_loop3A_185 {add = true} : memref<10240xf32, #tpu.memory_space<vmem>>[vector<16xi32>], vector<16xf32>,
      } {sc.loop_unroll_factor = 4 : i64, sc.parallel_access}
      %add3A_131 = arith.constant 1 : i32
      %add3A_132 = arith.addi %mul3A_101, %add3A_131 : i32
      %mul3A_133 = arith.constant 6912 : i32
      %mul3A_134 = arith.muli %add3A_132, %mul3A_133 : i32
      %dma_wait3A_135 = arith.constant 1 : i32
      %dma_wait3A_136 = tpu.memref_slice %arg3[%mul3A_134] : memref<331776xi32, #tpu.memory_space<hbm>> -> memref<6912xi32, #tpu.memory_space<hbm>>
      %dma_wait3A_137 = tpu.memref_slice %arg16[%dma_wait3A_135] : memref<2x!tpu.dma_semaphore, #tpu.memory_space<semaphore_mem>> -> memref<1x!tpu.dma_semaphore, #tpu.memory_space<semaphore_mem>>
      %dma_wait3A_138 = tpu.memref_squeeze %dma_wait3A_137 : memref<1x!tpu.dma_semaphore, #tpu.memory_space<semaphore_mem>> -> memref<!tpu.dma_semaphore, #tpu.memory_space<semaphore_mem>>
      %dma_wait3A_139 = tpu.memref_slice %arg3[%mul3A_134] : memref<331776xi32, #tpu.memory_space<hbm>> -> memref<6912xi32, #tpu.memory_space<hbm>>
      tpu.wait_dma2 semaphore(%dma_wait3A_138 : memref<!tpu.dma_semaphore, #tpu.memory_space<semaphore_mem>>) src(%dma_wait3A_139 : memref<6912xi32, #tpu.memory_space<hbm>>) dst(%arg13 : memref<6912xi32, #tpu.memory_space<vmem>>)
      %dma_wait3A_140 = arith.constant 1 : i32
      %dma_wait3A_141 = tpu.memref_slice %arg4[%mul3A_134] : memref<331776xf32, #tpu.memory_space<hbm>> -> memref<6912xf32, #tpu.memory_space<hbm>>
      %dma_wait3A_142 = tpu.memref_slice %arg16[%dma_wait3A_140] : memref<2x!tpu.dma_semaphore, #tpu.memory_space<semaphore_mem>> -> memref<1x!tpu.dma_semaphore, #tpu.memory_space<semaphore_mem>>
      %dma_wait3A_143 = tpu.memref_squeeze %dma_wait3A_142 : memref<1x!tpu.dma_semaphore, #tpu.memory_space<semaphore_mem>> -> memref<!tpu.dma_semaphore, #tpu.memory_space<semaphore_mem>>
      %dma_wait3A_144 = tpu.memref_slice %arg4[%mul3A_134] : memref<331776xf32, #tpu.memory_space<hbm>> -> memref<6912xf32, #tpu.memory_space<hbm>>
      tpu.wait_dma2 semaphore(%dma_wait3A_143 : memref<!tpu.dma_semaphore, #tpu.memory_space<semaphore_mem>>) src(%dma_wait3A_144 : memref<6912xf32, #tpu.memory_space<hbm>>) dst(%arg15 : memref<6912xf32, #tpu.memory_space<vmem>>)
      %add3A_145 = arith.constant 2 : i32
      %add3A_146 = arith.addi %mul3A_101, %add3A_145 : i32
      %mul3A_147 = arith.constant 6912 : i32
      %mul3A_148 = arith.muli %add3A_146, %mul3A_147 : i32
      %dma_start3A_149 = arith.constant 0 : i32
      %dma_start3A_150 = tpu.memref_slice %arg3[%mul3A_148] : memref<331776xi32, #tpu.memory_space<hbm>> -> memref<6912xi32, #tpu.memory_space<hbm>>
      %dma_start3A_151 = tpu.memref_slice %arg16[%dma_start3A_149] : memref<2x!tpu.dma_semaphore, #tpu.memory_space<semaphore_mem>> -> memref<1x!tpu.dma_semaphore, #tpu.memory_space<semaphore_mem>>
      %dma_start3A_152 = tpu.memref_squeeze %dma_start3A_151 : memref<1x!tpu.dma_semaphore, #tpu.memory_space<semaphore_mem>> -> memref<!tpu.dma_semaphore, #tpu.memory_space<semaphore_mem>>
      %dma_start3A_153 = tpu.memref_slice %arg3[%mul3A_148] : memref<331776xi32, #tpu.memory_space<hbm>> -> memref<6912xi32, #tpu.memory_space<hbm>>
      tpu.enqueue_dma source(%dma_start3A_153 : memref<6912xi32, #tpu.memory_space<hbm>>) target(%arg12 : memref<6912xi32, #tpu.memory_space<vmem>>) target_semaphore(%dma_start3A_152 : memref<!tpu.dma_semaphore, #tpu.memory_space<semaphore_mem>>)
      %dma_start3A_154 = arith.constant 0 : i32
      %dma_start3A_155 = tpu.memref_slice %arg4[%mul3A_148] : memref<331776xf32, #tpu.memory_space<hbm>> -> memref<6912xf32, #tpu.memory_space<hbm>>
      %dma_start3A_156 = tpu.memref_slice %arg16[%dma_start3A_154] : memref<2x!tpu.dma_semaphore, #tpu.memory_space<semaphore_mem>> -> memref<1x!tpu.dma_semaphore, #tpu.memory_space<semaphore_mem>>
      %dma_start3A_157 = tpu.memref_squeeze %dma_start3A_156 : memref<1x!tpu.dma_semaphore, #tpu.memory_space<semaphore_mem>> -> memref<!tpu.dma_semaphore, #tpu.memory_space<semaphore_mem>>
      %dma_start3A_158 = tpu.memref_slice %arg4[%mul3A_148] : memref<331776xf32, #tpu.memory_space<hbm>> -> memref<6912xf32, #tpu.memory_space<hbm>>
      tpu.enqueue_dma source(%dma_start3A_158 : memref<6912xf32, #tpu.memory_space<hbm>>) target(%arg14 : memref<6912xf32, #tpu.memory_space<vmem>>) target_semaphore(%dma_start3A_157 : memref<!tpu.dma_semaphore, #tpu.memory_space<semaphore_mem>>)
      %parallel_loop3A_159 = arith.constant 0 : i32
      %parallel_loop3A_160 = arith.constant 6912 : i32
      %parallel_loop3A_161 = arith.constant 16 : i32
      scf.for %parallel_loop3A_163 = %parallel_loop3A_159 to %parallel_loop3A_160 step %parallel_loop3A_161  : i32 {
        %parallel_loop3A_164 = arith.index_cast %parallel_loop3A_163 : i32 to index
        %parallel_loop3A_165 = tpu.vector_load %arg13[%parallel_loop3A_164] {strides = array<i32>} : memref<6912xi32, #tpu.memory_space<vmem>>, vector<16xi32>,
        %parallel_loop3A_166 = arith.constant 65535 : i32
        %parallel_loop3A_167 = vector.broadcast %parallel_loop3A_166 : i32 to vector<16xi32>
        %parallel_loop3A_168 = arith.andi %parallel_loop3A_165, %parallel_loop3A_167 : vector<16xi32>
        %parallel_loop3A_169 = arith.constant 16 : i32
        %parallel_loop3A_170 = vector.broadcast %parallel_loop3A_169 : i32 to vector<16xi32>
        %parallel_loop3A_171 = arith.shrui %parallel_loop3A_165, %parallel_loop3A_170 : vector<16xi32>
        %parallel_loop3A_172 = arith.index_cast %parallel_loop3A_163 : i32 to index
        %parallel_loop3A_173 = tpu.vector_load %arg15[%parallel_loop3A_172] {strides = array<i32>} : memref<6912xf32, #tpu.memory_space<vmem>>, vector<16xf32>,
        %parallel_loop3A_174 = tpu.vector_load_idx %arg6[%parallel_loop3A_168] : memref<10240xi32, #tpu.memory_space<vmem>>[vector<16xi32>], vector<16xi32>,
        %parallel_loop3A_175 = vector.bitcast %parallel_loop3A_174 : vector<16xi32> to vector<32xbf16>
        %parallel_loop3A_176 = tpu.unpack_subelements %parallel_loop3A_175, 0 {pack_format = #tpu.pack_format<interleaved>} : vector<32xbf16> -> vector<16xf32>
        %parallel_loop3A_177 = tpu.unpack_subelements %parallel_loop3A_175, 1 {pack_format = #tpu.pack_format<interleaved>} : vector<32xbf16> -> vector<16xf32>
        %parallel_loop3A_178 = arith.mulf %parallel_loop3A_176, %parallel_loop3A_173 : vector<16xf32>
        tpu.vector_store_idx %arg8[%parallel_loop3A_171], %parallel_loop3A_178 {add = true} : memref<10240xf32, #tpu.memory_space<vmem>>[vector<16xi32>], vector<16xf32>,
        %parallel_loop3A_179 = arith.mulf %parallel_loop3A_177, %parallel_loop3A_173 : vector<16xf32>
        tpu.vector_store_idx %arg10[%parallel_loop3A_171], %parallel_loop3A_179 {add = true} : memref<10240xf32, #tpu.memory_space<vmem>>[vector<16xi32>], vector<16xf32>,
        %parallel_loop3A_180 = tpu.vector_load_idx %arg7[%parallel_loop3A_168] : memref<10240xi32, #tpu.memory_space<vmem>>[vector<16xi32>], vector<16xi32>,
        %parallel_loop3A_181 = vector.bitcast %parallel_loop3A_180 : vector<16xi32> to vector<32xbf16>
        %parallel_loop3A_182 = tpu.unpack_subelements %parallel_loop3A_181, 0 {pack_format = #tpu.pack_format<interleaved>} : vector<32xbf16> -> vector<16xf32>
        %parallel_loop3A_183 = tpu.unpack_subelements %parallel_loop3A_181, 1 {pack_format = #tpu.pack_format<interleaved>} : vector<32xbf16> -> vector<16xf32>
        %parallel_loop3A_184 = arith.mulf %parallel_loop3A_182, %parallel_loop3A_173 : vector<16xf32>
        tpu.vector_store_idx %arg9[%parallel_loop3A_171], %parallel_loop3A_184 {add = true} : memref<10240xf32, #tpu.memory_space<vmem>>[vector<16xi32>], vector<16xf32>,
        %parallel_loop3A_185 = arith.mulf %parallel_loop3A_183, %parallel_loop3A_173 : vector<16xf32>
        tpu.vector_store_idx %arg11[%parallel_loop3A_171], %parallel_loop3A_185 {add = true} : memref<10240xf32, #tpu.memory_space<vmem>>[vector<16xi32>], vector<16xf32>,
      } {sc.loop_unroll_factor = 4 : i64, sc.parallel_access}
      %scan3A_162 = arith.constant 0 : i32
      scf.yield %scan3A_162 : i32
    }
    %scan3A_35 = arith.constant 23 : i32
    %dma_wait3A = arith.constant 0 : i32
    %dma_wait3A_36 = arith.constant 317952 : i32
    %dma_wait3A_37 = tpu.memref_slice %arg3[%dma_wait3A_36] : memref<331776xi32, #tpu.memory_space<hbm>> -> memref<6912xi32, #tpu.memory_space<hbm>>
    %dma_wait3A_38 = tpu.memref_slice %arg16[%dma_wait3A] : memref<2x!tpu.dma_semaphore, #tpu.memory_space<semaphore_mem>> -> memref<1x!tpu.dma_semaphore, #tpu.memory_space<semaphore_mem>>
    %dma_wait3A_39 = tpu.memref_squeeze %dma_wait3A_38 : memref<1x!tpu.dma_semaphore, #tpu.memory_space<semaphore_mem>> -> memref<!tpu.dma_semaphore, #tpu.memory_space<semaphore_mem>>
    %dma_wait3A_40 = arith.constant 317952 : i32
    %dma_wait3A_41 = tpu.memref_slice %arg3[%dma_wait3A_40] : memref<331776xi32, #tpu.memory_space<hbm>> -> memref<6912xi32, #tpu.memory_space<hbm>>
    tpu.wait_dma2 semaphore(%dma_wait3A_39 : memref<!tpu.dma_semaphore, #tpu.memory_space<semaphore_mem>>) src(%dma_wait3A_41 : memref<6912xi32, #tpu.memory_space<hbm>>) dst(%arg12 : memref<6912xi32, #tpu.memory_space<vmem>>)
    %dma_wait3A_42 = arith.constant 0 : i32
    %dma_wait3A_43 = arith.constant 317952 : i32
    %dma_wait3A_44 = tpu.memref_slice %arg4[%dma_wait3A_43] : memref<331776xf32, #tpu.memory_space<hbm>> -> memref<6912xf32, #tpu.memory_space<hbm>>
    %dma_wait3A_45 = tpu.memref_slice %arg16[%dma_wait3A_42] : memref<2x!tpu.dma_semaphore, #tpu.memory_space<semaphore_mem>> -> memref<1x!tpu.dma_semaphore, #tpu.memory_space<semaphore_mem>>
    %dma_wait3A_46 = tpu.memref_squeeze %dma_wait3A_45 : memref<1x!tpu.dma_semaphore, #tpu.memory_space<semaphore_mem>> -> memref<!tpu.dma_semaphore, #tpu.memory_space<semaphore_mem>>
    %dma_wait3A_47 = arith.constant 317952 : i32
    %dma_wait3A_48 = tpu.memref_slice %arg4[%dma_wait3A_47] : memref<331776xf32, #tpu.memory_space<hbm>> -> memref<6912xf32, #tpu.memory_space<hbm>>
    tpu.wait_dma2 semaphore(%dma_wait3A_46 : memref<!tpu.dma_semaphore, #tpu.memory_space<semaphore_mem>>) src(%dma_wait3A_48 : memref<6912xf32, #tpu.memory_space<hbm>>) dst(%arg14 : memref<6912xf32, #tpu.memory_space<vmem>>)
    %dma_start3A_49 = arith.constant 1 : i32
    %dma_start3A_50 = arith.constant 324864 : i32
    %dma_start3A_51 = tpu.memref_slice %arg3[%dma_start3A_50] : memref<331776xi32, #tpu.memory_space<hbm>> -> memref<6912xi32, #tpu.memory_space<hbm>>
    %dma_start3A_52 = tpu.memref_slice %arg16[%dma_start3A_49] : memref<2x!tpu.dma_semaphore, #tpu.memory_space<semaphore_mem>> -> memref<1x!tpu.dma_semaphore, #tpu.memory_space<semaphore_mem>>
    %dma_start3A_53 = tpu.memref_squeeze %dma_start3A_52 : memref<1x!tpu.dma_semaphore, #tpu.memory_space<semaphore_mem>> -> memref<!tpu.dma_semaphore, #tpu.memory_space<semaphore_mem>>
    %dma_start3A_54 = arith.constant 324864 : i32
    %dma_start3A_55 = tpu.memref_slice %arg3[%dma_start3A_54] : memref<331776xi32, #tpu.memory_space<hbm>> -> memref<6912xi32, #tpu.memory_space<hbm>>
    tpu.enqueue_dma source(%dma_start3A_55 : memref<6912xi32, #tpu.memory_space<hbm>>) target(%arg13 : memref<6912xi32, #tpu.memory_space<vmem>>) target_semaphore(%dma_start3A_53 : memref<!tpu.dma_semaphore, #tpu.memory_space<semaphore_mem>>)
    %dma_start3A_56 = arith.constant 1 : i32
    %dma_start3A_57 = arith.constant 324864 : i32
    %dma_start3A_58 = tpu.memref_slice %arg4[%dma_start3A_57] : memref<331776xf32, #tpu.memory_space<hbm>> -> memref<6912xf32, #tpu.memory_space<hbm>>
    %dma_start3A_59 = tpu.memref_slice %arg16[%dma_start3A_56] : memref<2x!tpu.dma_semaphore, #tpu.memory_space<semaphore_mem>> -> memref<1x!tpu.dma_semaphore, #tpu.memory_space<semaphore_mem>>
    %dma_start3A_60 = tpu.memref_squeeze %dma_start3A_59 : memref<1x!tpu.dma_semaphore, #tpu.memory_space<semaphore_mem>> -> memref<!tpu.dma_semaphore, #tpu.memory_space<semaphore_mem>>
    %dma_start3A_61 = arith.constant 324864 : i32
    %dma_start3A_62 = tpu.memref_slice %arg4[%dma_start3A_61] : memref<331776xf32, #tpu.memory_space<hbm>> -> memref<6912xf32, #tpu.memory_space<hbm>>
    tpu.enqueue_dma source(%dma_start3A_62 : memref<6912xf32, #tpu.memory_space<hbm>>) target(%arg15 : memref<6912xf32, #tpu.memory_space<vmem>>) target_semaphore(%dma_start3A_60 : memref<!tpu.dma_semaphore, #tpu.memory_space<semaphore_mem>>)
    %parallel_loop3A = arith.constant 0 : i32
    %parallel_loop3A_63 = arith.constant 6912 : i32
    %parallel_loop3A_64 = arith.constant 16 : i32
    scf.for %parallel_loop3A_98 = %parallel_loop3A to %parallel_loop3A_63 step %parallel_loop3A_64  : i32 {
      %parallel_loop3A_99 = arith.index_cast %parallel_loop3A_98 : i32 to index
      %parallel_loop3A_100 = tpu.vector_load %arg12[%parallel_loop3A_99] {strides = array<i32>} : memref<6912xi32, #tpu.memory_space<vmem>>, vector<16xi32>,
      %parallel_loop3A_101 = arith.constant 65535 : i32
      %parallel_loop3A_102 = vector.broadcast %parallel_loop3A_101 : i32 to vector<16xi32>
      %parallel_loop3A_103 = arith.andi %parallel_loop3A_100, %parallel_loop3A_102 : vector<16xi32>
      %parallel_loop3A_104 = arith.constant 16 : i32
      %parallel_loop3A_105 = vector.broadcast %parallel_loop3A_104 : i32 to vector<16xi32>
      %parallel_loop3A_106 = arith.shrui %parallel_loop3A_100, %parallel_loop3A_105 : vector<16xi32>
      %parallel_loop3A_107 = arith.index_cast %parallel_loop3A_98 : i32 to index
      %parallel_loop3A_108 = tpu.vector_load %arg14[%parallel_loop3A_107] {strides = array<i32>} : memref<6912xf32, #tpu.memory_space<vmem>>, vector<16xf32>,
      %parallel_loop3A_109 = tpu.vector_load_idx %arg6[%parallel_loop3A_103] : memref<10240xi32, #tpu.memory_space<vmem>>[vector<16xi32>], vector<16xi32>,
      %parallel_loop3A_110 = vector.bitcast %parallel_loop3A_109 : vector<16xi32> to vector<32xbf16>
      %parallel_loop3A_111 = tpu.unpack_subelements %parallel_loop3A_110, 0 {pack_format = #tpu.pack_format<interleaved>} : vector<32xbf16> -> vector<16xf32>
      %parallel_loop3A_112 = tpu.unpack_subelements %parallel_loop3A_110, 1 {pack_format = #tpu.pack_format<interleaved>} : vector<32xbf16> -> vector<16xf32>
      %parallel_loop3A_113 = arith.mulf %parallel_loop3A_111, %parallel_loop3A_108 : vector<16xf32>
      tpu.vector_store_idx %arg8[%parallel_loop3A_106], %parallel_loop3A_113 {add = true} : memref<10240xf32, #tpu.memory_space<vmem>>[vector<16xi32>], vector<16xf32>,
      %parallel_loop3A_114 = arith.mulf %parallel_loop3A_112, %parallel_loop3A_108 : vector<16xf32>
      tpu.vector_store_idx %arg10[%parallel_loop3A_106], %parallel_loop3A_114 {add = true} : memref<10240xf32, #tpu.memory_space<vmem>>[vector<16xi32>], vector<16xf32>,
      %parallel_loop3A_115 = tpu.vector_load_idx %arg7[%parallel_loop3A_103] : memref<10240xi32, #tpu.memory_space<vmem>>[vector<16xi32>], vector<16xi32>,
      %parallel_loop3A_116 = vector.bitcast %parallel_loop3A_115 : vector<16xi32> to vector<32xbf16>
      %parallel_loop3A_117 = tpu.unpack_subelements %parallel_loop3A_116, 0 {pack_format = #tpu.pack_format<interleaved>} : vector<32xbf16> -> vector<16xf32>
      %parallel_loop3A_118 = tpu.unpack_subelements %parallel_loop3A_116, 1 {pack_format = #tpu.pack_format<interleaved>} : vector<32xbf16> -> vector<16xf32>
      %parallel_loop3A_119 = arith.mulf %parallel_loop3A_117, %parallel_loop3A_108 : vector<16xf32>
      tpu.vector_store_idx %arg9[%parallel_loop3A_106], %parallel_loop3A_119 {add = true} : memref<10240xf32, #tpu.memory_space<vmem>>[vector<16xi32>], vector<16xf32>,
      %parallel_loop3A_120 = arith.mulf %parallel_loop3A_118, %parallel_loop3A_108 : vector<16xf32>
      tpu.vector_store_idx %arg11[%parallel_loop3A_106], %parallel_loop3A_120 {add = true} : memref<10240xf32, #tpu.memory_space<vmem>>[vector<16xi32>], vector<16xf32>,
    } {sc.loop_unroll_factor = 4 : i64, sc.parallel_access}
    %dma_wait3A_65 = arith.constant 1 : i32
    %dma_wait3A_66 = arith.constant 324864 : i32
    %dma_wait3A_67 = tpu.memref_slice %arg3[%dma_wait3A_66] : memref<331776xi32, #tpu.memory_space<hbm>> -> memref<6912xi32, #tpu.memory_space<hbm>>
    %dma_wait3A_68 = tpu.memref_slice %arg16[%dma_wait3A_65] : memref<2x!tpu.dma_semaphore, #tpu.memory_space<semaphore_mem>> -> memref<1x!tpu.dma_semaphore, #tpu.memory_space<semaphore_mem>>
    %dma_wait3A_69 = tpu.memref_squeeze %dma_wait3A_68 : memref<1x!tpu.dma_semaphore, #tpu.memory_space<semaphore_mem>> -> memref<!tpu.dma_semaphore, #tpu.memory_space<semaphore_mem>>
    %dma_wait3A_70 = arith.constant 324864 : i32
    %dma_wait3A_71 = tpu.memref_slice %arg3[%dma_wait3A_70] : memref<331776xi32, #tpu.memory_space<hbm>> -> memref<6912xi32, #tpu.memory_space<hbm>>
    tpu.wait_dma2 semaphore(%dma_wait3A_69 : memref<!tpu.dma_semaphore, #tpu.memory_space<semaphore_mem>>) src(%dma_wait3A_71 : memref<6912xi32, #tpu.memory_space<hbm>>) dst(%arg13 : memref<6912xi32, #tpu.memory_space<vmem>>)
    %dma_wait3A_72 = arith.constant 1 : i32
    %dma_wait3A_73 = arith.constant 324864 : i32
    %dma_wait3A_74 = tpu.memref_slice %arg4[%dma_wait3A_73] : memref<331776xf32, #tpu.memory_space<hbm>> -> memref<6912xf32, #tpu.memory_space<hbm>>
    %dma_wait3A_75 = tpu.memref_slice %arg16[%dma_wait3A_72] : memref<2x!tpu.dma_semaphore, #tpu.memory_space<semaphore_mem>> -> memref<1x!tpu.dma_semaphore, #tpu.memory_space<semaphore_mem>>
    %dma_wait3A_76 = tpu.memref_squeeze %dma_wait3A_75 : memref<1x!tpu.dma_semaphore, #tpu.memory_space<semaphore_mem>> -> memref<!tpu.dma_semaphore, #tpu.memory_space<semaphore_mem>>
    %dma_wait3A_77 = arith.constant 324864 : i32
    %dma_wait3A_78 = tpu.memref_slice %arg4[%dma_wait3A_77] : memref<331776xf32, #tpu.memory_space<hbm>> -> memref<6912xf32, #tpu.memory_space<hbm>>
    tpu.wait_dma2 semaphore(%dma_wait3A_76 : memref<!tpu.dma_semaphore, #tpu.memory_space<semaphore_mem>>) src(%dma_wait3A_78 : memref<6912xf32, #tpu.memory_space<hbm>>) dst(%arg15 : memref<6912xf32, #tpu.memory_space<vmem>>)
    %parallel_loop3A_79 = arith.constant 0 : i32
    %parallel_loop3A_80 = arith.constant 6912 : i32
    %parallel_loop3A_81 = arith.constant 16 : i32
    scf.for %parallel_loop3A_98 = %parallel_loop3A_79 to %parallel_loop3A_80 step %parallel_loop3A_81  : i32 {
      %parallel_loop3A_99 = arith.index_cast %parallel_loop3A_98 : i32 to index
      %parallel_loop3A_100 = tpu.vector_load %arg13[%parallel_loop3A_99] {strides = array<i32>} : memref<6912xi32, #tpu.memory_space<vmem>>, vector<16xi32>,
      %parallel_loop3A_101 = arith.constant 65535 : i32
      %parallel_loop3A_102 = vector.broadcast %parallel_loop3A_101 : i32 to vector<16xi32>
      %parallel_loop3A_103 = arith.andi %parallel_loop3A_100, %parallel_loop3A_102 : vector<16xi32>
      %parallel_loop3A_104 = arith.constant 16 : i32
      %parallel_loop3A_105 = vector.broadcast %parallel_loop3A_104 : i32 to vector<16xi32>
      %parallel_loop3A_106 = arith.shrui %parallel_loop3A_100, %parallel_loop3A_105 : vector<16xi32>
      %parallel_loop3A_107 = arith.index_cast %parallel_loop3A_98 : i32 to index
      %parallel_loop3A_108 = tpu.vector_load %arg15[%parallel_loop3A_107] {strides = array<i32>} : memref<6912xf32, #tpu.memory_space<vmem>>, vector<16xf32>,
      %parallel_loop3A_109 = tpu.vector_load_idx %arg6[%parallel_loop3A_103] : memref<10240xi32, #tpu.memory_space<vmem>>[vector<16xi32>], vector<16xi32>,
      %parallel_loop3A_110 = vector.bitcast %parallel_loop3A_109 : vector<16xi32> to vector<32xbf16>
      %parallel_loop3A_111 = tpu.unpack_subelements %parallel_loop3A_110, 0 {pack_format = #tpu.pack_format<interleaved>} : vector<32xbf16> -> vector<16xf32>
      %parallel_loop3A_112 = tpu.unpack_subelements %parallel_loop3A_110, 1 {pack_format = #tpu.pack_format<interleaved>} : vector<32xbf16> -> vector<16xf32>
      %parallel_loop3A_113 = arith.mulf %parallel_loop3A_111, %parallel_loop3A_108 : vector<16xf32>
      tpu.vector_store_idx %arg8[%parallel_loop3A_106], %parallel_loop3A_113 {add = true} : memref<10240xf32, #tpu.memory_space<vmem>>[vector<16xi32>], vector<16xf32>,
      %parallel_loop3A_114 = arith.mulf %parallel_loop3A_112, %parallel_loop3A_108 : vector<16xf32>
      tpu.vector_store_idx %arg10[%parallel_loop3A_106], %parallel_loop3A_114 {add = true} : memref<10240xf32, #tpu.memory_space<vmem>>[vector<16xi32>], vector<16xf32>,
      %parallel_loop3A_115 = tpu.vector_load_idx %arg7[%parallel_loop3A_103] : memref<10240xi32, #tpu.memory_space<vmem>>[vector<16xi32>], vector<16xi32>,
      %parallel_loop3A_116 = vector.bitcast %parallel_loop3A_115 : vector<16xi32> to vector<32xbf16>
      %parallel_loop3A_117 = tpu.unpack_subelements %parallel_loop3A_116, 0 {pack_format = #tpu.pack_format<interleaved>} : vector<32xbf16> -> vector<16xf32>
      %parallel_loop3A_118 = tpu.unpack_subelements %parallel_loop3A_116, 1 {pack_format = #tpu.pack_format<interleaved>} : vector<32xbf16> -> vector<16xf32>
      %parallel_loop3A_119 = arith.mulf %parallel_loop3A_117, %parallel_loop3A_108 : vector<16xf32>
      tpu.vector_store_idx %arg9[%parallel_loop3A_106], %parallel_loop3A_119 {add = true} : memref<10240xf32, #tpu.memory_space<vmem>>[vector<16xi32>], vector<16xf32>,
      %parallel_loop3A_120 = arith.mulf %parallel_loop3A_118, %parallel_loop3A_108 : vector<16xf32>
      tpu.vector_store_idx %arg11[%parallel_loop3A_106], %parallel_loop3A_120 {add = true} : memref<10240xf32, #tpu.memory_space<vmem>>[vector<16xi32>], vector<16xf32>,
    } {sc.loop_unroll_factor = 4 : i64, sc.parallel_access}
    %mul3A_82 = arith.constant 2 : i32
    %mul3A_83 = arith.muli %add3A, %mul3A_82 : i32
    "tpu.region"() ({
      %run_scoped3A = tpu.sem_alloc : memref<!tpu.dma_semaphore, #tpu.memory_space<semaphore_mem>>
      %dma_start3A_98 = arith.constant 0 : i32
      %dma_start3A_99 = tpu.memref_slice %arg5[%mul3A_83, %dma_start3A_98] : memref<128x10240xf32, #tpu.memory_space<hbm>> -> memref<1x10240xf32, #tpu.memory_space<hbm>>
      %dma_start3A_100 = tpu.memref_squeeze %dma_start3A_99 : memref<1x10240xf32, #tpu.memory_space<hbm>> -> memref<10240xf32, #tpu.memory_space<hbm>>
      %dma_start3A_101 = arith.constant 0 : i32
      %dma_start3A_102 = tpu.memref_slice %arg5[%mul3A_83, %dma_start3A_101] : memref<128x10240xf32, #tpu.memory_space<hbm>> -> memref<1x10240xf32, #tpu.memory_space<hbm>>
      %dma_start3A_103 = tpu.memref_squeeze %dma_start3A_102 : memref<1x10240xf32, #tpu.memory_space<hbm>> -> memref<10240xf32, #tpu.memory_space<hbm>>
      tpu.enqueue_dma source(%arg8 : memref<10240xf32, #tpu.memory_space<vmem>>) target(%dma_start3A_103 : memref<10240xf32, #tpu.memory_space<hbm>>) target_semaphore(%run_scoped3A : memref<!tpu.dma_semaphore, #tpu.memory_space<semaphore_mem>>)
      %dma_wait3A_104 = arith.constant 0 : i32
      %dma_wait3A_105 = tpu.memref_slice %arg5[%mul3A_83, %dma_wait3A_104] : memref<128x10240xf32, #tpu.memory_space<hbm>> -> memref<1x10240xf32, #tpu.memory_space<hbm>>
      %dma_wait3A_106 = tpu.memref_squeeze %dma_wait3A_105 : memref<1x10240xf32, #tpu.memory_space<hbm>> -> memref<10240xf32, #tpu.memory_space<hbm>>
      %dma_wait3A_107 = arith.constant 0 : i32
      %dma_wait3A_108 = tpu.memref_slice %arg5[%mul3A_83, %dma_wait3A_107] : memref<128x10240xf32, #tpu.memory_space<hbm>> -> memref<1x10240xf32, #tpu.memory_space<hbm>>
      %dma_wait3A_109 = tpu.memref_squeeze %dma_wait3A_108 : memref<1x10240xf32, #tpu.memory_space<hbm>> -> memref<10240xf32, #tpu.memory_space<hbm>>
      tpu.wait_dma2 semaphore(%run_scoped3A : memref<!tpu.dma_semaphore, #tpu.memory_space<semaphore_mem>>) src(%arg8 : memref<10240xf32, #tpu.memory_space<vmem>>) dst(%dma_wait3A_109 : memref<10240xf32, #tpu.memory_space<hbm>>)
      tpu.yield
    }) : () -> ()
    %mul3A_84 = arith.constant 2 : i32
    %mul3A_85 = arith.muli %add3A, %mul3A_84 : i32
    %add3A_86 = arith.constant 1 : i32
    %add3A_87 = arith.addi %mul3A_85, %add3A_86 : i32
    "tpu.region"() ({
      %run_scoped3A = tpu.sem_alloc : memref<!tpu.dma_semaphore, #tpu.memory_space<semaphore_mem>>
      %dma_start3A_98 = arith.constant 0 : i32
      %dma_start3A_99 = tpu.memref_slice %arg5[%add3A_87, %dma_start3A_98] : memref<128x10240xf32, #tpu.memory_space<hbm>> -> memref<1x10240xf32, #tpu.memory_space<hbm>>
      %dma_start3A_100 = tpu.memref_squeeze %dma_start3A_99 : memref<1x10240xf32, #tpu.memory_space<hbm>> -> memref<10240xf32, #tpu.memory_space<hbm>>
      %dma_start3A_101 = arith.constant 0 : i32
      %dma_start3A_102 = tpu.memref_slice %arg5[%add3A_87, %dma_start3A_101] : memref<128x10240xf32, #tpu.memory_space<hbm>> -> memref<1x10240xf32, #tpu.memory_space<hbm>>
      %dma_start3A_103 = tpu.memref_squeeze %dma_start3A_102 : memref<1x10240xf32, #tpu.memory_space<hbm>> -> memref<10240xf32, #tpu.memory_space<hbm>>
      tpu.enqueue_dma source(%arg9 : memref<10240xf32, #tpu.memory_space<vmem>>) target(%dma_start3A_103 : memref<10240xf32, #tpu.memory_space<hbm>>) target_semaphore(%run_scoped3A : memref<!tpu.dma_semaphore, #tpu.memory_space<semaphore_mem>>)
      %dma_wait3A_104 = arith.constant 0 : i32
      %dma_wait3A_105 = tpu.memref_slice %arg5[%add3A_87, %dma_wait3A_104] : memref<128x10240xf32, #tpu.memory_space<hbm>> -> memref<1x10240xf32, #tpu.memory_space<hbm>>
      %dma_wait3A_106 = tpu.memref_squeeze %dma_wait3A_105 : memref<1x10240xf32, #tpu.memory_space<hbm>> -> memref<10240xf32, #tpu.memory_space<hbm>>
      %dma_wait3A_107 = arith.constant 0 : i32
      %dma_wait3A_108 = tpu.memref_slice %arg5[%add3A_87, %dma_wait3A_107] : memref<128x10240xf32, #tpu.memory_space<hbm>> -> memref<1x10240xf32, #tpu.memory_space<hbm>>
      %dma_wait3A_109 = tpu.memref_squeeze %dma_wait3A_108 : memref<1x10240xf32, #tpu.memory_space<hbm>> -> memref<10240xf32, #tpu.memory_space<hbm>>
      tpu.wait_dma2 semaphore(%run_scoped3A : memref<!tpu.dma_semaphore, #tpu.memory_space<semaphore_mem>>) src(%arg9 : memref<10240xf32, #tpu.memory_space<vmem>>) dst(%dma_wait3A_109 : memref<10240xf32, #tpu.memory_space<hbm>>)
      tpu.yield
    }) : () -> ()
    %mul3A_88 = arith.constant 2 : i32
    %mul3A_89 = arith.muli %add3A, %mul3A_88 : i32
    %add3A_90 = arith.constant 64 : i32
    %add3A_91 = arith.addi %mul3A_89, %add3A_90 : i32
    "tpu.region"() ({
      %run_scoped3A = tpu.sem_alloc : memref<!tpu.dma_semaphore, #tpu.memory_space<semaphore_mem>>
      %dma_start3A_98 = arith.constant 0 : i32
      %dma_start3A_99 = tpu.memref_slice %arg5[%add3A_91, %dma_start3A_98] : memref<128x10240xf32, #tpu.memory_space<hbm>> -> memref<1x10240xf32, #tpu.memory_space<hbm>>
      %dma_start3A_100 = tpu.memref_squeeze %dma_start3A_99 : memref<1x10240xf32, #tpu.memory_space<hbm>> -> memref<10240xf32, #tpu.memory_space<hbm>>
      %dma_start3A_101 = arith.constant 0 : i32
      %dma_start3A_102 = tpu.memref_slice %arg5[%add3A_91, %dma_start3A_101] : memref<128x10240xf32, #tpu.memory_space<hbm>> -> memref<1x10240xf32, #tpu.memory_space<hbm>>
      %dma_start3A_103 = tpu.memref_squeeze %dma_start3A_102 : memref<1x10240xf32, #tpu.memory_space<hbm>> -> memref<10240xf32, #tpu.memory_space<hbm>>
      tpu.enqueue_dma source(%arg10 : memref<10240xf32, #tpu.memory_space<vmem>>) target(%dma_start3A_103 : memref<10240xf32, #tpu.memory_space<hbm>>) target_semaphore(%run_scoped3A : memref<!tpu.dma_semaphore, #tpu.memory_space<semaphore_mem>>)
      %dma_wait3A_104 = arith.constant 0 : i32
      %dma_wait3A_105 = tpu.memref_slice %arg5[%add3A_91, %dma_wait3A_104] : memref<128x10240xf32, #tpu.memory_space<hbm>> -> memref<1x10240xf32, #tpu.memory_space<hbm>>
      %dma_wait3A_106 = tpu.memref_squeeze %dma_wait3A_105 : memref<1x10240xf32, #tpu.memory_space<hbm>> -> memref<10240xf32, #tpu.memory_space<hbm>>
      %dma_wait3A_107 = arith.constant 0 : i32
      %dma_wait3A_108 = tpu.memref_slice %arg5[%add3A_91, %dma_wait3A_107] : memref<128x10240xf32, #tpu.memory_space<hbm>> -> memref<1x10240xf32, #tpu.memory_space<hbm>>
      %dma_wait3A_109 = tpu.memref_squeeze %dma_wait3A_108 : memref<1x10240xf32, #tpu.memory_space<hbm>> -> memref<10240xf32, #tpu.memory_space<hbm>>
      tpu.wait_dma2 semaphore(%run_scoped3A : memref<!tpu.dma_semaphore, #tpu.memory_space<semaphore_mem>>) src(%arg10 : memref<10240xf32, #tpu.memory_space<vmem>>) dst(%dma_wait3A_109 : memref<10240xf32, #tpu.memory_space<hbm>>)
      tpu.yield
    }) : () -> ()
    %mul3A_92 = arith.constant 2 : i32
    %mul3A_93 = arith.muli %add3A, %mul3A_92 : i32
    %add3A_94 = arith.constant 1 : i32
    %add3A_95 = arith.addi %mul3A_93, %add3A_94 : i32
    %add3A_96 = arith.constant 64 : i32
    %add3A_97 = arith.addi %add3A_95, %add3A_96 : i32
    "tpu.region"() ({
      %run_scoped3A = tpu.sem_alloc : memref<!tpu.dma_semaphore, #tpu.memory_space<semaphore_mem>>
      %dma_start3A_98 = arith.constant 0 : i32
      %dma_start3A_99 = tpu.memref_slice %arg5[%add3A_97, %dma_start3A_98] : memref<128x10240xf32, #tpu.memory_space<hbm>> -> memref<1x10240xf32, #tpu.memory_space<hbm>>
      %dma_start3A_100 = tpu.memref_squeeze %dma_start3A_99 : memref<1x10240xf32, #tpu.memory_space<hbm>> -> memref<10240xf32, #tpu.memory_space<hbm>>
      %dma_start3A_101 = arith.constant 0 : i32
      %dma_start3A_102 = tpu.memref_slice %arg5[%add3A_97, %dma_start3A_101] : memref<128x10240xf32, #tpu.memory_space<hbm>> -> memref<1x10240xf32, #tpu.memory_space<hbm>>
      %dma_start3A_103 = tpu.memref_squeeze %dma_start3A_102 : memref<1x10240xf32, #tpu.memory_space<hbm>> -> memref<10240xf32, #tpu.memory_space<hbm>>
      tpu.enqueue_dma source(%arg11 : memref<10240xf32, #tpu.memory_space<vmem>>) target(%dma_start3A_103 : memref<10240xf32, #tpu.memory_space<hbm>>) target_semaphore(%run_scoped3A : memref<!tpu.dma_semaphore, #tpu.memory_space<semaphore_mem>>)
      %dma_wait3A_104 = arith.constant 0 : i32
      %dma_wait3A_105 = tpu.memref_slice %arg5[%add3A_97, %dma_wait3A_104] : memref<128x10240xf32, #tpu.memory_space<hbm>> -> memref<1x10240xf32, #tpu.memory_space<hbm>>
      %dma_wait3A_106 = tpu.memref_squeeze %dma_wait3A_105 : memref<1x10240xf32, #tpu.memory_space<hbm>> -> memref<10240xf32, #tpu.memory_space<hbm>>
      %dma_wait3A_107 = arith.constant 0 : i32
      %dma_wait3A_108 = tpu.memref_slice %arg5[%add3A_97, %dma_wait3A_107] : memref<128x10240xf32, #tpu.memory_space<hbm>> -> memref<1x10240xf32, #tpu.memory_space<hbm>>
      %dma_wait3A_109 = tpu.memref_squeeze %dma_wait3A_108 : memref<1x10240xf32, #tpu.memory_space<hbm>> -> memref<10240xf32, #tpu.memory_space<hbm>>
      tpu.wait_dma2 semaphore(%run_scoped3A : memref<!tpu.dma_semaphore, #tpu.memory_space<semaphore_mem>>) src(%arg11 : memref<10240xf32, #tpu.memory_space<vmem>>) dst(%dma_wait3A_109 : memref<10240xf32, #tpu.memory_space<hbm>>)
      tpu.yield
    }) : () -> ()
    return
  }
}

#map = affine_map<(d0, d1) -> (0)>
#map1 = affine_map<(d0, d1) -> (0, 0)>
module attributes {stable_mosaic.version = 14 : i64} {
  func.func @_sc_pass_a_body(%arg0: i32, %arg1: i32, %arg2: memref<10240xf32, #tpu.memory_space<hbm>>, %arg3: memref<10240xf32, #tpu.memory_space<hbm>>, %arg4: memref<331776xi32, #tpu.memory_space<hbm>>, %arg5: memref<331776xf32, #tpu.memory_space<hbm>>, %arg6: memref<32x10240xf32, #tpu.memory_space<hbm>>, %arg7: memref<10240xf32, #tpu.memory_space<vmem>>, %arg8: memref<10240xf32, #tpu.memory_space<vmem>>, %arg9: memref<10240xf32, #tpu.memory_space<vmem>>, %arg10: memref<3456xi32, #tpu.memory_space<vmem>>, %arg11: memref<3456xf32, #tpu.memory_space<vmem>>) attributes {dimension_semantics = [#tpu.dimension_semantics<core_parallel>, #tpu.dimension_semantics<subcore_parallel>], iteration_bounds = array<i64: 2, 16>, scalar_prefetch = 0 : i64, scratch_operands = 5 : i64, tpu.core_type = #tpu.core_type<sc_vector_subcore>, window_params = [{transform_indices = #map}, {transform_indices = #map}, {transform_indices = #map}, {transform_indices = #map}, {transform_indices = #map1}]} {
    %mul3A = arith.constant 16 : i32
    %mul3A_0 = arith.muli %arg0, %mul3A : i32
    %add3A = arith.addi %mul3A_0, %arg1 : i32
    "tpu.region"() ({
      %run_scoped3A = tpu.sem_alloc : memref<!tpu.dma_semaphore, #tpu.memory_space<semaphore_mem>>
      tpu.enqueue_dma source(%arg2 : memref<10240xf32, #tpu.memory_space<hbm>>) target(%arg7 : memref<10240xf32, #tpu.memory_space<vmem>>) target_semaphore(%run_scoped3A : memref<!tpu.dma_semaphore, #tpu.memory_space<semaphore_mem>>)
      tpu.wait_dma2 semaphore(%run_scoped3A : memref<!tpu.dma_semaphore, #tpu.memory_space<semaphore_mem>>) src(%arg2 : memref<10240xf32, #tpu.memory_space<hbm>>) dst(%arg7 : memref<10240xf32, #tpu.memory_space<vmem>>)
      tpu.yield
    }) : () -> ()
    "tpu.region"() ({
      %run_scoped3A = tpu.sem_alloc : memref<!tpu.dma_semaphore, #tpu.memory_space<semaphore_mem>>
      tpu.enqueue_dma source(%arg3 : memref<10240xf32, #tpu.memory_space<hbm>>) target(%arg8 : memref<10240xf32, #tpu.memory_space<vmem>>) target_semaphore(%run_scoped3A : memref<!tpu.dma_semaphore, #tpu.memory_space<semaphore_mem>>)
      tpu.wait_dma2 semaphore(%run_scoped3A : memref<!tpu.dma_semaphore, #tpu.memory_space<semaphore_mem>>) src(%arg3 : memref<10240xf32, #tpu.memory_space<hbm>>) dst(%arg8 : memref<10240xf32, #tpu.memory_space<vmem>>)
      tpu.yield
    }) : () -> ()
    %broadcast_in_dim3A = arith.constant -3.000000e+38 : f32
    %broadcast_in_dim3A_1 = vector.broadcast %broadcast_in_dim3A : f32 to vector<16xf32>
    %scan3A = arith.constant 0 : i32
    %scan3A_2 = arith.constant 640 : i32
    %scan3A_3 = arith.addi %scan3A, %scan3A_2 : i32
    %scan3A_4 = arith.constant 1 : i32
    %scan3A_5:2 = scf.for %scan3A_94 = %scan3A to %scan3A_3 step %scan3A_4 iter_args(%scan3A_95 = %broadcast_in_dim3A_1, %scan3A_96 = %broadcast_in_dim3A_1) -> (vector<16xf32>, vector<16xf32>)  : i32 {
      %mul3A_97 = arith.constant 16 : i32
      %mul3A_98 = arith.muli %scan3A_94, %mul3A_97 : i32
      %get3A = arith.index_cast %mul3A_98 : i32 to index
      %get3A_99 = tpu.vector_load %arg7[%get3A] {strides = array<i32>} : memref<10240xf32, #tpu.memory_space<vmem>>, vector<16xf32>,
      %max3A_100 = arith.maximumf %scan3A_95, %get3A_99 : vector<16xf32>
      %get3A_101 = arith.index_cast %mul3A_98 : i32 to index
      %get3A_102 = tpu.vector_load %arg8[%get3A_101] {strides = array<i32>} : memref<10240xf32, #tpu.memory_space<vmem>>, vector<16xf32>,
      %max3A_103 = arith.maximumf %scan3A_96, %get3A_102 : vector<16xf32>
      scf.yield %max3A_100, %max3A_103 : vector<16xf32>, vector<16xf32>
    }
    %scan3A_6 = arith.constant 640 : i32
    %iota3A = tpu.iota {dimensions = array<i32: 0>} : vector<16xi32>
    %xor3A = arith.constant 1 : i32
    %xor3A_7 = vector.broadcast %xor3A : i32 to vector<16xi32>
    %xor3A_8 = arith.xori %iota3A, %xor3A_7 : vector<16xi32>
    %broadcast_in_dim3A_9 = vector.shape_cast %xor3A_8 : vector<16xi32> to vector<16x1xi32>
    %gather3A = vector.shape_cast %broadcast_in_dim3A_9 : vector<16x1xi32> to vector<16xi32>
    %gather3A_10 = tpu.dynamic_gather %scan3A_5#0[%gather3A] in [0] : vector<16xf32>, vector<16xi32> -> vector<16xf32>
    %max3A = arith.maximumf %scan3A_5#0, %gather3A_10 : vector<16xf32>
    %xor3A_11 = arith.constant 2 : i32
    %xor3A_12 = vector.broadcast %xor3A_11 : i32 to vector<16xi32>
    %xor3A_13 = arith.xori %iota3A, %xor3A_12 : vector<16xi32>
    %broadcast_in_dim3A_14 = vector.shape_cast %xor3A_13 : vector<16xi32> to vector<16x1xi32>
    %gather3A_15 = vector.shape_cast %broadcast_in_dim3A_14 : vector<16x1xi32> to vector<16xi32>
    %gather3A_16 = tpu.dynamic_gather %max3A[%gather3A_15] in [0] : vector<16xf32>, vector<16xi32> -> vector<16xf32>
    %max3A_17 = arith.maximumf %max3A, %gather3A_16 : vector<16xf32>
    %xor3A_18 = arith.constant 4 : i32
    %xor3A_19 = vector.broadcast %xor3A_18 : i32 to vector<16xi32>
    %xor3A_20 = arith.xori %iota3A, %xor3A_19 : vector<16xi32>
    %broadcast_in_dim3A_21 = vector.shape_cast %xor3A_20 : vector<16xi32> to vector<16x1xi32>
    %gather3A_22 = vector.shape_cast %broadcast_in_dim3A_21 : vector<16x1xi32> to vector<16xi32>
    %gather3A_23 = tpu.dynamic_gather %max3A_17[%gather3A_22] in [0] : vector<16xf32>, vector<16xi32> -> vector<16xf32>
    %max3A_24 = arith.maximumf %max3A_17, %gather3A_23 : vector<16xf32>
    %xor3A_25 = arith.constant 8 : i32
    %xor3A_26 = vector.broadcast %xor3A_25 : i32 to vector<16xi32>
    %xor3A_27 = arith.xori %iota3A, %xor3A_26 : vector<16xi32>
    %broadcast_in_dim3A_28 = vector.shape_cast %xor3A_27 : vector<16xi32> to vector<16x1xi32>
    %gather3A_29 = vector.shape_cast %broadcast_in_dim3A_28 : vector<16x1xi32> to vector<16xi32>
    %gather3A_30 = tpu.dynamic_gather %max3A_24[%gather3A_29] in [0] : vector<16xf32>, vector<16xi32> -> vector<16xf32>
    %max3A_31 = arith.maximumf %max3A_24, %gather3A_30 : vector<16xf32>
    %iota3A_32 = tpu.iota {dimensions = array<i32: 0>} : vector<16xi32>
    %xor3A_33 = arith.constant 1 : i32
    %xor3A_34 = vector.broadcast %xor3A_33 : i32 to vector<16xi32>
    %xor3A_35 = arith.xori %iota3A_32, %xor3A_34 : vector<16xi32>
    %broadcast_in_dim3A_36 = vector.shape_cast %xor3A_35 : vector<16xi32> to vector<16x1xi32>
    %gather3A_37 = vector.shape_cast %broadcast_in_dim3A_36 : vector<16x1xi32> to vector<16xi32>
    %gather3A_38 = tpu.dynamic_gather %scan3A_5#1[%gather3A_37] in [0] : vector<16xf32>, vector<16xi32> -> vector<16xf32>
    %max3A_39 = arith.maximumf %scan3A_5#1, %gather3A_38 : vector<16xf32>
    %xor3A_40 = arith.constant 2 : i32
    %xor3A_41 = vector.broadcast %xor3A_40 : i32 to vector<16xi32>
    %xor3A_42 = arith.xori %iota3A_32, %xor3A_41 : vector<16xi32>
    %broadcast_in_dim3A_43 = vector.shape_cast %xor3A_42 : vector<16xi32> to vector<16x1xi32>
    %gather3A_44 = vector.shape_cast %broadcast_in_dim3A_43 : vector<16x1xi32> to vector<16xi32>
    %gather3A_45 = tpu.dynamic_gather %max3A_39[%gather3A_44] in [0] : vector<16xf32>, vector<16xi32> -> vector<16xf32>
    %max3A_46 = arith.maximumf %max3A_39, %gather3A_45 : vector<16xf32>
    %xor3A_47 = arith.constant 4 : i32
    %xor3A_48 = vector.broadcast %xor3A_47 : i32 to vector<16xi32>
    %xor3A_49 = arith.xori %iota3A_32, %xor3A_48 : vector<16xi32>
    %broadcast_in_dim3A_50 = vector.shape_cast %xor3A_49 : vector<16xi32> to vector<16x1xi32>
    %gather3A_51 = vector.shape_cast %broadcast_in_dim3A_50 : vector<16x1xi32> to vector<16xi32>
    %gather3A_52 = tpu.dynamic_gather %max3A_46[%gather3A_51] in [0] : vector<16xf32>, vector<16xi32> -> vector<16xf32>
    %max3A_53 = arith.maximumf %max3A_46, %gather3A_52 : vector<16xf32>
    %xor3A_54 = arith.constant 8 : i32
    %xor3A_55 = vector.broadcast %xor3A_54 : i32 to vector<16xi32>
    %xor3A_56 = arith.xori %iota3A_32, %xor3A_55 : vector<16xi32>
    %broadcast_in_dim3A_57 = vector.shape_cast %xor3A_56 : vector<16xi32> to vector<16x1xi32>
    %gather3A_58 = vector.shape_cast %broadcast_in_dim3A_57 : vector<16x1xi32> to vector<16xi32>
    %gather3A_59 = tpu.dynamic_gather %max3A_53[%gather3A_58] in [0] : vector<16xf32>, vector<16xi32> -> vector<16xf32>
    %max3A_60 = arith.maximumf %max3A_53, %gather3A_59 : vector<16xf32>
    %add3A_61 = arith.addf %max3A_31, %max3A_60 : vector<16xf32>
    %max3A_62 = arith.constant 0.000000e+00 : f32
    %max3A_63 = vector.broadcast %max3A_62 : f32 to vector<16xf32>
    %max3A_64 = arith.maximumf %add3A_61, %max3A_63 : vector<16xf32>
    %broadcast_in_dim3A_65 = arith.constant 0.000000e+00 : f32
    %broadcast_in_dim3A_66 = vector.broadcast %broadcast_in_dim3A_65 : f32 to vector<16xf32>
    %scan3A_67 = arith.constant 0 : i32
    %scan3A_68 = arith.constant 0 : i32
    %scan3A_69 = arith.constant 640 : i32
    %scan3A_70 = arith.addi %scan3A_68, %scan3A_69 : i32
    %scan3A_71 = arith.constant 1 : i32
    %scan3A_72 = scf.for %scan3A_94 = %scan3A_68 to %scan3A_70 step %scan3A_71 iter_args(%scan3A_95 = %scan3A_67) -> (i32)  : i32 {
      %mul3A_96 = arith.constant 16 : i32
      %mul3A_97 = arith.muli %scan3A_94, %mul3A_96 : i32
      %swap3A = arith.index_cast %mul3A_97 : i32 to index
      %swap3A_98 = tpu.vector_load %arg9[%swap3A] {strides = array<i32>} : memref<10240xf32, #tpu.memory_space<vmem>>, vector<16xf32>,
      tpu.vector_store %arg9[%swap3A], %broadcast_in_dim3A_66 {strides = array<i32>} : memref<10240xf32, #tpu.memory_space<vmem>>, vector<16xf32>,
      %scan3A_99 = arith.constant 0 : i32
      scf.yield %scan3A_99 : i32
    }
    %scan3A_73 = arith.constant 640 : i32
    %mul3A_74 = arith.constant 10368 : i32
    %mul3A_75 = arith.muli %add3A, %mul3A_74 : i32
    %add3A_76 = arith.constant 0 : i32
    %add3A_77 = arith.addi %mul3A_75, %add3A_76 : i32
    "tpu.region"() ({
      %run_scoped3A = tpu.sem_alloc : memref<!tpu.dma_semaphore, #tpu.memory_space<semaphore_mem>>
      %dma_start3A = tpu.memref_slice %arg4[%add3A_77] : memref<331776xi32, #tpu.memory_space<hbm>> -> memref<3456xi32, #tpu.memory_space<hbm>>
      %dma_start3A_94 = tpu.memref_slice %arg4[%add3A_77] : memref<331776xi32, #tpu.memory_space<hbm>> -> memref<3456xi32, #tpu.memory_space<hbm>>
      tpu.enqueue_dma source(%dma_start3A_94 : memref<3456xi32, #tpu.memory_space<hbm>>) target(%arg10 : memref<3456xi32, #tpu.memory_space<vmem>>) target_semaphore(%run_scoped3A : memref<!tpu.dma_semaphore, #tpu.memory_space<semaphore_mem>>)
      %dma_wait3A = tpu.memref_slice %arg4[%add3A_77] : memref<331776xi32, #tpu.memory_space<hbm>> -> memref<3456xi32, #tpu.memory_space<hbm>>
      %dma_wait3A_95 = tpu.memref_slice %arg4[%add3A_77] : memref<331776xi32, #tpu.memory_space<hbm>> -> memref<3456xi32, #tpu.memory_space<hbm>>
      tpu.wait_dma2 semaphore(%run_scoped3A : memref<!tpu.dma_semaphore, #tpu.memory_space<semaphore_mem>>) src(%dma_wait3A_95 : memref<3456xi32, #tpu.memory_space<hbm>>) dst(%arg10 : memref<3456xi32, #tpu.memory_space<vmem>>)
      tpu.yield
    }) : () -> ()
    %parallel_loop3A = arith.constant 0 : i32
    %parallel_loop3A_78 = arith.constant 3456 : i32
    %parallel_loop3A_79 = arith.constant 16 : i32
    scf.for %parallel_loop3A_94 = %parallel_loop3A to %parallel_loop3A_78 step %parallel_loop3A_79  : i32 {
      %parallel_loop3A_95 = arith.index_cast %parallel_loop3A_94 : i32 to index
      %parallel_loop3A_96 = tpu.vector_load %arg10[%parallel_loop3A_95] {strides = array<i32>} : memref<3456xi32, #tpu.memory_space<vmem>>, vector<16xi32>,
      %parallel_loop3A_97 = arith.constant 65535 : i32
      %parallel_loop3A_98 = vector.broadcast %parallel_loop3A_97 : i32 to vector<16xi32>
      %parallel_loop3A_99 = arith.andi %parallel_loop3A_96, %parallel_loop3A_98 : vector<16xi32>
      %parallel_loop3A_100 = arith.constant 16 : i32
      %parallel_loop3A_101 = vector.broadcast %parallel_loop3A_100 : i32 to vector<16xi32>
      %parallel_loop3A_102 = arith.shrui %parallel_loop3A_96, %parallel_loop3A_101 : vector<16xi32>
      %parallel_loop3A_103 = tpu.vector_load_idx %arg7[%parallel_loop3A_99] : memref<10240xf32, #tpu.memory_space<vmem>>[vector<16xi32>], vector<16xf32>,
      %parallel_loop3A_104 = tpu.vector_load_idx %arg8[%parallel_loop3A_102] : memref<10240xf32, #tpu.memory_space<vmem>>[vector<16xi32>], vector<16xf32>,
      %parallel_loop3A_105 = arith.addf %parallel_loop3A_103, %parallel_loop3A_104 : vector<16xf32>
      %parallel_loop3A_106 = arith.constant 0.000000e+00 : f32
      %parallel_loop3A_107 = vector.broadcast %parallel_loop3A_106 : f32 to vector<16xf32>
      %parallel_loop3A_108 = arith.cmpf ogt, %parallel_loop3A_105, %parallel_loop3A_107 : vector<16xf32>
      %parallel_loop3A_109 = arith.constant 2.000000e-01 : f32
      %parallel_loop3A_110 = vector.broadcast %parallel_loop3A_109 : f32 to vector<16xf32>
      %parallel_loop3A_111 = arith.mulf %parallel_loop3A_110, %parallel_loop3A_105 : vector<16xf32>
      %parallel_loop3A_112 = arith.select %parallel_loop3A_108, %parallel_loop3A_105, %parallel_loop3A_111 : vector<16xi1>, vector<16xf32>
      %parallel_loop3A_113 = arith.subf %parallel_loop3A_112, %max3A_64 : vector<16xf32>
      %parallel_loop3A_114 = math.exp %parallel_loop3A_113 : vector<16xf32>
      %parallel_loop3A_115 = arith.index_cast %parallel_loop3A_94 : i32 to index
      %parallel_loop3A_116 = tpu.vector_load %arg11[%parallel_loop3A_115] {strides = array<i32>} : memref<3456xf32, #tpu.memory_space<vmem>>, vector<16xf32>,
      tpu.vector_store %arg11[%parallel_loop3A_115], %parallel_loop3A_114 {strides = array<i32>} : memref<3456xf32, #tpu.memory_space<vmem>>, vector<16xf32>,
      tpu.vector_store_idx %arg9[%parallel_loop3A_102], %parallel_loop3A_114 {add = true} : memref<10240xf32, #tpu.memory_space<vmem>>[vector<16xi32>], vector<16xf32>,
    } {sc.loop_unroll_factor = 4 : i64, sc.parallel_access}
    "tpu.region"() ({
      %run_scoped3A = tpu.sem_alloc : memref<!tpu.dma_semaphore, #tpu.memory_space<semaphore_mem>>
      %dma_start3A = tpu.memref_slice %arg5[%add3A_77] : memref<331776xf32, #tpu.memory_space<hbm>> -> memref<3456xf32, #tpu.memory_space<hbm>>
      %dma_start3A_94 = tpu.memref_slice %arg5[%add3A_77] : memref<331776xf32, #tpu.memory_space<hbm>> -> memref<3456xf32, #tpu.memory_space<hbm>>
      tpu.enqueue_dma source(%arg11 : memref<3456xf32, #tpu.memory_space<vmem>>) target(%dma_start3A_94 : memref<3456xf32, #tpu.memory_space<hbm>>) target_semaphore(%run_scoped3A : memref<!tpu.dma_semaphore, #tpu.memory_space<semaphore_mem>>)
      %dma_wait3A = tpu.memref_slice %arg5[%add3A_77] : memref<331776xf32, #tpu.memory_space<hbm>> -> memref<3456xf32, #tpu.memory_space<hbm>>
      %dma_wait3A_95 = tpu.memref_slice %arg5[%add3A_77] : memref<331776xf32, #tpu.memory_space<hbm>> -> memref<3456xf32, #tpu.memory_space<hbm>>
      tpu.wait_dma2 semaphore(%run_scoped3A : memref<!tpu.dma_semaphore, #tpu.memory_space<semaphore_mem>>) src(%arg11 : memref<3456xf32, #tpu.memory_space<vmem>>) dst(%dma_wait3A_95 : memref<3456xf32, #tpu.memory_space<hbm>>)
      tpu.yield
    }) : () -> ()
    %mul3A_80 = arith.constant 10368 : i32
    %mul3A_81 = arith.muli %add3A, %mul3A_80 : i32
    %add3A_82 = arith.constant 3456 : i32
    %add3A_83 = arith.addi %mul3A_81, %add3A_82 : i32
    "tpu.region"() ({
      %run_scoped3A = tpu.sem_alloc : memref<!tpu.dma_semaphore, #tpu.memory_space<semaphore_mem>>
      %dma_start3A = tpu.memref_slice %arg4[%add3A_83] : memref<331776xi32, #tpu.memory_space<hbm>> -> memref<3456xi32, #tpu.memory_space<hbm>>
      %dma_start3A_94 = tpu.memref_slice %arg4[%add3A_83] : memref<331776xi32, #tpu.memory_space<hbm>> -> memref<3456xi32, #tpu.memory_space<hbm>>
      tpu.enqueue_dma source(%dma_start3A_94 : memref<3456xi32, #tpu.memory_space<hbm>>) target(%arg10 : memref<3456xi32, #tpu.memory_space<vmem>>) target_semaphore(%run_scoped3A : memref<!tpu.dma_semaphore, #tpu.memory_space<semaphore_mem>>)
      %dma_wait3A = tpu.memref_slice %arg4[%add3A_83] : memref<331776xi32, #tpu.memory_space<hbm>> -> memref<3456xi32, #tpu.memory_space<hbm>>
      %dma_wait3A_95 = tpu.memref_slice %arg4[%add3A_83] : memref<331776xi32, #tpu.memory_space<hbm>> -> memref<3456xi32, #tpu.memory_space<hbm>>
      tpu.wait_dma2 semaphore(%run_scoped3A : memref<!tpu.dma_semaphore, #tpu.memory_space<semaphore_mem>>) src(%dma_wait3A_95 : memref<3456xi32, #tpu.memory_space<hbm>>) dst(%arg10 : memref<3456xi32, #tpu.memory_space<vmem>>)
      tpu.yield
    }) : () -> ()
    %parallel_loop3A_84 = arith.constant 0 : i32
    %parallel_loop3A_85 = arith.constant 3456 : i32
    %parallel_loop3A_86 = arith.constant 16 : i32
    scf.for %parallel_loop3A_94 = %parallel_loop3A_84 to %parallel_loop3A_85 step %parallel_loop3A_86  : i32 {
      %parallel_loop3A_95 = arith.index_cast %parallel_loop3A_94 : i32 to index
      %parallel_loop3A_96 = tpu.vector_load %arg10[%parallel_loop3A_95] {strides = array<i32>} : memref<3456xi32, #tpu.memory_space<vmem>>, vector<16xi32>,
      %parallel_loop3A_97 = arith.constant 65535 : i32
      %parallel_loop3A_98 = vector.broadcast %parallel_loop3A_97 : i32 to vector<16xi32>
      %parallel_loop3A_99 = arith.andi %parallel_loop3A_96, %parallel_loop3A_98 : vector<16xi32>
      %parallel_loop3A_100 = arith.constant 16 : i32
      %parallel_loop3A_101 = vector.broadcast %parallel_loop3A_100 : i32 to vector<16xi32>
      %parallel_loop3A_102 = arith.shrui %parallel_loop3A_96, %parallel_loop3A_101 : vector<16xi32>
      %parallel_loop3A_103 = tpu.vector_load_idx %arg7[%parallel_loop3A_99] : memref<10240xf32, #tpu.memory_space<vmem>>[vector<16xi32>], vector<16xf32>,
      %parallel_loop3A_104 = tpu.vector_load_idx %arg8[%parallel_loop3A_102] : memref<10240xf32, #tpu.memory_space<vmem>>[vector<16xi32>], vector<16xf32>,
      %parallel_loop3A_105 = arith.addf %parallel_loop3A_103, %parallel_loop3A_104 : vector<16xf32>
      %parallel_loop3A_106 = arith.constant 0.000000e+00 : f32
      %parallel_loop3A_107 = vector.broadcast %parallel_loop3A_106 : f32 to vector<16xf32>
      %parallel_loop3A_108 = arith.cmpf ogt, %parallel_loop3A_105, %parallel_loop3A_107 : vector<16xf32>
      %parallel_loop3A_109 = arith.constant 2.000000e-01 : f32
      %parallel_loop3A_110 = vector.broadcast %parallel_loop3A_109 : f32 to vector<16xf32>
      %parallel_loop3A_111 = arith.mulf %parallel_loop3A_110, %parallel_loop3A_105 : vector<16xf32>
      %parallel_loop3A_112 = arith.select %parallel_loop3A_108, %parallel_loop3A_105, %parallel_loop3A_111 : vector<16xi1>, vector<16xf32>
      %parallel_loop3A_113 = arith.subf %parallel_loop3A_112, %max3A_64 : vector<16xf32>
      %parallel_loop3A_114 = math.exp %parallel_loop3A_113 : vector<16xf32>
      %parallel_loop3A_115 = arith.index_cast %parallel_loop3A_94 : i32 to index
      %parallel_loop3A_116 = tpu.vector_load %arg11[%parallel_loop3A_115] {strides = array<i32>} : memref<3456xf32, #tpu.memory_space<vmem>>, vector<16xf32>,
      tpu.vector_store %arg11[%parallel_loop3A_115], %parallel_loop3A_114 {strides = array<i32>} : memref<3456xf32, #tpu.memory_space<vmem>>, vector<16xf32>,
      tpu.vector_store_idx %arg9[%parallel_loop3A_102], %parallel_loop3A_114 {add = true} : memref<10240xf32, #tpu.memory_space<vmem>>[vector<16xi32>], vector<16xf32>,
    } {sc.loop_unroll_factor = 4 : i64, sc.parallel_access}
    "tpu.region"() ({
      %run_scoped3A = tpu.sem_alloc : memref<!tpu.dma_semaphore, #tpu.memory_space<semaphore_mem>>
      %dma_start3A = tpu.memref_slice %arg5[%add3A_83] : memref<331776xf32, #tpu.memory_space<hbm>> -> memref<3456xf32, #tpu.memory_space<hbm>>
      %dma_start3A_94 = tpu.memref_slice %arg5[%add3A_83] : memref<331776xf32, #tpu.memory_space<hbm>> -> memref<3456xf32, #tpu.memory_space<hbm>>
      tpu.enqueue_dma source(%arg11 : memref<3456xf32, #tpu.memory_space<vmem>>) target(%dma_start3A_94 : memref<3456xf32, #tpu.memory_space<hbm>>) target_semaphore(%run_scoped3A : memref<!tpu.dma_semaphore, #tpu.memory_space<semaphore_mem>>)
      %dma_wait3A = tpu.memref_slice %arg5[%add3A_83] : memref<331776xf32, #tpu.memory_space<hbm>> -> memref<3456xf32, #tpu.memory_space<hbm>>
      %dma_wait3A_95 = tpu.memref_slice %arg5[%add3A_83] : memref<331776xf32, #tpu.memory_space<hbm>> -> memref<3456xf32, #tpu.memory_space<hbm>>
      tpu.wait_dma2 semaphore(%run_scoped3A : memref<!tpu.dma_semaphore, #tpu.memory_space<semaphore_mem>>) src(%arg11 : memref<3456xf32, #tpu.memory_space<vmem>>) dst(%dma_wait3A_95 : memref<3456xf32, #tpu.memory_space<hbm>>)
      tpu.yield
    }) : () -> ()
    %mul3A_87 = arith.constant 10368 : i32
    %mul3A_88 = arith.muli %add3A, %mul3A_87 : i32
    %add3A_89 = arith.constant 6912 : i32
    %add3A_90 = arith.addi %mul3A_88, %add3A_89 : i32
    "tpu.region"() ({
      %run_scoped3A = tpu.sem_alloc : memref<!tpu.dma_semaphore, #tpu.memory_space<semaphore_mem>>
      %dma_start3A = tpu.memref_slice %arg4[%add3A_90] : memref<331776xi32, #tpu.memory_space<hbm>> -> memref<3456xi32, #tpu.memory_space<hbm>>
      %dma_start3A_94 = tpu.memref_slice %arg4[%add3A_90] : memref<331776xi32, #tpu.memory_space<hbm>> -> memref<3456xi32, #tpu.memory_space<hbm>>
      tpu.enqueue_dma source(%dma_start3A_94 : memref<3456xi32, #tpu.memory_space<hbm>>) target(%arg10 : memref<3456xi32, #tpu.memory_space<vmem>>) target_semaphore(%run_scoped3A : memref<!tpu.dma_semaphore, #tpu.memory_space<semaphore_mem>>)
      %dma_wait3A = tpu.memref_slice %arg4[%add3A_90] : memref<331776xi32, #tpu.memory_space<hbm>> -> memref<3456xi32, #tpu.memory_space<hbm>>
      %dma_wait3A_95 = tpu.memref_slice %arg4[%add3A_90] : memref<331776xi32, #tpu.memory_space<hbm>> -> memref<3456xi32, #tpu.memory_space<hbm>>
      tpu.wait_dma2 semaphore(%run_scoped3A : memref<!tpu.dma_semaphore, #tpu.memory_space<semaphore_mem>>) src(%dma_wait3A_95 : memref<3456xi32, #tpu.memory_space<hbm>>) dst(%arg10 : memref<3456xi32, #tpu.memory_space<vmem>>)
      tpu.yield
    }) : () -> ()
    %parallel_loop3A_91 = arith.constant 0 : i32
    %parallel_loop3A_92 = arith.constant 3456 : i32
    %parallel_loop3A_93 = arith.constant 16 : i32
    scf.for %parallel_loop3A_94 = %parallel_loop3A_91 to %parallel_loop3A_92 step %parallel_loop3A_93  : i32 {
      %parallel_loop3A_95 = arith.index_cast %parallel_loop3A_94 : i32 to index
      %parallel_loop3A_96 = tpu.vector_load %arg10[%parallel_loop3A_95] {strides = array<i32>} : memref<3456xi32, #tpu.memory_space<vmem>>, vector<16xi32>,
      %parallel_loop3A_97 = arith.constant 65535 : i32
      %parallel_loop3A_98 = vector.broadcast %parallel_loop3A_97 : i32 to vector<16xi32>
      %parallel_loop3A_99 = arith.andi %parallel_loop3A_96, %parallel_loop3A_98 : vector<16xi32>
      %parallel_loop3A_100 = arith.constant 16 : i32
      %parallel_loop3A_101 = vector.broadcast %parallel_loop3A_100 : i32 to vector<16xi32>
      %parallel_loop3A_102 = arith.shrui %parallel_loop3A_96, %parallel_loop3A_101 : vector<16xi32>
      %parallel_loop3A_103 = tpu.vector_load_idx %arg7[%parallel_loop3A_99] : memref<10240xf32, #tpu.memory_space<vmem>>[vector<16xi32>], vector<16xf32>,
      %parallel_loop3A_104 = tpu.vector_load_idx %arg8[%parallel_loop3A_102] : memref<10240xf32, #tpu.memory_space<vmem>>[vector<16xi32>], vector<16xf32>,
      %parallel_loop3A_105 = arith.addf %parallel_loop3A_103, %parallel_loop3A_104 : vector<16xf32>
      %parallel_loop3A_106 = arith.constant 0.000000e+00 : f32
      %parallel_loop3A_107 = vector.broadcast %parallel_loop3A_106 : f32 to vector<16xf32>
      %parallel_loop3A_108 = arith.cmpf ogt, %parallel_loop3A_105, %parallel_loop3A_107 : vector<16xf32>
      %parallel_loop3A_109 = arith.constant 2.000000e-01 : f32
      %parallel_loop3A_110 = vector.broadcast %parallel_loop3A_109 : f32 to vector<16xf32>
      %parallel_loop3A_111 = arith.mulf %parallel_loop3A_110, %parallel_loop3A_105 : vector<16xf32>
      %parallel_loop3A_112 = arith.select %parallel_loop3A_108, %parallel_loop3A_105, %parallel_loop3A_111 : vector<16xi1>, vector<16xf32>
      %parallel_loop3A_113 = arith.subf %parallel_loop3A_112, %max3A_64 : vector<16xf32>
      %parallel_loop3A_114 = math.exp %parallel_loop3A_113 : vector<16xf32>
      %parallel_loop3A_115 = arith.index_cast %parallel_loop3A_94 : i32 to index
      %parallel_loop3A_116 = tpu.vector_load %arg11[%parallel_loop3A_115] {strides = array<i32>} : memref<3456xf32, #tpu.memory_space<vmem>>, vector<16xf32>,
      tpu.vector_store %arg11[%parallel_loop3A_115], %parallel_loop3A_114 {strides = array<i32>} : memref<3456xf32, #tpu.memory_space<vmem>>, vector<16xf32>,
      tpu.vector_store_idx %arg9[%parallel_loop3A_102], %parallel_loop3A_114 {add = true} : memref<10240xf32, #tpu.memory_space<vmem>>[vector<16xi32>], vector<16xf32>,
    } {sc.loop_unroll_factor = 4 : i64, sc.parallel_access}
    "tpu.region"() ({
      %run_scoped3A = tpu.sem_alloc : memref<!tpu.dma_semaphore, #tpu.memory_space<semaphore_mem>>
      %dma_start3A = tpu.memref_slice %arg5[%add3A_90] : memref<331776xf32, #tpu.memory_space<hbm>> -> memref<3456xf32, #tpu.memory_space<hbm>>
      %dma_start3A_94 = tpu.memref_slice %arg5[%add3A_90] : memref<331776xf32, #tpu.memory_space<hbm>> -> memref<3456xf32, #tpu.memory_space<hbm>>
      tpu.enqueue_dma source(%arg11 : memref<3456xf32, #tpu.memory_space<vmem>>) target(%dma_start3A_94 : memref<3456xf32, #tpu.memory_space<hbm>>) target_semaphore(%run_scoped3A : memref<!tpu.dma_semaphore, #tpu.memory_space<semaphore_mem>>)
      %dma_wait3A = tpu.memref_slice %arg5[%add3A_90] : memref<331776xf32, #tpu.memory_space<hbm>> -> memref<3456xf32, #tpu.memory_space<hbm>>
      %dma_wait3A_95 = tpu.memref_slice %arg5[%add3A_90] : memref<331776xf32, #tpu.memory_space<hbm>> -> memref<3456xf32, #tpu.memory_space<hbm>>
      tpu.wait_dma2 semaphore(%run_scoped3A : memref<!tpu.dma_semaphore, #tpu.memory_space<semaphore_mem>>) src(%arg11 : memref<3456xf32, #tpu.memory_space<vmem>>) dst(%dma_wait3A_95 : memref<3456xf32, #tpu.memory_space<hbm>>)
      tpu.yield
    }) : () -> ()
    "tpu.region"() ({
      %run_scoped3A = tpu.sem_alloc : memref<!tpu.dma_semaphore, #tpu.memory_space<semaphore_mem>>
      %dma_start3A = arith.constant 0 : i32
      %dma_start3A_94 = tpu.memref_slice %arg6[%add3A, %dma_start3A] : memref<32x10240xf32, #tpu.memory_space<hbm>> -> memref<1x10240xf32, #tpu.memory_space<hbm>>
      %dma_start3A_95 = tpu.memref_squeeze %dma_start3A_94 : memref<1x10240xf32, #tpu.memory_space<hbm>> -> memref<10240xf32, #tpu.memory_space<hbm>>
      %dma_start3A_96 = arith.constant 0 : i32
      %dma_start3A_97 = tpu.memref_slice %arg6[%add3A, %dma_start3A_96] : memref<32x10240xf32, #tpu.memory_space<hbm>> -> memref<1x10240xf32, #tpu.memory_space<hbm>>
      %dma_start3A_98 = tpu.memref_squeeze %dma_start3A_97 : memref<1x10240xf32, #tpu.memory_space<hbm>> -> memref<10240xf32, #tpu.memory_space<hbm>>
      tpu.enqueue_dma source(%arg9 : memref<10240xf32, #tpu.memory_space<vmem>>) target(%dma_start3A_98 : memref<10240xf32, #tpu.memory_space<hbm>>) target_semaphore(%run_scoped3A : memref<!tpu.dma_semaphore, #tpu.memory_space<semaphore_mem>>)
      %dma_wait3A = arith.constant 0 : i32
      %dma_wait3A_99 = tpu.memref_slice %arg6[%add3A, %dma_wait3A] : memref<32x10240xf32, #tpu.memory_space<hbm>> -> memref<1x10240xf32, #tpu.memory_space<hbm>>
      %dma_wait3A_100 = tpu.memref_squeeze %dma_wait3A_99 : memref<1x10240xf32, #tpu.memory_space<hbm>> -> memref<10240xf32, #tpu.memory_space<hbm>>
      %dma_wait3A_101 = arith.constant 0 : i32
      %dma_wait3A_102 = tpu.memref_slice %arg6[%add3A, %dma_wait3A_101] : memref<32x10240xf32, #tpu.memory_space<hbm>> -> memref<1x10240xf32, #tpu.memory_space<hbm>>
      %dma_wait3A_103 = tpu.memref_squeeze %dma_wait3A_102 : memref<1x10240xf32, #tpu.memory_space<hbm>> -> memref<10240xf32, #tpu.memory_space<hbm>>
      tpu.wait_dma2 semaphore(%run_scoped3A : memref<!tpu.dma_semaphore, #tpu.memory_space<semaphore_mem>>) src(%arg9 : memref<10240xf32, #tpu.memory_space<vmem>>) dst(%dma_wait3A_103 : memref<10240xf32, #tpu.memory_space<hbm>>)
      tpu.yield
    }) : () -> ()
    return
  }
}

#map = affine_map<(d0, d1) -> (0)>
#map1 = affine_map<(d0, d1) -> (0, 0)>
module attributes {stable_mosaic.version = 14 : i64} {
  func.func @_sc_pass_a_body(%arg0: i32, %arg1: i32, %arg2: memref<10240xf32, #tpu.memory_space<hbm>>, %arg3: memref<10240xf32, #tpu.memory_space<hbm>>, %arg4: memref<331776xi32, #tpu.memory_space<hbm>>, %arg5: memref<331776xf32, #tpu.memory_space<hbm>>, %arg6: memref<32x10240xf32, #tpu.memory_space<hbm>>, %arg7: memref<10240xf32, #tpu.memory_space<vmem>>, %arg8: memref<10240xf32, #tpu.memory_space<vmem>>, %arg9: memref<10240xf32, #tpu.memory_space<vmem>>, %arg10: memref<3456xi32, #tpu.memory_space<vmem>>, %arg11: memref<3456xf32, #tpu.memory_space<vmem>>) attributes {dimension_semantics = [#tpu.dimension_semantics<core_parallel>, #tpu.dimension_semantics<subcore_parallel>], iteration_bounds = array<i64: 2, 16>, scalar_prefetch = 0 : i64, scratch_operands = 5 : i64, tpu.core_type = #tpu.core_type<sc_vector_subcore>, window_params = [{transform_indices = #map}, {transform_indices = #map}, {transform_indices = #map}, {transform_indices = #map}, {transform_indices = #map1}]} {
    %mul3A = arith.constant 16 : i32
    %mul3A_0 = arith.muli %arg0, %mul3A : i32
    %add3A = arith.addi %mul3A_0, %arg1 : i32
    "tpu.region"() ({
      %run_scoped3A = tpu.sem_alloc : memref<!tpu.dma_semaphore, #tpu.memory_space<semaphore_mem>>
      tpu.enqueue_dma source(%arg2 : memref<10240xf32, #tpu.memory_space<hbm>>) target(%arg7 : memref<10240xf32, #tpu.memory_space<vmem>>) target_semaphore(%run_scoped3A : memref<!tpu.dma_semaphore, #tpu.memory_space<semaphore_mem>>)
      tpu.wait_dma2 semaphore(%run_scoped3A : memref<!tpu.dma_semaphore, #tpu.memory_space<semaphore_mem>>) src(%arg2 : memref<10240xf32, #tpu.memory_space<hbm>>) dst(%arg7 : memref<10240xf32, #tpu.memory_space<vmem>>)
      tpu.yield
    }) : () -> ()
    "tpu.region"() ({
      %run_scoped3A = tpu.sem_alloc : memref<!tpu.dma_semaphore, #tpu.memory_space<semaphore_mem>>
      tpu.enqueue_dma source(%arg3 : memref<10240xf32, #tpu.memory_space<hbm>>) target(%arg8 : memref<10240xf32, #tpu.memory_space<vmem>>) target_semaphore(%run_scoped3A : memref<!tpu.dma_semaphore, #tpu.memory_space<semaphore_mem>>)
      tpu.wait_dma2 semaphore(%run_scoped3A : memref<!tpu.dma_semaphore, #tpu.memory_space<semaphore_mem>>) src(%arg3 : memref<10240xf32, #tpu.memory_space<hbm>>) dst(%arg8 : memref<10240xf32, #tpu.memory_space<vmem>>)
      tpu.yield
    }) : () -> ()
    %broadcast_in_dim3A = arith.constant -3.000000e+38 : f32
    %broadcast_in_dim3A_1 = vector.broadcast %broadcast_in_dim3A : f32 to vector<16xf32>
    %scan3A = arith.constant 0 : i32
    %scan3A_2 = arith.constant 640 : i32
    %scan3A_3 = arith.addi %scan3A, %scan3A_2 : i32
    %scan3A_4 = arith.constant 1 : i32
    %scan3A_5:2 = scf.for %scan3A_94 = %scan3A to %scan3A_3 step %scan3A_4 iter_args(%scan3A_95 = %broadcast_in_dim3A_1, %scan3A_96 = %broadcast_in_dim3A_1) -> (vector<16xf32>, vector<16xf32>)  : i32 {
      %mul3A_97 = arith.constant 16 : i32
      %mul3A_98 = arith.muli %scan3A_94, %mul3A_97 : i32
      %get3A = arith.index_cast %mul3A_98 : i32 to index
      %get3A_99 = tpu.vector_load %arg7[%get3A] {strides = array<i32>} : memref<10240xf32, #tpu.memory_space<vmem>>, vector<16xf32>,
      %max3A_100 = arith.maximumf %scan3A_95, %get3A_99 : vector<16xf32>
      %get3A_101 = arith.index_cast %mul3A_98 : i32 to index
      %get3A_102 = tpu.vector_load %arg8[%get3A_101] {strides = array<i32>} : memref<10240xf32, #tpu.memory_space<vmem>>, vector<16xf32>,
      %max3A_103 = arith.maximumf %scan3A_96, %get3A_102 : vector<16xf32>
      scf.yield %max3A_100, %max3A_103 : vector<16xf32>, vector<16xf32>
    }
    %scan3A_6 = arith.constant 640 : i32
    %iota3A = tpu.iota {dimensions = array<i32: 0>} : vector<16xi32>
    %xor3A = arith.constant 1 : i32
    %xor3A_7 = vector.broadcast %xor3A : i32 to vector<16xi32>
    %xor3A_8 = arith.xori %iota3A, %xor3A_7 : vector<16xi32>
    %broadcast_in_dim3A_9 = vector.shape_cast %xor3A_8 : vector<16xi32> to vector<16x1xi32>
    %gather3A = vector.shape_cast %broadcast_in_dim3A_9 : vector<16x1xi32> to vector<16xi32>
    %gather3A_10 = tpu.dynamic_gather %scan3A_5#0[%gather3A] in [0] : vector<16xf32>, vector<16xi32> -> vector<16xf32>
    %max3A = arith.maximumf %scan3A_5#0, %gather3A_10 : vector<16xf32>
    %xor3A_11 = arith.constant 2 : i32
    %xor3A_12 = vector.broadcast %xor3A_11 : i32 to vector<16xi32>
    %xor3A_13 = arith.xori %iota3A, %xor3A_12 : vector<16xi32>
    %broadcast_in_dim3A_14 = vector.shape_cast %xor3A_13 : vector<16xi32> to vector<16x1xi32>
    %gather3A_15 = vector.shape_cast %broadcast_in_dim3A_14 : vector<16x1xi32> to vector<16xi32>
    %gather3A_16 = tpu.dynamic_gather %max3A[%gather3A_15] in [0] : vector<16xf32>, vector<16xi32> -> vector<16xf32>
    %max3A_17 = arith.maximumf %max3A, %gather3A_16 : vector<16xf32>
    %xor3A_18 = arith.constant 4 : i32
    %xor3A_19 = vector.broadcast %xor3A_18 : i32 to vector<16xi32>
    %xor3A_20 = arith.xori %iota3A, %xor3A_19 : vector<16xi32>
    %broadcast_in_dim3A_21 = vector.shape_cast %xor3A_20 : vector<16xi32> to vector<16x1xi32>
    %gather3A_22 = vector.shape_cast %broadcast_in_dim3A_21 : vector<16x1xi32> to vector<16xi32>
    %gather3A_23 = tpu.dynamic_gather %max3A_17[%gather3A_22] in [0] : vector<16xf32>, vector<16xi32> -> vector<16xf32>
    %max3A_24 = arith.maximumf %max3A_17, %gather3A_23 : vector<16xf32>
    %xor3A_25 = arith.constant 8 : i32
    %xor3A_26 = vector.broadcast %xor3A_25 : i32 to vector<16xi32>
    %xor3A_27 = arith.xori %iota3A, %xor3A_26 : vector<16xi32>
    %broadcast_in_dim3A_28 = vector.shape_cast %xor3A_27 : vector<16xi32> to vector<16x1xi32>
    %gather3A_29 = vector.shape_cast %broadcast_in_dim3A_28 : vector<16x1xi32> to vector<16xi32>
    %gather3A_30 = tpu.dynamic_gather %max3A_24[%gather3A_29] in [0] : vector<16xf32>, vector<16xi32> -> vector<16xf32>
    %max3A_31 = arith.maximumf %max3A_24, %gather3A_30 : vector<16xf32>
    %iota3A_32 = tpu.iota {dimensions = array<i32: 0>} : vector<16xi32>
    %xor3A_33 = arith.constant 1 : i32
    %xor3A_34 = vector.broadcast %xor3A_33 : i32 to vector<16xi32>
    %xor3A_35 = arith.xori %iota3A_32, %xor3A_34 : vector<16xi32>
    %broadcast_in_dim3A_36 = vector.shape_cast %xor3A_35 : vector<16xi32> to vector<16x1xi32>
    %gather3A_37 = vector.shape_cast %broadcast_in_dim3A_36 : vector<16x1xi32> to vector<16xi32>
    %gather3A_38 = tpu.dynamic_gather %scan3A_5#1[%gather3A_37] in [0] : vector<16xf32>, vector<16xi32> -> vector<16xf32>
    %max3A_39 = arith.maximumf %scan3A_5#1, %gather3A_38 : vector<16xf32>
    %xor3A_40 = arith.constant 2 : i32
    %xor3A_41 = vector.broadcast %xor3A_40 : i32 to vector<16xi32>
    %xor3A_42 = arith.xori %iota3A_32, %xor3A_41 : vector<16xi32>
    %broadcast_in_dim3A_43 = vector.shape_cast %xor3A_42 : vector<16xi32> to vector<16x1xi32>
    %gather3A_44 = vector.shape_cast %broadcast_in_dim3A_43 : vector<16x1xi32> to vector<16xi32>
    %gather3A_45 = tpu.dynamic_gather %max3A_39[%gather3A_44] in [0] : vector<16xf32>, vector<16xi32> -> vector<16xf32>
    %max3A_46 = arith.maximumf %max3A_39, %gather3A_45 : vector<16xf32>
    %xor3A_47 = arith.constant 4 : i32
    %xor3A_48 = vector.broadcast %xor3A_47 : i32 to vector<16xi32>
    %xor3A_49 = arith.xori %iota3A_32, %xor3A_48 : vector<16xi32>
    %broadcast_in_dim3A_50 = vector.shape_cast %xor3A_49 : vector<16xi32> to vector<16x1xi32>
    %gather3A_51 = vector.shape_cast %broadcast_in_dim3A_50 : vector<16x1xi32> to vector<16xi32>
    %gather3A_52 = tpu.dynamic_gather %max3A_46[%gather3A_51] in [0] : vector<16xf32>, vector<16xi32> -> vector<16xf32>
    %max3A_53 = arith.maximumf %max3A_46, %gather3A_52 : vector<16xf32>
    %xor3A_54 = arith.constant 8 : i32
    %xor3A_55 = vector.broadcast %xor3A_54 : i32 to vector<16xi32>
    %xor3A_56 = arith.xori %iota3A_32, %xor3A_55 : vector<16xi32>
    %broadcast_in_dim3A_57 = vector.shape_cast %xor3A_56 : vector<16xi32> to vector<16x1xi32>
    %gather3A_58 = vector.shape_cast %broadcast_in_dim3A_57 : vector<16x1xi32> to vector<16xi32>
    %gather3A_59 = tpu.dynamic_gather %max3A_53[%gather3A_58] in [0] : vector<16xf32>, vector<16xi32> -> vector<16xf32>
    %max3A_60 = arith.maximumf %max3A_53, %gather3A_59 : vector<16xf32>
    %add3A_61 = arith.addf %max3A_31, %max3A_60 : vector<16xf32>
    %max3A_62 = arith.constant 0.000000e+00 : f32
    %max3A_63 = vector.broadcast %max3A_62 : f32 to vector<16xf32>
    %max3A_64 = arith.maximumf %add3A_61, %max3A_63 : vector<16xf32>
    %broadcast_in_dim3A_65 = arith.constant 0.000000e+00 : f32
    %broadcast_in_dim3A_66 = vector.broadcast %broadcast_in_dim3A_65 : f32 to vector<16xf32>
    %scan3A_67 = arith.constant 0 : i32
    %scan3A_68 = arith.constant 0 : i32
    %scan3A_69 = arith.constant 640 : i32
    %scan3A_70 = arith.addi %scan3A_68, %scan3A_69 : i32
    %scan3A_71 = arith.constant 1 : i32
    %scan3A_72 = scf.for %scan3A_94 = %scan3A_68 to %scan3A_70 step %scan3A_71 iter_args(%scan3A_95 = %scan3A_67) -> (i32)  : i32 {
      %mul3A_96 = arith.constant 16 : i32
      %mul3A_97 = arith.muli %scan3A_94, %mul3A_96 : i32
      %swap3A = arith.index_cast %mul3A_97 : i32 to index
      %swap3A_98 = tpu.vector_load %arg9[%swap3A] {strides = array<i32>} : memref<10240xf32, #tpu.memory_space<vmem>>, vector<16xf32>,
      tpu.vector_store %arg9[%swap3A], %broadcast_in_dim3A_66 {strides = array<i32>} : memref<10240xf32, #tpu.memory_space<vmem>>, vector<16xf32>,
      %scan3A_99 = arith.constant 0 : i32
      scf.yield %scan3A_99 : i32
    }
    %scan3A_73 = arith.constant 640 : i32
    %mul3A_74 = arith.constant 10368 : i32
    %mul3A_75 = arith.muli %add3A, %mul3A_74 : i32
    %add3A_76 = arith.constant 0 : i32
    %add3A_77 = arith.addi %mul3A_75, %add3A_76 : i32
    "tpu.region"() ({
      %run_scoped3A = tpu.sem_alloc : memref<!tpu.dma_semaphore, #tpu.memory_space<semaphore_mem>>
      %dma_start3A = tpu.memref_slice %arg4[%add3A_77] : memref<331776xi32, #tpu.memory_space<hbm>> -> memref<3456xi32, #tpu.memory_space<hbm>>
      %dma_start3A_94 = tpu.memref_slice %arg4[%add3A_77] : memref<331776xi32, #tpu.memory_space<hbm>> -> memref<3456xi32, #tpu.memory_space<hbm>>
      tpu.enqueue_dma source(%dma_start3A_94 : memref<3456xi32, #tpu.memory_space<hbm>>) target(%arg10 : memref<3456xi32, #tpu.memory_space<vmem>>) target_semaphore(%run_scoped3A : memref<!tpu.dma_semaphore, #tpu.memory_space<semaphore_mem>>)
      %dma_wait3A = tpu.memref_slice %arg4[%add3A_77] : memref<331776xi32, #tpu.memory_space<hbm>> -> memref<3456xi32, #tpu.memory_space<hbm>>
      %dma_wait3A_95 = tpu.memref_slice %arg4[%add3A_77] : memref<331776xi32, #tpu.memory_space<hbm>> -> memref<3456xi32, #tpu.memory_space<hbm>>
      tpu.wait_dma2 semaphore(%run_scoped3A : memref<!tpu.dma_semaphore, #tpu.memory_space<semaphore_mem>>) src(%dma_wait3A_95 : memref<3456xi32, #tpu.memory_space<hbm>>) dst(%arg10 : memref<3456xi32, #tpu.memory_space<vmem>>)
      tpu.yield
    }) : () -> ()
    %parallel_loop3A = arith.constant 0 : i32
    %parallel_loop3A_78 = arith.constant 3456 : i32
    %parallel_loop3A_79 = arith.constant 16 : i32
    scf.for %parallel_loop3A_94 = %parallel_loop3A to %parallel_loop3A_78 step %parallel_loop3A_79  : i32 {
      %parallel_loop3A_95 = arith.index_cast %parallel_loop3A_94 : i32 to index
      %parallel_loop3A_96 = tpu.vector_load %arg10[%parallel_loop3A_95] {strides = array<i32>} : memref<3456xi32, #tpu.memory_space<vmem>>, vector<16xi32>,
      %parallel_loop3A_97 = arith.constant 65535 : i32
      %parallel_loop3A_98 = vector.broadcast %parallel_loop3A_97 : i32 to vector<16xi32>
      %parallel_loop3A_99 = arith.andi %parallel_loop3A_96, %parallel_loop3A_98 : vector<16xi32>
      %parallel_loop3A_100 = arith.constant 16 : i32
      %parallel_loop3A_101 = vector.broadcast %parallel_loop3A_100 : i32 to vector<16xi32>
      %parallel_loop3A_102 = arith.shrui %parallel_loop3A_96, %parallel_loop3A_101 : vector<16xi32>
      %parallel_loop3A_103 = tpu.vector_load_idx %arg7[%parallel_loop3A_99] : memref<10240xf32, #tpu.memory_space<vmem>>[vector<16xi32>], vector<16xf32>,
      %parallel_loop3A_104 = tpu.vector_load_idx %arg8[%parallel_loop3A_102] : memref<10240xf32, #tpu.memory_space<vmem>>[vector<16xi32>], vector<16xf32>,
      %parallel_loop3A_105 = arith.addf %parallel_loop3A_103, %parallel_loop3A_104 : vector<16xf32>
      %parallel_loop3A_106 = arith.constant 0.000000e+00 : f32
      %parallel_loop3A_107 = vector.broadcast %parallel_loop3A_106 : f32 to vector<16xf32>
      %parallel_loop3A_108 = arith.cmpf ogt, %parallel_loop3A_105, %parallel_loop3A_107 : vector<16xf32>
      %parallel_loop3A_109 = arith.constant 2.000000e-01 : f32
      %parallel_loop3A_110 = vector.broadcast %parallel_loop3A_109 : f32 to vector<16xf32>
      %parallel_loop3A_111 = arith.mulf %parallel_loop3A_110, %parallel_loop3A_105 : vector<16xf32>
      %parallel_loop3A_112 = arith.select %parallel_loop3A_108, %parallel_loop3A_105, %parallel_loop3A_111 : vector<16xi1>, vector<16xf32>
      %parallel_loop3A_113 = arith.subf %parallel_loop3A_112, %max3A_64 : vector<16xf32>
      %parallel_loop3A_114 = math.exp %parallel_loop3A_113 : vector<16xf32>
      %parallel_loop3A_115 = arith.index_cast %parallel_loop3A_94 : i32 to index
      %parallel_loop3A_116 = tpu.vector_load %arg11[%parallel_loop3A_115] {strides = array<i32>} : memref<3456xf32, #tpu.memory_space<vmem>>, vector<16xf32>,
      tpu.vector_store %arg11[%parallel_loop3A_115], %parallel_loop3A_114 {strides = array<i32>} : memref<3456xf32, #tpu.memory_space<vmem>>, vector<16xf32>,
      tpu.vector_store_idx %arg9[%parallel_loop3A_102], %parallel_loop3A_114 {add = true} : memref<10240xf32, #tpu.memory_space<vmem>>[vector<16xi32>], vector<16xf32>,
    } {sc.loop_unroll_factor = 4 : i64, sc.parallel_access}
    "tpu.region"() ({
      %run_scoped3A = tpu.sem_alloc : memref<!tpu.dma_semaphore, #tpu.memory_space<semaphore_mem>>
      %dma_start3A = tpu.memref_slice %arg5[%add3A_77] : memref<331776xf32, #tpu.memory_space<hbm>> -> memref<3456xf32, #tpu.memory_space<hbm>>
      %dma_start3A_94 = tpu.memref_slice %arg5[%add3A_77] : memref<331776xf32, #tpu.memory_space<hbm>> -> memref<3456xf32, #tpu.memory_space<hbm>>
      tpu.enqueue_dma source(%arg11 : memref<3456xf32, #tpu.memory_space<vmem>>) target(%dma_start3A_94 : memref<3456xf32, #tpu.memory_space<hbm>>) target_semaphore(%run_scoped3A : memref<!tpu.dma_semaphore, #tpu.memory_space<semaphore_mem>>)
      %dma_wait3A = tpu.memref_slice %arg5[%add3A_77] : memref<331776xf32, #tpu.memory_space<hbm>> -> memref<3456xf32, #tpu.memory_space<hbm>>
      %dma_wait3A_95 = tpu.memref_slice %arg5[%add3A_77] : memref<331776xf32, #tpu.memory_space<hbm>> -> memref<3456xf32, #tpu.memory_space<hbm>>
      tpu.wait_dma2 semaphore(%run_scoped3A : memref<!tpu.dma_semaphore, #tpu.memory_space<semaphore_mem>>) src(%arg11 : memref<3456xf32, #tpu.memory_space<vmem>>) dst(%dma_wait3A_95 : memref<3456xf32, #tpu.memory_space<hbm>>)
      tpu.yield
    }) : () -> ()
    %mul3A_80 = arith.constant 10368 : i32
    %mul3A_81 = arith.muli %add3A, %mul3A_80 : i32
    %add3A_82 = arith.constant 3456 : i32
    %add3A_83 = arith.addi %mul3A_81, %add3A_82 : i32
    "tpu.region"() ({
      %run_scoped3A = tpu.sem_alloc : memref<!tpu.dma_semaphore, #tpu.memory_space<semaphore_mem>>
      %dma_start3A = tpu.memref_slice %arg4[%add3A_83] : memref<331776xi32, #tpu.memory_space<hbm>> -> memref<3456xi32, #tpu.memory_space<hbm>>
      %dma_start3A_94 = tpu.memref_slice %arg4[%add3A_83] : memref<331776xi32, #tpu.memory_space<hbm>> -> memref<3456xi32, #tpu.memory_space<hbm>>
      tpu.enqueue_dma source(%dma_start3A_94 : memref<3456xi32, #tpu.memory_space<hbm>>) target(%arg10 : memref<3456xi32, #tpu.memory_space<vmem>>) target_semaphore(%run_scoped3A : memref<!tpu.dma_semaphore, #tpu.memory_space<semaphore_mem>>)
      %dma_wait3A = tpu.memref_slice %arg4[%add3A_83] : memref<331776xi32, #tpu.memory_space<hbm>> -> memref<3456xi32, #tpu.memory_space<hbm>>
      %dma_wait3A_95 = tpu.memref_slice %arg4[%add3A_83] : memref<331776xi32, #tpu.memory_space<hbm>> -> memref<3456xi32, #tpu.memory_space<hbm>>
      tpu.wait_dma2 semaphore(%run_scoped3A : memref<!tpu.dma_semaphore, #tpu.memory_space<semaphore_mem>>) src(%dma_wait3A_95 : memref<3456xi32, #tpu.memory_space<hbm>>) dst(%arg10 : memref<3456xi32, #tpu.memory_space<vmem>>)
      tpu.yield
    }) : () -> ()
    %parallel_loop3A_84 = arith.constant 0 : i32
    %parallel_loop3A_85 = arith.constant 3456 : i32
    %parallel_loop3A_86 = arith.constant 16 : i32
    scf.for %parallel_loop3A_94 = %parallel_loop3A_84 to %parallel_loop3A_85 step %parallel_loop3A_86  : i32 {
      %parallel_loop3A_95 = arith.index_cast %parallel_loop3A_94 : i32 to index
      %parallel_loop3A_96 = tpu.vector_load %arg10[%parallel_loop3A_95] {strides = array<i32>} : memref<3456xi32, #tpu.memory_space<vmem>>, vector<16xi32>,
      %parallel_loop3A_97 = arith.constant 65535 : i32
      %parallel_loop3A_98 = vector.broadcast %parallel_loop3A_97 : i32 to vector<16xi32>
      %parallel_loop3A_99 = arith.andi %parallel_loop3A_96, %parallel_loop3A_98 : vector<16xi32>
      %parallel_loop3A_100 = arith.constant 16 : i32
      %parallel_loop3A_101 = vector.broadcast %parallel_loop3A_100 : i32 to vector<16xi32>
      %parallel_loop3A_102 = arith.shrui %parallel_loop3A_96, %parallel_loop3A_101 : vector<16xi32>
      %parallel_loop3A_103 = tpu.vector_load_idx %arg7[%parallel_loop3A_99] : memref<10240xf32, #tpu.memory_space<vmem>>[vector<16xi32>], vector<16xf32>,
      %parallel_loop3A_104 = tpu.vector_load_idx %arg8[%parallel_loop3A_102] : memref<10240xf32, #tpu.memory_space<vmem>>[vector<16xi32>], vector<16xf32>,
      %parallel_loop3A_105 = arith.addf %parallel_loop3A_103, %parallel_loop3A_104 : vector<16xf32>
      %parallel_loop3A_106 = arith.constant 0.000000e+00 : f32
      %parallel_loop3A_107 = vector.broadcast %parallel_loop3A_106 : f32 to vector<16xf32>
      %parallel_loop3A_108 = arith.cmpf ogt, %parallel_loop3A_105, %parallel_loop3A_107 : vector<16xf32>
      %parallel_loop3A_109 = arith.constant 2.000000e-01 : f32
      %parallel_loop3A_110 = vector.broadcast %parallel_loop3A_109 : f32 to vector<16xf32>
      %parallel_loop3A_111 = arith.mulf %parallel_loop3A_110, %parallel_loop3A_105 : vector<16xf32>
      %parallel_loop3A_112 = arith.select %parallel_loop3A_108, %parallel_loop3A_105, %parallel_loop3A_111 : vector<16xi1>, vector<16xf32>
      %parallel_loop3A_113 = arith.subf %parallel_loop3A_112, %max3A_64 : vector<16xf32>
      %parallel_loop3A_114 = math.exp %parallel_loop3A_113 : vector<16xf32>
      %parallel_loop3A_115 = arith.index_cast %parallel_loop3A_94 : i32 to index
      %parallel_loop3A_116 = tpu.vector_load %arg11[%parallel_loop3A_115] {strides = array<i32>} : memref<3456xf32, #tpu.memory_space<vmem>>, vector<16xf32>,
      tpu.vector_store %arg11[%parallel_loop3A_115], %parallel_loop3A_114 {strides = array<i32>} : memref<3456xf32, #tpu.memory_space<vmem>>, vector<16xf32>,
      tpu.vector_store_idx %arg9[%parallel_loop3A_102], %parallel_loop3A_114 {add = true} : memref<10240xf32, #tpu.memory_space<vmem>>[vector<16xi32>], vector<16xf32>,
    } {sc.loop_unroll_factor = 4 : i64, sc.parallel_access}
    "tpu.region"() ({
      %run_scoped3A = tpu.sem_alloc : memref<!tpu.dma_semaphore, #tpu.memory_space<semaphore_mem>>
      %dma_start3A = tpu.memref_slice %arg5[%add3A_83] : memref<331776xf32, #tpu.memory_space<hbm>> -> memref<3456xf32, #tpu.memory_space<hbm>>
      %dma_start3A_94 = tpu.memref_slice %arg5[%add3A_83] : memref<331776xf32, #tpu.memory_space<hbm>> -> memref<3456xf32, #tpu.memory_space<hbm>>
      tpu.enqueue_dma source(%arg11 : memref<3456xf32, #tpu.memory_space<vmem>>) target(%dma_start3A_94 : memref<3456xf32, #tpu.memory_space<hbm>>) target_semaphore(%run_scoped3A : memref<!tpu.dma_semaphore, #tpu.memory_space<semaphore_mem>>)
      %dma_wait3A = tpu.memref_slice %arg5[%add3A_83] : memref<331776xf32, #tpu.memory_space<hbm>> -> memref<3456xf32, #tpu.memory_space<hbm>>
      %dma_wait3A_95 = tpu.memref_slice %arg5[%add3A_83] : memref<331776xf32, #tpu.memory_space<hbm>> -> memref<3456xf32, #tpu.memory_space<hbm>>
      tpu.wait_dma2 semaphore(%run_scoped3A : memref<!tpu.dma_semaphore, #tpu.memory_space<semaphore_mem>>) src(%arg11 : memref<3456xf32, #tpu.memory_space<vmem>>) dst(%dma_wait3A_95 : memref<3456xf32, #tpu.memory_space<hbm>>)
      tpu.yield
    }) : () -> ()
    %mul3A_87 = arith.constant 10368 : i32
    %mul3A_88 = arith.muli %add3A, %mul3A_87 : i32
    %add3A_89 = arith.constant 6912 : i32
    %add3A_90 = arith.addi %mul3A_88, %add3A_89 : i32
    "tpu.region"() ({
      %run_scoped3A = tpu.sem_alloc : memref<!tpu.dma_semaphore, #tpu.memory_space<semaphore_mem>>
      %dma_start3A = tpu.memref_slice %arg4[%add3A_90] : memref<331776xi32, #tpu.memory_space<hbm>> -> memref<3456xi32, #tpu.memory_space<hbm>>
      %dma_start3A_94 = tpu.memref_slice %arg4[%add3A_90] : memref<331776xi32, #tpu.memory_space<hbm>> -> memref<3456xi32, #tpu.memory_space<hbm>>
      tpu.enqueue_dma source(%dma_start3A_94 : memref<3456xi32, #tpu.memory_space<hbm>>) target(%arg10 : memref<3456xi32, #tpu.memory_space<vmem>>) target_semaphore(%run_scoped3A : memref<!tpu.dma_semaphore, #tpu.memory_space<semaphore_mem>>)
      %dma_wait3A = tpu.memref_slice %arg4[%add3A_90] : memref<331776xi32, #tpu.memory_space<hbm>> -> memref<3456xi32, #tpu.memory_space<hbm>>
      %dma_wait3A_95 = tpu.memref_slice %arg4[%add3A_90] : memref<331776xi32, #tpu.memory_space<hbm>> -> memref<3456xi32, #tpu.memory_space<hbm>>
      tpu.wait_dma2 semaphore(%run_scoped3A : memref<!tpu.dma_semaphore, #tpu.memory_space<semaphore_mem>>) src(%dma_wait3A_95 : memref<3456xi32, #tpu.memory_space<hbm>>) dst(%arg10 : memref<3456xi32, #tpu.memory_space<vmem>>)
      tpu.yield
    }) : () -> ()
    %parallel_loop3A_91 = arith.constant 0 : i32
    %parallel_loop3A_92 = arith.constant 3456 : i32
    %parallel_loop3A_93 = arith.constant 16 : i32
    scf.for %parallel_loop3A_94 = %parallel_loop3A_91 to %parallel_loop3A_92 step %parallel_loop3A_93  : i32 {
      %parallel_loop3A_95 = arith.index_cast %parallel_loop3A_94 : i32 to index
      %parallel_loop3A_96 = tpu.vector_load %arg10[%parallel_loop3A_95] {strides = array<i32>} : memref<3456xi32, #tpu.memory_space<vmem>>, vector<16xi32>,
      %parallel_loop3A_97 = arith.constant 65535 : i32
      %parallel_loop3A_98 = vector.broadcast %parallel_loop3A_97 : i32 to vector<16xi32>
      %parallel_loop3A_99 = arith.andi %parallel_loop3A_96, %parallel_loop3A_98 : vector<16xi32>
      %parallel_loop3A_100 = arith.constant 16 : i32
      %parallel_loop3A_101 = vector.broadcast %parallel_loop3A_100 : i32 to vector<16xi32>
      %parallel_loop3A_102 = arith.shrui %parallel_loop3A_96, %parallel_loop3A_101 : vector<16xi32>
      %parallel_loop3A_103 = tpu.vector_load_idx %arg7[%parallel_loop3A_99] : memref<10240xf32, #tpu.memory_space<vmem>>[vector<16xi32>], vector<16xf32>,
      %parallel_loop3A_104 = tpu.vector_load_idx %arg8[%parallel_loop3A_102] : memref<10240xf32, #tpu.memory_space<vmem>>[vector<16xi32>], vector<16xf32>,
      %parallel_loop3A_105 = arith.addf %parallel_loop3A_103, %parallel_loop3A_104 : vector<16xf32>
      %parallel_loop3A_106 = arith.constant 0.000000e+00 : f32
      %parallel_loop3A_107 = vector.broadcast %parallel_loop3A_106 : f32 to vector<16xf32>
      %parallel_loop3A_108 = arith.cmpf ogt, %parallel_loop3A_105, %parallel_loop3A_107 : vector<16xf32>
      %parallel_loop3A_109 = arith.constant 2.000000e-01 : f32
      %parallel_loop3A_110 = vector.broadcast %parallel_loop3A_109 : f32 to vector<16xf32>
      %parallel_loop3A_111 = arith.mulf %parallel_loop3A_110, %parallel_loop3A_105 : vector<16xf32>
      %parallel_loop3A_112 = arith.select %parallel_loop3A_108, %parallel_loop3A_105, %parallel_loop3A_111 : vector<16xi1>, vector<16xf32>
      %parallel_loop3A_113 = arith.subf %parallel_loop3A_112, %max3A_64 : vector<16xf32>
      %parallel_loop3A_114 = math.exp %parallel_loop3A_113 : vector<16xf32>
      %parallel_loop3A_115 = arith.index_cast %parallel_loop3A_94 : i32 to index
      %parallel_loop3A_116 = tpu.vector_load %arg11[%parallel_loop3A_115] {strides = array<i32>} : memref<3456xf32, #tpu.memory_space<vmem>>, vector<16xf32>,
      tpu.vector_store %arg11[%parallel_loop3A_115], %parallel_loop3A_114 {strides = array<i32>} : memref<3456xf32, #tpu.memory_space<vmem>>, vector<16xf32>,
      tpu.vector_store_idx %arg9[%parallel_loop3A_102], %parallel_loop3A_114 {add = true} : memref<10240xf32, #tpu.memory_space<vmem>>[vector<16xi32>], vector<16xf32>,
    } {sc.loop_unroll_factor = 4 : i64, sc.parallel_access}
    "tpu.region"() ({
      %run_scoped3A = tpu.sem_alloc : memref<!tpu.dma_semaphore, #tpu.memory_space<semaphore_mem>>
      %dma_start3A = tpu.memref_slice %arg5[%add3A_90] : memref<331776xf32, #tpu.memory_space<hbm>> -> memref<3456xf32, #tpu.memory_space<hbm>>
      %dma_start3A_94 = tpu.memref_slice %arg5[%add3A_90] : memref<331776xf32, #tpu.memory_space<hbm>> -> memref<3456xf32, #tpu.memory_space<hbm>>
      tpu.enqueue_dma source(%arg11 : memref<3456xf32, #tpu.memory_space<vmem>>) target(%dma_start3A_94 : memref<3456xf32, #tpu.memory_space<hbm>>) target_semaphore(%run_scoped3A : memref<!tpu.dma_semaphore, #tpu.memory_space<semaphore_mem>>)
      %dma_wait3A = tpu.memref_slice %arg5[%add3A_90] : memref<331776xf32, #tpu.memory_space<hbm>> -> memref<3456xf32, #tpu.memory_space<hbm>>
      %dma_wait3A_95 = tpu.memref_slice %arg5[%add3A_90] : memref<331776xf32, #tpu.memory_space<hbm>> -> memref<3456xf32, #tpu.memory_space<hbm>>
      tpu.wait_dma2 semaphore(%run_scoped3A : memref<!tpu.dma_semaphore, #tpu.memory_space<semaphore_mem>>) src(%arg11 : memref<3456xf32, #tpu.memory_space<vmem>>) dst(%dma_wait3A_95 : memref<3456xf32, #tpu.memory_space<hbm>>)
      tpu.yield
    }) : () -> ()
    "tpu.region"() ({
      %run_scoped3A = tpu.sem_alloc : memref<!tpu.dma_semaphore, #tpu.memory_space<semaphore_mem>>
      %dma_start3A = arith.constant 0 : i32
      %dma_start3A_94 = tpu.memref_slice %arg6[%add3A, %dma_start3A] : memref<32x10240xf32, #tpu.memory_space<hbm>> -> memref<1x10240xf32, #tpu.memory_space<hbm>>
      %dma_start3A_95 = tpu.memref_squeeze %dma_start3A_94 : memref<1x10240xf32, #tpu.memory_space<hbm>> -> memref<10240xf32, #tpu.memory_space<hbm>>
      %dma_start3A_96 = arith.constant 0 : i32
      %dma_start3A_97 = tpu.memref_slice %arg6[%add3A, %dma_start3A_96] : memref<32x10240xf32, #tpu.memory_space<hbm>> -> memref<1x10240xf32, #tpu.memory_space<hbm>>
      %dma_start3A_98 = tpu.memref_squeeze %dma_start3A_97 : memref<1x10240xf32, #tpu.memory_space<hbm>> -> memref<10240xf32, #tpu.memory_space<hbm>>
      tpu.enqueue_dma source(%arg9 : memref<10240xf32, #tpu.memory_space<vmem>>) target(%dma_start3A_98 : memref<10240xf32, #tpu.memory_space<hbm>>) target_semaphore(%run_scoped3A : memref<!tpu.dma_semaphore, #tpu.memory_space<semaphore_mem>>)
      %dma_wait3A = arith.constant 0 : i32
      %dma_wait3A_99 = tpu.memref_slice %arg6[%add3A, %dma_wait3A] : memref<32x10240xf32, #tpu.memory_space<hbm>> -> memref<1x10240xf32, #tpu.memory_space<hbm>>
      %dma_wait3A_100 = tpu.memref_squeeze %dma_wait3A_99 : memref<1x10240xf32, #tpu.memory_space<hbm>> -> memref<10240xf32, #tpu.memory_space<hbm>>
      %dma_wait3A_101 = arith.constant 0 : i32
      %dma_wait3A_102 = tpu.memref_slice %arg6[%add3A, %dma_wait3A_101] : memref<32x10240xf32, #tpu.memory_space<hbm>> -> memref<1x10240xf32, #tpu.memory_space<hbm>>
      %dma_wait3A_103 = tpu.memref_squeeze %dma_wait3A_102 : memref<1x10240xf32, #tpu.memory_space<hbm>> -> memref<10240xf32, #tpu.memory_space<hbm>>
      tpu.wait_dma2 semaphore(%run_scoped3A : memref<!tpu.dma_semaphore, #tpu.memory_space<semaphore_mem>>) src(%arg9 : memref<10240xf32, #tpu.memory_space<vmem>>) dst(%dma_wait3A_103 : memref<10240xf32, #tpu.memory_space<hbm>>)
      tpu.yield
    }) : () -> ()
    return
  }
}

#map = affine_map<(d0, d1) -> (0, 0)>
#map1 = affine_map<(d0, d1) -> (0)>
module attributes {stable_mosaic.version = 14 : i64} {
  func.func @_sc_pass_b_body(%arg0: i32, %arg1: i32, %arg2: memref<64x10240xi32, #tpu.memory_space<hbm>>, %arg3: memref<331776xi32, #tpu.memory_space<hbm>>, %arg4: memref<331776xf32, #tpu.memory_space<hbm>>, %arg5: memref<128x10240xf32, #tpu.memory_space<hbm>>, %arg6: memref<10240xi32, #tpu.memory_space<vmem>>, %arg7: memref<10240xi32, #tpu.memory_space<vmem>>, %arg8: memref<10240xf32, #tpu.memory_space<vmem>>, %arg9: memref<10240xf32, #tpu.memory_space<vmem>>, %arg10: memref<10240xf32, #tpu.memory_space<vmem>>, %arg11: memref<10240xf32, #tpu.memory_space<vmem>>, %arg12: memref<6912xi32, #tpu.memory_space<vmem>>, %arg13: memref<6912xi32, #tpu.memory_space<vmem>>, %arg14: memref<6912xf32, #tpu.memory_space<vmem>>, %arg15: memref<6912xf32, #tpu.memory_space<vmem>>, %arg16: memref<2x!tpu.dma_semaphore, #tpu.memory_space<semaphore_mem>>) attributes {dimension_semantics = [#tpu.dimension_semantics<core_parallel>, #tpu.dimension_semantics<subcore_parallel>], iteration_bounds = array<i64: 2, 16>, scalar_prefetch = 0 : i64, scratch_operands = 11 : i64, tpu.core_type = #tpu.core_type<sc_vector_subcore>, window_params = [{transform_indices = #map}, {transform_indices = #map1}, {transform_indices = #map1}, {transform_indices = #map}]} {
    %mul3A = arith.constant 16 : i32
    %mul3A_0 = arith.muli %arg0, %mul3A : i32
    %add3A = arith.addi %mul3A_0, %arg1 : i32
    %mul3A_1 = arith.constant 2 : i32
    %mul3A_2 = arith.muli %add3A, %mul3A_1 : i32
    %add3A_3 = arith.constant 0 : i32
    %add3A_4 = arith.addi %mul3A_2, %add3A_3 : i32
    "tpu.region"() ({
      %run_scoped3A = tpu.sem_alloc : memref<!tpu.dma_semaphore, #tpu.memory_space<semaphore_mem>>
      %dma_start3A_98 = arith.constant 0 : i32
      %dma_start3A_99 = tpu.memref_slice %arg2[%add3A_4, %dma_start3A_98] : memref<64x10240xi32, #tpu.memory_space<hbm>> -> memref<1x10240xi32, #tpu.memory_space<hbm>>
      %dma_start3A_100 = tpu.memref_squeeze %dma_start3A_99 : memref<1x10240xi32, #tpu.memory_space<hbm>> -> memref<10240xi32, #tpu.memory_space<hbm>>
      %dma_start3A_101 = arith.constant 0 : i32
      %dma_start3A_102 = tpu.memref_slice %arg2[%add3A_4, %dma_start3A_101] : memref<64x10240xi32, #tpu.memory_space<hbm>> -> memref<1x10240xi32, #tpu.memory_space<hbm>>
      %dma_start3A_103 = tpu.memref_squeeze %dma_start3A_102 : memref<1x10240xi32, #tpu.memory_space<hbm>> -> memref<10240xi32, #tpu.memory_space<hbm>>
      tpu.enqueue_dma source(%dma_start3A_103 : memref<10240xi32, #tpu.memory_space<hbm>>) target(%arg6 : memref<10240xi32, #tpu.memory_space<vmem>>) target_semaphore(%run_scoped3A : memref<!tpu.dma_semaphore, #tpu.memory_space<semaphore_mem>>)
      %dma_wait3A_104 = arith.constant 0 : i32
      %dma_wait3A_105 = tpu.memref_slice %arg2[%add3A_4, %dma_wait3A_104] : memref<64x10240xi32, #tpu.memory_space<hbm>> -> memref<1x10240xi32, #tpu.memory_space<hbm>>
      %dma_wait3A_106 = tpu.memref_squeeze %dma_wait3A_105 : memref<1x10240xi32, #tpu.memory_space<hbm>> -> memref<10240xi32, #tpu.memory_space<hbm>>
      %dma_wait3A_107 = arith.constant 0 : i32
      %dma_wait3A_108 = tpu.memref_slice %arg2[%add3A_4, %dma_wait3A_107] : memref<64x10240xi32, #tpu.memory_space<hbm>> -> memref<1x10240xi32, #tpu.memory_space<hbm>>
      %dma_wait3A_109 = tpu.memref_squeeze %dma_wait3A_108 : memref<1x10240xi32, #tpu.memory_space<hbm>> -> memref<10240xi32, #tpu.memory_space<hbm>>
      tpu.wait_dma2 semaphore(%run_scoped3A : memref<!tpu.dma_semaphore, #tpu.memory_space<semaphore_mem>>) src(%dma_wait3A_109 : memref<10240xi32, #tpu.memory_space<hbm>>) dst(%arg6 : memref<10240xi32, #tpu.memory_space<vmem>>)
      tpu.yield
    }) : () -> ()
    %mul3A_5 = arith.constant 2 : i32
    %mul3A_6 = arith.muli %add3A, %mul3A_5 : i32
    %add3A_7 = arith.constant 1 : i32
    %add3A_8 = arith.addi %mul3A_6, %add3A_7 : i32
    "tpu.region"() ({
      %run_scoped3A = tpu.sem_alloc : memref<!tpu.dma_semaphore, #tpu.memory_space<semaphore_mem>>
      %dma_start3A_98 = arith.constant 0 : i32
      %dma_start3A_99 = tpu.memref_slice %arg2[%add3A_8, %dma_start3A_98] : memref<64x10240xi32, #tpu.memory_space<hbm>> -> memref<1x10240xi32, #tpu.memory_space<hbm>>
      %dma_start3A_100 = tpu.memref_squeeze %dma_start3A_99 : memref<1x10240xi32, #tpu.memory_space<hbm>> -> memref<10240xi32, #tpu.memory_space<hbm>>
      %dma_start3A_101 = arith.constant 0 : i32
      %dma_start3A_102 = tpu.memref_slice %arg2[%add3A_8, %dma_start3A_101] : memref<64x10240xi32, #tpu.memory_space<hbm>> -> memref<1x10240xi32, #tpu.memory_space<hbm>>
      %dma_start3A_103 = tpu.memref_squeeze %dma_start3A_102 : memref<1x10240xi32, #tpu.memory_space<hbm>> -> memref<10240xi32, #tpu.memory_space<hbm>>
      tpu.enqueue_dma source(%dma_start3A_103 : memref<10240xi32, #tpu.memory_space<hbm>>) target(%arg7 : memref<10240xi32, #tpu.memory_space<vmem>>) target_semaphore(%run_scoped3A : memref<!tpu.dma_semaphore, #tpu.memory_space<semaphore_mem>>)
      %dma_wait3A_104 = arith.constant 0 : i32
      %dma_wait3A_105 = tpu.memref_slice %arg2[%add3A_8, %dma_wait3A_104] : memref<64x10240xi32, #tpu.memory_space<hbm>> -> memref<1x10240xi32, #tpu.memory_space<hbm>>
      %dma_wait3A_106 = tpu.memref_squeeze %dma_wait3A_105 : memref<1x10240xi32, #tpu.memory_space<hbm>> -> memref<10240xi32, #tpu.memory_space<hbm>>
      %dma_wait3A_107 = arith.constant 0 : i32
      %dma_wait3A_108 = tpu.memref_slice %arg2[%add3A_8, %dma_wait3A_107] : memref<64x10240xi32, #tpu.memory_space<hbm>> -> memref<1x10240xi32, #tpu.memory_space<hbm>>
      %dma_wait3A_109 = tpu.memref_squeeze %dma_wait3A_108 : memref<1x10240xi32, #tpu.memory_space<hbm>> -> memref<10240xi32, #tpu.memory_space<hbm>>
      tpu.wait_dma2 semaphore(%run_scoped3A : memref<!tpu.dma_semaphore, #tpu.memory_space<semaphore_mem>>) src(%dma_wait3A_109 : memref<10240xi32, #tpu.memory_space<hbm>>) dst(%arg7 : memref<10240xi32, #tpu.memory_space<vmem>>)
      tpu.yield
    }) : () -> ()
    %broadcast_in_dim3A = arith.constant 0.000000e+00 : f32
    %broadcast_in_dim3A_9 = vector.broadcast %broadcast_in_dim3A : f32 to vector<16xf32>
    %scan3A = arith.constant 0 : i32
    %scan3A_10 = arith.constant 0 : i32
    %scan3A_11 = arith.constant 640 : i32
    %scan3A_12 = arith.addi %scan3A_10, %scan3A_11 : i32
    %scan3A_13 = arith.constant 1 : i32
    %scan3A_14 = scf.for %scan3A_98 = %scan3A_10 to %scan3A_12 step %scan3A_13 iter_args(%scan3A_99 = %scan3A) -> (i32)  : i32 {
      %mul3A_100 = arith.constant 16 : i32
      %mul3A_101 = arith.muli %scan3A_98, %mul3A_100 : i32
      %swap3A = arith.index_cast %mul3A_101 : i32 to index
      %swap3A_102 = tpu.vector_load %arg8[%swap3A] {strides = array<i32>} : memref<10240xf32, #tpu.memory_space<vmem>>, vector<16xf32>,
      tpu.vector_store %arg8[%swap3A], %broadcast_in_dim3A_9 {strides = array<i32>} : memref<10240xf32, #tpu.memory_space<vmem>>, vector<16xf32>,
      %mul3A_103 = arith.constant 16 : i32
      %mul3A_104 = arith.muli %scan3A_98, %mul3A_103 : i32
      %swap3A_105 = arith.index_cast %mul3A_104 : i32 to index
      %swap3A_106 = tpu.vector_load %arg9[%swap3A_105] {strides = array<i32>} : memref<10240xf32, #tpu.memory_space<vmem>>, vector<16xf32>,
      tpu.vector_store %arg9[%swap3A_105], %broadcast_in_dim3A_9 {strides = array<i32>} : memref<10240xf32, #tpu.memory_space<vmem>>, vector<16xf32>,
      %mul3A_107 = arith.constant 16 : i32
      %mul3A_108 = arith.muli %scan3A_98, %mul3A_107 : i32
      %swap3A_109 = arith.index_cast %mul3A_108 : i32 to index
      %swap3A_110 = tpu.vector_load %arg10[%swap3A_109] {strides = array<i32>} : memref<10240xf32, #tpu.memory_space<vmem>>, vector<16xf32>,
      tpu.vector_store %arg10[%swap3A_109], %broadcast_in_dim3A_9 {strides = array<i32>} : memref<10240xf32, #tpu.memory_space<vmem>>, vector<16xf32>,
      %mul3A_111 = arith.constant 16 : i32
      %mul3A_112 = arith.muli %scan3A_98, %mul3A_111 : i32
      %swap3A_113 = arith.index_cast %mul3A_112 : i32 to index
      %swap3A_114 = tpu.vector_load %arg11[%swap3A_113] {strides = array<i32>} : memref<10240xf32, #tpu.memory_space<vmem>>, vector<16xf32>,
      tpu.vector_store %arg11[%swap3A_113], %broadcast_in_dim3A_9 {strides = array<i32>} : memref<10240xf32, #tpu.memory_space<vmem>>, vector<16xf32>,
      %scan3A_115 = arith.constant 0 : i32
      scf.yield %scan3A_115 : i32
    }
    %scan3A_15 = arith.constant 640 : i32
    %dma_start3A = arith.constant 0 : i32
    %dma_start3A_16 = arith.constant 0 : i32
    %dma_start3A_17 = tpu.memref_slice %arg3[%dma_start3A_16] : memref<331776xi32, #tpu.memory_space<hbm>> -> memref<6912xi32, #tpu.memory_space<hbm>>
    %dma_start3A_18 = tpu.memref_slice %arg16[%dma_start3A] : memref<2x!tpu.dma_semaphore, #tpu.memory_space<semaphore_mem>> -> memref<1x!tpu.dma_semaphore, #tpu.memory_space<semaphore_mem>>
    %dma_start3A_19 = tpu.memref_squeeze %dma_start3A_18 : memref<1x!tpu.dma_semaphore, #tpu.memory_space<semaphore_mem>> -> memref<!tpu.dma_semaphore, #tpu.memory_space<semaphore_mem>>
    %dma_start3A_20 = arith.constant 0 : i32
    %dma_start3A_21 = tpu.memref_slice %arg3[%dma_start3A_20] : memref<331776xi32, #tpu.memory_space<hbm>> -> memref<6912xi32, #tpu.memory_space<hbm>>
    tpu.enqueue_dma source(%dma_start3A_21 : memref<6912xi32, #tpu.memory_space<hbm>>) target(%arg12 : memref<6912xi32, #tpu.memory_space<vmem>>) target_semaphore(%dma_start3A_19 : memref<!tpu.dma_semaphore, #tpu.memory_space<semaphore_mem>>)
    %dma_start3A_22 = arith.constant 0 : i32
    %dma_start3A_23 = arith.constant 0 : i32
    %dma_start3A_24 = tpu.memref_slice %arg4[%dma_start3A_23] : memref<331776xf32, #tpu.memory_space<hbm>> -> memref<6912xf32, #tpu.memory_space<hbm>>
    %dma_start3A_25 = tpu.memref_slice %arg16[%dma_start3A_22] : memref<2x!tpu.dma_semaphore, #tpu.memory_space<semaphore_mem>> -> memref<1x!tpu.dma_semaphore, #tpu.memory_space<semaphore_mem>>
    %dma_start3A_26 = tpu.memref_squeeze %dma_start3A_25 : memref<1x!tpu.dma_semaphore, #tpu.memory_space<semaphore_mem>> -> memref<!tpu.dma_semaphore, #tpu.memory_space<semaphore_mem>>
    %dma_start3A_27 = arith.constant 0 : i32
    %dma_start3A_28 = tpu.memref_slice %arg4[%dma_start3A_27] : memref<331776xf32, #tpu.memory_space<hbm>> -> memref<6912xf32, #tpu.memory_space<hbm>>
    tpu.enqueue_dma source(%dma_start3A_28 : memref<6912xf32, #tpu.memory_space<hbm>>) target(%arg14 : memref<6912xf32, #tpu.memory_space<vmem>>) target_semaphore(%dma_start3A_26 : memref<!tpu.dma_semaphore, #tpu.memory_space<semaphore_mem>>)
    %scan3A_29 = arith.constant 0 : i32
    %scan3A_30 = arith.constant 0 : i32
    %scan3A_31 = arith.constant 23 : i32
    %scan3A_32 = arith.addi %scan3A_30, %scan3A_31 : i32
    %scan3A_33 = arith.constant 1 : i32
    %scan3A_34 = scf.for %scan3A_98 = %scan3A_30 to %scan3A_32 step %scan3A_33 iter_args(%scan3A_99 = %scan3A_29) -> (i32)  : i32 {
      %mul3A_100 = arith.constant 2 : i32
      %mul3A_101 = arith.muli %scan3A_98, %mul3A_100 : i32
      %mul3A_102 = arith.constant 6912 : i32
      %mul3A_103 = arith.muli %mul3A_101, %mul3A_102 : i32
      %dma_wait3A_104 = arith.constant 0 : i32
      %dma_wait3A_105 = tpu.memref_slice %arg3[%mul3A_103] : memref<331776xi32, #tpu.memory_space<hbm>> -> memref<6912xi32, #tpu.memory_space<hbm>>
      %dma_wait3A_106 = tpu.memref_slice %arg16[%dma_wait3A_104] : memref<2x!tpu.dma_semaphore, #tpu.memory_space<semaphore_mem>> -> memref<1x!tpu.dma_semaphore, #tpu.memory_space<semaphore_mem>>
      %dma_wait3A_107 = tpu.memref_squeeze %dma_wait3A_106 : memref<1x!tpu.dma_semaphore, #tpu.memory_space<semaphore_mem>> -> memref<!tpu.dma_semaphore, #tpu.memory_space<semaphore_mem>>
      %dma_wait3A_108 = tpu.memref_slice %arg3[%mul3A_103] : memref<331776xi32, #tpu.memory_space<hbm>> -> memref<6912xi32, #tpu.memory_space<hbm>>
      tpu.wait_dma2 semaphore(%dma_wait3A_107 : memref<!tpu.dma_semaphore, #tpu.memory_space<semaphore_mem>>) src(%dma_wait3A_108 : memref<6912xi32, #tpu.memory_space<hbm>>) dst(%arg12 : memref<6912xi32, #tpu.memory_space<vmem>>)
      %dma_wait3A_109 = arith.constant 0 : i32
      %dma_wait3A_110 = tpu.memref_slice %arg4[%mul3A_103] : memref<331776xf32, #tpu.memory_space<hbm>> -> memref<6912xf32, #tpu.memory_space<hbm>>
      %dma_wait3A_111 = tpu.memref_slice %arg16[%dma_wait3A_109] : memref<2x!tpu.dma_semaphore, #tpu.memory_space<semaphore_mem>> -> memref<1x!tpu.dma_semaphore, #tpu.memory_space<semaphore_mem>>
      %dma_wait3A_112 = tpu.memref_squeeze %dma_wait3A_111 : memref<1x!tpu.dma_semaphore, #tpu.memory_space<semaphore_mem>> -> memref<!tpu.dma_semaphore, #tpu.memory_space<semaphore_mem>>
      %dma_wait3A_113 = tpu.memref_slice %arg4[%mul3A_103] : memref<331776xf32, #tpu.memory_space<hbm>> -> memref<6912xf32, #tpu.memory_space<hbm>>
      tpu.wait_dma2 semaphore(%dma_wait3A_112 : memref<!tpu.dma_semaphore, #tpu.memory_space<semaphore_mem>>) src(%dma_wait3A_113 : memref<6912xf32, #tpu.memory_space<hbm>>) dst(%arg14 : memref<6912xf32, #tpu.memory_space<vmem>>)
      %add3A_114 = arith.constant 1 : i32
      %add3A_115 = arith.addi %mul3A_101, %add3A_114 : i32
      %mul3A_116 = arith.constant 6912 : i32
      %mul3A_117 = arith.muli %add3A_115, %mul3A_116 : i32
      %dma_start3A_118 = arith.constant 1 : i32
      %dma_start3A_119 = tpu.memref_slice %arg3[%mul3A_117] : memref<331776xi32, #tpu.memory_space<hbm>> -> memref<6912xi32, #tpu.memory_space<hbm>>
      %dma_start3A_120 = tpu.memref_slice %arg16[%dma_start3A_118] : memref<2x!tpu.dma_semaphore, #tpu.memory_space<semaphore_mem>> -> memref<1x!tpu.dma_semaphore, #tpu.memory_space<semaphore_mem>>
      %dma_start3A_121 = tpu.memref_squeeze %dma_start3A_120 : memref<1x!tpu.dma_semaphore, #tpu.memory_space<semaphore_mem>> -> memref<!tpu.dma_semaphore, #tpu.memory_space<semaphore_mem>>
      %dma_start3A_122 = tpu.memref_slice %arg3[%mul3A_117] : memref<331776xi32, #tpu.memory_space<hbm>> -> memref<6912xi32, #tpu.memory_space<hbm>>
      tpu.enqueue_dma source(%dma_start3A_122 : memref<6912xi32, #tpu.memory_space<hbm>>) target(%arg13 : memref<6912xi32, #tpu.memory_space<vmem>>) target_semaphore(%dma_start3A_121 : memref<!tpu.dma_semaphore, #tpu.memory_space<semaphore_mem>>)
      %dma_start3A_123 = arith.constant 1 : i32
      %dma_start3A_124 = tpu.memref_slice %arg4[%mul3A_117] : memref<331776xf32, #tpu.memory_space<hbm>> -> memref<6912xf32, #tpu.memory_space<hbm>>
      %dma_start3A_125 = tpu.memref_slice %arg16[%dma_start3A_123] : memref<2x!tpu.dma_semaphore, #tpu.memory_space<semaphore_mem>> -> memref<1x!tpu.dma_semaphore, #tpu.memory_space<semaphore_mem>>
      %dma_start3A_126 = tpu.memref_squeeze %dma_start3A_125 : memref<1x!tpu.dma_semaphore, #tpu.memory_space<semaphore_mem>> -> memref<!tpu.dma_semaphore, #tpu.memory_space<semaphore_mem>>
      %dma_start3A_127 = tpu.memref_slice %arg4[%mul3A_117] : memref<331776xf32, #tpu.memory_space<hbm>> -> memref<6912xf32, #tpu.memory_space<hbm>>
      tpu.enqueue_dma source(%dma_start3A_127 : memref<6912xf32, #tpu.memory_space<hbm>>) target(%arg15 : memref<6912xf32, #tpu.memory_space<vmem>>) target_semaphore(%dma_start3A_126 : memref<!tpu.dma_semaphore, #tpu.memory_space<semaphore_mem>>)
      %parallel_loop3A_128 = arith.constant 0 : i32
      %parallel_loop3A_129 = arith.constant 6912 : i32
      %parallel_loop3A_130 = arith.constant 16 : i32
      scf.for %parallel_loop3A_163 = %parallel_loop3A_128 to %parallel_loop3A_129 step %parallel_loop3A_130  : i32 {
        %parallel_loop3A_164 = arith.index_cast %parallel_loop3A_163 : i32 to index
        %parallel_loop3A_165 = tpu.vector_load %arg12[%parallel_loop3A_164] {strides = array<i32>} : memref<6912xi32, #tpu.memory_space<vmem>>, vector<16xi32>,
        %parallel_loop3A_166 = arith.constant 65535 : i32
        %parallel_loop3A_167 = vector.broadcast %parallel_loop3A_166 : i32 to vector<16xi32>
        %parallel_loop3A_168 = arith.andi %parallel_loop3A_165, %parallel_loop3A_167 : vector<16xi32>
        %parallel_loop3A_169 = arith.constant 16 : i32
        %parallel_loop3A_170 = vector.broadcast %parallel_loop3A_169 : i32 to vector<16xi32>
        %parallel_loop3A_171 = arith.shrui %parallel_loop3A_165, %parallel_loop3A_170 : vector<16xi32>
        %parallel_loop3A_172 = arith.index_cast %parallel_loop3A_163 : i32 to index
        %parallel_loop3A_173 = tpu.vector_load %arg14[%parallel_loop3A_172] {strides = array<i32>} : memref<6912xf32, #tpu.memory_space<vmem>>, vector<16xf32>,
        %parallel_loop3A_174 = tpu.vector_load_idx %arg6[%parallel_loop3A_168] : memref<10240xi32, #tpu.memory_space<vmem>>[vector<16xi32>], vector<16xi32>,
        %parallel_loop3A_175 = vector.bitcast %parallel_loop3A_174 : vector<16xi32> to vector<32xbf16>
        %parallel_loop3A_176 = tpu.unpack_subelements %parallel_loop3A_175, 0 {pack_format = #tpu.pack_format<interleaved>} : vector<32xbf16> -> vector<16xf32>
        %parallel_loop3A_177 = tpu.unpack_subelements %parallel_loop3A_175, 1 {pack_format = #tpu.pack_format<interleaved>} : vector<32xbf16> -> vector<16xf32>
        %parallel_loop3A_178 = arith.mulf %parallel_loop3A_176, %parallel_loop3A_173 : vector<16xf32>
        tpu.vector_store_idx %arg8[%parallel_loop3A_171], %parallel_loop3A_178 {add = true} : memref<10240xf32, #tpu.memory_space<vmem>>[vector<16xi32>], vector<16xf32>,
        %parallel_loop3A_179 = arith.mulf %parallel_loop3A_177, %parallel_loop3A_173 : vector<16xf32>
        tpu.vector_store_idx %arg10[%parallel_loop3A_171], %parallel_loop3A_179 {add = true} : memref<10240xf32, #tpu.memory_space<vmem>>[vector<16xi32>], vector<16xf32>,
        %parallel_loop3A_180 = tpu.vector_load_idx %arg7[%parallel_loop3A_168] : memref<10240xi32, #tpu.memory_space<vmem>>[vector<16xi32>], vector<16xi32>,
        %parallel_loop3A_181 = vector.bitcast %parallel_loop3A_180 : vector<16xi32> to vector<32xbf16>
        %parallel_loop3A_182 = tpu.unpack_subelements %parallel_loop3A_181, 0 {pack_format = #tpu.pack_format<interleaved>} : vector<32xbf16> -> vector<16xf32>
        %parallel_loop3A_183 = tpu.unpack_subelements %parallel_loop3A_181, 1 {pack_format = #tpu.pack_format<interleaved>} : vector<32xbf16> -> vector<16xf32>
        %parallel_loop3A_184 = arith.mulf %parallel_loop3A_182, %parallel_loop3A_173 : vector<16xf32>
        tpu.vector_store_idx %arg9[%parallel_loop3A_171], %parallel_loop3A_184 {add = true} : memref<10240xf32, #tpu.memory_space<vmem>>[vector<16xi32>], vector<16xf32>,
        %parallel_loop3A_185 = arith.mulf %parallel_loop3A_183, %parallel_loop3A_173 : vector<16xf32>
        tpu.vector_store_idx %arg11[%parallel_loop3A_171], %parallel_loop3A_185 {add = true} : memref<10240xf32, #tpu.memory_space<vmem>>[vector<16xi32>], vector<16xf32>,
      } {sc.loop_unroll_factor = 4 : i64, sc.parallel_access}
      %add3A_131 = arith.constant 1 : i32
      %add3A_132 = arith.addi %mul3A_101, %add3A_131 : i32
      %mul3A_133 = arith.constant 6912 : i32
      %mul3A_134 = arith.muli %add3A_132, %mul3A_133 : i32
      %dma_wait3A_135 = arith.constant 1 : i32
      %dma_wait3A_136 = tpu.memref_slice %arg3[%mul3A_134] : memref<331776xi32, #tpu.memory_space<hbm>> -> memref<6912xi32, #tpu.memory_space<hbm>>
      %dma_wait3A_137 = tpu.memref_slice %arg16[%dma_wait3A_135] : memref<2x!tpu.dma_semaphore, #tpu.memory_space<semaphore_mem>> -> memref<1x!tpu.dma_semaphore, #tpu.memory_space<semaphore_mem>>
      %dma_wait3A_138 = tpu.memref_squeeze %dma_wait3A_137 : memref<1x!tpu.dma_semaphore, #tpu.memory_space<semaphore_mem>> -> memref<!tpu.dma_semaphore, #tpu.memory_space<semaphore_mem>>
      %dma_wait3A_139 = tpu.memref_slice %arg3[%mul3A_134] : memref<331776xi32, #tpu.memory_space<hbm>> -> memref<6912xi32, #tpu.memory_space<hbm>>
      tpu.wait_dma2 semaphore(%dma_wait3A_138 : memref<!tpu.dma_semaphore, #tpu.memory_space<semaphore_mem>>) src(%dma_wait3A_139 : memref<6912xi32, #tpu.memory_space<hbm>>) dst(%arg13 : memref<6912xi32, #tpu.memory_space<vmem>>)
      %dma_wait3A_140 = arith.constant 1 : i32
      %dma_wait3A_141 = tpu.memref_slice %arg4[%mul3A_134] : memref<331776xf32, #tpu.memory_space<hbm>> -> memref<6912xf32, #tpu.memory_space<hbm>>
      %dma_wait3A_142 = tpu.memref_slice %arg16[%dma_wait3A_140] : memref<2x!tpu.dma_semaphore, #tpu.memory_space<semaphore_mem>> -> memref<1x!tpu.dma_semaphore, #tpu.memory_space<semaphore_mem>>
      %dma_wait3A_143 = tpu.memref_squeeze %dma_wait3A_142 : memref<1x!tpu.dma_semaphore, #tpu.memory_space<semaphore_mem>> -> memref<!tpu.dma_semaphore, #tpu.memory_space<semaphore_mem>>
      %dma_wait3A_144 = tpu.memref_slice %arg4[%mul3A_134] : memref<331776xf32, #tpu.memory_space<hbm>> -> memref<6912xf32, #tpu.memory_space<hbm>>
      tpu.wait_dma2 semaphore(%dma_wait3A_143 : memref<!tpu.dma_semaphore, #tpu.memory_space<semaphore_mem>>) src(%dma_wait3A_144 : memref<6912xf32, #tpu.memory_space<hbm>>) dst(%arg15 : memref<6912xf32, #tpu.memory_space<vmem>>)
      %add3A_145 = arith.constant 2 : i32
      %add3A_146 = arith.addi %mul3A_101, %add3A_145 : i32
      %mul3A_147 = arith.constant 6912 : i32
      %mul3A_148 = arith.muli %add3A_146, %mul3A_147 : i32
      %dma_start3A_149 = arith.constant 0 : i32
      %dma_start3A_150 = tpu.memref_slice %arg3[%mul3A_148] : memref<331776xi32, #tpu.memory_space<hbm>> -> memref<6912xi32, #tpu.memory_space<hbm>>
      %dma_start3A_151 = tpu.memref_slice %arg16[%dma_start3A_149] : memref<2x!tpu.dma_semaphore, #tpu.memory_space<semaphore_mem>> -> memref<1x!tpu.dma_semaphore, #tpu.memory_space<semaphore_mem>>
      %dma_start3A_152 = tpu.memref_squeeze %dma_start3A_151 : memref<1x!tpu.dma_semaphore, #tpu.memory_space<semaphore_mem>> -> memref<!tpu.dma_semaphore, #tpu.memory_space<semaphore_mem>>
      %dma_start3A_153 = tpu.memref_slice %arg3[%mul3A_148] : memref<331776xi32, #tpu.memory_space<hbm>> -> memref<6912xi32, #tpu.memory_space<hbm>>
      tpu.enqueue_dma source(%dma_start3A_153 : memref<6912xi32, #tpu.memory_space<hbm>>) target(%arg12 : memref<6912xi32, #tpu.memory_space<vmem>>) target_semaphore(%dma_start3A_152 : memref<!tpu.dma_semaphore, #tpu.memory_space<semaphore_mem>>)
      %dma_start3A_154 = arith.constant 0 : i32
      %dma_start3A_155 = tpu.memref_slice %arg4[%mul3A_148] : memref<331776xf32, #tpu.memory_space<hbm>> -> memref<6912xf32, #tpu.memory_space<hbm>>
      %dma_start3A_156 = tpu.memref_slice %arg16[%dma_start3A_154] : memref<2x!tpu.dma_semaphore, #tpu.memory_space<semaphore_mem>> -> memref<1x!tpu.dma_semaphore, #tpu.memory_space<semaphore_mem>>
      %dma_start3A_157 = tpu.memref_squeeze %dma_start3A_156 : memref<1x!tpu.dma_semaphore, #tpu.memory_space<semaphore_mem>> -> memref<!tpu.dma_semaphore, #tpu.memory_space<semaphore_mem>>
      %dma_start3A_158 = tpu.memref_slice %arg4[%mul3A_148] : memref<331776xf32, #tpu.memory_space<hbm>> -> memref<6912xf32, #tpu.memory_space<hbm>>
      tpu.enqueue_dma source(%dma_start3A_158 : memref<6912xf32, #tpu.memory_space<hbm>>) target(%arg14 : memref<6912xf32, #tpu.memory_space<vmem>>) target_semaphore(%dma_start3A_157 : memref<!tpu.dma_semaphore, #tpu.memory_space<semaphore_mem>>)
      %parallel_loop3A_159 = arith.constant 0 : i32
      %parallel_loop3A_160 = arith.constant 6912 : i32
      %parallel_loop3A_161 = arith.constant 16 : i32
      scf.for %parallel_loop3A_163 = %parallel_loop3A_159 to %parallel_loop3A_160 step %parallel_loop3A_161  : i32 {
        %parallel_loop3A_164 = arith.index_cast %parallel_loop3A_163 : i32 to index
        %parallel_loop3A_165 = tpu.vector_load %arg13[%parallel_loop3A_164] {strides = array<i32>} : memref<6912xi32, #tpu.memory_space<vmem>>, vector<16xi32>,
        %parallel_loop3A_166 = arith.constant 65535 : i32
        %parallel_loop3A_167 = vector.broadcast %parallel_loop3A_166 : i32 to vector<16xi32>
        %parallel_loop3A_168 = arith.andi %parallel_loop3A_165, %parallel_loop3A_167 : vector<16xi32>
        %parallel_loop3A_169 = arith.constant 16 : i32
        %parallel_loop3A_170 = vector.broadcast %parallel_loop3A_169 : i32 to vector<16xi32>
        %parallel_loop3A_171 = arith.shrui %parallel_loop3A_165, %parallel_loop3A_170 : vector<16xi32>
        %parallel_loop3A_172 = arith.index_cast %parallel_loop3A_163 : i32 to index
        %parallel_loop3A_173 = tpu.vector_load %arg15[%parallel_loop3A_172] {strides = array<i32>} : memref<6912xf32, #tpu.memory_space<vmem>>, vector<16xf32>,
        %parallel_loop3A_174 = tpu.vector_load_idx %arg6[%parallel_loop3A_168] : memref<10240xi32, #tpu.memory_space<vmem>>[vector<16xi32>], vector<16xi32>,
        %parallel_loop3A_175 = vector.bitcast %parallel_loop3A_174 : vector<16xi32> to vector<32xbf16>
        %parallel_loop3A_176 = tpu.unpack_subelements %parallel_loop3A_175, 0 {pack_format = #tpu.pack_format<interleaved>} : vector<32xbf16> -> vector<16xf32>
        %parallel_loop3A_177 = tpu.unpack_subelements %parallel_loop3A_175, 1 {pack_format = #tpu.pack_format<interleaved>} : vector<32xbf16> -> vector<16xf32>
        %parallel_loop3A_178 = arith.mulf %parallel_loop3A_176, %parallel_loop3A_173 : vector<16xf32>
        tpu.vector_store_idx %arg8[%parallel_loop3A_171], %parallel_loop3A_178 {add = true} : memref<10240xf32, #tpu.memory_space<vmem>>[vector<16xi32>], vector<16xf32>,
        %parallel_loop3A_179 = arith.mulf %parallel_loop3A_177, %parallel_loop3A_173 : vector<16xf32>
        tpu.vector_store_idx %arg10[%parallel_loop3A_171], %parallel_loop3A_179 {add = true} : memref<10240xf32, #tpu.memory_space<vmem>>[vector<16xi32>], vector<16xf32>,
        %parallel_loop3A_180 = tpu.vector_load_idx %arg7[%parallel_loop3A_168] : memref<10240xi32, #tpu.memory_space<vmem>>[vector<16xi32>], vector<16xi32>,
        %parallel_loop3A_181 = vector.bitcast %parallel_loop3A_180 : vector<16xi32> to vector<32xbf16>
        %parallel_loop3A_182 = tpu.unpack_subelements %parallel_loop3A_181, 0 {pack_format = #tpu.pack_format<interleaved>} : vector<32xbf16> -> vector<16xf32>
        %parallel_loop3A_183 = tpu.unpack_subelements %parallel_loop3A_181, 1 {pack_format = #tpu.pack_format<interleaved>} : vector<32xbf16> -> vector<16xf32>
        %parallel_loop3A_184 = arith.mulf %parallel_loop3A_182, %parallel_loop3A_173 : vector<16xf32>
        tpu.vector_store_idx %arg9[%parallel_loop3A_171], %parallel_loop3A_184 {add = true} : memref<10240xf32, #tpu.memory_space<vmem>>[vector<16xi32>], vector<16xf32>,
        %parallel_loop3A_185 = arith.mulf %parallel_loop3A_183, %parallel_loop3A_173 : vector<16xf32>
        tpu.vector_store_idx %arg11[%parallel_loop3A_171], %parallel_loop3A_185 {add = true} : memref<10240xf32, #tpu.memory_space<vmem>>[vector<16xi32>], vector<16xf32>,
      } {sc.loop_unroll_factor = 4 : i64, sc.parallel_access}
      %scan3A_162 = arith.constant 0 : i32
      scf.yield %scan3A_162 : i32
    }
    %scan3A_35 = arith.constant 23 : i32
    %dma_wait3A = arith.constant 0 : i32
    %dma_wait3A_36 = arith.constant 317952 : i32
    %dma_wait3A_37 = tpu.memref_slice %arg3[%dma_wait3A_36] : memref<331776xi32, #tpu.memory_space<hbm>> -> memref<6912xi32, #tpu.memory_space<hbm>>
    %dma_wait3A_38 = tpu.memref_slice %arg16[%dma_wait3A] : memref<2x!tpu.dma_semaphore, #tpu.memory_space<semaphore_mem>> -> memref<1x!tpu.dma_semaphore, #tpu.memory_space<semaphore_mem>>
    %dma_wait3A_39 = tpu.memref_squeeze %dma_wait3A_38 : memref<1x!tpu.dma_semaphore, #tpu.memory_space<semaphore_mem>> -> memref<!tpu.dma_semaphore, #tpu.memory_space<semaphore_mem>>
    %dma_wait3A_40 = arith.constant 317952 : i32
    %dma_wait3A_41 = tpu.memref_slice %arg3[%dma_wait3A_40] : memref<331776xi32, #tpu.memory_space<hbm>> -> memref<6912xi32, #tpu.memory_space<hbm>>
    tpu.wait_dma2 semaphore(%dma_wait3A_39 : memref<!tpu.dma_semaphore, #tpu.memory_space<semaphore_mem>>) src(%dma_wait3A_41 : memref<6912xi32, #tpu.memory_space<hbm>>) dst(%arg12 : memref<6912xi32, #tpu.memory_space<vmem>>)
    %dma_wait3A_42 = arith.constant 0 : i32
    %dma_wait3A_43 = arith.constant 317952 : i32
    %dma_wait3A_44 = tpu.memref_slice %arg4[%dma_wait3A_43] : memref<331776xf32, #tpu.memory_space<hbm>> -> memref<6912xf32, #tpu.memory_space<hbm>>
    %dma_wait3A_45 = tpu.memref_slice %arg16[%dma_wait3A_42] : memref<2x!tpu.dma_semaphore, #tpu.memory_space<semaphore_mem>> -> memref<1x!tpu.dma_semaphore, #tpu.memory_space<semaphore_mem>>
    %dma_wait3A_46 = tpu.memref_squeeze %dma_wait3A_45 : memref<1x!tpu.dma_semaphore, #tpu.memory_space<semaphore_mem>> -> memref<!tpu.dma_semaphore, #tpu.memory_space<semaphore_mem>>
    %dma_wait3A_47 = arith.constant 317952 : i32
    %dma_wait3A_48 = tpu.memref_slice %arg4[%dma_wait3A_47] : memref<331776xf32, #tpu.memory_space<hbm>> -> memref<6912xf32, #tpu.memory_space<hbm>>
    tpu.wait_dma2 semaphore(%dma_wait3A_46 : memref<!tpu.dma_semaphore, #tpu.memory_space<semaphore_mem>>) src(%dma_wait3A_48 : memref<6912xf32, #tpu.memory_space<hbm>>) dst(%arg14 : memref<6912xf32, #tpu.memory_space<vmem>>)
    %dma_start3A_49 = arith.constant 1 : i32
    %dma_start3A_50 = arith.constant 324864 : i32
    %dma_start3A_51 = tpu.memref_slice %arg3[%dma_start3A_50] : memref<331776xi32, #tpu.memory_space<hbm>> -> memref<6912xi32, #tpu.memory_space<hbm>>
    %dma_start3A_52 = tpu.memref_slice %arg16[%dma_start3A_49] : memref<2x!tpu.dma_semaphore, #tpu.memory_space<semaphore_mem>> -> memref<1x!tpu.dma_semaphore, #tpu.memory_space<semaphore_mem>>
    %dma_start3A_53 = tpu.memref_squeeze %dma_start3A_52 : memref<1x!tpu.dma_semaphore, #tpu.memory_space<semaphore_mem>> -> memref<!tpu.dma_semaphore, #tpu.memory_space<semaphore_mem>>
    %dma_start3A_54 = arith.constant 324864 : i32
    %dma_start3A_55 = tpu.memref_slice %arg3[%dma_start3A_54] : memref<331776xi32, #tpu.memory_space<hbm>> -> memref<6912xi32, #tpu.memory_space<hbm>>
    tpu.enqueue_dma source(%dma_start3A_55 : memref<6912xi32, #tpu.memory_space<hbm>>) target(%arg13 : memref<6912xi32, #tpu.memory_space<vmem>>) target_semaphore(%dma_start3A_53 : memref<!tpu.dma_semaphore, #tpu.memory_space<semaphore_mem>>)
    %dma_start3A_56 = arith.constant 1 : i32
    %dma_start3A_57 = arith.constant 324864 : i32
    %dma_start3A_58 = tpu.memref_slice %arg4[%dma_start3A_57] : memref<331776xf32, #tpu.memory_space<hbm>> -> memref<6912xf32, #tpu.memory_space<hbm>>
    %dma_start3A_59 = tpu.memref_slice %arg16[%dma_start3A_56] : memref<2x!tpu.dma_semaphore, #tpu.memory_space<semaphore_mem>> -> memref<1x!tpu.dma_semaphore, #tpu.memory_space<semaphore_mem>>
    %dma_start3A_60 = tpu.memref_squeeze %dma_start3A_59 : memref<1x!tpu.dma_semaphore, #tpu.memory_space<semaphore_mem>> -> memref<!tpu.dma_semaphore, #tpu.memory_space<semaphore_mem>>
    %dma_start3A_61 = arith.constant 324864 : i32
    %dma_start3A_62 = tpu.memref_slice %arg4[%dma_start3A_61] : memref<331776xf32, #tpu.memory_space<hbm>> -> memref<6912xf32, #tpu.memory_space<hbm>>
    tpu.enqueue_dma source(%dma_start3A_62 : memref<6912xf32, #tpu.memory_space<hbm>>) target(%arg15 : memref<6912xf32, #tpu.memory_space<vmem>>) target_semaphore(%dma_start3A_60 : memref<!tpu.dma_semaphore, #tpu.memory_space<semaphore_mem>>)
    %parallel_loop3A = arith.constant 0 : i32
    %parallel_loop3A_63 = arith.constant 6912 : i32
    %parallel_loop3A_64 = arith.constant 16 : i32
    scf.for %parallel_loop3A_98 = %parallel_loop3A to %parallel_loop3A_63 step %parallel_loop3A_64  : i32 {
      %parallel_loop3A_99 = arith.index_cast %parallel_loop3A_98 : i32 to index
      %parallel_loop3A_100 = tpu.vector_load %arg12[%parallel_loop3A_99] {strides = array<i32>} : memref<6912xi32, #tpu.memory_space<vmem>>, vector<16xi32>,
      %parallel_loop3A_101 = arith.constant 65535 : i32
      %parallel_loop3A_102 = vector.broadcast %parallel_loop3A_101 : i32 to vector<16xi32>
      %parallel_loop3A_103 = arith.andi %parallel_loop3A_100, %parallel_loop3A_102 : vector<16xi32>
      %parallel_loop3A_104 = arith.constant 16 : i32
      %parallel_loop3A_105 = vector.broadcast %parallel_loop3A_104 : i32 to vector<16xi32>
      %parallel_loop3A_106 = arith.shrui %parallel_loop3A_100, %parallel_loop3A_105 : vector<16xi32>
      %parallel_loop3A_107 = arith.index_cast %parallel_loop3A_98 : i32 to index
      %parallel_loop3A_108 = tpu.vector_load %arg14[%parallel_loop3A_107] {strides = array<i32>} : memref<6912xf32, #tpu.memory_space<vmem>>, vector<16xf32>,
      %parallel_loop3A_109 = tpu.vector_load_idx %arg6[%parallel_loop3A_103] : memref<10240xi32, #tpu.memory_space<vmem>>[vector<16xi32>], vector<16xi32>,
      %parallel_loop3A_110 = vector.bitcast %parallel_loop3A_109 : vector<16xi32> to vector<32xbf16>
      %parallel_loop3A_111 = tpu.unpack_subelements %parallel_loop3A_110, 0 {pack_format = #tpu.pack_format<interleaved>} : vector<32xbf16> -> vector<16xf32>
      %parallel_loop3A_112 = tpu.unpack_subelements %parallel_loop3A_110, 1 {pack_format = #tpu.pack_format<interleaved>} : vector<32xbf16> -> vector<16xf32>
      %parallel_loop3A_113 = arith.mulf %parallel_loop3A_111, %parallel_loop3A_108 : vector<16xf32>
      tpu.vector_store_idx %arg8[%parallel_loop3A_106], %parallel_loop3A_113 {add = true} : memref<10240xf32, #tpu.memory_space<vmem>>[vector<16xi32>], vector<16xf32>,
      %parallel_loop3A_114 = arith.mulf %parallel_loop3A_112, %parallel_loop3A_108 : vector<16xf32>
      tpu.vector_store_idx %arg10[%parallel_loop3A_106], %parallel_loop3A_114 {add = true} : memref<10240xf32, #tpu.memory_space<vmem>>[vector<16xi32>], vector<16xf32>,
      %parallel_loop3A_115 = tpu.vector_load_idx %arg7[%parallel_loop3A_103] : memref<10240xi32, #tpu.memory_space<vmem>>[vector<16xi32>], vector<16xi32>,
      %parallel_loop3A_116 = vector.bitcast %parallel_loop3A_115 : vector<16xi32> to vector<32xbf16>
      %parallel_loop3A_117 = tpu.unpack_subelements %parallel_loop3A_116, 0 {pack_format = #tpu.pack_format<interleaved>} : vector<32xbf16> -> vector<16xf32>
      %parallel_loop3A_118 = tpu.unpack_subelements %parallel_loop3A_116, 1 {pack_format = #tpu.pack_format<interleaved>} : vector<32xbf16> -> vector<16xf32>
      %parallel_loop3A_119 = arith.mulf %parallel_loop3A_117, %parallel_loop3A_108 : vector<16xf32>
      tpu.vector_store_idx %arg9[%parallel_loop3A_106], %parallel_loop3A_119 {add = true} : memref<10240xf32, #tpu.memory_space<vmem>>[vector<16xi32>], vector<16xf32>,
      %parallel_loop3A_120 = arith.mulf %parallel_loop3A_118, %parallel_loop3A_108 : vector<16xf32>
      tpu.vector_store_idx %arg11[%parallel_loop3A_106], %parallel_loop3A_120 {add = true} : memref<10240xf32, #tpu.memory_space<vmem>>[vector<16xi32>], vector<16xf32>,
    } {sc.loop_unroll_factor = 4 : i64, sc.parallel_access}
    %dma_wait3A_65 = arith.constant 1 : i32
    %dma_wait3A_66 = arith.constant 324864 : i32
    %dma_wait3A_67 = tpu.memref_slice %arg3[%dma_wait3A_66] : memref<331776xi32, #tpu.memory_space<hbm>> -> memref<6912xi32, #tpu.memory_space<hbm>>
    %dma_wait3A_68 = tpu.memref_slice %arg16[%dma_wait3A_65] : memref<2x!tpu.dma_semaphore, #tpu.memory_space<semaphore_mem>> -> memref<1x!tpu.dma_semaphore, #tpu.memory_space<semaphore_mem>>
    %dma_wait3A_69 = tpu.memref_squeeze %dma_wait3A_68 : memref<1x!tpu.dma_semaphore, #tpu.memory_space<semaphore_mem>> -> memref<!tpu.dma_semaphore, #tpu.memory_space<semaphore_mem>>
    %dma_wait3A_70 = arith.constant 324864 : i32
    %dma_wait3A_71 = tpu.memref_slice %arg3[%dma_wait3A_70] : memref<331776xi32, #tpu.memory_space<hbm>> -> memref<6912xi32, #tpu.memory_space<hbm>>
    tpu.wait_dma2 semaphore(%dma_wait3A_69 : memref<!tpu.dma_semaphore, #tpu.memory_space<semaphore_mem>>) src(%dma_wait3A_71 : memref<6912xi32, #tpu.memory_space<hbm>>) dst(%arg13 : memref<6912xi32, #tpu.memory_space<vmem>>)
    %dma_wait3A_72 = arith.constant 1 : i32
    %dma_wait3A_73 = arith.constant 324864 : i32
    %dma_wait3A_74 = tpu.memref_slice %arg4[%dma_wait3A_73] : memref<331776xf32, #tpu.memory_space<hbm>> -> memref<6912xf32, #tpu.memory_space<hbm>>
    %dma_wait3A_75 = tpu.memref_slice %arg16[%dma_wait3A_72] : memref<2x!tpu.dma_semaphore, #tpu.memory_space<semaphore_mem>> -> memref<1x!tpu.dma_semaphore, #tpu.memory_space<semaphore_mem>>
    %dma_wait3A_76 = tpu.memref_squeeze %dma_wait3A_75 : memref<1x!tpu.dma_semaphore, #tpu.memory_space<semaphore_mem>> -> memref<!tpu.dma_semaphore, #tpu.memory_space<semaphore_mem>>
    %dma_wait3A_77 = arith.constant 324864 : i32
    %dma_wait3A_78 = tpu.memref_slice %arg4[%dma_wait3A_77] : memref<331776xf32, #tpu.memory_space<hbm>> -> memref<6912xf32, #tpu.memory_space<hbm>>
    tpu.wait_dma2 semaphore(%dma_wait3A_76 : memref<!tpu.dma_semaphore, #tpu.memory_space<semaphore_mem>>) src(%dma_wait3A_78 : memref<6912xf32, #tpu.memory_space<hbm>>) dst(%arg15 : memref<6912xf32, #tpu.memory_space<vmem>>)
    %parallel_loop3A_79 = arith.constant 0 : i32
    %parallel_loop3A_80 = arith.constant 6912 : i32
    %parallel_loop3A_81 = arith.constant 16 : i32
    scf.for %parallel_loop3A_98 = %parallel_loop3A_79 to %parallel_loop3A_80 step %parallel_loop3A_81  : i32 {
      %parallel_loop3A_99 = arith.index_cast %parallel_loop3A_98 : i32 to index
      %parallel_loop3A_100 = tpu.vector_load %arg13[%parallel_loop3A_99] {strides = array<i32>} : memref<6912xi32, #tpu.memory_space<vmem>>, vector<16xi32>,
      %parallel_loop3A_101 = arith.constant 65535 : i32
      %parallel_loop3A_102 = vector.broadcast %parallel_loop3A_101 : i32 to vector<16xi32>
      %parallel_loop3A_103 = arith.andi %parallel_loop3A_100, %parallel_loop3A_102 : vector<16xi32>
      %parallel_loop3A_104 = arith.constant 16 : i32
      %parallel_loop3A_105 = vector.broadcast %parallel_loop3A_104 : i32 to vector<16xi32>
      %parallel_loop3A_106 = arith.shrui %parallel_loop3A_100, %parallel_loop3A_105 : vector<16xi32>
      %parallel_loop3A_107 = arith.index_cast %parallel_loop3A_98 : i32 to index
      %parallel_loop3A_108 = tpu.vector_load %arg15[%parallel_loop3A_107] {strides = array<i32>} : memref<6912xf32, #tpu.memory_space<vmem>>, vector<16xf32>,
      %parallel_loop3A_109 = tpu.vector_load_idx %arg6[%parallel_loop3A_103] : memref<10240xi32, #tpu.memory_space<vmem>>[vector<16xi32>], vector<16xi32>,
      %parallel_loop3A_110 = vector.bitcast %parallel_loop3A_109 : vector<16xi32> to vector<32xbf16>
      %parallel_loop3A_111 = tpu.unpack_subelements %parallel_loop3A_110, 0 {pack_format = #tpu.pack_format<interleaved>} : vector<32xbf16> -> vector<16xf32>
      %parallel_loop3A_112 = tpu.unpack_subelements %parallel_loop3A_110, 1 {pack_format = #tpu.pack_format<interleaved>} : vector<32xbf16> -> vector<16xf32>
      %parallel_loop3A_113 = arith.mulf %parallel_loop3A_111, %parallel_loop3A_108 : vector<16xf32>
      tpu.vector_store_idx %arg8[%parallel_loop3A_106], %parallel_loop3A_113 {add = true} : memref<10240xf32, #tpu.memory_space<vmem>>[vector<16xi32>], vector<16xf32>,
      %parallel_loop3A_114 = arith.mulf %parallel_loop3A_112, %parallel_loop3A_108 : vector<16xf32>
      tpu.vector_store_idx %arg10[%parallel_loop3A_106], %parallel_loop3A_114 {add = true} : memref<10240xf32, #tpu.memory_space<vmem>>[vector<16xi32>], vector<16xf32>,
      %parallel_loop3A_115 = tpu.vector_load_idx %arg7[%parallel_loop3A_103] : memref<10240xi32, #tpu.memory_space<vmem>>[vector<16xi32>], vector<16xi32>,
      %parallel_loop3A_116 = vector.bitcast %parallel_loop3A_115 : vector<16xi32> to vector<32xbf16>
      %parallel_loop3A_117 = tpu.unpack_subelements %parallel_loop3A_116, 0 {pack_format = #tpu.pack_format<interleaved>} : vector<32xbf16> -> vector<16xf32>
      %parallel_loop3A_118 = tpu.unpack_subelements %parallel_loop3A_116, 1 {pack_format = #tpu.pack_format<interleaved>} : vector<32xbf16> -> vector<16xf32>
      %parallel_loop3A_119 = arith.mulf %parallel_loop3A_117, %parallel_loop3A_108 : vector<16xf32>
      tpu.vector_store_idx %arg9[%parallel_loop3A_106], %parallel_loop3A_119 {add = true} : memref<10240xf32, #tpu.memory_space<vmem>>[vector<16xi32>], vector<16xf32>,
      %parallel_loop3A_120 = arith.mulf %parallel_loop3A_118, %parallel_loop3A_108 : vector<16xf32>
      tpu.vector_store_idx %arg11[%parallel_loop3A_106], %parallel_loop3A_120 {add = true} : memref<10240xf32, #tpu.memory_space<vmem>>[vector<16xi32>], vector<16xf32>,
    } {sc.loop_unroll_factor = 4 : i64, sc.parallel_access}
    %mul3A_82 = arith.constant 2 : i32
    %mul3A_83 = arith.muli %add3A, %mul3A_82 : i32
    "tpu.region"() ({
      %run_scoped3A = tpu.sem_alloc : memref<!tpu.dma_semaphore, #tpu.memory_space<semaphore_mem>>
      %dma_start3A_98 = arith.constant 0 : i32
      %dma_start3A_99 = tpu.memref_slice %arg5[%mul3A_83, %dma_start3A_98] : memref<128x10240xf32, #tpu.memory_space<hbm>> -> memref<1x10240xf32, #tpu.memory_space<hbm>>
      %dma_start3A_100 = tpu.memref_squeeze %dma_start3A_99 : memref<1x10240xf32, #tpu.memory_space<hbm>> -> memref<10240xf32, #tpu.memory_space<hbm>>
      %dma_start3A_101 = arith.constant 0 : i32
      %dma_start3A_102 = tpu.memref_slice %arg5[%mul3A_83, %dma_start3A_101] : memref<128x10240xf32, #tpu.memory_space<hbm>> -> memref<1x10240xf32, #tpu.memory_space<hbm>>
      %dma_start3A_103 = tpu.memref_squeeze %dma_start3A_102 : memref<1x10240xf32, #tpu.memory_space<hbm>> -> memref<10240xf32, #tpu.memory_space<hbm>>
      tpu.enqueue_dma source(%arg8 : memref<10240xf32, #tpu.memory_space<vmem>>) target(%dma_start3A_103 : memref<10240xf32, #tpu.memory_space<hbm>>) target_semaphore(%run_scoped3A : memref<!tpu.dma_semaphore, #tpu.memory_space<semaphore_mem>>)
      %dma_wait3A_104 = arith.constant 0 : i32
      %dma_wait3A_105 = tpu.memref_slice %arg5[%mul3A_83, %dma_wait3A_104] : memref<128x10240xf32, #tpu.memory_space<hbm>> -> memref<1x10240xf32, #tpu.memory_space<hbm>>
      %dma_wait3A_106 = tpu.memref_squeeze %dma_wait3A_105 : memref<1x10240xf32, #tpu.memory_space<hbm>> -> memref<10240xf32, #tpu.memory_space<hbm>>
      %dma_wait3A_107 = arith.constant 0 : i32
      %dma_wait3A_108 = tpu.memref_slice %arg5[%mul3A_83, %dma_wait3A_107] : memref<128x10240xf32, #tpu.memory_space<hbm>> -> memref<1x10240xf32, #tpu.memory_space<hbm>>
      %dma_wait3A_109 = tpu.memref_squeeze %dma_wait3A_108 : memref<1x10240xf32, #tpu.memory_space<hbm>> -> memref<10240xf32, #tpu.memory_space<hbm>>
      tpu.wait_dma2 semaphore(%run_scoped3A : memref<!tpu.dma_semaphore, #tpu.memory_space<semaphore_mem>>) src(%arg8 : memref<10240xf32, #tpu.memory_space<vmem>>) dst(%dma_wait3A_109 : memref<10240xf32, #tpu.memory_space<hbm>>)
      tpu.yield
    }) : () -> ()
    %mul3A_84 = arith.constant 2 : i32
    %mul3A_85 = arith.muli %add3A, %mul3A_84 : i32
    %add3A_86 = arith.constant 1 : i32
    %add3A_87 = arith.addi %mul3A_85, %add3A_86 : i32
    "tpu.region"() ({
      %run_scoped3A = tpu.sem_alloc : memref<!tpu.dma_semaphore, #tpu.memory_space<semaphore_mem>>
      %dma_start3A_98 = arith.constant 0 : i32
      %dma_start3A_99 = tpu.memref_slice %arg5[%add3A_87, %dma_start3A_98] : memref<128x10240xf32, #tpu.memory_space<hbm>> -> memref<1x10240xf32, #tpu.memory_space<hbm>>
      %dma_start3A_100 = tpu.memref_squeeze %dma_start3A_99 : memref<1x10240xf32, #tpu.memory_space<hbm>> -> memref<10240xf32, #tpu.memory_space<hbm>>
      %dma_start3A_101 = arith.constant 0 : i32
      %dma_start3A_102 = tpu.memref_slice %arg5[%add3A_87, %dma_start3A_101] : memref<128x10240xf32, #tpu.memory_space<hbm>> -> memref<1x10240xf32, #tpu.memory_space<hbm>>
      %dma_start3A_103 = tpu.memref_squeeze %dma_start3A_102 : memref<1x10240xf32, #tpu.memory_space<hbm>> -> memref<10240xf32, #tpu.memory_space<hbm>>
      tpu.enqueue_dma source(%arg9 : memref<10240xf32, #tpu.memory_space<vmem>>) target(%dma_start3A_103 : memref<10240xf32, #tpu.memory_space<hbm>>) target_semaphore(%run_scoped3A : memref<!tpu.dma_semaphore, #tpu.memory_space<semaphore_mem>>)
      %dma_wait3A_104 = arith.constant 0 : i32
      %dma_wait3A_105 = tpu.memref_slice %arg5[%add3A_87, %dma_wait3A_104] : memref<128x10240xf32, #tpu.memory_space<hbm>> -> memref<1x10240xf32, #tpu.memory_space<hbm>>
      %dma_wait3A_106 = tpu.memref_squeeze %dma_wait3A_105 : memref<1x10240xf32, #tpu.memory_space<hbm>> -> memref<10240xf32, #tpu.memory_space<hbm>>
      %dma_wait3A_107 = arith.constant 0 : i32
      %dma_wait3A_108 = tpu.memref_slice %arg5[%add3A_87, %dma_wait3A_107] : memref<128x10240xf32, #tpu.memory_space<hbm>> -> memref<1x10240xf32, #tpu.memory_space<hbm>>
      %dma_wait3A_109 = tpu.memref_squeeze %dma_wait3A_108 : memref<1x10240xf32, #tpu.memory_space<hbm>> -> memref<10240xf32, #tpu.memory_space<hbm>>
      tpu.wait_dma2 semaphore(%run_scoped3A : memref<!tpu.dma_semaphore, #tpu.memory_space<semaphore_mem>>) src(%arg9 : memref<10240xf32, #tpu.memory_space<vmem>>) dst(%dma_wait3A_109 : memref<10240xf32, #tpu.memory_space<hbm>>)
      tpu.yield
    }) : () -> ()
    %mul3A_88 = arith.constant 2 : i32
    %mul3A_89 = arith.muli %add3A, %mul3A_88 : i32
    %add3A_90 = arith.constant 64 : i32
    %add3A_91 = arith.addi %mul3A_89, %add3A_90 : i32
    "tpu.region"() ({
      %run_scoped3A = tpu.sem_alloc : memref<!tpu.dma_semaphore, #tpu.memory_space<semaphore_mem>>
      %dma_start3A_98 = arith.constant 0 : i32
      %dma_start3A_99 = tpu.memref_slice %arg5[%add3A_91, %dma_start3A_98] : memref<128x10240xf32, #tpu.memory_space<hbm>> -> memref<1x10240xf32, #tpu.memory_space<hbm>>
      %dma_start3A_100 = tpu.memref_squeeze %dma_start3A_99 : memref<1x10240xf32, #tpu.memory_space<hbm>> -> memref<10240xf32, #tpu.memory_space<hbm>>
      %dma_start3A_101 = arith.constant 0 : i32
      %dma_start3A_102 = tpu.memref_slice %arg5[%add3A_91, %dma_start3A_101] : memref<128x10240xf32, #tpu.memory_space<hbm>> -> memref<1x10240xf32, #tpu.memory_space<hbm>>
      %dma_start3A_103 = tpu.memref_squeeze %dma_start3A_102 : memref<1x10240xf32, #tpu.memory_space<hbm>> -> memref<10240xf32, #tpu.memory_space<hbm>>
      tpu.enqueue_dma source(%arg10 : memref<10240xf32, #tpu.memory_space<vmem>>) target(%dma_start3A_103 : memref<10240xf32, #tpu.memory_space<hbm>>) target_semaphore(%run_scoped3A : memref<!tpu.dma_semaphore, #tpu.memory_space<semaphore_mem>>)
      %dma_wait3A_104 = arith.constant 0 : i32
      %dma_wait3A_105 = tpu.memref_slice %arg5[%add3A_91, %dma_wait3A_104] : memref<128x10240xf32, #tpu.memory_space<hbm>> -> memref<1x10240xf32, #tpu.memory_space<hbm>>
      %dma_wait3A_106 = tpu.memref_squeeze %dma_wait3A_105 : memref<1x10240xf32, #tpu.memory_space<hbm>> -> memref<10240xf32, #tpu.memory_space<hbm>>
      %dma_wait3A_107 = arith.constant 0 : i32
      %dma_wait3A_108 = tpu.memref_slice %arg5[%add3A_91, %dma_wait3A_107] : memref<128x10240xf32, #tpu.memory_space<hbm>> -> memref<1x10240xf32, #tpu.memory_space<hbm>>
      %dma_wait3A_109 = tpu.memref_squeeze %dma_wait3A_108 : memref<1x10240xf32, #tpu.memory_space<hbm>> -> memref<10240xf32, #tpu.memory_space<hbm>>
      tpu.wait_dma2 semaphore(%run_scoped3A : memref<!tpu.dma_semaphore, #tpu.memory_space<semaphore_mem>>) src(%arg10 : memref<10240xf32, #tpu.memory_space<vmem>>) dst(%dma_wait3A_109 : memref<10240xf32, #tpu.memory_space<hbm>>)
      tpu.yield
    }) : () -> ()
    %mul3A_92 = arith.constant 2 : i32
    %mul3A_93 = arith.muli %add3A, %mul3A_92 : i32
    %add3A_94 = arith.constant 1 : i32
    %add3A_95 = arith.addi %mul3A_93, %add3A_94 : i32
    %add3A_96 = arith.constant 64 : i32
    %add3A_97 = arith.addi %add3A_95, %add3A_96 : i32
    "tpu.region"() ({
      %run_scoped3A = tpu.sem_alloc : memref<!tpu.dma_semaphore, #tpu.memory_space<semaphore_mem>>
      %dma_start3A_98 = arith.constant 0 : i32
      %dma_start3A_99 = tpu.memref_slice %arg5[%add3A_97, %dma_start3A_98] : memref<128x10240xf32, #tpu.memory_space<hbm>> -> memref<1x10240xf32, #tpu.memory_space<hbm>>
      %dma_start3A_100 = tpu.memref_squeeze %dma_start3A_99 : memref<1x10240xf32, #tpu.memory_space<hbm>> -> memref<10240xf32, #tpu.memory_space<hbm>>
      %dma_start3A_101 = arith.constant 0 : i32
      %dma_start3A_102 = tpu.memref_slice %arg5[%add3A_97, %dma_start3A_101] : memref<128x10240xf32, #tpu.memory_space<hbm>> -> memref<1x10240xf32, #tpu.memory_space<hbm>>
      %dma_start3A_103 = tpu.memref_squeeze %dma_start3A_102 : memref<1x10240xf32, #tpu.memory_space<hbm>> -> memref<10240xf32, #tpu.memory_space<hbm>>
      tpu.enqueue_dma source(%arg11 : memref<10240xf32, #tpu.memory_space<vmem>>) target(%dma_start3A_103 : memref<10240xf32, #tpu.memory_space<hbm>>) target_semaphore(%run_scoped3A : memref<!tpu.dma_semaphore, #tpu.memory_space<semaphore_mem>>)
      %dma_wait3A_104 = arith.constant 0 : i32
      %dma_wait3A_105 = tpu.memref_slice %arg5[%add3A_97, %dma_wait3A_104] : memref<128x10240xf32, #tpu.memory_space<hbm>> -> memref<1x10240xf32, #tpu.memory_space<hbm>>
      %dma_wait3A_106 = tpu.memref_squeeze %dma_wait3A_105 : memref<1x10240xf32, #tpu.memory_space<hbm>> -> memref<10240xf32, #tpu.memory_space<hbm>>
      %dma_wait3A_107 = arith.constant 0 : i32
      %dma_wait3A_108 = tpu.memref_slice %arg5[%add3A_97, %dma_wait3A_107] : memref<128x10240xf32, #tpu.memory_space<hbm>> -> memref<1x10240xf32, #tpu.memory_space<hbm>>
      %dma_wait3A_109 = tpu.memref_squeeze %dma_wait3A_108 : memref<1x10240xf32, #tpu.memory_space<hbm>> -> memref<10240xf32, #tpu.memory_space<hbm>>
      tpu.wait_dma2 semaphore(%run_scoped3A : memref<!tpu.dma_semaphore, #tpu.memory_space<semaphore_mem>>) src(%arg11 : memref<10240xf32, #tpu.memory_space<vmem>>) dst(%dma_wait3A_109 : memref<10240xf32, #tpu.memory_space<hbm>>)
      tpu.yield
    }) : () -> ()
    return
  }
}

module attributes {stable_mosaic.version = 14 : i64} {
  func.func @_tc_dense_body(%arg0: i32, %arg1: memref<512x128xf32, #tpu.memory_space<vmem>>, %arg2: memref<128x128xf32, #tpu.memory_space<vmem>>, %arg3: memref<1x128xf32, #tpu.memory_space<vmem>>, %arg4: memref<1x128xf32, #tpu.memory_space<vmem>>, %arg5: memref<64x512xi32, #tpu.memory_space<vmem>>, %arg6: memref<1x512xf32, #tpu.memory_space<vmem>>, %arg7: memref<1x512xf32, #tpu.memory_space<vmem>>) attributes {dimension_semantics = [#tpu.dimension_semantics<arbitrary>], iteration_bounds = array<i64: 20>, scalar_prefetch = 0 : i64, scratch_operands = 0 : i64, tpu.core_type = #tpu.core_type<tc>, window_params = [{transform_indices = @transform_0, window_bounds = array<i64: 512, 128>}, {pipeline_mode = #tpu.pipeline_mode<synchronous>, transform_indices = @transform_1, window_bounds = array<i64: 128, 128>}, {pipeline_mode = #tpu.pipeline_mode<synchronous>, transform_indices = @transform_2, window_bounds = array<i64: 1, 128>}, {pipeline_mode = #tpu.pipeline_mode<synchronous>, transform_indices = @transform_3, window_bounds = array<i64: 1, 128>}, {transform_indices = @transform_4, window_bounds = array<i64: 64, 512>}, {transform_indices = @transform_5, window_bounds = array<i64: 1, 512>}, {transform_indices = @transform_6, window_bounds = array<i64: 1, 512>}]} {
    %get3A = arith.constant 0 : index
    %get3A_0 = arith.constant 0 : index
    %get3A_1 = vector.load %arg1[%get3A, %get3A_0] : memref<512x128xf32, #tpu.memory_space<vmem>>, vector<512x128xf32>
    %get3A_2 = arith.constant 0 : index
    %get3A_3 = arith.constant 0 : index
    %get3A_4 = vector.load %arg2[%get3A_2, %get3A_3] : memref<128x128xf32, #tpu.memory_space<vmem>>, vector<128x128xf32>
    %dot_general3A = arith.constant dense<0.000000e+00> : vector<128x512xf32>
    %dot_general3A_5 = tpu.matmul %get3A_4, %get3A_1, %dot_general3A {dimension_numbers = #tpu.dot_dimension_numbers<[0], [1], [1], [0], [0, 1, 1, 0], [], []>, transpose_lhs_hint = false} : vector<128x128xf32>, vector<512x128xf32>, vector<128x512xf32> -> vector<128x512xf32>
    %slice3A = vector.extract_strided_slice %dot_general3A_5 {offsets = [0, 0], sizes = [64, 512], strides = [1, 1]} : vector<128x512xf32> to vector<64x512xf32>
    %convert_element_type3A = arith.truncf %slice3A : vector<64x512xf32> to vector<64x512xbf16>
    %bitcast_convert_type3A = tpu.bitcast %convert_element_type3A : vector<64x512xbf16> -> vector<64x512xi16>
    %convert_element_type3A_6 = arith.extui %bitcast_convert_type3A : vector<64x512xi16> to vector<64x512xi32>
    %slice3A_7 = vector.extract_strided_slice %dot_general3A_5 {offsets = [64, 0], sizes = [64, 512], strides = [1, 1]} : vector<128x512xf32> to vector<64x512xf32>
    %convert_element_type3A_8 = arith.truncf %slice3A_7 : vector<64x512xf32> to vector<64x512xbf16>
    %bitcast_convert_type3A_9 = tpu.bitcast %convert_element_type3A_8 : vector<64x512xbf16> -> vector<64x512xi16>
    %convert_element_type3A_10 = arith.extui %bitcast_convert_type3A_9 : vector<64x512xi16> to vector<64x512xi32>
    %shift_left3A = arith.constant 16 : i32
    %shift_left3A_11 = vector.broadcast %shift_left3A : i32 to vector<64x512xi32>
    %shift_left3A_12 = arith.shli %convert_element_type3A_10, %shift_left3A_11 : vector<64x512xi32>
    %or3A = arith.ori %convert_element_type3A_6, %shift_left3A_12 : vector<64x512xi32>
    %bitcast_convert_type3A_13 = tpu.bitcast %or3A : vector<64x512xi32> -> vector<64x512xi32>
    %swap3A = arith.constant 0 : index
    %swap3A_14 = arith.constant 0 : index
    %swap3A_15 = vector.load %arg5[%swap3A, %swap3A_14] : memref<64x512xi32, #tpu.memory_space<vmem>>, vector<64x512xi32>
    tpu.vector_store %arg5[%swap3A, %swap3A_14], %bitcast_convert_type3A_13 {strides = array<i32>} : memref<64x512xi32, #tpu.memory_space<vmem>>, vector<64x512xi32>,
    %get3A_16 = arith.constant 0 : index
    %get3A_17 = arith.constant 0 : index
    %get3A_18 = vector.load %arg3[%get3A_16, %get3A_17] : memref<1x128xf32, #tpu.memory_space<vmem>>, vector<1x128xf32>
    %dot_general3A_19 = arith.constant dense<0.000000e+00> : vector<1x512xf32>
    %dot_general3A_20 = tpu.matmul %get3A_18, %dot_general3A_5, %dot_general3A_19 {dimension_numbers = #tpu.dot_dimension_numbers<[1], [0], [0], [1], [0, 0, 1, 1], [], []>, transpose_lhs_hint = false} : vector<1x128xf32>, vector<128x512xf32>, vector<1x512xf32> -> vector<1x512xf32>
    %swap3A_21 = arith.constant 0 : index
    %swap3A_22 = arith.constant 0 : index
    %swap3A_23 = vector.load %arg6[%swap3A_21, %swap3A_22] : memref<1x512xf32, #tpu.memory_space<vmem>>, vector<1x512xf32>
    tpu.vector_store %arg6[%swap3A_21, %swap3A_22], %dot_general3A_20 {strides = array<i32>} : memref<1x512xf32, #tpu.memory_space<vmem>>, vector<1x512xf32>,
    %get3A_24 = arith.constant 0 : index
    %get3A_25 = arith.constant 0 : index
    %get3A_26 = vector.load %arg4[%get3A_24, %get3A_25] : memref<1x128xf32, #tpu.memory_space<vmem>>, vector<1x128xf32>
    %dot_general3A_27 = arith.constant dense<0.000000e+00> : vector<1x512xf32>
    %dot_general3A_28 = tpu.matmul %get3A_26, %dot_general3A_5, %dot_general3A_27 {dimension_numbers = #tpu.dot_dimension_numbers<[1], [0], [0], [1], [0, 0, 1, 1], [], []>, transpose_lhs_hint = false} : vector<1x128xf32>, vector<128x512xf32>, vector<1x512xf32> -> vector<1x512xf32>
    %swap3A_29 = arith.constant 0 : index
    %swap3A_30 = arith.constant 0 : index
    %swap3A_31 = vector.load %arg7[%swap3A_29, %swap3A_30] : memref<1x512xf32, #tpu.memory_space<vmem>>, vector<1x512xf32>
    tpu.vector_store %arg7[%swap3A_29, %swap3A_30], %dot_general3A_28 {strides = array<i32>} : memref<1x512xf32, #tpu.memory_space<vmem>>, vector<1x512xf32>,
    return
  }
  func.func @transform_0(%arg0: i32) -> (i32, i32) {
    %c0_i32 = arith.constant 0 : i32
    %c0_i32_0 = arith.constant 0 : i32
    return %arg0, %c0_i32 : i32, i32
  }
  func.func @transform_1(%arg0: i32) -> (i32, i32) {
    %c0_i32 = arith.constant 0 : i32
    %c0_i32_0 = arith.constant 0 : i32
    %c0_i32_1 = arith.constant 0 : i32
    return %c0_i32, %c0_i32_0 : i32, i32
  }
  func.func @transform_2(%arg0: i32) -> (i32, i32) {
    %c0_i32 = arith.constant 0 : i32
    %c0_i32_0 = arith.constant 0 : i32
    %c0_i32_1 = arith.constant 0 : i32
    return %c0_i32, %c0_i32_0 : i32, i32
  }
  func.func @transform_3(%arg0: i32) -> (i32, i32) {
    %c0_i32 = arith.constant 0 : i32
    %c0_i32_0 = arith.constant 0 : i32
    %c0_i32_1 = arith.constant 0 : i32
    return %c0_i32, %c0_i32_0 : i32, i32
  }
  func.func @transform_4(%arg0: i32) -> (i32, i32) {
    %c0_i32 = arith.constant 0 : i32
    %c0_i32_0 = arith.constant 0 : i32
    return %c0_i32, %arg0 : i32, i32
  }
  func.func @transform_5(%arg0: i32) -> (i32, i32) {
    %c0_i32 = arith.constant 0 : i32
    %c0_i32_0 = arith.constant 0 : i32
    return %c0_i32, %arg0 : i32, i32
  }
  func.func @transform_6(%arg0: i32) -> (i32, i32) {
    %c0_i32 = arith.constant 0 : i32
    %c0_i32_0 = arith.constant 0 : i32
    return %c0_i32, %arg0 : i32, i32
  }
}

module attributes {stable_mosaic.version = 14 : i64} {
  func.func @_tc_mid_body(%arg0: i32, %arg1: memref<128x512xf32, #tpu.memory_space<vmem>>, %arg2: memref<32x512xf32, #tpu.memory_space<vmem>>, %arg3: memref<128x1xf32, #tpu.memory_space<vmem>>, %arg4: memref<128x128xf32, #tpu.memory_space<vmem>>, %arg5: memref<1x128xf32, #tpu.memory_space<vmem>>, %arg6: memref<1x128xf32, #tpu.memory_space<vmem>>, %arg7: memref<64x512xi32, #tpu.memory_space<vmem>>, %arg8: memref<1x512xf32, #tpu.memory_space<vmem>>, %arg9: memref<1x512xf32, #tpu.memory_space<vmem>>) attributes {dimension_semantics = [#tpu.dimension_semantics<arbitrary>], iteration_bounds = array<i64: 20>, scalar_prefetch = 0 : i64, scratch_operands = 0 : i64, tpu.core_type = #tpu.core_type<tc>, window_params = [{transform_indices = @transform_0, window_bounds = array<i64: 128, 512>}, {transform_indices = @transform_1, window_bounds = array<i64: 32, 512>}, {pipeline_mode = #tpu.pipeline_mode<synchronous>, transform_indices = @transform_2, window_bounds = array<i64: 128, 1>}, {pipeline_mode = #tpu.pipeline_mode<synchronous>, transform_indices = @transform_3, window_bounds = array<i64: 128, 128>}, {pipeline_mode = #tpu.pipeline_mode<synchronous>, transform_indices = @transform_4, window_bounds = array<i64: 1, 128>}, {pipeline_mode = #tpu.pipeline_mode<synchronous>, transform_indices = @transform_5, window_bounds = array<i64: 1, 128>}, {transform_indices = @transform_6, window_bounds = array<i64: 64, 512>}, {transform_indices = @transform_7, window_bounds = array<i64: 1, 512>}, {transform_indices = @transform_8, window_bounds = array<i64: 1, 512>}]} {
    %get3A = arith.constant 0 : index
    %get3A_0 = arith.constant 0 : index
    %get3A_1 = vector.load %arg2[%get3A, %get3A_0] : memref<32x512xf32, #tpu.memory_space<vmem>>, vector<32x512xf32>
    %reduce_sum3A = arith.constant dense<0.000000e+00> : vector<512xf32>
    %reduce_sum3A_2 = vector.multi_reduction <add>, %get3A_1, %reduce_sum3A [0] : vector<32x512xf32> to vector<512xf32>
    %broadcast_in_dim3A = vector.shape_cast %reduce_sum3A_2 : vector<512xf32> to vector<1x512xf32>
    %get3A_3 = arith.constant 0 : index
    %get3A_4 = arith.constant 0 : index
    %get3A_5 = vector.load %arg1[%get3A_3, %get3A_4] : memref<128x512xf32, #tpu.memory_space<vmem>>, vector<128x512xf32>
    %add3A = arith.constant 1.000000e-30 : f32
    %add3A_6 = vector.broadcast %add3A : f32 to vector<1x512xf32>
    %add3A_7 = arith.addf %broadcast_in_dim3A, %add3A_6 : vector<1x512xf32>
    %div3A = vector.broadcast %add3A_7 : vector<1x512xf32> to vector<128x512xf32>
    %div3A_8 = arith.divf %get3A_5, %div3A : vector<128x512xf32>
    %get3A_9 = arith.constant 0 : index
    %get3A_10 = arith.constant 0 : index
    %get3A_11 = vector.load %arg3[%get3A_9, %get3A_10] : memref<128x1xf32, #tpu.memory_space<vmem>>, vector<128x1xf32>
    %add3A_12 = vector.broadcast %get3A_11 : vector<128x1xf32> to vector<128x512xf32>
    %add3A_13 = arith.addf %div3A_8, %add3A_12 : vector<128x512xf32>
    %max3A = arith.constant 0.000000e+00 : f32
    %max3A_14 = vector.broadcast %max3A : f32 to vector<128x512xf32>
    %max3A_15 = arith.maximumf %add3A_13, %max3A_14 : vector<128x512xf32>
    %get3A_16 = arith.constant 0 : index
    %get3A_17 = arith.constant 0 : index
    %get3A_18 = vector.load %arg4[%get3A_16, %get3A_17] : memref<128x128xf32, #tpu.memory_space<vmem>>, vector<128x128xf32>
    %dot_general3A = arith.constant dense<0.000000e+00> : vector<128x512xf32>
    %dot_general3A_19 = tpu.matmul %get3A_18, %max3A_15, %dot_general3A {dimension_numbers = #tpu.dot_dimension_numbers<[0], [0], [1], [1], [0, 1, 1, 1], [], []>, transpose_lhs_hint = false} : vector<128x128xf32>, vector<128x512xf32>, vector<128x512xf32> -> vector<128x512xf32>
    %slice3A = vector.extract_strided_slice %dot_general3A_19 {offsets = [0, 0], sizes = [64, 512], strides = [1, 1]} : vector<128x512xf32> to vector<64x512xf32>
    %convert_element_type3A = arith.truncf %slice3A : vector<64x512xf32> to vector<64x512xbf16>
    %bitcast_convert_type3A = tpu.bitcast %convert_element_type3A : vector<64x512xbf16> -> vector<64x512xi16>
    %convert_element_type3A_20 = arith.extui %bitcast_convert_type3A : vector<64x512xi16> to vector<64x512xi32>
    %slice3A_21 = vector.extract_strided_slice %dot_general3A_19 {offsets = [64, 0], sizes = [64, 512], strides = [1, 1]} : vector<128x512xf32> to vector<64x512xf32>
    %convert_element_type3A_22 = arith.truncf %slice3A_21 : vector<64x512xf32> to vector<64x512xbf16>
    %bitcast_convert_type3A_23 = tpu.bitcast %convert_element_type3A_22 : vector<64x512xbf16> -> vector<64x512xi16>
    %convert_element_type3A_24 = arith.extui %bitcast_convert_type3A_23 : vector<64x512xi16> to vector<64x512xi32>
    %shift_left3A = arith.constant 16 : i32
    %shift_left3A_25 = vector.broadcast %shift_left3A : i32 to vector<64x512xi32>
    %shift_left3A_26 = arith.shli %convert_element_type3A_24, %shift_left3A_25 : vector<64x512xi32>
    %or3A = arith.ori %convert_element_type3A_20, %shift_left3A_26 : vector<64x512xi32>
    %bitcast_convert_type3A_27 = tpu.bitcast %or3A : vector<64x512xi32> -> vector<64x512xi32>
    %swap3A = arith.constant 0 : index
    %swap3A_28 = arith.constant 0 : index
    %swap3A_29 = vector.load %arg7[%swap3A, %swap3A_28] : memref<64x512xi32, #tpu.memory_space<vmem>>, vector<64x512xi32>
    tpu.vector_store %arg7[%swap3A, %swap3A_28], %bitcast_convert_type3A_27 {strides = array<i32>} : memref<64x512xi32, #tpu.memory_space<vmem>>, vector<64x512xi32>,
    %get3A_30 = arith.constant 0 : index
    %get3A_31 = arith.constant 0 : index
    %get3A_32 = vector.load %arg5[%get3A_30, %get3A_31] : memref<1x128xf32, #tpu.memory_space<vmem>>, vector<1x128xf32>
    %dot_general3A_33 = arith.constant dense<0.000000e+00> : vector<1x512xf32>
    %dot_general3A_34 = tpu.matmul %get3A_32, %dot_general3A_19, %dot_general3A_33 {dimension_numbers = #tpu.dot_dimension_numbers<[1], [0], [0], [1], [0, 0, 1, 1], [], []>, transpose_lhs_hint = false} : vector<1x128xf32>, vector<128x512xf32>, vector<1x512xf32> -> vector<1x512xf32>
    %swap3A_35 = arith.constant 0 : index
    %swap3A_36 = arith.constant 0 : index
    %swap3A_37 = vector.load %arg8[%swap3A_35, %swap3A_36] : memref<1x512xf32, #tpu.memory_space<vmem>>, vector<1x512xf32>
    tpu.vector_store %arg8[%swap3A_35, %swap3A_36], %dot_general3A_34 {strides = array<i32>} : memref<1x512xf32, #tpu.memory_space<vmem>>, vector<1x512xf32>,
    %get3A_38 = arith.constant 0 : index
    %get3A_39 = arith.constant 0 : index
    %get3A_40 = vector.load %arg6[%get3A_38, %get3A_39] : memref<1x128xf32, #tpu.memory_space<vmem>>, vector<1x128xf32>
    %dot_general3A_41 = arith.constant dense<0.000000e+00> : vector<1x512xf32>
    %dot_general3A_42 = tpu.matmul %get3A_40, %dot_general3A_19, %dot_general3A_41 {dimension_numbers = #tpu.dot_dimension_numbers<[1], [0], [0], [1], [0, 0, 1, 1], [], []>, transpose_lhs_hint = false} : vector<1x128xf32>, vector<128x512xf32>, vector<1x512xf32> -> vector<1x512xf32>
    %swap3A_43 = arith.constant 0 : index
    %swap3A_44 = arith.constant 0 : index
    %swap3A_45 = vector.load %arg9[%swap3A_43, %swap3A_44] : memref<1x512xf32, #tpu.memory_space<vmem>>, vector<1x512xf32>
    tpu.vector_store %arg9[%swap3A_43, %swap3A_44], %dot_general3A_42 {strides = array<i32>} : memref<1x512xf32, #tpu.memory_space<vmem>>, vector<1x512xf32>,
    return
  }
  func.func @transform_0(%arg0: i32) -> (i32, i32) {
    %c0_i32 = arith.constant 0 : i32
    %c0_i32_0 = arith.constant 0 : i32
    return %c0_i32, %arg0 : i32, i32
  }
  func.func @transform_1(%arg0: i32) -> (i32, i32) {
    %c0_i32 = arith.constant 0 : i32
    %c0_i32_0 = arith.constant 0 : i32
    return %c0_i32, %arg0 : i32, i32
  }
  func.func @transform_2(%arg0: i32) -> (i32, i32) {
    %c0_i32 = arith.constant 0 : i32
    %c0_i32_0 = arith.constant 0 : i32
    %c0_i32_1 = arith.constant 0 : i32
    return %c0_i32, %c0_i32_0 : i32, i32
  }
  func.func @transform_3(%arg0: i32) -> (i32, i32) {
    %c0_i32 = arith.constant 0 : i32
    %c0_i32_0 = arith.constant 0 : i32
    %c0_i32_1 = arith.constant 0 : i32
    return %c0_i32, %c0_i32_0 : i32, i32
  }
  func.func @transform_4(%arg0: i32) -> (i32, i32) {
    %c0_i32 = arith.constant 0 : i32
    %c0_i32_0 = arith.constant 0 : i32
    %c0_i32_1 = arith.constant 0 : i32
    return %c0_i32, %c0_i32_0 : i32, i32
  }
  func.func @transform_5(%arg0: i32) -> (i32, i32) {
    %c0_i32 = arith.constant 0 : i32
    %c0_i32_0 = arith.constant 0 : i32
    %c0_i32_1 = arith.constant 0 : i32
    return %c0_i32, %c0_i32_0 : i32, i32
  }
  func.func @transform_6(%arg0: i32) -> (i32, i32) {
    %c0_i32 = arith.constant 0 : i32
    %c0_i32_0 = arith.constant 0 : i32
    return %c0_i32, %arg0 : i32, i32
  }
  func.func @transform_7(%arg0: i32) -> (i32, i32) {
    %c0_i32 = arith.constant 0 : i32
    %c0_i32_0 = arith.constant 0 : i32
    return %c0_i32, %arg0 : i32, i32
  }
  func.func @transform_8(%arg0: i32) -> (i32, i32) {
    %c0_i32 = arith.constant 0 : i32
    %c0_i32_0 = arith.constant 0 : i32
    return %c0_i32, %arg0 : i32, i32
  }
}

module attributes {stable_mosaic.version = 14 : i64} {
  func.func @_tc_final_body(%arg0: i32, %arg1: memref<128x512xf32, #tpu.memory_space<vmem>>, %arg2: memref<32x512xf32, #tpu.memory_space<vmem>>, %arg3: memref<128x1xf32, #tpu.memory_space<vmem>>, %arg4: memref<512x1xi32, #tpu.memory_space<vmem>>, %arg5: memref<128x64xf32, #tpu.memory_space<vmem>>, %arg6: memref<1x64xf32, #tpu.memory_space<vmem>>, %arg7: memref<128x64xf32, #tpu.memory_space<vmem>>, %arg8: memref<128x128xf32, #tpu.memory_space<vmem>>, %arg9: memref<1x128xf32, #tpu.memory_space<vmem>>) attributes {dimension_semantics = [#tpu.dimension_semantics<arbitrary>], iteration_bounds = array<i64: 20>, scalar_prefetch = 0 : i64, scratch_operands = 2 : i64, tpu.core_type = #tpu.core_type<tc>, window_params = [{transform_indices = @transform_0, window_bounds = array<i64: 128, 512>}, {transform_indices = @transform_1, window_bounds = array<i64: 32, 512>}, {pipeline_mode = #tpu.pipeline_mode<synchronous>, transform_indices = @transform_2, window_bounds = array<i64: 128, 1>}, {transform_indices = @transform_3, window_bounds = array<i64: 512, 1>}, {pipeline_mode = #tpu.pipeline_mode<synchronous>, transform_indices = @transform_4, window_bounds = array<i64: 128, 64>}, {pipeline_mode = #tpu.pipeline_mode<synchronous>, transform_indices = @transform_5, window_bounds = array<i64: 1, 64>}, {pipeline_mode = #tpu.pipeline_mode<synchronous>, transform_indices = @transform_6, window_bounds = array<i64: 128, 64>}]} {
    %eq3A = arith.constant 0 : i32
    %eq3A_0 = arith.cmpi eq, %arg0, %eq3A : i32
    %convert_element_type3A = arith.extui %eq3A_0 : i1 to i32
    %cond3A = arith.constant 0 : i32
    %cond3A_1 = arith.cmpi ne, %convert_element_type3A, %cond3A : i32
    scf.if %cond3A_1 {
      %broadcast_in_dim3A_47 = arith.constant 0.000000e+00 : f32
      %broadcast_in_dim3A_48 = vector.broadcast %broadcast_in_dim3A_47 : f32 to vector<128x128xf32>
      %swap3A_49 = arith.constant 0 : index
      %swap3A_50 = arith.constant 0 : index
      %swap3A_51 = vector.load %arg8[%swap3A_49, %swap3A_50] : memref<128x128xf32, #tpu.memory_space<vmem>>, vector<128x128xf32>
      tpu.vector_store %arg8[%swap3A_49, %swap3A_50], %broadcast_in_dim3A_48 {strides = array<i32>} : memref<128x128xf32, #tpu.memory_space<vmem>>, vector<128x128xf32>,
      %broadcast_in_dim3A_52 = arith.constant 0.000000e+00 : f32
      %broadcast_in_dim3A_53 = vector.broadcast %broadcast_in_dim3A_52 : f32 to vector<1x128xf32>
      %swap3A_54 = arith.constant 0 : index
      %swap3A_55 = arith.constant 0 : index
      %swap3A_56 = vector.load %arg9[%swap3A_54, %swap3A_55] : memref<1x128xf32, #tpu.memory_space<vmem>>, vector<1x128xf32>
      tpu.vector_store %arg9[%swap3A_54, %swap3A_55], %broadcast_in_dim3A_53 {strides = array<i32>} : memref<1x128xf32, #tpu.memory_space<vmem>>, vector<1x128xf32>,
    } else {
    }
    %get3A = arith.constant 0 : index
    %get3A_2 = arith.constant 0 : index
    %get3A_3 = vector.load %arg2[%get3A, %get3A_2] : memref<32x512xf32, #tpu.memory_space<vmem>>, vector<32x512xf32>
    %reduce_sum3A = arith.constant dense<0.000000e+00> : vector<512xf32>
    %reduce_sum3A_4 = vector.multi_reduction <add>, %get3A_3, %reduce_sum3A [0] : vector<32x512xf32> to vector<512xf32>
    %broadcast_in_dim3A = vector.shape_cast %reduce_sum3A_4 : vector<512xf32> to vector<1x512xf32>
    %get3A_5 = arith.constant 0 : index
    %get3A_6 = arith.constant 0 : index
    %get3A_7 = vector.load %arg1[%get3A_5, %get3A_6] : memref<128x512xf32, #tpu.memory_space<vmem>>, vector<128x512xf32>
    %add3A = arith.constant 1.000000e-30 : f32
    %add3A_8 = vector.broadcast %add3A : f32 to vector<1x512xf32>
    %add3A_9 = arith.addf %broadcast_in_dim3A, %add3A_8 : vector<1x512xf32>
    %div3A = vector.broadcast %add3A_9 : vector<1x512xf32> to vector<128x512xf32>
    %div3A_10 = arith.divf %get3A_7, %div3A : vector<128x512xf32>
    %get3A_11 = arith.constant 0 : index
    %get3A_12 = arith.constant 0 : index
    %get3A_13 = vector.load %arg3[%get3A_11, %get3A_12] : memref<128x1xf32, #tpu.memory_space<vmem>>, vector<128x1xf32>
    %add3A_14 = vector.broadcast %get3A_13 : vector<128x1xf32> to vector<128x512xf32>
    %add3A_15 = arith.addf %div3A_10, %add3A_14 : vector<128x512xf32>
    %max3A = arith.constant 0.000000e+00 : f32
    %max3A_16 = vector.broadcast %max3A : f32 to vector<128x512xf32>
    %max3A_17 = arith.maximumf %add3A_15, %max3A_16 : vector<128x512xf32>
    %iota3A = tpu.iota {dimensions = array<i32: 1>} : vector<512x128xi32>
    %get3A_18 = arith.constant 0 : index
    %get3A_19 = arith.constant 0 : index
    %get3A_20 = vector.load %arg4[%get3A_18, %get3A_19] : memref<512x1xi32, #tpu.memory_space<vmem>>, vector<512x1xi32>
    %eq3A_21 = vector.broadcast %get3A_20 : vector<512x1xi32> to vector<512x128xi32>
    %eq3A_22 = arith.cmpi eq, %eq3A_21, %iota3A : vector<512x128xi32>
    %convert_element_type3A_23 = arith.extui %eq3A_22 : vector<512x128xi1> to vector<512x128xi32>
    %convert_element_type3A_24 = arith.sitofp %convert_element_type3A_23 : vector<512x128xi32> to vector<512x128xf32>
    %get3A_25 = arith.constant 0 : index
    %get3A_26 = arith.constant 0 : index
    %get3A_27 = vector.load %arg8[%get3A_25, %get3A_26] : memref<128x128xf32, #tpu.memory_space<vmem>>, vector<128x128xf32>
    %dot_general3A = arith.constant dense<0.000000e+00> : vector<128x128xf32>
    %dot_general3A_28 = tpu.matmul %max3A_17, %convert_element_type3A_24, %dot_general3A {dimension_numbers = #tpu.dot_dimension_numbers<[1], [0], [0], [1], [0, 0, 1, 1], [], []>, transpose_lhs_hint = false} : vector<128x512xf32>, vector<512x128xf32>, vector<128x128xf32> -> vector<128x128xf32>
    %add3A_29 = arith.addf %get3A_27, %dot_general3A_28 : vector<128x128xf32>
    %swap3A = arith.constant 0 : index
    %swap3A_30 = arith.constant 0 : index
    %swap3A_31 = vector.load %arg8[%swap3A, %swap3A_30] : memref<128x128xf32, #tpu.memory_space<vmem>>, vector<128x128xf32>
    tpu.vector_store %arg8[%swap3A, %swap3A_30], %add3A_29 {strides = array<i32>} : memref<128x128xf32, #tpu.memory_space<vmem>>, vector<128x128xf32>,
    %get3A_32 = arith.constant 0 : index
    %get3A_33 = arith.constant 0 : index
    %get3A_34 = vector.load %arg9[%get3A_32, %get3A_33] : memref<1x128xf32, #tpu.memory_space<vmem>>, vector<1x128xf32>
    %reduce_sum3A_35 = arith.constant dense<0.000000e+00> : vector<128xf32>
    %reduce_sum3A_36 = vector.multi_reduction <add>, %convert_element_type3A_24, %reduce_sum3A_35 [0] : vector<512x128xf32> to vector<128xf32>
    %broadcast_in_dim3A_37 = vector.shape_cast %reduce_sum3A_36 : vector<128xf32> to vector<1x128xf32>
    %add3A_38 = arith.addf %get3A_34, %broadcast_in_dim3A_37 : vector<1x128xf32>
    %swap3A_39 = arith.constant 0 : index
    %swap3A_40 = arith.constant 0 : index
    %swap3A_41 = vector.load %arg9[%swap3A_39, %swap3A_40] : memref<1x128xf32, #tpu.memory_space<vmem>>, vector<1x128xf32>
    tpu.vector_store %arg9[%swap3A_39, %swap3A_40], %add3A_38 {strides = array<i32>} : memref<1x128xf32, #tpu.memory_space<vmem>>, vector<1x128xf32>,
    %eq3A_42 = arith.constant 19 : i32
    %eq3A_43 = arith.cmpi eq, %arg0, %eq3A_42 : i32
    %convert_element_type3A_44 = arith.extui %eq3A_43 : i1 to i32
    %cond3A_45 = arith.constant 0 : i32
    %cond3A_46 = arith.cmpi ne, %convert_element_type3A_44, %cond3A_45 : i32
    scf.if %cond3A_46 {
      %get3A_47 = arith.constant 0 : index
      %get3A_48 = arith.constant 0 : index
      %get3A_49 = vector.load %arg8[%get3A_47, %get3A_48] : memref<128x128xf32, #tpu.memory_space<vmem>>, vector<128x128xf32>
      %get3A_50 = arith.constant 0 : index
      %get3A_51 = arith.constant 0 : index
      %get3A_52 = vector.load %arg9[%get3A_50, %get3A_51] : memref<1x128xf32, #tpu.memory_space<vmem>>, vector<1x128xf32>
      %max3A_53 = arith.constant 1.000000e+00 : f32
      %max3A_54 = vector.broadcast %max3A_53 : f32 to vector<1x128xf32>
      %max3A_55 = arith.maximumf %get3A_52, %max3A_54 : vector<1x128xf32>
      %div3A_56 = vector.broadcast %max3A_55 : vector<1x128xf32> to vector<128x128xf32>
      %div3A_57 = arith.divf %get3A_49, %div3A_56 : vector<128x128xf32>
      %get3A_58 = arith.constant 0 : index
      %get3A_59 = arith.constant 0 : index
      %get3A_60 = vector.load %arg5[%get3A_58, %get3A_59] : memref<128x64xf32, #tpu.memory_space<vmem>>, vector<128x64xf32>
      %dot_general3A_61 = arith.constant dense<0.000000e+00> : vector<128x64xf32>
      %dot_general3A_62 = tpu.matmul %div3A_57, %get3A_60, %dot_general3A_61 {dimension_numbers = #tpu.dot_dimension_numbers<[0], [0], [1], [1], [0, 1, 1, 1], [], []>, transpose_lhs_hint = false} : vector<128x128xf32>, vector<128x64xf32>, vector<128x64xf32> -> vector<128x64xf32>
      %get3A_63 = arith.constant 0 : index
      %get3A_64 = arith.constant 0 : index
      %get3A_65 = vector.load %arg6[%get3A_63, %get3A_64] : memref<1x64xf32, #tpu.memory_space<vmem>>, vector<1x64xf32>
      %add3A_66 = vector.broadcast %get3A_65 : vector<1x64xf32> to vector<128x64xf32>
      %add3A_67 = arith.addf %dot_general3A_62, %add3A_66 : vector<128x64xf32>
      %swap3A_68 = arith.constant 0 : index
      %swap3A_69 = arith.constant 0 : index
      %swap3A_70 = vector.load %arg7[%swap3A_68, %swap3A_69] : memref<128x64xf32, #tpu.memory_space<vmem>>, vector<128x64xf32>
      tpu.vector_store %arg7[%swap3A_68, %swap3A_69], %add3A_67 {strides = array<i32>} : memref<128x64xf32, #tpu.memory_space<vmem>>, vector<128x64xf32>,
    } else {
    }
    return
  }
  func.func @transform_0(%arg0: i32) -> (i32, i32) {
    %c0_i32 = arith.constant 0 : i32
    %c0_i32_0 = arith.constant 0 : i32
    return %c0_i32, %arg0 : i32, i32
  }
  func.func @transform_1(%arg0: i32) -> (i32, i32) {
    %c0_i32 = arith.constant 0 : i32
    %c0_i32_0 = arith.constant 0 : i32
    return %c0_i32, %arg0 : i32, i32
  }
  func.func @transform_2(%arg0: i32) -> (i32, i32) {
    %c0_i32 = arith.constant 0 : i32
    %c0_i32_0 = arith.constant 0 : i32
    %c0_i32_1 = arith.constant 0 : i32
    return %c0_i32, %c0_i32_0 : i32, i32
  }
  func.func @transform_3(%arg0: i32) -> (i32, i32) {
    %c0_i32 = arith.constant 0 : i32
    %c0_i32_0 = arith.constant 0 : i32
    return %arg0, %c0_i32 : i32, i32
  }
  func.func @transform_4(%arg0: i32) -> (i32, i32) {
    %c0_i32 = arith.constant 0 : i32
    %c0_i32_0 = arith.constant 0 : i32
    %c0_i32_1 = arith.constant 0 : i32
    return %c0_i32, %c0_i32_0 : i32, i32
  }
  func.func @transform_5(%arg0: i32) -> (i32, i32) {
    %c0_i32 = arith.constant 0 : i32
    %c0_i32_0 = arith.constant 0 : i32
    %c0_i32_1 = arith.constant 0 : i32
    return %c0_i32, %c0_i32_0 : i32, i32
  }
  func.func @transform_6(%arg0: i32) -> (i32, i32) {
    %c0_i32 = arith.constant 0 : i32
    %c0_i32_0 = arith.constant 0 : i32
    %c0_i32_1 = arith.constant 0 : i32
    return %c0_i32, %c0_i32_0 : i32, i32
  }
}

</mosaic_0001>

<sc_bundles>
// kernel: kernel.12.cloned.1.call-start
scs
__scs_entry_jumppad:
0x0: {  	(pc) =	sbr.rel $0x88, $3  }
0x1: {  	(tag) =	ssettag $0x0;
	lr =	simm.s32 $0x1  }
0x2: {  	[smem:$0x3F94] =	sst lr;
	_ =	strace $0xD0000000  }
0x3: {  	_ = 	snop  }
0x4: {  	_ = 	snop  }
0x5: {  	_ = 	snop  }
0x6: {  	_ = 	snop  }
0x7: {  	_ = 	snop  }
__scs_overlays_trampoline_lowered:
0x8: {  	[smem:$0x3FA3] =	sst s0  }
0x9: {  	[smem:$0x3FA4] =	sst s1  }
0xa: {  	[smem:$0x3FA5] =	sst s2  }
0xb: {  	[smem:$0x3FA6] =	sst s3  }
0xc: {  	[smem:$0x3FA7] =	sst s4  }
0xd: {  	[smem:$0x3FA8] =	sst s5  }
0xe: {  	[smem:$0x3FA9] =	sst s6  }
0xf: {  	[smem:$0x3FAA] =	sst s7  }
0x10: {  	[smem:$0x3FAB] =	sst s8  }
0x11: {  	[smem:$0x3FAC] =	sst s9;
	s0 =	simm.s32 @!p0 $0x0  }
0x12: {  	s1 =	sld [smem:$0x3F92];
	s0 =	simm.s32 @p0 $0x1  }
0x13: {  	[smem:$0x3FAD] =	sst s0;
	s0 =	simm.s32 @!p1 $0x0  }
0x14: {  	s2 =	sld [smem:$0x3F91];
	s0 =	simm.s32 @p1 $0x1  }
0x15: {  	[smem:$0x3FAE] =	sst s0;
	s0 =	simm.s32 @!p2 $0x0  }
0x16: {  	s3 =	sld [smem:$0x3FDB];
	s0 =	simm.s32 @p2 $0x1  }
0x17: {  	s4 =	simm.s32 $0x1BF5;
	[smem:$0x3FB0] =	sst s0  }
0x18: {  	s0 =	sld [smem:$0x3F93];
	_ =	swait.ge [sflag:s4], $0x0  }
0x19: {  	s7 =	sld [smem:$0x3F94]  }
0x1a: {  	s8 =	sadd.s32 $0xFFFFE003, lr  }
0x1b: {  	s9 =	sadd.s32 $0xFFFFFEF7, lr;
	s5 =	simm.s32 $0xFFFFFFFF;
	p2 =	slt.u32 s8, $0xFFFFF086  }
0x1c: {  	p1 =	slt.u32 s9, $0xF7A;
	s5 =	simm.s32 @!p2 $0x0  }
0x1d: {  	s5 =	simm.s32 @p1 $0x1;
	p0 =	seq.s32 s7, s2  }
0x1e: {  	s7 =	smul.u32 @!p0 $0xF7A, s2;
	p2 =	seq.s32 @!p0 s5, $0x0  }
0x1f: {  	s9 =	smul.u32 $0xF7A, s1;
	s8 =	simm.s32 @!p0 $0x1BF5;
	p2 =	por !p2, p0  }
0x20: {  	[sflag:s8] =	ssyncset.s32 @!p0 $0xFFFFF086;
	s6 =	sadd.s32 @!p0 s3, s7;
	s7 =	simm.s32 @!p0 $0x108  }
0x21: {  	s3 =	sadd.s32 s3, s9;
	s6 =	sadd.s32 @!p0 $0x88, s6;
	s7 =	simm.s32 @p2 $0x1082  }
0x22: {  	[simem:s7], [sflag:s8] =	dma.local @!p0 [hbm:s6], $0xF7A  }
0x23: {  	s9 =	sor.u32 $0xD0000000, s2;
	s6 =	simm.s32 $0x108;
	_ =	swait.ge @!p0 [sflag:s8], $0x0  }
0x24: {  	s3 =	sadd.s32 $0x88, s3;
	s6 =	simm.s32 @!p1 $0x1082;
	[sflag:s4] =	ssyncset.s32 $0xFFFFF086  }
0x25: {  	[simem:s6], [sflag:s4] =	dma.local [hbm:s3], $0xF7A  }
0x26: {  	[smem:$0x3F94] =	sst s1;
	(tag) =	ssettag s2;
	_ =	strace s9  }
0x27: {  	s1 =	sld [smem:$0x3FA4]  }
0x28: {  	s2 =	sld [smem:$0x3FA5]  }
0x29: {  	s4 =	sld [smem:$0x3FA7]  }
0x2a: {  	p0 =	seq.s32 s5, $0x0;
	s5 =	sld [smem:$0x3FA8]  }
0x2b: {  	s6 =	sld [smem:$0x3FA9]  }
0x2c: {  	s7 =	sld [smem:$0x3FAA]  }
0x2d: {  	s3 =	simm.s32 $0x108;
	s8 =	sld [smem:$0x3FAB]  }
0x2e: {  	s3 =	simm.s32 @!p0 $0x1082;
	s9 =	sld [smem:$0x3FAC]  }
0x2f: {  	lr =	sadd.s32 s0, s3;
	s0 =	sld [smem:$0x3FA3]  }
0x30: {  	s3 =	sld [smem:$0x3FA6]  }
0x31: {  	[smem:$0x3FAF] =	sst s10  }
0x32: {  	s10 =	sld [smem:$0x3FAD];
	_ =	sdelay $0x3  }
0x33: {  	p0 =	seq.s32 s10, $0x1;
	s10 =	sld [smem:$0x3FAF];
	_ =	sdelay $0x3  }
0x34: {  	[smem:$0x3FAF] =	sst s10  }
0x35: {  	s10 =	sld [smem:$0x3FAE];
	_ =	sdelay $0x3  }
0x36: {  	p1 =	seq.s32 s10, $0x1;
	s10 =	sld [smem:$0x3FAF];
	_ =	sdelay $0x3  }
0x37: {  	[smem:$0x3FAF] =	sst s10  }
0x38: {  	s10 =	sld [smem:$0x3FB0]  }
0x39: {  	_ = 	snop;
	(pc) =	sbr.ind lr, $3  }
0x3a: {  	_ = 	snop  }
0x3b: {  	_ = 	snop  }
0x3c: {  	p2 =	seq.s32 s10, $0x1;
	s10 =	sld [smem:$0x3FAF]  }
0x3d: {  	_ =	shalt  }
0x3e: {  	_ =	shalt  }
0x3f: {  	_ =	shalt  }
0x40: {  	_ =	shalt  }
0x41: {  	_ =	shalt  }
0x42: {  	_ =	shalt  }
0x43: {  	_ =	shalt  }
0x44: {  	_ =	shalt  }
0x45: {  	_ =	shalt  }
0x46: {  	_ =	shalt  }
0x47: {  	_ =	shalt  }
0x48: {  	_ =	shalt  }
0x49: {  	_ =	shalt  }
0x4a: {  	_ =	shalt  }
0x4b: {  	_ =	shalt  }
0x4c: {  	_ =	shalt  }
0x4d: {  	_ =	shalt  }
0x4e: {  	_ =	shalt  }
0x4f: {  	_ =	shalt  }
0x50: {  	_ =	shalt  }
0x51: {  	_ =	shalt  }
0x52: {  	_ =	shalt  }
0x53: {  	_ =	shalt  }
0x54: {  	_ =	shalt  }
0x55: {  	_ =	shalt  }
0x56: {  	_ =	shalt  }
0x57: {  	_ =	shalt  }
0x58: {  	_ =	shalt  }
0x59: {  	_ =	shalt  }
0x5a: {  	_ =	shalt  }
0x5b: {  	_ =	shalt  }
0x5c: {  	_ =	shalt  }
0x5d: {  	_ =	shalt  }
0x5e: {  	_ =	shalt  }
0x5f: {  	_ =	shalt  }
0x60: {  	_ =	shalt  }
0x61: {  	_ =	shalt  }
0x62: {  	_ =	shalt  }
0x63: {  	_ =	shalt  }
0x64: {  	_ =	shalt  }
0x65: {  	_ =	shalt  }
0x66: {  	_ =	shalt  }
0x67: {  	_ =	shalt  }
0x68: {  	_ =	shalt  }
0x69: {  	_ =	shalt  }
0x6a: {  	_ =	shalt  }
0x6b: {  	_ =	shalt  }
0x6c: {  	_ =	shalt  }
0x6d: {  	_ =	shalt  }
0x6e: {  	_ =	shalt  }
0x6f: {  	_ =	shalt  }
0x70: {  	_ =	shalt  }
0x71: {  	_ =	shalt  }
0x72: {  	_ =	shalt  }
0x73: {  	_ =	shalt  }
0x74: {  	_ =	shalt  }
0x75: {  	_ =	shalt  }
0x76: {  	_ =	shalt  }
0x77: {  	_ =	shalt  }
0x78: {  	_ =	shalt  }
0x79: {  	_ =	shalt  }
0x7a: {  	_ =	shalt  }
0x7b: {  	_ =	shalt  }
0x7c: {  	_ =	shalt  }
0x7d: {  	_ =	shalt  }
0x7e: {  	_ =	shalt  }
0x7f: {  	_ =	shalt  }
0x80: {  	_ =	shalt  }
0x81: {  	_ =	shalt  }
0x82: {  	_ =	shalt  }
0x83: {  	_ =	shalt  }
0x84: {  	_ =	shalt  }
0x85: {  	_ =	shalt  }
0x86: {  	_ =	shalt  }
0x87: {  	_ =	shalt  }
.Lfunc_end0:
.L_simem_size_0:
called_computation.1_lowered:
.L_overlay_start_0:
0x88: {  	s2 =	sld [smem:$0x3FD9]  }
0x89: {  	s3 =	sld [smem:$0x3FFE];
	_ =	sdelay $0x1  }
0x8a: {  	s1 =	srdreg.scid  }
0x8b: {  	s0 =	sand.u32 $0x1, s1  }
0x8c: {  	s16 =	sshll.u32 s0, $0xA;
	s2 =	sadd.s32 s3, s2  }
0x8d: {  	s2 =	sadd.s32 s2, s16  }
0x8e: {  	[smem:$0x3FBB] =	sst s2  }
0x8f: {  	_ = 	snop  }
0x90: {  	(tm) =	ssettm $0x1  }
0x91: {  	s17 =	sld [smem:$0x3FFB];
	_ =	sdelay $0x3  }
0x92: {  	_ =	strace s17  }
0x93: {  	s2 =	sld [smem:$0x3FFC];
	_ =	sdelay $0x3  }
0x94: {  	_ =	strace s2  }
0x95: {  	s2 =	sld [smem:$0x3FFD];
	_ =	sdelay $0x3  }
0x96: {  	_ =	strace s2  }
0x97: {  	_ =	strace $0x8FFFFFFF  }
0x98: {  	s18 =	sld [smem:$0x3FDB];
	_ =	sdelay $0x1  }
0x99: {  	s19 =	simm.s32 $_scs_section_size  }
0x9a: {  	s4 =	simm.s32 $_size__tile_overlayer_lowered;
	s5 =	simm.s32 $_tile_overlayer_lowered  }
0x9b: {  	s22 =	simm.s32 $0x1BFF;
	s21 =	sshll.u32 s5, $0x1;
	s2 =	sadd.s32 s19, s18  }
0x9c: {  	s6 =	simm.s32 $0x0;
	s20 =	sshll.u32 s4, $0x1;
	s4 =	sadd.s32 s21, s2  }
0x9d: {  	[timem:s6], [sflag:s22] =	dma.local [hbm:s4], s20  }
0x9e: {  	_ =	swait.ge [sflag:s22], s20  }
0x9f: {  	s3 =	ssub.s32 $0x0, s20;
	[sflag:s22] =	ssyncset.done $0x0  }
0xa0: {  	[sflag:s22] =	ssyncadd.s32 s3;
	_ =	sdelay $0x1  }
0xa1: {  	s23 =	simm.s32 $0x1B8B  }
0xa2: {  	_ =	swait.ge [sflag:s23], $0x1  }
0xa3: {  	[sflag:s23] =	ssyncset.done $0x0  }
0xa4: {  	s25 =	simm.s32 $0x1B8E;
	s24 =	sld [smem:$0x3FFE];
	[sflag:s23] =	ssyncadd.s32 $0xFFFFFFFF  }
0xa5: {  	s26 =	simm.s32 $execute0_lowered;
	[smem:$0x3FD2] =	sst s25  }
0xa6: {  	s4 =	sshll.u32 s26, $0x1;
	_ =	strace $0x80000049;
	[dreg:$0x1] =	wrdreg $0xFFFFFFFF  }
0xa7: {  	s28 =	simm.s32 $_size_execute0_lowered;
	s2 =	sadd.s32 s2, s4;
	[dreg:$0x0] =	wrdreg $0x0  }
0xa8: {  	s4 =	sshll.u32 s28, $0x1;
	[dreg:$0x2] =	wrdreg s2  }
0xa9: {  	[dreg:$0x3] =	wrdreg s4  }
0xaa: {  	[dreg:$0x4] =	wrdreg $0xC0  }
0xab: {  	_ =	task [dreg:s6], $0x5FFFF  }
0xac: {  	[dreg:$0x1] =	wrdreg $0xFFFFFFFF  }
0xad: {  	[dreg:$0x0] =	wrdreg $0x60  }
0xae: {  	[dreg:$0x2] =	wrdreg s24  }
0xaf: {  	[dreg:$0x3] =	wrdreg $0x9  }
0xb0: {  	_ =	task.clear_ibuf [dreg:s6], $0x4FFFF;
	_ =	strace $0x90000049  }
0xb1: {  	s29 =	simm.s32 $0x9;
	_ =	strace $0x8000004B  }
0xb2: {  	_ =	swait.ge [sflag:s29], $0x1  }
0xb3: {  	[sflag:s29] =	ssyncadd.s32 $0xFFFFFFFF  }
0xb4: {  	_ =	strace $0x9000004B  }
0xb5: {  	_ =	sfence  }
0xb6: {  	s30 =	sld [smem:$0x0];
	_ =	sdelay $0x2  }
0xb7: {  	s31 =	sshll.u32 s1, $0xD;
	s1 =	sshrl.u32 s1, $0x2  }
0xb8: {  	s3 =	sand.u32 $0x4000, s31;
	s1 =	sadd.s32 s1, s30  }
0xb9: {  	s0 =	sor.u32 s3, s0;
	s1 =	sshll.u32 s1, $0x11  }
0xba: {  	s0 =	sor.u32 s1, s0  }
0xbb: {  	s0 =	sadd.s32 $0x8F2B, s0  }
0xbc: {  	[sflag:s0] =	ssyncadd.remote.s32 $0x1  }
0xbd: {  	_ =	sfence.sel $0xFFFF  }
0xbe: {  	[dreg:$0x0] =	wrdreg $0xFFFFFFFF;
	(pc) =	sbr.abs _section_cstart, $3  }
0xbf: {  	[dreg:$0x1] =	wrdreg $0xFFFFFFFF  }
0xc0: {  	_ =	task.clear_ibuf [dreg:s6], $0x2FFFF;
	_ =	strace $0x9FFFFFFF  }
0xc1: {  	(tm) =	ssettm $0x7FFFFFFF  }
tec
execute0_lowered:
.L_overlay_start_1:
0x0: {  	(tag) =	ssettag $0x1  }
0x1: {  	s0 =	rddreg [dreg:$0x0]  }
0x2: {  	s1 =	srdreg.scid;
	s8 =	stileid.u32;
	s2 =	simm.s32 $0x0  }
0x3: {  	s14 =	simm.s32 $0x80;
	s15 =	simm.s32 $0x400;
	s16 =	simm.s32 $0x3  }
0x4: {  	s17 =	simm.s32 $0x2800;
	s18 =	simm.s32 $0xF000;
	s19 =	simm.s32 $0x12600  }
0x5: {  	s20 =	simm.s32 $0x1;
	s21 =	simm.s32 $0x10B00;
	s22 =	simm.s32 $0x14100  }
0x6: {  	s23 =	simm.s32 $0x5000;
	s28 =	simm.s32 $0x2;
	s29 =	simm.s32 $0x0  }
0x7: {  	s1 =	sand.u32 $0x1, s1;
	s4 =	sshll.u32 s8, $0x1;
	[smem:$0x7FF] =	sst s2  }
0x8: {  	s6 =	sadd.s32 $0xF400, s0;
	s8 =	sshll.u32 s8, $0x8;
	s12 =	sadd.s32 $0x37600, s0  }
0x9: {  	s3 =	sshll.u32 s1, $0x5;
	_ =	strace $0x8000004A;
	s1 =	ssub.s32 $0x2, s1  }
0xa: {  	s8 =	sand.u32 $0x300, s8;
	s5 =	sor.u32 s4, s3;
	s3 =	sadd.s32 $0x4600, s0  }
0xb: {  	s9 =	sshrl.u32 s1, $0x1;
	s4 =	sshrl.u32 s5, $0x3;
	s5 =	sor.u32 $0x41, s5  }
0xc: {  	s1 =	ssub.s32 s1, s9;
	s7 =	smul.u32 $0x14000, s4;
	s26 =	sshrl.u32 s5, $0x3  }
0xd: {  	s4 =	sadd.s32 $0x23400, s0;
	s5 =	sshll.u32 s5, $0x7;
	s13 =	smul.u32 $0x14000, s26  }
0xe: {  	s30 =	sand.u32 $0x380, s5;
	s26 =	simm.s32 $0xC800;
	s10 =	sor.u32 s8, s7  }
0xf: {  	s7 =	sadd.s32 $0xE4A0, s0;
	s8 =	sadd.s32 $0x2D2A0, s0;
	s24 =	sshrl.u32 s10, $0x3  }
0x10: {  	s31 =	sadd.s32 $0xA0000, s10;
	s0 =	sor.u32 s30, s13;
	s13 =	smax.u32 s1, $0x1  }
0x11: {  	s25 =	sadd.s32 s6, s24;
	s11 =	sor.u32 $0x10, s24;
	s9 =	sadd.s32 s12, s24  }
0x12: {  	s5 =	sshrl.u32 s31, $0x3;
	s0 =	sshrl.u32 s0, $0x3;
	s24 =	simm.s32 $0xA000  }
0x13: {  	[dreg:$0x2] =	wrdreg s25;
	s6 =	sadd.s32 s6, s11;
	s10 =	sadd.s32 s12, s11  }
0x14: {  	v0 =	vimm.f32 $0.0e+00;
	s11 =	sadd.s32 s12, s5;
	s12 =	sadd.s32 s12, s0;
	s25 =	simm.s32 $0x7800  }
.LBB2_1:
0x15: {  	s0 =	rddreg [dreg:$0x2]  }
0x16: {  	[tilespmem:s2], [sflag:$0x3] =	stream.strided.gather [hbm4b:s0+s14], $0x2800, s15, s14, $0x38;
	[tilespmem:$0x15C00] =	vst v63  }
0x17: {  	_ =	swait.ge [sflag:s16], $0x2800  }
0x18: {  	[sflag:s16] =	ssyncset.done $0x0  }
0x19: {  	[sflag:s16] =	ssyncadd.s32 $0xFFFFD800  }
0x1a: {  	[tilespmem:s17], [sflag:$0x3] =	stream.strided.gather [hbm4b:s6+s14], $0x2800, s15, s14, $0x38;
	[tilespmem:$0x15C00] =	vst v63  }
0x1b: {  	_ =	swait.ge [sflag:s16], $0x2800  }
0x1c: {  	[sflag:s16] =	ssyncset.done $0x0  }
0x1d: {  	s1 =	simm.s32 $0x40;
	s0 =	simm.s32 $0x0;
	[sflag:s16] =	ssyncadd.s32 $0xFFFFD800  }
.LBB2_2:
0x1e: {  	p0 =	sne.s32 s1, $0x9FC0;
	[tilespmem:s0+$0xC800] =	vst v0;
	s5 =	smov.u32 s1;
	s1 =	sadd.s32 $0x40, s1  }
.Ltmp0:
0x1f: {  	[tilespmem:s0+$0xA000] =	vst v0;
	(pc) =	sbr.rel @p0 .LBB2_2-.Ltmp0, $3  }
0x20: {  	[tilespmem:s0+$0x5000] =	vst v0  }
0x21: {  	[tilespmem:s0+$0x7800] =	vst v0;
	_ =	sdelay $0x1  }
0x22: {  	s0 =	sshra.s32 s5, $0x2  }
0x23: {  	[tilespmem:s0+$0xC800] =	vst v0  }
0x24: {  	[tilespmem:s0+$0xA000] =	vst v0  }
0x25: {  	[tilespmem:s0+$0x5000] =	vst v0  }
0x26: {  	[tilespmem:s0+$0x7800] =	vst v0;
	s30 =	simm.s32 $0x0  }
0x27: {  	[tilespmem:s18], [sflag:$0x1] =	stream.linear.gather [hbm4b:s3+s30], $0x1B00, $0x38;
	[tilespmem:$0x15C00] =	vst v63  }
0x28: {  	_ = 	snop  }
0x29: {  	[tilespmem:s19], [sflag:$0x1] =	stream.linear.gather [hbm4b:s4+s30], $0x1B00, $0x38;
	[tilespmem:$0x15C00] =	vst v63  }
.LBB2_4:
0x2a: {  	_ =	swait.ge [sflag:s20], $0x1B00  }
0x2b: {  	s0 =	smul.u32 $0x3600, s30;
	[sflag:s20] =	ssyncset.done $0x0  }
0x2c: {  	[sflag:s20] =	ssyncadd.s32 $0xFFFFE500  }
0x2d: {  	s31 =	sshrl.u32 s0, $0x3;
	_ =	swait.ge [sflag:s20], $0x1B00  }
0x2e: {  	s0 =	sadd.s32 $0x360, s31;
	[sflag:s20] =	ssyncset.done $0x0  }
0x2f: {  	s1 =	sadd.s32 s3, s0;
	[sflag:s20] =	ssyncadd.s32 $0xFFFFE500  }
0x30: {  	[tilespmem:s21], [sflag:$0x2] =	stream.linear.gather [hbm4b:s1+s2], $0x1B00, $0x38;
	[tilespmem:$0x15C00] =	vst v63  }
0x31: {  	s5 =	simm.s32 $0xF020;
	s0 =	sadd.s32 s4, s0  }
0x32: {  	[tilespmem:s22], [sflag:$0x2] =	stream.linear.gather [hbm4b:s0+s2], $0x1B00, $0x38;
	[tilespmem:$0x15C00] =	vst v63  }
0x33: {  	v1 =	vld [tilespmem:s5+$0x10]  }
0x34: {  	v3 =	vld [tilespmem:s5+$0xFFFFFFE0];
	_ =	sdelay $0x3  }
0x35: {  	v2 =	vld [tilespmem:s5+$0xFFFFFFF0];
	v5 =	vand.u32 $0xFFFF, v1  }
0x36: {  	v7 =	vand.u32 $0xFFFF, v3  }
0x37: {  	v4 =	vld [tilespmem:s5+$0x0]  }
0x38: {  	s1 =	simm.s32 $0x12620  }
0x39: {  	v10 =	vld [tilespmem:s1+$0x10]  }
0x3a: {  	v6 =	vand.u32 $0xFFFF, v2;
	v9 =	vld.idx.msk [tilespmem:v5+s2+$0x0], $0xffff  }
0x3b: {  	v12 =	vld.idx.msk [tilespmem:v7+s2+$0x0], $0xffff  }
0x3c: {  	v14 =	vld [tilespmem:s1+$0xFFFFFFE0];
	v8 =	vand.u32 $0xFFFF, v4  }
0x3d: {  	v16 =	vld [tilespmem:s1+$0xFFFFFFF0];
	v13 =	vshrl.u32 v1, $0x10  }
0x3e: {  	v17 =	vld [tilespmem:s1+$0x0];
	v3 =	vshrl.u32 v3, $0x10  }
0x3f: {  	s0 =	simm.s32 $0x12660;
	v11 =	vld.idx.msk [tilespmem:v6+s2+$0x0], $0xffff;
	v1 =	vunpack.i.l.bf16.f32 v9  }
0x40: {  	v61 =	vld [tilespmem:s0+$0x10];
	v18 =	vunpack.i.l.bf16.f32 v12;
	v1 =	vmul.f32 v1, v10  }
0x41: {  	v15 =	vld.idx.msk [tilespmem:v8+s2+$0x0], $0xffff;
	v9 =	vunpack.i.u.bf16.f32 v9;
	v18 =	vmul.f32 v18, v14  }
0x42: {  	v2 =	vshrl.u32 v2, $0x10;
	v9 =	vmul.f32 v9, v10;
	[tilespmem:v13+s23+$0x0] =	vst.idx.add.f32.msk $0xffff, v1  }
0x43: {  	v12 =	vunpack.i.u.bf16.f32 v12;
	[tilespmem:v3+s23+$0x0] =	vst.idx.add.f32.msk $0xffff, v18  }
0x44: {  	v1 =	vshrl.u32 v4, $0x10;
	v4 =	vunpack.i.l.bf16.f32 v11;
	[tilespmem:v13+s24+$0x0] =	vst.idx.add.f32.msk $0xffff, v9;
	v9 =	vmul.f32 v12, v14  }
0x45: {  	v11 =	vunpack.i.u.bf16.f32 v11;
	v4 =	vmul.f32 v4, v16;
	v5 =	vld.idx.msk [tilespmem:v5+s17+$0x0], $0xffff  }
0x46: {  	v54 =	vunpack.i.l.bf16.f32 v15;
	v11 =	vmul.f32 v11, v16;
	[tilespmem:v3+s24+$0x0] =	vst.idx.add.f32.msk $0xffff, v9  }
0x47: {  	v12 =	vmul.f32 v54, v17;
	v9 =	vunpack.i.u.bf16.f32 v15;
	[tilespmem:v2+s23+$0x0] =	vst.idx.add.f32.msk $0xffff, v4  }
0x48: {  	v4 =	vmul.f32 v9, v17;
	[tilespmem:v2+s24+$0x0] =	vst.idx.add.f32.msk $0xffff, v11  }
0x49: {  	[tilespmem:v1+s23+$0x0] =	vst.idx.add.f32.msk $0xffff, v12  }
0x4a: {  	[tilespmem:v1+s24+$0x0] =	vst.idx.add.f32.msk $0xffff, v4;
	v4 =	vunpack.i.l.bf16.f32 v5  }
0x4b: {  	v7 =	vld.idx.msk [tilespmem:v7+s17+$0x0], $0xffff;
	v4 =	vmul.f32 v4, v10  }
0x4c: {  	v6 =	vld.idx.msk [tilespmem:v6+s17+$0x0], $0xffff  }
0x4d: {  	s5 =	simm.s32 $0xF060;
	v5 =	vunpack.i.u.bf16.f32 v5;
	[tilespmem:v13+s25+$0x0] =	vst.idx.add.f32.msk $0xffff, v4  }
0x4e: {  	v4 =	vmul.f32 v5, v10;
	v5 =	vld [tilespmem:s5+$0x10]  }
0x4f: {  	v9 =	vld [tilespmem:s5+$0xFFFFFFF0]  }
0x50: {  	v10 =	vld [tilespmem:s5+$0xFFFFFFE0]  }
0x51: {  	v11 =	vld [tilespmem:s5+$0x0];
	v55 =	vunpack.i.l.bf16.f32 v6  }
0x52: {  	v56 =	vld.idx.msk [tilespmem:v8+s17+$0x0], $0xffff;
	v8 =	vmul.f32 v55, v16  }
0x53: {  	v6 =	vunpack.i.u.bf16.f32 v6;
	[tilespmem:v13+s26+$0x0] =	vst.idx.add.f32.msk $0xffff, v4;
	v57 =	vand.u32 $0xFFFF, v5  }
0x54: {  	v6 =	vmul.f32 v6, v16;
	v4 =	vunpack.i.l.bf16.f32 v7;
	[tilespmem:v2+s25+$0x0] =	vst.idx.add.f32.msk $0xffff, v8  }
0x55: {  	v4 =	vmul.f32 v4, v14;
	v8 =	vld [tilespmem:s0+$0xFFFFFFE0];
	v59 =	vand.u32 $0xFFFF, v10  }
0x56: {  	v58 =	vand.u32 $0xFFFF, v9;
	v7 =	vunpack.i.u.bf16.f32 v7;
	[tilespmem:v2+s26+$0x0] =	vst.idx.add.f32.msk $0xffff, v6  }
0x57: {  	v7 =	vmul.f32 v7, v14;
	[tilespmem:v3+s25+$0x0] =	vst.idx.add.f32.msk $0xffff, v4  }
0x58: {  	v2 =	vld.idx.msk [tilespmem:v57+s2+$0x0], $0xffff  }
0x59: {  	[tilespmem:v3+s26+$0x0] =	vst.idx.add.f32.msk $0xffff, v7  }
0x5a: {  	v4 =	vand.u32 $0xFFFF, v11;
	v3 =	vld.idx.msk [tilespmem:v59+s2+$0x0], $0xffff  }
0x5b: {  	v60 =	vld.idx.msk [tilespmem:v58+s2+$0x0], $0xffff;
	v20 =	vshrl.u32 v5, $0x10;
	v5 =	vunpack.i.l.bf16.f32 v56  }
0x5c: {  	v6 =	vld [tilespmem:s0+$0x0];
	v21 =	vmul.f32 v5, v17  }
0x5d: {  	v7 =	vld [tilespmem:s0+$0xFFFFFFF0];
	v5 =	vshrl.u32 v10, $0x10;
	v22 =	vunpack.i.l.bf16.f32 v2  }
0x5e: {  	[tilespmem:v1+s25+$0x0] =	vst.idx.add.f32.msk $0xffff, v21;
	v2 =	vunpack.i.u.bf16.f32 v2;
	v10 =	vmul.f32 v22, v61  }
0x5f: {  	v19 =	vld.idx.msk [tilespmem:v4+s2+$0x0], $0xffff;
	v62 =	vmul.f32 v2, v61;
	v2 =	vshrl.u32 v9, $0x10;
	v9 =	vunpack.i.l.bf16.f32 v3  }
0x60: {  	v9 =	vmul.f32 v9, v8;
	[tilespmem:v20+s23+$0x0] =	vst.idx.add.f32.msk $0xffff, v10  }
0x61: {  	v10 =	vunpack.i.u.bf16.f32 v3;
	[tilespmem:v20+s24+$0x0] =	vst.idx.add.f32.msk $0xffff, v62  }
0x62: {  	v3 =	vshrl.u32 v11, $0x10;
	v11 =	vunpack.i.l.bf16.f32 v60;
	v10 =	vmul.f32 v10, v8;
	[tilespmem:v5+s23+$0x0] =	vst.idx.add.f32.msk $0xffff, v9  }
0x63: {  	v16 =	vunpack.i.u.bf16.f32 v60;
	v11 =	vmul.f32 v11, v7;
	v14 =	vld.idx.msk [tilespmem:v57+s17+$0x0], $0xffff  }
0x64: {  	v16 =	vmul.f32 v16, v7;
	[tilespmem:v5+s24+$0x0] =	vst.idx.add.f32.msk $0xffff, v10  }
0x65: {  	v9 =	vunpack.i.l.bf16.f32 v19;
	[tilespmem:v2+s23+$0x0] =	vst.idx.add.f32.msk $0xffff, v11  }
0x66: {  	v9 =	vmul.f32 v9, v6;
	v10 =	vunpack.i.u.bf16.f32 v19;
	[tilespmem:v2+s24+$0x0] =	vst.idx.add.f32.msk $0xffff, v16  }
0x67: {  	v10 =	vmul.f32 v10, v6;
	v11 =	vld.idx.msk [tilespmem:v59+s17+$0x0], $0xffff  }
0x68: {  	[tilespmem:v3+s23+$0x0] =	vst.idx.add.f32.msk $0xffff, v9;
	v9 =	vunpack.i.l.bf16.f32 v14  }
0x69: {  	[tilespmem:v3+s24+$0x0] =	vst.idx.add.f32.msk $0xffff, v10;
	v14 =	vunpack.i.u.bf16.f32 v14;
	v9 =	vmul.f32 v9, v61  }
0x6a: {  	v10 =	vld.idx.msk [tilespmem:v58+s17+$0x0], $0xffff;
	v63 =	vmul.f32 v14, v61  }
0x6b: {  	v13 =	vunpack.i.u.bf16.f32 v56;
	[tilespmem:v20+s25+$0x0] =	vst.idx.add.f32.msk $0xffff, v9  }
0x6c: {  	s1 =	simm.s32 $0x40;
	s5 =	simm.s32 $0xF0A0;
	v9 =	vmul.f32 v13, v17;
	[tilespmem:v20+s26+$0x0] =	vst.idx.add.f32.msk $0xffff, v63  }
.LBB2_5:
0x6d: {  	v12 =	vld [tilespmem:s5+$0x10]  }
0x6e: {  	v13 =	vld [tilespmem:s5+$0xFFFFFFF0]  }
0x6f: {  	s1 =	sadd.s32 $0x40, s1;
	v15 =	vunpack.i.u.bf16.f32 v11;
	v11 =	vunpack.i.l.bf16.f32 v11;
	v14 =	vld [tilespmem:s5+$0x0]  }
0x70: {  	p0 =	slt.u32 s1, $0x1AC0;
	v11 =	vmul.f32 v11, v8;
	v17 =	vunpack.i.u.bf16.f32 v10;
	v10 =	vunpack.i.l.bf16.f32 v10;
	v16 =	vld [tilespmem:s5+$0xFFFFFFE0]  }
0x71: {  	v8 =	vmul.f32 v15, v8;
	v10 =	vmul.f32 v10, v7;
	v15 =	vld.idx.msk [tilespmem:v4+s17+$0x0], $0xffff  }
0x72: {  	v7 =	vmul.f32 v17, v7;
	v18 =	vand.u32 $0xFFFF, v12;
	[tilespmem:v5+s25+$0x0] =	vst.idx.add.f32.msk $0xffff, v11  }
0x73: {  	v11 =	vshrl.u32 v13, $0x10;
	v13 =	vand.u32 $0xFFFF, v13;
	[tilespmem:v5+s26+$0x0] =	vst.idx.add.f32.msk $0xffff, v8  }
0x74: {  	v8 =	vshrl.u32 v14, $0x10;
	v4 =	vand.u32 $0xFFFF, v14;
	[tilespmem:v2+s25+$0x0] =	vst.idx.add.f32.msk $0xffff, v10  }
0x75: {  	v5 =	vshrl.u32 v16, $0x10;
	v10 =	vand.u32 $0xFFFF, v16;
	[tilespmem:v2+s26+$0x0] =	vst.idx.add.f32.msk $0xffff, v7;
	v2 =	vmov v11  }
0x76: {  	[tilespmem:v1+s26+$0x0] =	vst.idx.add.f32.msk $0xffff, v9;
	v1 =	vmov v3;
	v3 =	vmov v8  }
0x77: {  	v7 =	vunpack.i.u.bf16.f32 v15;
	v8 =	vunpack.i.l.bf16.f32 v15;
	v11 =	vld.idx.msk [tilespmem:v18+s2+$0x0], $0xffff  }
0x78: {  	s0 =	sadd.s32 $0x40, s0;
	v15 =	vmul.f32 v8, v6;
	v9 =	vmul.f32 v7, v6;
	v14 =	vld.idx.msk [tilespmem:v13+s2+$0x0], $0xffff  }
0x79: {  	v16 =	vld [tilespmem:s0+$0x10]  }
0x7a: {  	v17 =	vld.idx.msk [tilespmem:v10+s2+$0x0], $0xffff  }
0x7b: {  	v12 =	vshrl.u32 v12, $0x10;
	v19 =	vld.idx.msk [tilespmem:v4+s2+$0x0], $0xffff  }
0x7c: {  	v8 =	vld [tilespmem:s0+$0xFFFFFFE0]  }
0x7d: {  	v20 =	vunpack.i.l.bf16.f32 v11;
	v7 =	vld [tilespmem:s0+$0xFFFFFFF0]  }
0x7e: {  	v11 =	vunpack.i.u.bf16.f32 v11;
	v21 =	vunpack.i.u.bf16.f32 v14;
	v6 =	vld [tilespmem:s0+$0x0];
	v20 =	vmul.f32 v20, v16  }
0x7f: {  	v14 =	vunpack.i.l.bf16.f32 v14;
	v11 =	vmul.f32 v11, v16;
	[tilespmem:v1+s25+$0x0] =	vst.idx.add.f32.msk $0xffff, v15  }
0x80: {  	v15 =	vunpack.i.u.bf16.f32 v17;
	v17 =	vunpack.i.l.bf16.f32 v17;
	[tilespmem:v12+s23+$0x0] =	vst.idx.add.f32.msk $0xffff, v20  }
0x81: {  	v20 =	vunpack.i.u.bf16.f32 v19;
	v19 =	vunpack.i.l.bf16.f32 v19;
	v17 =	vmul.f32 v17, v8;
	[tilespmem:v12+s24+$0x0] =	vst.idx.add.f32.msk $0xffff, v11  }
0x82: {  	v11 =	vmul.f32 v15, v8;
	v14 =	vmul.f32 v14, v7;
	v15 =	vld.idx.msk [tilespmem:v18+s17+$0x0], $0xffff  }
0x83: {  	[tilespmem:v5+s23+$0x0] =	vst.idx.add.f32.msk $0xffff, v17;
	v17 =	vmul.f32 v21, v7;
	v18 =	vmul.f32 v19, v6  }
0x84: {  	[tilespmem:v5+s24+$0x0] =	vst.idx.add.f32.msk $0xffff, v11;
	v11 =	vmul.f32 v20, v6  }
0x85: {  	[tilespmem:v2+s23+$0x0] =	vst.idx.add.f32.msk $0xffff, v14  }
0x86: {  	[tilespmem:v2+s24+$0x0] =	vst.idx.add.f32.msk $0xffff, v17  }
0x87: {  	[tilespmem:v3+s23+$0x0] =	vst.idx.add.f32.msk $0xffff, v18  }
.Ltmp1:
0x88: {  	v14 =	vunpack.i.l.bf16.f32 v15;
	[tilespmem:v3+s24+$0x0] =	vst.idx.add.f32.msk $0xffff, v11;
	(pc) =	sbr.rel @p0 .LBB2_5-.Ltmp1, $4  }
0x89: {  	v15 =	vunpack.i.u.bf16.f32 v15;
	v14 =	vmul.f32 v14, v16;
	v11 =	vld.idx.msk [tilespmem:v10+s17+$0x0], $0xffff  }
0x8a: {  	v10 =	vld.idx.msk [tilespmem:v13+s17+$0x0], $0xffff;
	v13 =	vmul.f32 v15, v16  }
0x8b: {  	[tilespmem:v12+s25+$0x0] =	vst.idx.add.f32.msk $0xffff, v14  }
0x8c: {  	s5 =	sadd.s32 $0x40, s5;
	[tilespmem:v12+s26+$0x0] =	vst.idx.add.f32.msk $0xffff, v13  }
0x8d: {  	_ =	sdelay $0x3  }
0x8e: {  	v4 =	vld.idx.msk [tilespmem:v4+s17+$0x0], $0xffff;
	v12 =	vunpack.i.l.bf16.f32 v11  }
0x8f: {  	v11 =	vunpack.i.u.bf16.f32 v11;
	v12 =	vmul.f32 v12, v8  }
0x90: {  	v13 =	vunpack.i.l.bf16.f32 v10;
	v8 =	vmul.f32 v11, v8  }
0x91: {  	v10 =	vunpack.i.u.bf16.f32 v10;
	v11 =	vmul.f32 v13, v7;
	[tilespmem:v5+s25+$0x0] =	vst.idx.add.f32.msk $0xffff, v12  }
0x92: {  	v7 =	vmul.f32 v10, v7;
	[tilespmem:v5+s26+$0x0] =	vst.idx.add.f32.msk $0xffff, v8  }
0x93: {  	[tilespmem:v2+s25+$0x0] =	vst.idx.add.f32.msk $0xffff, v11;
	v5 =	vunpack.i.l.bf16.f32 v4  }
0x94: {  	[tilespmem:v2+s26+$0x0] =	vst.idx.add.f32.msk $0xffff, v7;
	v2 =	vunpack.i.u.bf16.f32 v4;
	v4 =	vmul.f32 v5, v6  }
0x95: {  	[tilespmem:v1+s26+$0x0] =	vst.idx.add.f32.msk $0xffff, v9;
	v1 =	vmul.f32 v2, v6  }
0x96: {  	[tilespmem:v3+s25+$0x0] =	vst.idx.add.f32.msk $0xffff, v4  }
0x97: {  	[tilespmem:v3+s26+$0x0] =	vst.idx.add.f32.msk $0xffff, v1  }
0x98: {  	_ =	swait.ge [sflag:s28], $0x1B00  }
0x99: {  	[sflag:s28] =	ssyncset.done $0x0  }
0x9a: {  	[sflag:s28] =	ssyncadd.s32 $0xFFFFE500  }
0x9b: {  	_ =	swait.ge [sflag:s28], $0x1B00  }
0x9c: {  	s0 =	sadd.s32 $0x6C0, s31;
	[sflag:s28] =	ssyncset.done $0x0  }
0x9d: {  	s1 =	sadd.s32 s3, s0;
	[sflag:s28] =	ssyncadd.s32 $0xFFFFE500  }
0x9e: {  	[tilespmem:s18], [sflag:$0x1] =	stream.linear.gather [hbm4b:s1+s2], $0x1B00, $0x38;
	[tilespmem:$0x15C00] =	vst v63  }
0x9f: {  	s0 =	sadd.s32 s4, s0;
	s1 =	simm.s32 $0x10B20  }
0xa0: {  	[tilespmem:s19], [sflag:$0x1] =	stream.linear.gather [hbm4b:s0+s2], $0x1B00, $0x38;
	[tilespmem:$0x15C00] =	vst v63  }
0xa1: {  	v1 =	vld [tilespmem:s1+$0x10]  }
0xa2: {  	v3 =	vld [tilespmem:s1+$0xFFFFFFE0];
	_ =	sdelay $0x3  }
0xa3: {  	v2 =	vld [tilespmem:s1+$0xFFFFFFF0];
	v5 =	vand.u32 $0xFFFF, v1  }
0xa4: {  	v7 =	vand.u32 $0xFFFF, v3  }
0xa5: {  	v4 =	vld [tilespmem:s1+$0x0]  }
0xa6: {  	s5 =	simm.s32 $0x14120  }
0xa7: {  	v10 =	vld [tilespmem:s5+$0x10]  }
0xa8: {  	v6 =	vand.u32 $0xFFFF, v2;
	v9 =	vld.idx.msk [tilespmem:v5+s2+$0x0], $0xffff  }
0xa9: {  	v53 =	vld.idx.msk [tilespmem:v7+s2+$0x0], $0xffff  }
0xaa: {  	v14 =	vld [tilespmem:s5+$0xFFFFFFE0];
	v8 =	vand.u32 $0xFFFF, v4  }
0xab: {  	v16 =	vld [tilespmem:s5+$0xFFFFFFF0];
	v54 =	vshrl.u32 v1, $0x10  }
0xac: {  	v17 =	vld [tilespmem:s5+$0x0];
	v3 =	vshrl.u32 v3, $0x10  }
0xad: {  	s0 =	simm.s32 $0x14160;
	v11 =	vld.idx.msk [tilespmem:v6+s2+$0x0], $0xffff;
	v1 =	vunpack.i.l.bf16.f32 v9  }
0xae: {  	v62 =	vld [tilespmem:s0+$0x10];
	v18 =	vunpack.i.l.bf16.f32 v53;
	v1 =	vmul.f32 v1, v10  }
0xaf: {  	v15 =	vld.idx.msk [tilespmem:v8+s2+$0x0], $0xffff;
	v9 =	vunpack.i.u.bf16.f32 v9;
	v18 =	vmul.f32 v18, v14  }
0xb0: {  	v2 =	vshrl.u32 v2, $0x10;
	v9 =	vmul.f32 v9, v10;
	[tilespmem:v54+s23+$0x0] =	vst.idx.add.f32.msk $0xffff, v1  }
0xb1: {  	v12 =	vunpack.i.u.bf16.f32 v53;
	[tilespmem:v3+s23+$0x0] =	vst.idx.add.f32.msk $0xffff, v18  }
0xb2: {  	v1 =	vshrl.u32 v4, $0x10;
	v4 =	vunpack.i.l.bf16.f32 v11;
	[tilespmem:v54+s24+$0x0] =	vst.idx.add.f32.msk $0xffff, v9;
	v9 =	vmul.f32 v12, v14  }
0xb3: {  	v11 =	vunpack.i.u.bf16.f32 v11;
	v4 =	vmul.f32 v4, v16;
	v5 =	vld.idx.msk [tilespmem:v5+s17+$0x0], $0xffff  }
0xb4: {  	v55 =	vunpack.i.l.bf16.f32 v15;
	v11 =	vmul.f32 v11, v16;
	[tilespmem:v3+s24+$0x0] =	vst.idx.add.f32.msk $0xffff, v9  }
0xb5: {  	v12 =	vmul.f32 v55, v17;
	v9 =	vunpack.i.u.bf16.f32 v15;
	[tilespmem:v2+s23+$0x0] =	vst.idx.add.f32.msk $0xffff, v4  }
0xb6: {  	v4 =	vmul.f32 v9, v17;
	[tilespmem:v2+s24+$0x0] =	vst.idx.add.f32.msk $0xffff, v11  }
0xb7: {  	[tilespmem:v1+s23+$0x0] =	vst.idx.add.f32.msk $0xffff, v12  }
0xb8: {  	s31 =	simm.s32 $0x10B60;
	[tilespmem:v1+s24+$0x0] =	vst.idx.add.f32.msk $0xffff, v4;
	v4 =	vunpack.i.l.bf16.f32 v5  }
0xb9: {  	v9 =	vld [tilespmem:s31+$0xFFFFFFF0];
	v4 =	vmul.f32 v4, v10  }
0xba: {  	v6 =	vld.idx.msk [tilespmem:v6+s17+$0x0], $0xffff  }
0xbb: {  	v5 =	vunpack.i.u.bf16.f32 v5;
	[tilespmem:v54+s25+$0x0] =	vst.idx.add.f32.msk $0xffff, v4  }
0xbc: {  	v4 =	vmul.f32 v5, v10;
	v5 =	vld [tilespmem:s31+$0x10]  }
0xbd: {  	v10 =	vld [tilespmem:s31+$0xFFFFFFE0]  }
0xbe: {  	v7 =	vld.idx.msk [tilespmem:v7+s17+$0x0], $0xffff  }
0xbf: {  	v11 =	vld [tilespmem:s31+$0x0];
	v56 =	vunpack.i.l.bf16.f32 v6  }
0xc0: {  	v57 =	vld.idx.msk [tilespmem:v8+s17+$0x0], $0xffff;
	v59 =	vand.u32 $0xFFFF, v9;
	v8 =	vmul.f32 v56, v16  }
0xc1: {  	v6 =	vunpack.i.u.bf16.f32 v6;
	[tilespmem:v54+s26+$0x0] =	vst.idx.add.f32.msk $0xffff, v4;
	v58 =	vand.u32 $0xFFFF, v5  }
0xc2: {  	v6 =	vmul.f32 v6, v16;
	[tilespmem:v2+s25+$0x0] =	vst.idx.add.f32.msk $0xffff, v8;
	v60 =	vand.u32 $0xFFFF, v10  }
0xc3: {  	v8 =	vld [tilespmem:s0+$0xFFFFFFE0]  }
0xc4: {  	[tilespmem:v2+s26+$0x0] =	vst.idx.add.f32.msk $0xffff, v6  }
0xc5: {  	v4 =	vunpack.i.l.bf16.f32 v7;
	v61 =	vld.idx.msk [tilespmem:v59+s2+$0x0], $0xffff  }
0xc6: {  	v7 =	vunpack.i.u.bf16.f32 v7;
	v4 =	vmul.f32 v4, v14;
	v2 =	vld.idx.msk [tilespmem:v58+s2+$0x0], $0xffff  }
0xc7: {  	v7 =	vmul.f32 v7, v14;
	v19 =	vld.idx.msk [tilespmem:v60+s2+$0x0], $0xffff  }
0xc8: {  	[tilespmem:v3+s25+$0x0] =	vst.idx.add.f32.msk $0xffff, v4;
	v4 =	vand.u32 $0xFFFF, v11  }
0xc9: {  	v21 =	vshrl.u32 v5, $0x10;
	[tilespmem:v3+s26+$0x0] =	vst.idx.add.f32.msk $0xffff, v7;
	v3 =	vunpack.i.l.bf16.f32 v57  }
0xca: {  	v6 =	vld [tilespmem:s0+$0x0];
	v5 =	vshrl.u32 v10, $0x10;
	v3 =	vmul.f32 v3, v17  }
0xcb: {  	v7 =	vld [tilespmem:s0+$0xFFFFFFF0];
	v22 =	vunpack.i.l.bf16.f32 v2  }
0xcc: {  	[tilespmem:v1+s25+$0x0] =	vst.idx.add.f32.msk $0xffff, v3;
	v3 =	vshrl.u32 v9, $0x10;
	v9 =	vunpack.i.l.bf16.f32 v19;
	v10 =	vmul.f32 v22, v62  }
0xcd: {  	v20 =	vld.idx.msk [tilespmem:v4+s2+$0x0], $0xffff;
	v2 =	vunpack.i.u.bf16.f32 v2;
	v9 =	vmul.f32 v9, v8  }
0xce: {  	v2 =	vmul.f32 v2, v62;
	[tilespmem:v21+s23+$0x0] =	vst.idx.add.f32.msk $0xffff, v10  }
0xcf: {  	v10 =	vunpack.i.u.bf16.f32 v19;
	[tilespmem:v5+s23+$0x0] =	vst.idx.add.f32.msk $0xffff, v9  }
0xd0: {  	[tilespmem:v21+s24+$0x0] =	vst.idx.add.f32.msk $0xffff, v2;
	v2 =	vshrl.u32 v11, $0x10;
	v11 =	vunpack.i.l.bf16.f32 v61;
	v10 =	vmul.f32 v10, v8  }
0xd1: {  	v14 =	vld.idx.msk [tilespmem:v58+s17+$0x0], $0xffff;
	v11 =	vmul.f32 v11, v7  }
0xd2: {  	v16 =	vunpack.i.u.bf16.f32 v61;
	[tilespmem:v5+s24+$0x0] =	vst.idx.add.f32.msk $0xffff, v10  }
0xd3: {  	v16 =	vmul.f32 v16, v7;
	v9 =	vunpack.i.l.bf16.f32 v20;
	[tilespmem:v3+s23+$0x0] =	vst.idx.add.f32.msk $0xffff, v11  }
0xd4: {  	v9 =	vmul.f32 v9, v6;
	v10 =	vunpack.i.u.bf16.f32 v20;
	v11 =	vld.idx.msk [tilespmem:v60+s17+$0x0], $0xffff  }
0xd5: {  	v10 =	vmul.f32 v10, v6;
	[tilespmem:v3+s24+$0x0] =	vst.idx.add.f32.msk $0xffff, v16  }
0xd6: {  	[tilespmem:v2+s23+$0x0] =	vst.idx.add.f32.msk $0xffff, v9;
	v9 =	vunpack.i.l.bf16.f32 v14  }
0xd7: {  	[tilespmem:v2+s24+$0x0] =	vst.idx.add.f32.msk $0xffff, v10;
	v14 =	vunpack.i.u.bf16.f32 v14;
	v9 =	vmul.f32 v9, v62  }
0xd8: {  	v10 =	vld.idx.msk [tilespmem:v59+s17+$0x0], $0xffff;
	v63 =	vmul.f32 v14, v62  }
0xd9: {  	v13 =	vunpack.i.u.bf16.f32 v57;
	[tilespmem:v21+s25+$0x0] =	vst.idx.add.f32.msk $0xffff, v9  }
0xda: {  	s1 =	simm.s32 $0x40;
	s5 =	simm.s32 $0x10BA0;
	v9 =	vmul.f32 v13, v17;
	[tilespmem:v21+s26+$0x0] =	vst.idx.add.f32.msk $0xffff, v63  }
.LBB2_7:
0xdb: {  	v12 =	vld [tilespmem:s5+$0x10]  }
0xdc: {  	v13 =	vld [tilespmem:s5+$0xFFFFFFF0]  }
0xdd: {  	s1 =	sadd.s32 $0x40, s1;
	v15 =	vunpack.i.u.bf16.f32 v11;
	v11 =	vunpack.i.l.bf16.f32 v11;
	v14 =	vld [tilespmem:s5+$0x0]  }
0xde: {  	p0 =	slt.u32 s1, $0x1AC0;
	v11 =	vmul.f32 v11, v8;
	v17 =	vunpack.i.u.bf16.f32 v10;
	v10 =	vunpack.i.l.bf16.f32 v10;
	v16 =	vld [tilespmem:s5+$0xFFFFFFE0]  }
0xdf: {  	v8 =	vmul.f32 v15, v8;
	v10 =	vmul.f32 v10, v7;
	v15 =	vld.idx.msk [tilespmem:v4+s17+$0x0], $0xffff  }
0xe0: {  	v7 =	vmul.f32 v17, v7;
	v18 =	vand.u32 $0xFFFF, v12;
	[tilespmem:v5+s25+$0x0] =	vst.idx.add.f32.msk $0xffff, v11  }
0xe1: {  	v11 =	vshrl.u32 v13, $0x10;
	v13 =	vand.u32 $0xFFFF, v13;
	[tilespmem:v5+s26+$0x0] =	vst.idx.add.f32.msk $0xffff, v8  }
0xe2: {  	v8 =	vshrl.u32 v14, $0x10;
	v4 =	vand.u32 $0xFFFF, v14;
	[tilespmem:v3+s25+$0x0] =	vst.idx.add.f32.msk $0xffff, v10  }
0xe3: {  	v5 =	vshrl.u32 v16, $0x10;
	v10 =	vand.u32 $0xFFFF, v16;
	[tilespmem:v3+s26+$0x0] =	vst.idx.add.f32.msk $0xffff, v7;
	v3 =	vmov v11  }
0xe4: {  	[tilespmem:v1+s26+$0x0] =	vst.idx.add.f32.msk $0xffff, v9;
	v1 =	vmov v2;
	v2 =	vmov v8  }
0xe5: {  	v7 =	vunpack.i.u.bf16.f32 v15;
	v8 =	vunpack.i.l.bf16.f32 v15;
	v11 =	vld.idx.msk [tilespmem:v18+s2+$0x0], $0xffff  }
0xe6: {  	s0 =	sadd.s32 $0x40, s0;
	v15 =	vmul.f32 v8, v6;
	v9 =	vmul.f32 v7, v6;
	v14 =	vld.idx.msk [tilespmem:v13+s2+$0x0], $0xffff  }
0xe7: {  	v16 =	vld [tilespmem:s0+$0x10]  }
0xe8: {  	v17 =	vld.idx.msk [tilespmem:v10+s2+$0x0], $0xffff  }
0xe9: {  	v12 =	vshrl.u32 v12, $0x10;
	v19 =	vld.idx.msk [tilespmem:v4+s2+$0x0], $0xffff  }
0xea: {  	v8 =	vld [tilespmem:s0+$0xFFFFFFE0]  }
0xeb: {  	v20 =	vunpack.i.l.bf16.f32 v11;
	v7 =	vld [tilespmem:s0+$0xFFFFFFF0]  }
0xec: {  	v11 =	vunpack.i.u.bf16.f32 v11;
	v21 =	vunpack.i.u.bf16.f32 v14;
	v6 =	vld [tilespmem:s0+$0x0];
	v20 =	vmul.f32 v20, v16  }
0xed: {  	v14 =	vunpack.i.l.bf16.f32 v14;
	v11 =	vmul.f32 v11, v16;
	[tilespmem:v1+s25+$0x0] =	vst.idx.add.f32.msk $0xffff, v15  }
0xee: {  	v15 =	vunpack.i.u.bf16.f32 v17;
	v17 =	vunpack.i.l.bf16.f32 v17;
	[tilespmem:v12+s23+$0x0] =	vst.idx.add.f32.msk $0xffff, v20  }
0xef: {  	v20 =	vunpack.i.u.bf16.f32 v19;
	v19 =	vunpack.i.l.bf16.f32 v19;
	v17 =	vmul.f32 v17, v8;
	[tilespmem:v12+s24+$0x0] =	vst.idx.add.f32.msk $0xffff, v11  }
0xf0: {  	v11 =	vmul.f32 v15, v8;
	v14 =	vmul.f32 v14, v7;
	v15 =	vld.idx.msk [tilespmem:v18+s17+$0x0], $0xffff  }
0xf1: {  	[tilespmem:v5+s23+$0x0] =	vst.idx.add.f32.msk $0xffff, v17;
	v17 =	vmul.f32 v21, v7;
	v18 =	vmul.f32 v19, v6  }
0xf2: {  	[tilespmem:v5+s24+$0x0] =	vst.idx.add.f32.msk $0xffff, v11;
	v11 =	vmul.f32 v20, v6  }
0xf3: {  	[tilespmem:v3+s23+$0x0] =	vst.idx.add.f32.msk $0xffff, v14  }
0xf4: {  	[tilespmem:v3+s24+$0x0] =	vst.idx.add.f32.msk $0xffff, v17  }
0xf5: {  	[tilespmem:v2+s23+$0x0] =	vst.idx.add.f32.msk $0xffff, v18  }
.Ltmp2:
0xf6: {  	v14 =	vunpack.i.l.bf16.f32 v15;
	[tilespmem:v2+s24+$0x0] =	vst.idx.add.f32.msk $0xffff, v11;
	(pc) =	sbr.rel @p0 .LBB2_7-.Ltmp2, $4  }
0xf7: {  	v15 =	vunpack.i.u.bf16.f32 v15;
	v14 =	vmul.f32 v14, v16;
	v11 =	vld.idx.msk [tilespmem:v10+s17+$0x0], $0xffff  }
0xf8: {  	v10 =	vld.idx.msk [tilespmem:v13+s17+$0x0], $0xffff;
	v13 =	vmul.f32 v15, v16  }
0xf9: {  	[tilespmem:v12+s25+$0x0] =	vst.idx.add.f32.msk $0xffff, v14  }
0xfa: {  	s5 =	sadd.s32 $0x40, s5;
	[tilespmem:v12+s26+$0x0] =	vst.idx.add.f32.msk $0xffff, v13  }
0xfb: {  	_ =	sdelay $0x3  }
0xfc: {  	v4 =	vld.idx.msk [tilespmem:v4+s17+$0x0], $0xffff  }
0xfd: {  	v12 =	vunpack.i.l.bf16.f32 v11  }
0xfe: {  	v12 =	vmul.f32 v12, v8;
	v13 =	vunpack.i.l.bf16.f32 v10  }
0xff: {  	[tilespmem:v1+s26+$0x0] =	vst.idx.add.f32.msk $0xffff, v9;
	s30 =	sadd.s32 $0x1, s30;
	v59 =	vunpack.i.u.bf16.f32 v10;
	v60 =	vmul.f32 v13, v7  }
0x100: {  	v57 =	vunpack.i.u.bf16.f32 v11;
	p0 =	sne.s32 s30, $0x17;
	v61 =	vmul.f32 v59, v7;
	[tilespmem:v5+s25+$0x0] =	vst.idx.add.f32.msk $0xffff, v12  }
.Ltmp3:
0x101: {  	v58 =	vmul.f32 v57, v8;
	[tilespmem:v3+s25+$0x0] =	vst.idx.add.f32.msk $0xffff, v60;
	v62 =	vunpack.i.l.bf16.f32 v4;
	(pc) =	sbr.rel @p0 .LBB2_4-.Ltmp3, $4  }
0x102: {  	[tilespmem:v3+s26+$0x0] =	vst.idx.add.f32.msk $0xffff, v61;
	v3 =	vunpack.i.u.bf16.f32 v4;
	v63 =	vmul.f32 v62, v6  }
0x103: {  	[tilespmem:v5+s26+$0x0] =	vst.idx.add.f32.msk $0xffff, v58;
	v1 =	vmul.f32 v3, v6  }
0x104: {  	[tilespmem:v2+s25+$0x0] =	vst.idx.add.f32.msk $0xffff, v63  }
0x105: {  	[tilespmem:v2+s26+$0x0] =	vst.idx.add.f32.msk $0xffff, v1  }
0x106: {  	_ =	swait.ge [sflag:s20], $0x1B00  }
0x107: {  	[sflag:s20] =	ssyncset.done $0x0  }
0x108: {  	[sflag:s20] =	ssyncadd.s32 $0xFFFFE500  }
0x109: {  	_ =	swait.ge [sflag:s20], $0x1B00  }
0x10a: {  	[sflag:s20] =	ssyncset.done $0x0  }
0x10b: {  	[sflag:s20] =	ssyncadd.s32 $0xFFFFE500  }
0x10c: {  	[tilespmem:s21], [sflag:$0x2] =	stream.linear.gather [hbm4b:s7+s2], $0x1B00, $0x38;
	[tilespmem:$0x15C00] =	vst v63  }
0x10d: {  	s0 =	simm.s32 $0xF020  }
0x10e: {  	[tilespmem:s22], [sflag:$0x2] =	stream.linear.gather [hbm4b:s8+s2], $0x1B00, $0x38;
	[tilespmem:$0x15C00] =	vst v63  }
0x10f: {  	v1 =	vld [tilespmem:s0+$0x10]  }
0x110: {  	v3 =	vld [tilespmem:s0+$0xFFFFFFE0];
	_ =	sdelay $0x3  }
0x111: {  	v2 =	vld [tilespmem:s0+$0xFFFFFFF0];
	v5 =	vand.u32 $0xFFFF, v1  }
0x112: {  	v7 =	vand.u32 $0xFFFF, v3  }
0x113: {  	v4 =	vld [tilespmem:s0+$0x0]  }
0x114: {  	s30 =	simm.s32 $0x12620  }
0x115: {  	v10 =	vld [tilespmem:s30+$0x10]  }
0x116: {  	v6 =	vand.u32 $0xFFFF, v2;
	v9 =	vld.idx.msk [tilespmem:v5+s2+$0x0], $0xffff  }
0x117: {  	v12 =	vld.idx.msk [tilespmem:v7+s2+$0x0], $0xffff  }
0x118: {  	v14 =	vld [tilespmem:s30+$0xFFFFFFE0];
	v8 =	vand.u32 $0xFFFF, v4  }
0x119: {  	v16 =	vld [tilespmem:s30+$0xFFFFFFF0];
	v13 =	vshrl.u32 v1, $0x10  }
0x11a: {  	v17 =	vld [tilespmem:s30+$0x0];
	v3 =	vshrl.u32 v3, $0x10  }
0x11b: {  	s0 =	simm.s32 $0x12660;
	v11 =	vld.idx.msk [tilespmem:v6+s2+$0x0], $0xffff;
	v1 =	vunpack.i.l.bf16.f32 v9  }
0x11c: {  	v61 =	vld [tilespmem:s0+$0x10];
	v18 =	vunpack.i.l.bf16.f32 v12;
	v1 =	vmul.f32 v1, v10  }
0x11d: {  	v15 =	vld.idx.msk [tilespmem:v8+s2+$0x0], $0xffff;
	v9 =	vunpack.i.u.bf16.f32 v9;
	v18 =	vmul.f32 v18, v14  }
0x11e: {  	v2 =	vshrl.u32 v2, $0x10;
	v9 =	vmul.f32 v9, v10;
	[tilespmem:v13+s23+$0x0] =	vst.idx.add.f32.msk $0xffff, v1  }
0x11f: {  	v12 =	vunpack.i.u.bf16.f32 v12;
	[tilespmem:v3+s23+$0x0] =	vst.idx.add.f32.msk $0xffff, v18  }
0x120: {  	v1 =	vshrl.u32 v4, $0x10;
	v4 =	vunpack.i.l.bf16.f32 v11;
	[tilespmem:v13+s24+$0x0] =	vst.idx.add.f32.msk $0xffff, v9;
	v9 =	vmul.f32 v12, v14  }
0x121: {  	v11 =	vunpack.i.u.bf16.f32 v11;
	v4 =	vmul.f32 v4, v16;
	v5 =	vld.idx.msk [tilespmem:v5+s17+$0x0], $0xffff  }
0x122: {  	v54 =	vunpack.i.l.bf16.f32 v15;
	v11 =	vmul.f32 v11, v16;
	[tilespmem:v3+s24+$0x0] =	vst.idx.add.f32.msk $0xffff, v9  }
0x123: {  	v12 =	vmul.f32 v54, v17;
	v9 =	vunpack.i.u.bf16.f32 v15;
	[tilespmem:v2+s23+$0x0] =	vst.idx.add.f32.msk $0xffff, v4  }
0x124: {  	v4 =	vmul.f32 v9, v17;
	[tilespmem:v2+s24+$0x0] =	vst.idx.add.f32.msk $0xffff, v11  }
0x125: {  	[tilespmem:v1+s23+$0x0] =	vst.idx.add.f32.msk $0xffff, v12  }
0x126: {  	[tilespmem:v1+s24+$0x0] =	vst.idx.add.f32.msk $0xffff, v4;
	v4 =	vunpack.i.l.bf16.f32 v5  }
0x127: {  	v7 =	vld.idx.msk [tilespmem:v7+s17+$0x0], $0xffff;
	v4 =	vmul.f32 v4, v10  }
0x128: {  	v6 =	vld.idx.msk [tilespmem:v6+s17+$0x0], $0xffff  }
0x129: {  	s31 =	simm.s32 $0xF060;
	v5 =	vunpack.i.u.bf16.f32 v5;
	[tilespmem:v13+s25+$0x0] =	vst.idx.add.f32.msk $0xffff, v4  }
0x12a: {  	v4 =	vmul.f32 v5, v10;
	v5 =	vld [tilespmem:s31+$0x10]  }
0x12b: {  	v9 =	vld [tilespmem:s31+$0xFFFFFFF0]  }
0x12c: {  	v10 =	vld [tilespmem:s31+$0xFFFFFFE0]  }
0x12d: {  	v11 =	vld [tilespmem:s31+$0x0];
	v55 =	vunpack.i.l.bf16.f32 v6  }
0x12e: {  	v56 =	vld.idx.msk [tilespmem:v8+s17+$0x0], $0xffff;
	v8 =	vmul.f32 v55, v16  }
0x12f: {  	v6 =	vunpack.i.u.bf16.f32 v6;
	[tilespmem:v13+s26+$0x0] =	vst.idx.add.f32.msk $0xffff, v4;
	v57 =	vand.u32 $0xFFFF, v5  }
0x130: {  	v6 =	vmul.f32 v6, v16;
	v4 =	vunpack.i.l.bf16.f32 v7;
	[tilespmem:v2+s25+$0x0] =	vst.idx.add.f32.msk $0xffff, v8  }
0x131: {  	v4 =	vmul.f32 v4, v14;
	v8 =	vld [tilespmem:s0+$0xFFFFFFE0];
	v59 =	vand.u32 $0xFFFF, v10  }
0x132: {  	v58 =	vand.u32 $0xFFFF, v9;
	v7 =	vunpack.i.u.bf16.f32 v7;
	[tilespmem:v2+s26+$0x0] =	vst.idx.add.f32.msk $0xffff, v6  }
0x133: {  	v7 =	vmul.f32 v7, v14;
	[tilespmem:v3+s25+$0x0] =	vst.idx.add.f32.msk $0xffff, v4  }
0x134: {  	v2 =	vld.idx.msk [tilespmem:v57+s2+$0x0], $0xffff  }
0x135: {  	[tilespmem:v3+s26+$0x0] =	vst.idx.add.f32.msk $0xffff, v7  }
0x136: {  	v4 =	vand.u32 $0xFFFF, v11;
	v3 =	vld.idx.msk [tilespmem:v59+s2+$0x0], $0xffff  }
0x137: {  	v60 =	vld.idx.msk [tilespmem:v58+s2+$0x0], $0xffff;
	v20 =	vshrl.u32 v5, $0x10;
	v5 =	vunpack.i.l.bf16.f32 v56  }
0x138: {  	v6 =	vld [tilespmem:s0+$0x0];
	v21 =	vmul.f32 v5, v17  }
0x139: {  	v7 =	vld [tilespmem:s0+$0xFFFFFFF0];
	v5 =	vshrl.u32 v10, $0x10;
	v22 =	vunpack.i.l.bf16.f32 v2  }
0x13a: {  	[tilespmem:v1+s25+$0x0] =	vst.idx.add.f32.msk $0xffff, v21;
	v2 =	vunpack.i.u.bf16.f32 v2;
	v10 =	vmul.f32 v22, v61  }
0x13b: {  	v19 =	vld.idx.msk [tilespmem:v4+s2+$0x0], $0xffff;
	v62 =	vmul.f32 v2, v61;
	v2 =	vshrl.u32 v9, $0x10;
	v9 =	vunpack.i.l.bf16.f32 v3  }
0x13c: {  	v9 =	vmul.f32 v9, v8;
	[tilespmem:v20+s23+$0x0] =	vst.idx.add.f32.msk $0xffff, v10  }
0x13d: {  	v10 =	vunpack.i.u.bf16.f32 v3;
	[tilespmem:v20+s24+$0x0] =	vst.idx.add.f32.msk $0xffff, v62  }
0x13e: {  	v3 =	vshrl.u32 v11, $0x10;
	v11 =	vunpack.i.l.bf16.f32 v60;
	v10 =	vmul.f32 v10, v8;
	[tilespmem:v5+s23+$0x0] =	vst.idx.add.f32.msk $0xffff, v9  }
0x13f: {  	v16 =	vunpack.i.u.bf16.f32 v60;
	v11 =	vmul.f32 v11, v7;
	v14 =	vld.idx.msk [tilespmem:v57+s17+$0x0], $0xffff  }
0x140: {  	v16 =	vmul.f32 v16, v7;
	[tilespmem:v5+s24+$0x0] =	vst.idx.add.f32.msk $0xffff, v10  }
0x141: {  	v9 =	vunpack.i.l.bf16.f32 v19;
	[tilespmem:v2+s23+$0x0] =	vst.idx.add.f32.msk $0xffff, v11  }
0x142: {  	v9 =	vmul.f32 v9, v6;
	v10 =	vunpack.i.u.bf16.f32 v19;
	[tilespmem:v2+s24+$0x0] =	vst.idx.add.f32.msk $0xffff, v16  }
0x143: {  	v10 =	vmul.f32 v10, v6;
	v11 =	vld.idx.msk [tilespmem:v59+s17+$0x0], $0xffff  }
0x144: {  	[tilespmem:v3+s23+$0x0] =	vst.idx.add.f32.msk $0xffff, v9;
	v9 =	vunpack.i.l.bf16.f32 v14  }
0x145: {  	[tilespmem:v3+s24+$0x0] =	vst.idx.add.f32.msk $0xffff, v10;
	v14 =	vunpack.i.u.bf16.f32 v14;
	v9 =	vmul.f32 v9, v61  }
0x146: {  	v10 =	vld.idx.msk [tilespmem:v58+s17+$0x0], $0xffff;
	v63 =	vmul.f32 v14, v61  }
0x147: {  	v13 =	vunpack.i.u.bf16.f32 v56;
	[tilespmem:v20+s25+$0x0] =	vst.idx.add.f32.msk $0xffff, v9  }
0x148: {  	s1 =	simm.s32 $0x40;
	s5 =	simm.s32 $0xF0A0;
	v9 =	vmul.f32 v13, v17;
	[tilespmem:v20+s26+$0x0] =	vst.idx.add.f32.msk $0xffff, v63  }
.LBB2_10:
0x149: {  	v12 =	vld [tilespmem:s5+$0x10]  }
0x14a: {  	v13 =	vld [tilespmem:s5+$0xFFFFFFF0]  }
0x14b: {  	s1 =	sadd.s32 $0x40, s1;
	v15 =	vunpack.i.u.bf16.f32 v11;
	v11 =	vunpack.i.l.bf16.f32 v11;
	v14 =	vld [tilespmem:s5+$0x0]  }
0x14c: {  	p0 =	slt.u32 s1, $0x1AC0;
	v11 =	vmul.f32 v11, v8;
	v17 =	vunpack.i.u.bf16.f32 v10;
	v10 =	vunpack.i.l.bf16.f32 v10;
	v16 =	vld [tilespmem:s5+$0xFFFFFFE0]  }
0x14d: {  	v8 =	vmul.f32 v15, v8;
	v10 =	vmul.f32 v10, v7;
	v15 =	vld.idx.msk [tilespmem:v4+s17+$0x0], $0xffff  }
0x14e: {  	v7 =	vmul.f32 v17, v7;
	v18 =	vand.u32 $0xFFFF, v12;
	[tilespmem:v5+s25+$0x0] =	vst.idx.add.f32.msk $0xffff, v11  }
0x14f: {  	v11 =	vshrl.u32 v13, $0x10;
	v13 =	vand.u32 $0xFFFF, v13;
	[tilespmem:v5+s26+$0x0] =	vst.idx.add.f32.msk $0xffff, v8  }
0x150: {  	v8 =	vshrl.u32 v14, $0x10;
	v4 =	vand.u32 $0xFFFF, v14;
	[tilespmem:v2+s25+$0x0] =	vst.idx.add.f32.msk $0xffff, v10  }
0x151: {  	v5 =	vshrl.u32 v16, $0x10;
	v10 =	vand.u32 $0xFFFF, v16;
	[tilespmem:v2+s26+$0x0] =	vst.idx.add.f32.msk $0xffff, v7;
	v2 =	vmov v11  }
0x152: {  	[tilespmem:v1+s26+$0x0] =	vst.idx.add.f32.msk $0xffff, v9;
	v1 =	vmov v3;
	v3 =	vmov v8  }
0x153: {  	v7 =	vunpack.i.u.bf16.f32 v15;
	v8 =	vunpack.i.l.bf16.f32 v15;
	v11 =	vld.idx.msk [tilespmem:v18+s2+$0x0], $0xffff  }
0x154: {  	s0 =	sadd.s32 $0x40, s0;
	v15 =	vmul.f32 v8, v6;
	v9 =	vmul.f32 v7, v6;
	v14 =	vld.idx.msk [tilespmem:v13+s2+$0x0], $0xffff  }
0x155: {  	v16 =	vld [tilespmem:s0+$0x10]  }
0x156: {  	v17 =	vld.idx.msk [tilespmem:v10+s2+$0x0], $0xffff  }
0x157: {  	v12 =	vshrl.u32 v12, $0x10;
	v19 =	vld.idx.msk [tilespmem:v4+s2+$0x0], $0xffff  }
0x158: {  	v8 =	vld [tilespmem:s0+$0xFFFFFFE0]  }
0x159: {  	v20 =	vunpack.i.l.bf16.f32 v11;
	v7 =	vld [tilespmem:s0+$0xFFFFFFF0]  }
0x15a: {  	v11 =	vunpack.i.u.bf16.f32 v11;
	v21 =	vunpack.i.u.bf16.f32 v14;
	v6 =	vld [tilespmem:s0+$0x0];
	v20 =	vmul.f32 v20, v16  }
0x15b: {  	v14 =	vunpack.i.l.bf16.f32 v14;
	v11 =	vmul.f32 v11, v16;
	[tilespmem:v1+s25+$0x0] =	vst.idx.add.f32.msk $0xffff, v15  }
0x15c: {  	v15 =	vunpack.i.u.bf16.f32 v17;
	v17 =	vunpack.i.l.bf16.f32 v17;
	[tilespmem:v12+s23+$0x0] =	vst.idx.add.f32.msk $0xffff, v20  }
0x15d: {  	v20 =	vunpack.i.u.bf16.f32 v19;
	v19 =	vunpack.i.l.bf16.f32 v19;
	v17 =	vmul.f32 v17, v8;
	[tilespmem:v12+s24+$0x0] =	vst.idx.add.f32.msk $0xffff, v11  }
0x15e: {  	v11 =	vmul.f32 v15, v8;
	v14 =	vmul.f32 v14, v7;
	v15 =	vld.idx.msk [tilespmem:v18+s17+$0x0], $0xffff  }
0x15f: {  	[tilespmem:v5+s23+$0x0] =	vst.idx.add.f32.msk $0xffff, v17;
	v17 =	vmul.f32 v21, v7;
	v18 =	vmul.f32 v19, v6  }
0x160: {  	[tilespmem:v5+s24+$0x0] =	vst.idx.add.f32.msk $0xffff, v11;
	v11 =	vmul.f32 v20, v6  }
0x161: {  	[tilespmem:v2+s23+$0x0] =	vst.idx.add.f32.msk $0xffff, v14  }
0x162: {  	[tilespmem:v2+s24+$0x0] =	vst.idx.add.f32.msk $0xffff, v17  }
0x163: {  	[tilespmem:v3+s23+$0x0] =	vst.idx.add.f32.msk $0xffff, v18  }
.Ltmp4:
0x164: {  	v14 =	vunpack.i.l.bf16.f32 v15;
	[tilespmem:v3+s24+$0x0] =	vst.idx.add.f32.msk $0xffff, v11;
	(pc) =	sbr.rel @p0 .LBB2_10-.Ltmp4, $4  }
0x165: {  	v15 =	vunpack.i.u.bf16.f32 v15;
	v14 =	vmul.f32 v14, v16;
	v11 =	vld.idx.msk [tilespmem:v10+s17+$0x0], $0xffff  }
0x166: {  	v10 =	vld.idx.msk [tilespmem:v13+s17+$0x0], $0xffff;
	v13 =	vmul.f32 v15, v16  }
0x167: {  	[tilespmem:v12+s25+$0x0] =	vst.idx.add.f32.msk $0xffff, v14  }
0x168: {  	s5 =	sadd.s32 $0x40, s5;
	[tilespmem:v12+s26+$0x0] =	vst.idx.add.f32.msk $0xffff, v13  }
0x169: {  	_ =	sdelay $0x3  }
0x16a: {  	v4 =	vld.idx.msk [tilespmem:v4+s17+$0x0], $0xffff;
	v12 =	vunpack.i.l.bf16.f32 v11  }
0x16b: {  	v11 =	vunpack.i.u.bf16.f32 v11;
	v12 =	vmul.f32 v12, v8  }
0x16c: {  	v13 =	vunpack.i.l.bf16.f32 v10;
	v8 =	vmul.f32 v11, v8  }
0x16d: {  	v10 =	vunpack.i.u.bf16.f32 v10;
	v11 =	vmul.f32 v13, v7;
	[tilespmem:v5+s25+$0x0] =	vst.idx.add.f32.msk $0xffff, v12  }
0x16e: {  	v7 =	vmul.f32 v10, v7;
	[tilespmem:v5+s26+$0x0] =	vst.idx.add.f32.msk $0xffff, v8  }
0x16f: {  	[tilespmem:v2+s25+$0x0] =	vst.idx.add.f32.msk $0xffff, v11;
	v5 =	vunpack.i.l.bf16.f32 v4  }
0x170: {  	[tilespmem:v2+s26+$0x0] =	vst.idx.add.f32.msk $0xffff, v7;
	v2 =	vunpack.i.u.bf16.f32 v4;
	v4 =	vmul.f32 v5, v6  }
0x171: {  	[tilespmem:v1+s26+$0x0] =	vst.idx.add.f32.msk $0xffff, v9;
	v1 =	vmul.f32 v2, v6  }
0x172: {  	[tilespmem:v3+s25+$0x0] =	vst.idx.add.f32.msk $0xffff, v4  }
0x173: {  	[tilespmem:v3+s26+$0x0] =	vst.idx.add.f32.msk $0xffff, v1  }
0x174: {  	_ =	swait.ge [sflag:s28], $0x1B00  }
0x175: {  	[sflag:s28] =	ssyncset.done $0x0  }
0x176: {  	[sflag:s28] =	ssyncadd.s32 $0xFFFFE500  }
0x177: {  	_ =	swait.ge [sflag:s28], $0x1B00  }
0x178: {  	[sflag:s28] =	ssyncset.done $0x0  }
0x179: {  	s0 =	simm.s32 $0x10B20;
	[sflag:s28] =	ssyncadd.s32 $0xFFFFE500  }
0x17a: {  	v1 =	vld [tilespmem:s0+$0x10]  }
0x17b: {  	v3 =	vld [tilespmem:s0+$0xFFFFFFE0];
	_ =	sdelay $0x3  }
0x17c: {  	v2 =	vld [tilespmem:s0+$0xFFFFFFF0];
	v5 =	vand.u32 $0xFFFF, v1  }
0x17d: {  	v7 =	vand.u32 $0xFFFF, v3  }
0x17e: {  	v4 =	vld [tilespmem:s0+$0x0]  }
0x17f: {  	s30 =	simm.s32 $0x14120  }
0x180: {  	v10 =	vld [tilespmem:s30+$0x10]  }
0x181: {  	v6 =	vand.u32 $0xFFFF, v2;
	v9 =	vld.idx.msk [tilespmem:v5+s2+$0x0], $0xffff  }
0x182: {  	v52 =	vld.idx.msk [tilespmem:v7+s2+$0x0], $0xffff  }
0x183: {  	v14 =	vld [tilespmem:s30+$0xFFFFFFE0];
	v8 =	vand.u32 $0xFFFF, v4  }
0x184: {  	v16 =	vld [tilespmem:s30+$0xFFFFFFF0];
	v53 =	vshrl.u32 v1, $0x10  }
0x185: {  	v17 =	vld [tilespmem:s30+$0x0];
	v3 =	vshrl.u32 v3, $0x10  }
0x186: {  	s0 =	simm.s32 $0x14160;
	v11 =	vld.idx.msk [tilespmem:v6+s2+$0x0], $0xffff;
	v1 =	vunpack.i.l.bf16.f32 v9  }
0x187: {  	v61 =	vld [tilespmem:s0+$0x10];
	v18 =	vunpack.i.l.bf16.f32 v52;
	v1 =	vmul.f32 v1, v10  }
0x188: {  	v15 =	vld.idx.msk [tilespmem:v8+s2+$0x0], $0xffff;
	v9 =	vunpack.i.u.bf16.f32 v9;
	v18 =	vmul.f32 v18, v14  }
0x189: {  	v2 =	vshrl.u32 v2, $0x10;
	v9 =	vmul.f32 v9, v10;
	[tilespmem:v53+s23+$0x0] =	vst.idx.add.f32.msk $0xffff, v1  }
0x18a: {  	v12 =	vunpack.i.u.bf16.f32 v52;
	[tilespmem:v3+s23+$0x0] =	vst.idx.add.f32.msk $0xffff, v18  }
0x18b: {  	v1 =	vshrl.u32 v4, $0x10;
	v4 =	vunpack.i.l.bf16.f32 v11;
	[tilespmem:v53+s24+$0x0] =	vst.idx.add.f32.msk $0xffff, v9;
	v9 =	vmul.f32 v12, v14  }
0x18c: {  	v11 =	vunpack.i.u.bf16.f32 v11;
	v4 =	vmul.f32 v4, v16;
	v5 =	vld.idx.msk [tilespmem:v5+s17+$0x0], $0xffff  }
0x18d: {  	v54 =	vunpack.i.l.bf16.f32 v15;
	v11 =	vmul.f32 v11, v16;
	[tilespmem:v3+s24+$0x0] =	vst.idx.add.f32.msk $0xffff, v9  }
0x18e: {  	v12 =	vmul.f32 v54, v17;
	v9 =	vunpack.i.u.bf16.f32 v15;
	[tilespmem:v2+s23+$0x0] =	vst.idx.add.f32.msk $0xffff, v4  }
0x18f: {  	v4 =	vmul.f32 v9, v17;
	[tilespmem:v2+s24+$0x0] =	vst.idx.add.f32.msk $0xffff, v11  }
0x190: {  	[tilespmem:v1+s23+$0x0] =	vst.idx.add.f32.msk $0xffff, v12  }
0x191: {  	[tilespmem:v1+s24+$0x0] =	vst.idx.add.f32.msk $0xffff, v4;
	v4 =	vunpack.i.l.bf16.f32 v5  }
0x192: {  	v7 =	vld.idx.msk [tilespmem:v7+s17+$0x0], $0xffff;
	v4 =	vmul.f32 v4, v10  }
0x193: {  	v6 =	vld.idx.msk [tilespmem:v6+s17+$0x0], $0xffff  }
0x194: {  	s31 =	simm.s32 $0x10B60;
	v5 =	vunpack.i.u.bf16.f32 v5;
	[tilespmem:v53+s25+$0x0] =	vst.idx.add.f32.msk $0xffff, v4  }
0x195: {  	v4 =	vmul.f32 v5, v10;
	v5 =	vld [tilespmem:s31+$0x10]  }
0x196: {  	v9 =	vld [tilespmem:s31+$0xFFFFFFF0]  }
0x197: {  	v10 =	vld [tilespmem:s31+$0xFFFFFFE0]  }
0x198: {  	v11 =	vld [tilespmem:s31+$0x0];
	v55 =	vunpack.i.l.bf16.f32 v6  }
0x199: {  	v56 =	vld.idx.msk [tilespmem:v8+s17+$0x0], $0xffff;
	v8 =	vmul.f32 v55, v16  }
0x19a: {  	v6 =	vunpack.i.u.bf16.f32 v6;
	[tilespmem:v53+s26+$0x0] =	vst.idx.add.f32.msk $0xffff, v4;
	v57 =	vand.u32 $0xFFFF, v5  }
0x19b: {  	v6 =	vmul.f32 v6, v16;
	v4 =	vunpack.i.l.bf16.f32 v7;
	[tilespmem:v2+s25+$0x0] =	vst.idx.add.f32.msk $0xffff, v8  }
0x19c: {  	v4 =	vmul.f32 v4, v14;
	v8 =	vld [tilespmem:s0+$0xFFFFFFE0];
	v59 =	vand.u32 $0xFFFF, v10  }
0x19d: {  	v58 =	vand.u32 $0xFFFF, v9;
	v7 =	vunpack.i.u.bf16.f32 v7;
	[tilespmem:v2+s26+$0x0] =	vst.idx.add.f32.msk $0xffff, v6  }
0x19e: {  	v7 =	vmul.f32 v7, v14;
	[tilespmem:v3+s25+$0x0] =	vst.idx.add.f32.msk $0xffff, v4  }
0x19f: {  	v2 =	vld.idx.msk [tilespmem:v57+s2+$0x0], $0xffff  }
0x1a0: {  	[tilespmem:v3+s26+$0x0] =	vst.idx.add.f32.msk $0xffff, v7  }
0x1a1: {  	v4 =	vand.u32 $0xFFFF, v11;
	v3 =	vld.idx.msk [tilespmem:v59+s2+$0x0], $0xffff  }
0x1a2: {  	v60 =	vld.idx.msk [tilespmem:v58+s2+$0x0], $0xffff;
	v20 =	vshrl.u32 v5, $0x10;
	v5 =	vunpack.i.l.bf16.f32 v56  }
0x1a3: {  	v6 =	vld [tilespmem:s0+$0x0];
	v21 =	vmul.f32 v5, v17  }
0x1a4: {  	v7 =	vld [tilespmem:s0+$0xFFFFFFF0];
	v5 =	vshrl.u32 v10, $0x10;
	v22 =	vunpack.i.l.bf16.f32 v2  }
0x1a5: {  	[tilespmem:v1+s25+$0x0] =	vst.idx.add.f32.msk $0xffff, v21;
	v2 =	vunpack.i.u.bf16.f32 v2;
	v10 =	vmul.f32 v22, v61  }
0x1a6: {  	v19 =	vld.idx.msk [tilespmem:v4+s2+$0x0], $0xffff;
	v62 =	vmul.f32 v2, v61;
	v2 =	vshrl.u32 v9, $0x10;
	v9 =	vunpack.i.l.bf16.f32 v3  }
0x1a7: {  	v9 =	vmul.f32 v9, v8;
	[tilespmem:v20+s23+$0x0] =	vst.idx.add.f32.msk $0xffff, v10  }
0x1a8: {  	v10 =	vunpack.i.u.bf16.f32 v3;
	[tilespmem:v20+s24+$0x0] =	vst.idx.add.f32.msk $0xffff, v62  }
0x1a9: {  	v3 =	vshrl.u32 v11, $0x10;
	v11 =	vunpack.i.l.bf16.f32 v60;
	v10 =	vmul.f32 v10, v8;
	[tilespmem:v5+s23+$0x0] =	vst.idx.add.f32.msk $0xffff, v9  }
0x1aa: {  	v16 =	vunpack.i.u.bf16.f32 v60;
	v11 =	vmul.f32 v11, v7;
	v14 =	vld.idx.msk [tilespmem:v57+s17+$0x0], $0xffff  }
0x1ab: {  	v16 =	vmul.f32 v16, v7;
	[tilespmem:v5+s24+$0x0] =	vst.idx.add.f32.msk $0xffff, v10  }
0x1ac: {  	v9 =	vunpack.i.l.bf16.f32 v19;
	[tilespmem:v2+s23+$0x0] =	vst.idx.add.f32.msk $0xffff, v11  }
0x1ad: {  	v9 =	vmul.f32 v9, v6;
	v10 =	vunpack.i.u.bf16.f32 v19;
	[tilespmem:v2+s24+$0x0] =	vst.idx.add.f32.msk $0xffff, v16  }
0x1ae: {  	v10 =	vmul.f32 v10, v6;
	v11 =	vld.idx.msk [tilespmem:v59+s17+$0x0], $0xffff  }
0x1af: {  	[tilespmem:v3+s23+$0x0] =	vst.idx.add.f32.msk $0xffff, v9;
	v9 =	vunpack.i.l.bf16.f32 v14  }
0x1b0: {  	[tilespmem:v3+s24+$0x0] =	vst.idx.add.f32.msk $0xffff, v10;
	v14 =	vunpack.i.u.bf16.f32 v14;
	v9 =	vmul.f32 v9, v61  }
0x1b1: {  	v10 =	vld.idx.msk [tilespmem:v58+s17+$0x0], $0xffff;
	v63 =	vmul.f32 v14, v61  }
0x1b2: {  	v13 =	vunpack.i.u.bf16.f32 v56;
	[tilespmem:v20+s25+$0x0] =	vst.idx.add.f32.msk $0xffff, v9  }
0x1b3: {  	s1 =	simm.s32 $0x40;
	s5 =	simm.s32 $0x10BA0;
	v9 =	vmul.f32 v13, v17;
	[tilespmem:v20+s26+$0x0] =	vst.idx.add.f32.msk $0xffff, v63  }
.LBB2_12:
0x1b4: {  	v12 =	vld [tilespmem:s5+$0x10]  }
0x1b5: {  	v13 =	vld [tilespmem:s5+$0xFFFFFFF0]  }
0x1b6: {  	s1 =	sadd.s32 $0x40, s1;
	v15 =	vunpack.i.u.bf16.f32 v11;
	v11 =	vunpack.i.l.bf16.f32 v11;
	v14 =	vld [tilespmem:s5+$0x0]  }
0x1b7: {  	p0 =	slt.u32 s1, $0x1AC0;
	v11 =	vmul.f32 v11, v8;
	v17 =	vunpack.i.u.bf16.f32 v10;
	v10 =	vunpack.i.l.bf16.f32 v10;
	v16 =	vld [tilespmem:s5+$0xFFFFFFE0]  }
0x1b8: {  	v8 =	vmul.f32 v15, v8;
	v10 =	vmul.f32 v10, v7;
	v15 =	vld.idx.msk [tilespmem:v4+s17+$0x0], $0xffff  }
0x1b9: {  	v7 =	vmul.f32 v17, v7;
	v18 =	vand.u32 $0xFFFF, v12;
	[tilespmem:v5+s25+$0x0] =	vst.idx.add.f32.msk $0xffff, v11  }
0x1ba: {  	v11 =	vshrl.u32 v13, $0x10;
	v13 =	vand.u32 $0xFFFF, v13;
	[tilespmem:v5+s26+$0x0] =	vst.idx.add.f32.msk $0xffff, v8  }
0x1bb: {  	v8 =	vshrl.u32 v14, $0x10;
	v4 =	vand.u32 $0xFFFF, v14;
	[tilespmem:v2+s25+$0x0] =	vst.idx.add.f32.msk $0xffff, v10  }
0x1bc: {  	v5 =	vshrl.u32 v16, $0x10;
	v10 =	vand.u32 $0xFFFF, v16;
	[tilespmem:v2+s26+$0x0] =	vst.idx.add.f32.msk $0xffff, v7;
	v2 =	vmov v11  }
0x1bd: {  	[tilespmem:v1+s26+$0x0] =	vst.idx.add.f32.msk $0xffff, v9;
	v1 =	vmov v3;
	v3 =	vmov v8  }
0x1be: {  	v7 =	vunpack.i.u.bf16.f32 v15;
	v8 =	vunpack.i.l.bf16.f32 v15;
	v11 =	vld.idx.msk [tilespmem:v18+s2+$0x0], $0xffff  }
0x1bf: {  	s0 =	sadd.s32 $0x40, s0;
	v15 =	vmul.f32 v8, v6;
	v9 =	vmul.f32 v7, v6;
	v14 =	vld.idx.msk [tilespmem:v13+s2+$0x0], $0xffff  }
0x1c0: {  	v16 =	vld [tilespmem:s0+$0x10]  }
0x1c1: {  	v17 =	vld.idx.msk [tilespmem:v10+s2+$0x0], $0xffff  }
0x1c2: {  	v12 =	vshrl.u32 v12, $0x10;
	v19 =	vld.idx.msk [tilespmem:v4+s2+$0x0], $0xffff  }
0x1c3: {  	v8 =	vld [tilespmem:s0+$0xFFFFFFE0]  }
0x1c4: {  	v20 =	vunpack.i.l.bf16.f32 v11;
	v7 =	vld [tilespmem:s0+$0xFFFFFFF0]  }
0x1c5: {  	v11 =	vunpack.i.u.bf16.f32 v11;
	v21 =	vunpack.i.u.bf16.f32 v14;
	v6 =	vld [tilespmem:s0+$0x0];
	v20 =	vmul.f32 v20, v16  }
0x1c6: {  	v14 =	vunpack.i.l.bf16.f32 v14;
	v11 =	vmul.f32 v11, v16;
	[tilespmem:v1+s25+$0x0] =	vst.idx.add.f32.msk $0xffff, v15  }
0x1c7: {  	v15 =	vunpack.i.u.bf16.f32 v17;
	v17 =	vunpack.i.l.bf16.f32 v17;
	[tilespmem:v12+s23+$0x0] =	vst.idx.add.f32.msk $0xffff, v20  }
0x1c8: {  	v20 =	vunpack.i.u.bf16.f32 v19;
	v19 =	vunpack.i.l.bf16.f32 v19;
	v17 =	vmul.f32 v17, v8;
	[tilespmem:v12+s24+$0x0] =	vst.idx.add.f32.msk $0xffff, v11  }
0x1c9: {  	v11 =	vmul.f32 v15, v8;
	v14 =	vmul.f32 v14, v7;
	v15 =	vld.idx.msk [tilespmem:v18+s17+$0x0], $0xffff  }
0x1ca: {  	[tilespmem:v5+s23+$0x0] =	vst.idx.add.f32.msk $0xffff, v17;
	v17 =	vmul.f32 v21, v7;
	v18 =	vmul.f32 v19, v6  }
0x1cb: {  	[tilespmem:v5+s24+$0x0] =	vst.idx.add.f32.msk $0xffff, v11;
	v11 =	vmul.f32 v20, v6  }
0x1cc: {  	[tilespmem:v2+s23+$0x0] =	vst.idx.add.f32.msk $0xffff, v14  }
0x1cd: {  	[tilespmem:v2+s24+$0x0] =	vst.idx.add.f32.msk $0xffff, v17  }
0x1ce: {  	[tilespmem:v3+s23+$0x0] =	vst.idx.add.f32.msk $0xffff, v18  }
.Ltmp5:
0x1cf: {  	v14 =	vunpack.i.l.bf16.f32 v15;
	[tilespmem:v3+s24+$0x0] =	vst.idx.add.f32.msk $0xffff, v11;
	(pc) =	sbr.rel @p0 .LBB2_12-.Ltmp5, $4  }
0x1d0: {  	v15 =	vunpack.i.u.bf16.f32 v15;
	v14 =	vmul.f32 v14, v16;
	v11 =	vld.idx.msk [tilespmem:v10+s17+$0x0], $0xffff  }
0x1d1: {  	v10 =	vld.idx.msk [tilespmem:v13+s17+$0x0], $0xffff;
	v13 =	vmul.f32 v15, v16  }
0x1d2: {  	[tilespmem:v12+s25+$0x0] =	vst.idx.add.f32.msk $0xffff, v14  }
0x1d3: {  	s5 =	sadd.s32 $0x40, s5;
	[tilespmem:v12+s26+$0x0] =	vst.idx.add.f32.msk $0xffff, v13  }
0x1d4: {  	_ =	sdelay $0x3  }
0x1d5: {  	v4 =	vld.idx.msk [tilespmem:v4+s17+$0x0], $0xffff  }
0x1d6: {  	v12 =	vunpack.i.l.bf16.f32 v11  }
0x1d7: {  	v12 =	vmul.f32 v12, v8;
	v13 =	vunpack.i.l.bf16.f32 v10  }
0x1d8: {  	[tilespmem:v1+s26+$0x0] =	vst.idx.add.f32.msk $0xffff, v9;
	v59 =	vunpack.i.u.bf16.f32 v10;
	v60 =	vmul.f32 v13, v7  }
0x1d9: {  	v57 =	vunpack.i.u.bf16.f32 v11;
	v61 =	vmul.f32 v59, v7;
	[tilespmem:v5+s25+$0x0] =	vst.idx.add.f32.msk $0xffff, v12  }
0x1da: {  	v58 =	vmul.f32 v57, v8;
	[tilespmem:v2+s25+$0x0] =	vst.idx.add.f32.msk $0xffff, v60;
	v62 =	vunpack.i.l.bf16.f32 v4  }
0x1db: {  	[tilespmem:v2+s26+$0x0] =	vst.idx.add.f32.msk $0xffff, v61;
	v2 =	vunpack.i.u.bf16.f32 v4;
	v63 =	vmul.f32 v62, v6  }
0x1dc: {  	[tilespmem:v5+s26+$0x0] =	vst.idx.add.f32.msk $0xffff, v58;
	v1 =	vmul.f32 v2, v6  }
0x1dd: {  	[tilespmem:v3+s25+$0x0] =	vst.idx.add.f32.msk $0xffff, v63  }
0x1de: {  	[tilespmem:v3+s26+$0x0] =	vst.idx.add.f32.msk $0xffff, v1  }
0x1df: {  	[hbm4b:s9+s14] =	stream.strided.scatter [tilespmem:s23], [sflag:$0x3], $0x2800, s15, s14, $0x38;
	[tilespmem:$0x15C00] =	vst v63  }
0x1e0: {  	_ =	swait.ge [sflag:s16], $0x2800  }
0x1e1: {  	[sflag:s16] =	ssyncset.done $0x0  }
0x1e2: {  	[sflag:s16] =	ssyncadd.s32 $0xFFFFD800  }
0x1e3: {  	[hbm4b:s10+s14] =	stream.strided.scatter [tilespmem:s25], [sflag:$0x3], $0x2800, s15, s14, $0x38;
	[tilespmem:$0x15C00] =	vst v63  }
0x1e4: {  	_ =	swait.ge [sflag:s16], $0x2800  }
0x1e5: {  	[sflag:s16] =	ssyncset.done $0x0  }
0x1e6: {  	[sflag:s16] =	ssyncadd.s32 $0xFFFFD800  }
0x1e7: {  	[hbm4b:s11+s14] =	stream.strided.scatter [tilespmem:s24], [sflag:$0x3], $0x2800, s15, s14, $0x38;
	[tilespmem:$0x15C00] =	vst v63  }
0x1e8: {  	s29 =	sadd.s32 $0x1, s29;
	_ =	swait.ge [sflag:s16], $0x2800  }
0x1e9: {  	p0 =	sne.s32 s29, s13;
	[sflag:s16] =	ssyncset.done $0x0  }
.Ltmp6:
0x1ea: {  	[sflag:s16] =	ssyncadd.s32 $0xFFFFD800;
	(pc) =	sbr.rel @p0 .LBB2_1-.Ltmp6, $4  }
0x1eb: {  	[hbm4b:s12+s14] =	stream.strided.scatter [tilespmem:s26], [sflag:$0x3], $0x2800, s15, s14, $0x38;
	[tilespmem:$0x15C00] =	vst v63  }
0x1ec: {  	_ =	swait.ge [sflag:s16], $0x2800  }
0x1ed: {  	[sflag:s16] =	ssyncset.done $0x0  }
0x1ee: {  	[sflag:s16] =	ssyncadd.s32 $0xFFFFD800  }
0x1ef: {  	_ =	sfence.sel $0x180000  }
0x1f0: {  	[bflag:$0x0] =	sbarrier.arrive $0xFFFF  }
0x1f1: {  	_ =	strace $0x9000004A  }
0x1f2: {  	s0 =	stileid.u32;
	[bflag:$0x2] =	sbarrier.arrive $0xFFFF  }
0x1f3: {  	p0 =	sne.s32 s0, $0x0;
	s0 =	rddreg [dreg:$0x1]  }
0x1f4: {  	s0 =	sadd.s32 @!p0 $0x100000, s0  }
0x1f5: {  	[sflag:s0] =	ssyncadd.tile.s32 @!p0 $0x1;
	_ =	shalt  }
.Lfunc_end2:
_tile_overlayer_lowered:
.L_overlay_start_2:
0x1f6: {  	(tag) =	ssettag $0x2  }
0x1f7: {  	s0 =	rddreg [dreg:$0x0];
	s2 =	stileid.u32  }
0x1f8: {  	s1 =	rddreg [dreg:$0x1];
	p0 =	sne.s32 s2, $0x0  }
0x1f9: {  	s3 =	rddreg [dreg:$0x2];
	[bflag:$0x3] =	sbarrier.arrive $0xFFFF;
	s2 =	simm.s32 @!p0 $0x1C03  }
0x1fa: {  	[timem:s3], [sflag:s2] =	dma.local @!p0 [hbm:s0], s1  }
0x1fb: {  	s0 =	simm.s32 @!p0 $0x3  }
0x1fc: {  	_ =	swait.ge @!p0 [sflag:s0], s1  }
0x1fd: {  	s1 =	ssub.s32 @!p0 $0x0, s1;
	[sflag:s0] =	ssyncset.done @!p0 $0x0  }
0x1fe: {  	[sflag:s0] =	ssyncadd.s32 @!p0 s1  }
0x1ff: {  	[bflag:$0x3] =	sbarrier.arrive $0xFFFF  }
0x200: {  	_ =	shalt  }

// kernel: kernel.15.cloned.1.call-start
scs
__scs_entry_jumppad:
0x0: {  	(pc) =	sbr.rel $0x88, $3  }
0x1: {  	(tag) =	ssettag $0x0;
	lr =	simm.s32 $0x1  }
0x2: {  	[smem:$0x3F94] =	sst lr;
	_ =	strace $0xD0000000  }
0x3: {  	_ = 	snop  }
0x4: {  	_ = 	snop  }
0x5: {  	_ = 	snop  }
0x6: {  	_ = 	snop  }
0x7: {  	_ = 	snop  }
__scs_overlays_trampoline_lowered:
0x8: {  	[smem:$0x3FA3] =	sst s0  }
0x9: {  	[smem:$0x3FA4] =	sst s1  }
0xa: {  	[smem:$0x3FA5] =	sst s2  }
0xb: {  	[smem:$0x3FA6] =	sst s3  }
0xc: {  	[smem:$0x3FA7] =	sst s4  }
0xd: {  	[smem:$0x3FA8] =	sst s5  }
0xe: {  	[smem:$0x3FA9] =	sst s6  }
0xf: {  	[smem:$0x3FAA] =	sst s7  }
0x10: {  	[smem:$0x3FAB] =	sst s8  }
0x11: {  	[smem:$0x3FAC] =	sst s9;
	s0 =	simm.s32 @!p0 $0x0  }
0x12: {  	s1 =	sld [smem:$0x3F92];
	s0 =	simm.s32 @p0 $0x1  }
0x13: {  	[smem:$0x3FAD] =	sst s0;
	s0 =	simm.s32 @!p1 $0x0  }
0x14: {  	s2 =	sld [smem:$0x3F91];
	s0 =	simm.s32 @p1 $0x1  }
0x15: {  	[smem:$0x3FAE] =	sst s0;
	s0 =	simm.s32 @!p2 $0x0  }
0x16: {  	s3 =	sld [smem:$0x3FDB];
	s0 =	simm.s32 @p2 $0x1  }
0x17: {  	s4 =	simm.s32 $0x1BF5;
	[smem:$0x3FB0] =	sst s0  }
0x18: {  	s0 =	sld [smem:$0x3F93];
	_ =	swait.ge [sflag:s4], $0x0  }
0x19: {  	s7 =	sld [smem:$0x3F94]  }
0x1a: {  	s8 =	sadd.s32 $0xFFFFE003, lr  }
0x1b: {  	s9 =	sadd.s32 $0xFFFFFEF7, lr;
	s5 =	simm.s32 $0xFFFFFFFF;
	p2 =	slt.u32 s8, $0xFFFFF086  }
0x1c: {  	p1 =	slt.u32 s9, $0xF7A;
	s5 =	simm.s32 @!p2 $0x0  }
0x1d: {  	s5 =	simm.s32 @p1 $0x1;
	p0 =	seq.s32 s7, s2  }
0x1e: {  	s7 =	smul.u32 @!p0 $0xF7A, s2;
	p2 =	seq.s32 @!p0 s5, $0x0  }
0x1f: {  	s9 =	smul.u32 $0xF7A, s1;
	s8 =	simm.s32 @!p0 $0x1BF5;
	p2 =	por !p2, p0  }
0x20: {  	[sflag:s8] =	ssyncset.s32 @!p0 $0xFFFFF086;
	s6 =	sadd.s32 @!p0 s3, s7;
	s7 =	simm.s32 @!p0 $0x108  }
0x21: {  	s3 =	sadd.s32 s3, s9;
	s6 =	sadd.s32 @!p0 $0x88, s6;
	s7 =	simm.s32 @p2 $0x1082  }
0x22: {  	[simem:s7], [sflag:s8] =	dma.local @!p0 [hbm:s6], $0xF7A  }
0x23: {  	s9 =	sor.u32 $0xD0000000, s2;
	s6 =	simm.s32 $0x108;
	_ =	swait.ge @!p0 [sflag:s8], $0x0  }
0x24: {  	s3 =	sadd.s32 $0x88, s3;
	s6 =	simm.s32 @!p1 $0x1082;
	[sflag:s4] =	ssyncset.s32 $0xFFFFF086  }
0x25: {  	[simem:s6], [sflag:s4] =	dma.local [hbm:s3], $0xF7A  }
0x26: {  	[smem:$0x3F94] =	sst s1;
	(tag) =	ssettag s2;
	_ =	strace s9  }
0x27: {  	s1 =	sld [smem:$0x3FA4]  }
0x28: {  	s2 =	sld [smem:$0x3FA5]  }
0x29: {  	s4 =	sld [smem:$0x3FA7]  }
0x2a: {  	p0 =	seq.s32 s5, $0x0;
	s5 =	sld [smem:$0x3FA8]  }
0x2b: {  	s6 =	sld [smem:$0x3FA9]  }
0x2c: {  	s7 =	sld [smem:$0x3FAA]  }
0x2d: {  	s3 =	simm.s32 $0x108;
	s8 =	sld [smem:$0x3FAB]  }
0x2e: {  	s3 =	simm.s32 @!p0 $0x1082;
	s9 =	sld [smem:$0x3FAC]  }
0x2f: {  	lr =	sadd.s32 s0, s3;
	s0 =	sld [smem:$0x3FA3]  }
0x30: {  	s3 =	sld [smem:$0x3FA6]  }
0x31: {  	[smem:$0x3FAF] =	sst s10  }
0x32: {  	s10 =	sld [smem:$0x3FAD];
	_ =	sdelay $0x3  }
0x33: {  	p0 =	seq.s32 s10, $0x1;
	s10 =	sld [smem:$0x3FAF];
	_ =	sdelay $0x3  }
0x34: {  	[smem:$0x3FAF] =	sst s10  }
0x35: {  	s10 =	sld [smem:$0x3FAE];
	_ =	sdelay $0x3  }
0x36: {  	p1 =	seq.s32 s10, $0x1;
	s10 =	sld [smem:$0x3FAF];
	_ =	sdelay $0x3  }
0x37: {  	[smem:$0x3FAF] =	sst s10  }
0x38: {  	s10 =	sld [smem:$0x3FB0]  }
0x39: {  	_ = 	snop;
	(pc) =	sbr.ind lr, $3  }
0x3a: {  	_ = 	snop  }
0x3b: {  	_ = 	snop  }
0x3c: {  	p2 =	seq.s32 s10, $0x1;
	s10 =	sld [smem:$0x3FAF]  }
0x3d: {  	_ =	shalt  }
0x3e: {  	_ =	shalt  }
0x3f: {  	_ =	shalt  }
0x40: {  	_ =	shalt  }
0x41: {  	_ =	shalt  }
0x42: {  	_ =	shalt  }
0x43: {  	_ =	shalt  }
0x44: {  	_ =	shalt  }
0x45: {  	_ =	shalt  }
0x46: {  	_ =	shalt  }
0x47: {  	_ =	shalt  }
0x48: {  	_ =	shalt  }
0x49: {  	_ =	shalt  }
0x4a: {  	_ =	shalt  }
0x4b: {  	_ =	shalt  }
0x4c: {  	_ =	shalt  }
0x4d: {  	_ =	shalt  }
0x4e: {  	_ =	shalt  }
0x4f: {  	_ =	shalt  }
0x50: {  	_ =	shalt  }
0x51: {  	_ =	shalt  }
0x52: {  	_ =	shalt  }
0x53: {  	_ =	shalt  }
0x54: {  	_ =	shalt  }
0x55: {  	_ =	shalt  }
0x56: {  	_ =	shalt  }
0x57: {  	_ =	shalt  }
0x58: {  	_ =	shalt  }
0x59: {  	_ =	shalt  }
0x5a: {  	_ =	shalt  }
0x5b: {  	_ =	shalt  }
0x5c: {  	_ =	shalt  }
0x5d: {  	_ =	shalt  }
0x5e: {  	_ =	shalt  }
0x5f: {  	_ =	shalt  }
0x60: {  	_ =	shalt  }
0x61: {  	_ =	shalt  }
0x62: {  	_ =	shalt  }
0x63: {  	_ =	shalt  }
0x64: {  	_ =	shalt  }
0x65: {  	_ =	shalt  }
0x66: {  	_ =	shalt  }
0x67: {  	_ =	shalt  }
0x68: {  	_ =	shalt  }
0x69: {  	_ =	shalt  }
0x6a: {  	_ =	shalt  }
0x6b: {  	_ =	shalt  }
0x6c: {  	_ =	shalt  }
0x6d: {  	_ =	shalt  }
0x6e: {  	_ =	shalt  }
0x6f: {  	_ =	shalt  }
0x70: {  	_ =	shalt  }
0x71: {  	_ =	shalt  }
0x72: {  	_ =	shalt  }
0x73: {  	_ =	shalt  }
0x74: {  	_ =	shalt  }
0x75: {  	_ =	shalt  }
0x76: {  	_ =	shalt  }
0x77: {  	_ =	shalt  }
0x78: {  	_ =	shalt  }
0x79: {  	_ =	shalt  }
0x7a: {  	_ =	shalt  }
0x7b: {  	_ =	shalt  }
0x7c: {  	_ =	shalt  }
0x7d: {  	_ =	shalt  }
0x7e: {  	_ =	shalt  }
0x7f: {  	_ =	shalt  }
0x80: {  	_ =	shalt  }
0x81: {  	_ =	shalt  }
0x82: {  	_ =	shalt  }
0x83: {  	_ =	shalt  }
0x84: {  	_ =	shalt  }
0x85: {  	_ =	shalt  }
0x86: {  	_ =	shalt  }
0x87: {  	_ =	shalt  }
.Lfunc_end0:
.L_simem_size_0:
called_computation.2_lowered:
.L_overlay_start_0:
0x88: {  	s2 =	sld [smem:$0x3FD9]  }
0x89: {  	s3 =	sld [smem:$0x3FFE];
	_ =	sdelay $0x1  }
0x8a: {  	s1 =	srdreg.scid  }
0x8b: {  	s0 =	sand.u32 $0x1, s1  }
0x8c: {  	s16 =	sshll.u32 s0, $0xA;
	s2 =	sadd.s32 s3, s2  }
0x8d: {  	s2 =	sadd.s32 s2, s16  }
0x8e: {  	[smem:$0x3FBB] =	sst s2  }
0x8f: {  	_ = 	snop  }
0x90: {  	(tm) =	ssettm $0x1  }
0x91: {  	s17 =	sld [smem:$0x3FFB];
	_ =	sdelay $0x3  }
0x92: {  	_ =	strace s17  }
0x93: {  	s2 =	sld [smem:$0x3FFC];
	_ =	sdelay $0x3  }
0x94: {  	_ =	strace s2  }
0x95: {  	s2 =	sld [smem:$0x3FFD];
	_ =	sdelay $0x3  }
0x96: {  	_ =	strace s2  }
0x97: {  	_ =	strace $0x8FFFFFFF  }
0x98: {  	s18 =	sld [smem:$0x3FDB];
	_ =	sdelay $0x1  }
0x99: {  	s19 =	simm.s32 $_scs_section_size  }
0x9a: {  	s4 =	simm.s32 $_size__tile_overlayer_lowered;
	s5 =	simm.s32 $_tile_overlayer_lowered  }
0x9b: {  	s22 =	simm.s32 $0x1BFF;
	s21 =	sshll.u32 s5, $0x1;
	s2 =	sadd.s32 s19, s18  }
0x9c: {  	s6 =	simm.s32 $0x0;
	s20 =	sshll.u32 s4, $0x1;
	s4 =	sadd.s32 s21, s2  }
0x9d: {  	[timem:s6], [sflag:s22] =	dma.local [hbm:s4], s20  }
0x9e: {  	_ =	swait.ge [sflag:s22], s20  }
0x9f: {  	s3 =	ssub.s32 $0x0, s20;
	[sflag:s22] =	ssyncset.done $0x0  }
0xa0: {  	[sflag:s22] =	ssyncadd.s32 s3;
	_ =	sdelay $0x1  }
0xa1: {  	s23 =	simm.s32 $0x1B8B  }
0xa2: {  	_ =	swait.ge [sflag:s23], $0x1  }
0xa3: {  	[sflag:s23] =	ssyncset.done $0x0  }
0xa4: {  	s25 =	simm.s32 $0x1B8E;
	s24 =	sld [smem:$0x3FFE];
	[sflag:s23] =	ssyncadd.s32 $0xFFFFFFFF  }
0xa5: {  	s26 =	simm.s32 $execute0_lowered;
	[smem:$0x3FD2] =	sst s25  }
0xa6: {  	s4 =	sshll.u32 s26, $0x1;
	_ =	strace $0x8000004C;
	[dreg:$0x1] =	wrdreg $0xFFFFFFFF  }
0xa7: {  	s28 =	simm.s32 $_size_execute0_lowered;
	s2 =	sadd.s32 s2, s4;
	[dreg:$0x0] =	wrdreg $0x0  }
0xa8: {  	s4 =	sshll.u32 s28, $0x1;
	[dreg:$0x2] =	wrdreg s2  }
0xa9: {  	[dreg:$0x3] =	wrdreg s4  }
0xaa: {  	[dreg:$0x4] =	wrdreg $0xC0  }
0xab: {  	_ =	task [dreg:s6], $0x5FFFF  }
0xac: {  	[dreg:$0x1] =	wrdreg $0xFFFFFFFF  }
0xad: {  	[dreg:$0x0] =	wrdreg $0x60  }
0xae: {  	[dreg:$0x2] =	wrdreg s24  }
0xaf: {  	[dreg:$0x3] =	wrdreg $0x9  }
0xb0: {  	_ =	task.clear_ibuf [dreg:s6], $0x4FFFF;
	_ =	strace $0x9000004C  }
0xb1: {  	s29 =	simm.s32 $0x9;
	_ =	strace $0x8000004E  }
0xb2: {  	_ =	swait.ge [sflag:s29], $0x1  }
0xb3: {  	[sflag:s29] =	ssyncadd.s32 $0xFFFFFFFF  }
0xb4: {  	_ =	strace $0x9000004E  }
0xb5: {  	_ =	sfence  }
0xb6: {  	s30 =	sld [smem:$0x0];
	_ =	sdelay $0x2  }
0xb7: {  	s31 =	sshll.u32 s1, $0xD;
	s1 =	sshrl.u32 s1, $0x2  }
0xb8: {  	s3 =	sand.u32 $0x4000, s31;
	s1 =	sadd.s32 s1, s30  }
0xb9: {  	s0 =	sor.u32 s3, s0;
	s1 =	sshll.u32 s1, $0x11  }
0xba: {  	s0 =	sor.u32 s1, s0  }
0xbb: {  	s0 =	sadd.s32 $0x8F2B, s0  }
0xbc: {  	[sflag:s0] =	ssyncadd.remote.s32 $0x1  }
0xbd: {  	_ =	sfence.sel $0xFFFF  }
0xbe: {  	[dreg:$0x0] =	wrdreg $0xFFFFFFFF;
	(pc) =	sbr.abs _section_cstart, $3  }
0xbf: {  	[dreg:$0x1] =	wrdreg $0xFFFFFFFF  }
0xc0: {  	_ =	task.clear_ibuf [dreg:s6], $0x2FFFF;
	_ =	strace $0x9FFFFFFF  }
0xc1: {  	(tm) =	ssettm $0x7FFFFFFF  }
tec
execute0_lowered:
.L_overlay_start_1:
0x0: {  	(tag) =	ssettag $0x1  }
0x1: {  	s5 =	rddreg [dreg:$0x0];
	s1 =	srdreg.scid  }
0x2: {  	s0 =	rddreg [dreg:$0x1];
	s2 =	simm.s32 $0x0;
	s15 =	simm.s32 $0x7800  }
0x3: {  	v0 =	vimm.s32 $0xEFCDAB89;
	v1 =	vimm.s32 $0x67452301;
	s16 =	simm.s32 $0x5000;
	s17 =	simm.s32 $0x8580;
	s18 =	simm.s32 $0x80  }
0x4: {  	v2 =	vimm.s32 $0xDCFE98BA;
	v3 =	vimm.s32 $0x54761032;
	s19 =	simm.s32 $0x400;
	s20 =	simm.s32 $0x0;
	s6 =	sand.u32 $0x1, s1  }
0x5: {  	v4 =	vimm.s32 $0xBA98FEDC;
	v5 =	vimm.s32 $0x32107654;
	s1 =	stileid.u32;
	[smem:$0x7FF] =	sst s2;
	s10 =	sadd.s32 $0x4600, s5  }
0x6: {  	v6 =	vimm.s32 $0xFEDCBA98;
	s11 =	sadd.s32 $0x23400, s5;
	s3 =	sshll.u32 s6, $0x4;
	_ =	strace $0x8000004D  }
0x7: {  	v7 =	vimm.s32 $0x76543210;
	v0 =	vunpack.c.l.s4.s8 v0;
	v1 =	vunpack.c.l.s4.s8 v1;
	s9 =	sshll.u32 s1, $0x7;
	s6 =	ssub.s32 $0x2, s6;
	s7 =	sor.u32 s1, s3  }
0x8: {  	v2 =	vunpack.c.l.s4.s8 v2;
	v3 =	vunpack.c.l.s4.s8 v3;
	v4 =	vunpack.c.l.s4.s8 v4;
	s3 =	sadd.s32 $0xE800, s5;
	s4 =	sshrl.u32 s7, $0x3;
	s7 =	smul.u32 $0x2880, s7  }
0x9: {  	v5 =	vunpack.c.l.s4.s8 v5;
	v6 =	vunpack.c.l.s4.s8 v6;
	s9 =	sand.u32 $0x380, s9;
	v0 =	vunpack.c.0.s8.s32 v0;
	s29 =	sshrl.u32 s6, $0x1;
	s8 =	smul.u32 $0x14000, s4  }
0xa: {  	v1 =	vunpack.c.0.s8.s32 v1;
	v2 =	vunpack.c.0.s8.s32 v2;
	v3 =	vunpack.c.0.s8.s32 v3;
	s13 =	ssub.s32 s6, s29;
	s4 =	sadd.s32 $0xEE00, s5;
	s30 =	sshrl.u32 s7, $0x3  }
0xb: {  	v7 =	vunpack.c.l.s4.s8 v7;
	v4 =	vunpack.c.0.s8.s32 v4;
	v5 =	vunpack.c.0.s8.s32 v5;
	s8 =	sor.u32 s9, s8;
	s6 =	sadd.s32 s11, s30;
	s31 =	sadd.s32 $0x1B0, s30  }
0xc: {  	v0 =	vcombine.low v1, v0;
	v1 =	vcombine.low v3, v2;
	v2 =	vunpack.c.0.s8.s32 v6;
	s14 =	sadd.s32 $0x360, s30;
	s8 =	sshrl.u32 s8, $0x3;
	s7 =	sadd.s32 s10, s31  }
0xd: {  	v3 =	vcombine.low v5, v4;
	v4 =	vunpack.c.0.s8.s32 v7;
	s9 =	sadd.s32 s10, s14;
	s12 =	sadd.s32 s8, s5;
	s5 =	sadd.s32 s10, s30  }
0xe: {  	v0 =	vand.u32 $0xF, v0;
	v1 =	vand.u32 $0xF, v1;
	v5 =	vand.u32 $0xF, v2;
	s8 =	sadd.s32 s11, s31;
	s10 =	sadd.s32 s11, s14;
	s14 =	simm.s32 $0x2800  }
0xf: {  	v2 =	vand.u32 $0xF, v3;
	v3 =	vcombine.low v5, v4;
	v4 =	vimm.f32 $0.0e+00;
	s11 =	sadd.s32 $0x2D600, s12;
	s12 =	smax.u32 s13, $0x1;
	s13 =	simm.s32 $0x1  }
.LBB2_1:
0x10: {  	[tilespmem:s2], [sflag:$0x1] =	stream.linear.gather [hbm4b:s3+s2], $0x2800, $0x38;
	[tilespmem:$0x9300] =	vst v63  }
0x11: {  	_ =	swait.ge [sflag:s13], $0x2800  }
0x12: {  	[sflag:s13] =	ssyncset.done $0x0  }
0x13: {  	[sflag:s13] =	ssyncadd.s32 $0xFFFFD800  }
0x14: {  	[tilespmem:s14], [sflag:$0x1] =	stream.linear.gather [hbm4b:s4+s2], $0x2800, $0x38;
	[tilespmem:$0x9300] =	vst v63  }
0x15: {  	_ =	swait.ge [sflag:s13], $0x2800  }
0x16: {  	[sflag:s13] =	ssyncset.done $0x0  }
0x17: {  	s22 =	simm.s32 $0x0;
	[sflag:s13] =	ssyncadd.s32 $0xFFFFD800  }
0x18: {  	v6 =	vld [tilespmem:s22+$0x2800]  }
0x19: {  	v5 =	vimm.f32 $-3.000000010e+38;
	s21 =	simm.s32 $0x40;
	v7 =	vimm.f32 $-3.000000010e+38;
	v8 =	vld [tilespmem:s22+$0x0]  }
.LBB2_2:
0x1a: {  	p0 =	sne.s32 s21, $0x9FC0  }
.Ltmp0:
0x1b: {  	_ = 	snop;
	(pc) =	sbr.rel @p0 .LBB2_2-.Ltmp0, $4  }
0x1c: {  	_ = 	snop  }
0x1d: {  	s22 =	sshra.s32 s21, $0x2;
	s21 =	sadd.s32 $0x40, s21;
	v5 =	vmax.f32 v5, v6  }
0x1e: {  	v6 =	vld [tilespmem:s22+$0x2800];
	v7 =	vmax.f32 v7, v8  }
0x1f: {  	v8 =	vld [tilespmem:s22+$0x0]  }
0x20: {  	_ =	sdelay $0x3  }
0x21: {  	v5 =	vmax.f32 v5, v6;
	v6 =	vmax.f32 v7, v8  }
0x22: {  	v8 =	vperm.xlane v5, v0;
	v7 =	vperm.xlane v6, v0;
	_ =	sdelay $0x1  }
0x23: {  	v5 =	vmax.f32 v5, v8;
	v6 =	vmax.f32 v6, v7  }
0x24: {  	v8 =	vperm.xlane v5, v1;
	v7 =	vperm.xlane v6, v1;
	_ =	sdelay $0x1  }
0x25: {  	v6 =	vmax.f32 v6, v7;
	v7 =	vmax.f32 v5, v8  }
0x26: {  	v5 =	vperm.xlane v6, v2;
	v8 =	vperm.xlane v7, v2;
	_ =	sdelay $0x1  }
0x27: {  	v5 =	vmax.f32 v6, v5;
	v8 =	vmax.f32 v7, v8  }
0x28: {  	s21 =	simm.s32 $0x40;
	s22 =	simm.s32 $0x0;
	v9 =	vperm.xlane v5, v3;
	v11 =	vperm.xlane v8, v3  }
.LBB2_4:
0x29: {  	p0 =	sne.s32 s21, $0x9FC0;
	[tilespmem:s22+$0x5000] =	vst v4;
	s22 =	smov.u32 s21;
	s21 =	sadd.s32 $0x40, s21  }
.Ltmp1:
0x2a: {  	(pc) =	sbr.rel @p0 .LBB2_4-.Ltmp1, $2  }
0x2b: {  	_ =	sdelay $0x2  }
0x2c: {  	s22 =	sshra.s32 s22, $0x2  }
0x2d: {  	[tilespmem:s22+$0x5000] =	vst v4  }
0x2e: {  	[tilespmem:s15], [sflag:$0x1] =	stream.linear.gather [hbm4b:s5+s2], $0xD80, $0x38;
	[tilespmem:$0x9300] =	vst v63  }
0x2f: {  	_ =	swait.ge [sflag:s13], $0xD80  }
0x30: {  	[sflag:s13] =	ssyncset.done $0x0  }
0x31: {  	s21 =	simm.s32 $0x7820;
	[sflag:s13] =	ssyncadd.s32 $0xFFFFF280  }
0x32: {  	v6 =	vld [tilespmem:s21+$0x10];
	_ =	sdelay $0x2  }
0x33: {  	v7 =	vld [tilespmem:s21+$0xFFFFFFF0]  }
0x34: {  	v10 =	vld [tilespmem:s21+$0xFFFFFFE0]  }
0x35: {  	v12 =	vand.u32 $0xFFFF, v6  }
0x36: {  	v14 =	vshrl.u32 v6, $0x10  }
0x37: {  	s30 =	simm.s32 $0x7860;
	v15 =	vld [tilespmem:s21+$0x0]  }
0x38: {  	v18 =	vld [tilespmem:s30+$0x10];
	v13 =	vand.u32 $0xFFFF, v7  }
0x39: {  	v19 =	vld [tilespmem:s30+$0xFFFFFFF0];
	v16 =	vand.u32 $0xFFFF, v10  }
0x3a: {  	v6 =	vshrl.u32 v10, $0x10;
	v12 =	vld.idx.msk [tilespmem:v12+s2+$0x0], $0xffff  }
0x3b: {  	v7 =	vshrl.u32 v7, $0x10;
	v17 =	vld.idx.msk [tilespmem:v14+s14+$0x0], $0xffff  }
0x3c: {  	v21 =	vld [tilespmem:s30+$0xFFFFFFE0]  }
0x3d: {  	v13 =	vld.idx.msk [tilespmem:v13+s2+$0x0], $0xffff  }
0x3e: {  	v20 =	vand.u32 $0xFFFF, v15;
	v16 =	vld.idx.msk [tilespmem:v16+s2+$0x0], $0xffff  }
0x3f: {  	v10 =	vshrl.u32 v15, $0x10;
	v15 =	vld.idx.msk [tilespmem:v6+s14+$0x0], $0xffff  }
0x40: {  	v5 =	vmax.f32 v5, v9;
	v8 =	vmax.f32 v8, v11;
	v9 =	vld.idx.msk [tilespmem:v7+s14+$0x0], $0xffff;
	v12 =	vadd.f32 v17, v12  }
0x41: {  	v5 =	vadd.f32 v8, v5;
	v17 =	vand.u32 $0xFFFF, v18  }
0x42: {  	v11 =	vshrl.u32 v18, $0x10;
	v8 =	vmul.f32 $2.000000030e-01, v12  }
0x43: {  	v5 =	vmax.f32 v5, $0.0e+00;
	v20 =	vld.idx.msk [tilespmem:v20+s2+$0x0], $0xffff;
	vm0 =	vgt.f32 v12, $0.0e+00  }
0x44: {  	v18 =	vld [tilespmem:s30+$0x0];
	v15 =	vadd.f32 v15, v16;
	v8 =	vsel vm0, v12, v8;
	v12 =	vand.u32 $0xFFFF, v21  }
0x45: {  	v22 =	vand.u32 $0xFFFF, v19;
	v16 =	vld.idx.msk [tilespmem:v10+s14+$0x0], $0xffff;
	v13 =	vadd.f32 v9, v13;
	v23 =	vsub.f32 v8, v5  }
0x46: {  	v9 =	vshrl.u32 v19, $0x10;
	v8 =	vshrl.u32 v21, $0x10;
	v17 =	vld.idx.msk [tilespmem:v17+s2+$0x0], $0xffff;
	v21 =	vmul.f32 $2.000000030e-01, v15  }
0x47: {  	s31 =	simm.s32 $0x78A0;
	v24 =	vmul.f32 $2.000000030e-01, v13;
	vm0 =	vgt.f32 v15, $0.0e+00;
	v19 =	vmul.f32 $1.442695020e+00, v23;
	v23 =	vld.idx.msk [tilespmem:v11+s14+$0x0], $0xffff  }
0x48: {  	v27 =	vld [tilespmem:s31+$0xFFFFFFF0];
	vm1 =	vgt.f32 v13, $0.0e+00;
	v15 =	vsel vm0, v15, v21  }
0x49: {  	(erf) = vpow2.f32 v19;
	v19 =	vld.idx.msk [tilespmem:v12+s2+$0x0], $0xffff;
	v12 =	vsel vm1, v13, v24;
	v13 =	vsub.f32 v15, v5  }
0x4a: {  	v15 =	vadd.f32 v16, v20;
	v20 =	vld [tilespmem:s31+$0x10]  }
0x4b: {  	v25 =	vand.u32 $0xFFFF, v18;
	v16 =	vld.idx.msk [tilespmem:v8+s14+$0x0], $0xffff;
	v12 =	vsub.f32 v12, v5;
	v13 =	vmul.f32 $1.442695020e+00, v13  }
0x4c: {  	v22 =	vld.idx.msk [tilespmem:v22+s2+$0x0], $0xffff;
	v21 =	vmul.f32 $2.000000030e-01, v15;
	vm0 =	vgt.f32 v15, $0.0e+00;
	v17 =	vadd.f32 v23, v17  }
0x4d: {  	v24 =	vld.idx.msk [tilespmem:v9+s14+$0x0], $0xffff;
	v26 =	vmul.f32 $1.442695020e+00, v12;
	v12 =	vshrl.u32 v18, $0x10;
	(erf) = vpow2.f32 v13  }
0x4e: {  	v18 =	vld [tilespmem:s31+$0xFFFFFFE0];
	v15 =	vsel vm0, v15, v21;
	v21 =	vmul.f32 $2.000000030e-01, v17  }
0x4f: {  	v13 =	vsub.f32 v15, v5;
	(erf) = vpow2.f32 v26;
	vm0 =	vgt.f32 v17, $0.0e+00  }
0x50: {  	v15 =	vand.u32 $0xFFFF, v20;
	v19 =	vadd.f32 v16, v19;
	v16 =	vsel vm0, v17, v21  }
0x51: {  	v25 =	vld.idx.msk [tilespmem:v25+s2+$0x0], $0xffff;
	v29 =	vmul.f32 $1.442695020e+00, v13;
	v13 =	vshrl.u32 v20, $0x10;
	v17 =	vsub.f32 v16, v5  }
0x52: {  	s21 =	simm.s32 $0x85A0;
	v26 =	vand.u32 $0xFFFF, v27;
	v22 =	vadd.f32 v24, v22;
	v24 =	vld.idx.msk [tilespmem:v12+s14+$0x0], $0xffff;
	v20 =	vpop (erf)  }
0x53: {  	v28 =	vld [tilespmem:s31+$0x0];
	v30 =	vand.u32 $0xFFFF, v18;
	v16 =	vshrl.u32 v27, $0x10;
	[tilespmem:s21+$0x10] =	vst v20;
	v27 =	vmul.f32 $1.442695020e+00, v17  }
0x54: {  	[tilespmem:v14+s16+$0x0] =	vst.idx.add.f32.msk $0xffff, v20;
	v14 =	vshrl.u32 v18, $0x10;
	v18 =	vmul.f32 $2.000000030e-01, v19  }
0x55: {  	vm0 =	vgt.f32 v19, $0.0e+00;
	v21 =	vld.idx.msk [tilespmem:v15+s2+$0x0], $0xffff;
	v20 =	vmul.f32 $2.000000030e-01, v22;
	(erf) = vpow2.f32 v27  }
0x56: {  	vm1 =	vgt.f32 v22, $0.0e+00;
	v23 =	vld.idx.msk [tilespmem:v13+s14+$0x0], $0xffff;
	v18 =	vsel vm0, v19, v18;
	v17 =	vpop (erf);
	(erf) = vpow2.f32 v29  }
0x57: {  	v19 =	vsel vm1, v22, v20;
	v20 =	vld.idx.msk [tilespmem:v26+s2+$0x0], $0xffff;
	v26 =	vadd.f32 v24, v25;
	v31 =	vsub.f32 v18, v5  }
0x58: {  	v22 =	vld.idx.msk [tilespmem:v30+s2+$0x0], $0xffff;
	v30 =	vsub.f32 v19, v5  }
0x59: {  	v15 =	vshrl.u32 v28, $0x10;
	v25 =	vld.idx.msk [tilespmem:v16+s14+$0x0], $0xffff;
	[tilespmem:s21+$0xFFFFFFE0] =	vst v17;
	v29 =	vmul.f32 $2.000000030e-01, v26;
	v18 =	vpop (erf);
	v27 =	vmul.f32 $1.442695020e+00, v31  }
0x5a: {  	s23 =	simm.s32 $0x80;
	s24 =	simm.s32 $0x78E0;
	s22 =	simm.s32 $0x85A0;
	v19 =	vand.u32 $0xFFFF, v28;
	vm0 =	vgt.f32 v26, $0.0e+00;
	v24 =	vld.idx.msk [tilespmem:v14+s14+$0x0], $0xffff;
	v28 =	vmul.f32 $1.442695020e+00, v30;
	[tilespmem:s21+$0xFFFFFFF0] =	vst v18  }
.LBB2_6:
0x5b: {  	v30 =	vld [tilespmem:s24+$0x10];
	v26 =	vsel vm0, v26, v29;
	(erf) = vpow2.f32 v27  }
0x5c: {  	v21 =	vadd.f32 v23, v21;
	v27 =	vld [tilespmem:s24+$0xFFFFFFF0];
	v33 =	vsub.f32 v26, v5;
	(erf) = vpow2.f32 v28  }
0x5d: {  	s23 =	sadd.s32 $0x40, s23;
	v26 =	vld [tilespmem:s24+$0x0]  }
0x5e: {  	s21 =	sadd.s32 $0x40, s21;
	p0 =	slt.u32 s23, $0xD40;
	v29 =	vmul.f32 $2.000000030e-01, v21;
	v28 =	vld [tilespmem:s24+$0xFFFFFFE0];
	v31 =	vmul.f32 $1.442695020e+00, v33;
	v23 =	vpop (erf)  }
0x5f: {  	vm0 =	vgt.f32 v21, $0.0e+00;
	v22 =	vadd.f32 v24, v22;
	v24 =	vld.idx.msk [tilespmem:v19+s2+$0x0], $0xffff;
	[tilespmem:s21+$0x10] =	vst v23;
	v32 =	vpop (erf)  }
0x60: {  	v20 =	vadd.f32 v25, v20;
	v19 =	vsel vm0, v21, v29;
	v33 =	vand.u32 $0xFFFF, v30;
	[tilespmem:v11+s16+$0x0] =	vst.idx.add.f32.msk $0xffff, v23  }
0x61: {  	v21 =	vsub.f32 v19, v5;
	v11 =	vmovc v13;
	v13 =	vshrl.u32 v30, $0x10;
	v23 =	vshrl.u32 v27, $0x10;
	v25 =	vld.idx.msk [tilespmem:v15+s14+$0x0], $0xffff;
	[tilespmem:s22+$0x0] =	vst v32;
	s22 =	smov.u32 s21  }
0x62: {  	v27 =	vand.u32 $0xFFFF, v27;
	v29 =	vshrl.u32 v26, $0x10;
	v19 =	vand.u32 $0xFFFF, v26;
	[tilespmem:v6+s16+$0x0] =	vst.idx.add.f32.msk $0xffff, v17;
	v6 =	vmovc v8;
	v8 =	vmovc v14  }
0x63: {  	v26 =	vmul.f32 $1.442695020e+00, v21;
	v14 =	vshrl.u32 v28, $0x10;
	v28 =	vand.u32 $0xFFFF, v28;
	[tilespmem:v7+s16+$0x0] =	vst.idx.add.f32.msk $0xffff, v18;
	v7 =	vmovc v9;
	v9 =	vmovc v16  }
0x64: {  	vm0 =	vgt.f32 v22, $0.0e+00;
	v30 =	vmul.f32 $2.000000030e-01, v22;
	v34 =	vmul.f32 $2.000000030e-01, v20;
	v17 =	vpop (erf);
	[tilespmem:v10+s16+$0x0] =	vst.idx.add.f32.msk $0xffff, v32  }
0x65: {  	vm1 =	vgt.f32 v20, $0.0e+00;
	v16 =	vmov v23;
	v21 =	vld.idx.msk [tilespmem:v33+s2+$0x0], $0xffff;
	(erf) = vpow2.f32 v26;
	[tilespmem:s21+$0xFFFFFFE0] =	vst v17;
	v18 =	vpop (erf)  }
.Ltmp2:
0x66: {  	v22 =	vsel vm0, v22, v30;
	v30 =	vsel vm1, v20, v34;
	v23 =	vld.idx.msk [tilespmem:v13+s14+$0x0], $0xffff;
	[tilespmem:s21+$0xFFFFFFF0] =	vst v18;
	(erf) = vpow2.f32 v31;
	(pc) =	sbr.rel @p0 .LBB2_6-.Ltmp2, $4  }
0x67: {  	v10 =	vmovc v12;
	v12 =	vmov v15;
	v26 =	vadd.f32 v25, v24;
	v20 =	vld.idx.msk [tilespmem:v27+s2+$0x0], $0xffff;
	v27 =	vsub.f32 v22, v5  }
0x68: {  	v15 =	vmov v29;
	v22 =	vld.idx.msk [tilespmem:v28+s2+$0x0], $0xffff;
	v28 =	vsub.f32 v30, v5  }
0x69: {  	vm0 =	vgt.f32 v26, $0.0e+00;
	v29 =	vmul.f32 $2.000000030e-01, v26;
	v24 =	vld.idx.msk [tilespmem:v14+s14+$0x0], $0xffff;
	v27 =	vmul.f32 $1.442695020e+00, v27  }
0x6a: {  	s24 =	sadd.s32 $0x40, s24;
	v25 =	vld.idx.msk [tilespmem:v16+s14+$0x0], $0xffff;
	v28 =	vmul.f32 $1.442695020e+00, v28  }
0x6b: {  	_ = 	snop  }
0x6c: {  	v21 =	vadd.f32 v23, v21;
	_ =	sdelay $0x1  }
0x6d: {  	v23 =	vmul.f32 $2.000000030e-01, v21  }
0x6e: {  	v19 =	vld.idx.msk [tilespmem:v19+s2+$0x0], $0xffff;
	vm1 =	vgt.f32 v21, $0.0e+00  }
0x6f: {  	v30 =	vld.idx.msk [tilespmem:v15+s14+$0x0], $0xffff;
	v21 =	vsel vm1, v21, v23  }
0x70: {  	v21 =	vsub.f32 v21, v5  }
0x71: {  	v26 =	vsel vm0, v26, v29  }
0x72: {  	(erf) = vpow2.f32 v27;
	v22 =	vadd.f32 v24, v22;
	v21 =	vmul.f32 $1.442695020e+00, v21  }
0x73: {  	(erf) = vpow2.f32 v28;
	v23 =	vsub.f32 v26, v5;
	v20 =	vadd.f32 v25, v20  }
0x74: {  	v24 =	vmul.f32 $2.000000030e-01, v22;
	v19 =	vadd.f32 v30, v19;
	vm0 =	vgt.f32 v22, $0.0e+00  }
0x75: {  	v23 =	vmul.f32 $1.442695020e+00, v23;
	v25 =	vmul.f32 $2.000000030e-01, v20;
	vm1 =	vgt.f32 v20, $0.0e+00  }
0x76: {  	s21 =	sadd.s32 $0x40, s21;
	v22 =	vsel vm0, v22, v24;
	v24 =	vmul.f32 $2.000000030e-01, v19;
	(erf) = vpow2.f32 v21;
	v21 =	vpop (erf)  }
0x77: {  	vm0 =	vgt.f32 v19, $0.0e+00;
	v20 =	vsel vm1, v20, v25;
	v22 =	vsub.f32 v22, v5;
	[tilespmem:s21+$0x10] =	vst v21  }
0x78: {  	v19 =	vsel vm0, v19, v24;
	[tilespmem:v11+s16+$0x0] =	vst.idx.add.f32.msk $0xffff, v21;
	v11 =	vsub.f32 v20, v5  }
0x79: {  	[tilespmem:v6+s16+$0x0] =	vst.idx.add.f32.msk $0xffff, v17;
	v19 =	vsub.f32 v19, v5;
	(erf) = vpow2.f32 v23;
	v20 =	vmul.f32 $1.442695020e+00, v22  }
0x7a: {  	[tilespmem:v7+s16+$0x0] =	vst.idx.add.f32.msk $0xffff, v18;
	v23 =	vpop (erf);
	v6 =	vmul.f32 $1.442695020e+00, v11  }
0x7b: {  	v7 =	vmul.f32 $1.442695020e+00, v19;
	[tilespmem:s22+$0x0] =	vst v23;
	(erf) = vpow2.f32 v20  }
0x7c: {  	[tilespmem:v10+s16+$0x0] =	vst.idx.add.f32.msk $0xffff, v23;
	v11 =	vpop (erf)  }
0x7d: {  	(erf) = vpow2.f32 v6;
	[tilespmem:s21+$0xFFFFFFE0] =	vst v11  }
0x7e: {  	v6 =	vpop (erf);
	[tilespmem:v8+s16+$0x0] =	vst.idx.add.f32.msk $0xffff, v11  }
0x7f: {  	s28 =	sadd.s32 $0x40, s21;
	(erf) = vpow2.f32 v7;
	v7 =	vpop (erf);
	[tilespmem:s21+$0xFFFFFFF0] =	vst v6  }
0x80: {  	[tilespmem:s28+$0x10] =	vst v7  }
0x81: {  	[tilespmem:v9+s16+$0x0] =	vst.idx.add.f32.msk $0xffff, v6  }
0x82: {  	v10 =	vpop (erf);
	[tilespmem:v13+s16+$0x0] =	vst.idx.add.f32.msk $0xffff, v7  }
0x83: {  	[tilespmem:s21+$0x0] =	vst v10  }
0x84: {  	[tilespmem:v12+s16+$0x0] =	vst.idx.add.f32.msk $0xffff, v10;
	v6 =	vpop (erf)  }
0x85: {  	[tilespmem:s28+$0xFFFFFFE0] =	vst v6  }
0x86: {  	v7 =	vpop (erf);
	[tilespmem:v14+s16+$0x0] =	vst.idx.add.f32.msk $0xffff, v6  }
0x87: {  	[tilespmem:s28+$0xFFFFFFF0] =	vst v7  }
0x88: {  	v8 =	vpop (erf);
	[tilespmem:v16+s16+$0x0] =	vst.idx.add.f32.msk $0xffff, v7  }
0x89: {  	[tilespmem:s28+$0x0] =	vst v8  }
0x8a: {  	[tilespmem:v15+s16+$0x0] =	vst.idx.add.f32.msk $0xffff, v8  }
0x8b: {  	[hbm4b:s6+s2] =	stream.linear.scatter [tilespmem:s17], [sflag:$0x1], $0xD80, $0x38;
	[tilespmem:$0x9300] =	vst v63  }
0x8c: {  	_ =	swait.ge [sflag:s13], $0xD80  }
0x8d: {  	[sflag:s13] =	ssyncset.done $0x0  }
0x8e: {  	[sflag:s13] =	ssyncadd.s32 $0xFFFFF280  }
0x8f: {  	[tilespmem:s15], [sflag:$0x1] =	stream.linear.gather [hbm4b:s7+s2], $0xD80, $0x38;
	[tilespmem:$0x9300] =	vst v63  }
0x90: {  	_ =	swait.ge [sflag:s13], $0xD80  }
0x91: {  	[sflag:s13] =	ssyncset.done $0x0  }
0x92: {  	s29 =	simm.s32 $0x7820;
	[sflag:s13] =	ssyncadd.s32 $0xFFFFF280  }
0x93: {  	v6 =	vld [tilespmem:s29+$0x10];
	_ =	sdelay $0x2  }
0x94: {  	v7 =	vld [tilespmem:s29+$0xFFFFFFF0]  }
0x95: {  	v8 =	vld [tilespmem:s29+$0xFFFFFFE0]  }
0x96: {  	v9 =	vand.u32 $0xFFFF, v6  }
0x97: {  	v14 =	vshrl.u32 v6, $0x10;
	_ =	sdelay $0x1  }
0x98: {  	v10 =	vand.u32 $0xFFFF, v7  }
0x99: {  	v11 =	vld [tilespmem:s29+$0x0];
	v12 =	vand.u32 $0xFFFF, v8  }
0x9a: {  	v6 =	vshrl.u32 v8, $0x10;
	v9 =	vld.idx.msk [tilespmem:v9+s2+$0x0], $0xffff  }
0x9b: {  	s30 =	simm.s32 $0x7860;
	v13 =	vld.idx.msk [tilespmem:v14+s14+$0x0], $0xffff  }
0x9c: {  	v8 =	vld [tilespmem:s30+$0x10]  }
0x9d: {  	v7 =	vshrl.u32 v7, $0x10;
	v15 =	vld.idx.msk [tilespmem:v10+s2+$0x0], $0xffff  }
0x9e: {  	v17 =	vand.u32 $0xFFFF, v11;
	v12 =	vld.idx.msk [tilespmem:v12+s2+$0x0], $0xffff  }
0x9f: {  	v10 =	vshrl.u32 v11, $0x10;
	v19 =	vld.idx.msk [tilespmem:v6+s14+$0x0], $0xffff  }
0xa0: {  	v16 =	vld [tilespmem:s30+$0xFFFFFFF0];
	v9 =	vadd.f32 v13, v9  }
0xa1: {  	v18 =	vld [tilespmem:s30+$0xFFFFFFE0]  }
0xa2: {  	v13 =	vld.idx.msk [tilespmem:v7+s14+$0x0], $0xffff;
	v21 =	vmul.f32 $2.000000030e-01, v9  }
0xa3: {  	v20 =	vand.u32 $0xFFFF, v8;
	v17 =	vld.idx.msk [tilespmem:v17+s2+$0x0], $0xffff;
	vm0 =	vgt.f32 v9, $0.0e+00  }
0xa4: {  	v11 =	vshrl.u32 v8, $0x10;
	v12 =	vadd.f32 v19, v12;
	v19 =	vld.idx.msk [tilespmem:v10+s14+$0x0], $0xffff;
	v8 =	vsel vm0, v9, v21  }
0xa5: {  	v24 =	vsub.f32 v8, v5  }
0xa6: {  	v23 =	vand.u32 $0xFFFF, v16;
	v21 =	vand.u32 $0xFFFF, v18  }
0xa7: {  	v22 =	vld [tilespmem:s30+$0x0];
	v9 =	vshrl.u32 v16, $0x10;
	v13 =	vadd.f32 v13, v15;
	v16 =	vmul.f32 $1.442695020e+00, v24  }
0xa8: {  	vm0 =	vgt.f32 v12, $0.0e+00;
	v8 =	vshrl.u32 v18, $0x10;
	v15 =	vld.idx.msk [tilespmem:v20+s2+$0x0], $0xffff;
	v18 =	vmul.f32 $2.000000030e-01, v12  }
0xa9: {  	s31 =	simm.s32 $0x78A0;
	v20 =	vld.idx.msk [tilespmem:v11+s14+$0x0], $0xffff;
	v17 =	vadd.f32 v19, v17;
	v24 =	vmul.f32 $2.000000030e-01, v13;
	(erf) = vpow2.f32 v16  }
0xaa: {  	v27 =	vld [tilespmem:s31+$0xFFFFFFF0];
	vm1 =	vgt.f32 v13, $0.0e+00;
	v12 =	vsel vm0, v12, v18  }
0xab: {  	v19 =	vld [tilespmem:s31+$0x10];
	v12 =	vsub.f32 v12, v5;
	v13 =	vsel vm1, v13, v24;
	v24 =	vmul.f32 $2.000000030e-01, v17  }
0xac: {  	v26 =	vand.u32 $0xFFFF, v22;
	vm0 =	vgt.f32 v17, $0.0e+00;
	v16 =	vld.idx.msk [tilespmem:v21+s2+$0x0], $0xffff  }
0xad: {  	v18 =	vld.idx.msk [tilespmem:v8+s14+$0x0], $0xffff;
	v13 =	vsub.f32 v13, v5;
	v21 =	vmul.f32 $1.442695020e+00, v12;
	v17 =	vsel vm0, v17, v24  }
0xae: {  	v23 =	vld.idx.msk [tilespmem:v23+s2+$0x0], $0xffff;
	v12 =	vshrl.u32 v22, $0x10;
	v15 =	vadd.f32 v20, v15;
	v17 =	vsub.f32 v17, v5  }
0xaf: {  	v25 =	vld.idx.msk [tilespmem:v9+s14+$0x0], $0xffff;
	v13 =	vmul.f32 $1.442695020e+00, v13;
	(erf) = vpow2.f32 v21  }
0xb0: {  	v20 =	vand.u32 $0xFFFF, v19;
	v22 =	vmul.f32 $2.000000030e-01, v15  }
0xb1: {  	v21 =	vld [tilespmem:s31+$0xFFFFFFE0];
	vm0 =	vgt.f32 v15, $0.0e+00;
	(erf) = vpow2.f32 v13;
	v28 =	vmul.f32 $1.442695020e+00, v17  }
0xb2: {  	s21 =	simm.s32 $0x85A0;
	v13 =	vshrl.u32 v19, $0x10;
	v19 =	vld.idx.msk [tilespmem:v26+s2+$0x0], $0xffff;
	v15 =	vsel vm0, v15, v22;
	v18 =	vadd.f32 v18, v16;
	v17 =	vpop (erf)  }
0xb3: {  	v22 =	vld.idx.msk [tilespmem:v12+s14+$0x0], $0xffff;
	v15 =	vsub.f32 v15, v5;
	[tilespmem:s21+$0x10] =	vst v17  }
0xb4: {  	v26 =	vand.u32 $0xFFFF, v27;
	v25 =	vadd.f32 v25, v23;
	[tilespmem:v14+s16+$0x0] =	vst.idx.add.f32.msk $0xffff, v17;
	v17 =	vmul.f32 $2.000000030e-01, v18  }
0xb5: {  	v16 =	vshrl.u32 v27, $0x10;
	v30 =	vmul.f32 $1.442695020e+00, v15  }
0xb6: {  	v24 =	vld [tilespmem:s31+$0x0];
	v27 =	vmul.f32 $2.000000030e-01, v25;
	v29 =	vand.u32 $0xFFFF, v21  }
0xb7: {  	vm0 =	vgt.f32 v18, $0.0e+00;
	v23 =	vld.idx.msk [tilespmem:v13+s14+$0x0], $0xffff;
	(erf) = vpow2.f32 v30;
	v14 =	vshrl.u32 v21, $0x10  }
0xb8: {  	vm1 =	vgt.f32 v25, $0.0e+00;
	v21 =	vld.idx.msk [tilespmem:v20+s2+$0x0], $0xffff;
	v18 =	vsel vm0, v18, v17;
	v17 =	vpop (erf);
	(erf) = vpow2.f32 v28  }
0xb9: {  	v25 =	vsel vm1, v25, v27;
	v20 =	vld.idx.msk [tilespmem:v26+s2+$0x0], $0xffff;
	v26 =	vadd.f32 v22, v19;
	v27 =	vsub.f32 v18, v5  }
0xba: {  	v30 =	vsub.f32 v25, v5;
	v25 =	vld.idx.msk [tilespmem:v16+s14+$0x0], $0xffff  }
0xbb: {  	v15 =	vshrl.u32 v24, $0x10;
	v22 =	vld.idx.msk [tilespmem:v29+s2+$0x0], $0xffff;
	v29 =	vmul.f32 $2.000000030e-01, v26;
	[tilespmem:s21+$0xFFFFFFE0] =	vst v17;
	v18 =	vpop (erf);
	v27 =	vmul.f32 $1.442695020e+00, v27  }
0xbc: {  	s23 =	simm.s32 $0x80;
	s24 =	simm.s32 $0x78E0;
	s22 =	simm.s32 $0x85A0;
	v19 =	vand.u32 $0xFFFF, v24;
	vm0 =	vgt.f32 v26, $0.0e+00;
	v28 =	vmul.f32 $1.442695020e+00, v30;
	v24 =	vld.idx.msk [tilespmem:v14+s14+$0x0], $0xffff;
	[tilespmem:s21+$0xFFFFFFF0] =	vst v18  }
.LBB2_8:
0xbd: {  	v30 =	vld [tilespmem:s24+$0x10];
	v26 =	vsel vm0, v26, v29;
	(erf) = vpow2.f32 v27  }
0xbe: {  	v21 =	vadd.f32 v23, v21;
	v27 =	vld [tilespmem:s24+$0xFFFFFFF0];
	v33 =	vsub.f32 v26, v5;
	(erf) = vpow2.f32 v28  }
0xbf: {  	s23 =	sadd.s32 $0x40, s23;
	v26 =	vld [tilespmem:s24+$0x0]  }
0xc0: {  	s21 =	sadd.s32 $0x40, s21;
	p0 =	slt.u32 s23, $0xD40;
	v29 =	vmul.f32 $2.000000030e-01, v21;
	v28 =	vld [tilespmem:s24+$0xFFFFFFE0];
	v31 =	vmul.f32 $1.442695020e+00, v33;
	v23 =	vpop (erf)  }
0xc1: {  	vm0 =	vgt.f32 v21, $0.0e+00;
	v22 =	vadd.f32 v24, v22;
	v24 =	vld.idx.msk [tilespmem:v19+s2+$0x0], $0xffff;
	[tilespmem:s21+$0x10] =	vst v23;
	v32 =	vpop (erf)  }
0xc2: {  	v20 =	vadd.f32 v25, v20;
	v19 =	vsel vm0, v21, v29;
	v33 =	vand.u32 $0xFFFF, v30;
	[tilespmem:v11+s16+$0x0] =	vst.idx.add.f32.msk $0xffff, v23  }
0xc3: {  	v21 =	vsub.f32 v19, v5;
	v11 =	vmovc v13;
	v13 =	vshrl.u32 v30, $0x10;
	v23 =	vshrl.u32 v27, $0x10;
	v25 =	vld.idx.msk [tilespmem:v15+s14+$0x0], $0xffff;
	[tilespmem:s22+$0x0] =	vst v32;
	s22 =	smov.u32 s21  }
0xc4: {  	v27 =	vand.u32 $0xFFFF, v27;
	v29 =	vshrl.u32 v26, $0x10;
	v19 =	vand.u32 $0xFFFF, v26;
	[tilespmem:v6+s16+$0x0] =	vst.idx.add.f32.msk $0xffff, v17;
	v6 =	vmovc v8;
	v8 =	vmovc v14  }
0xc5: {  	v26 =	vmul.f32 $1.442695020e+00, v21;
	v14 =	vshrl.u32 v28, $0x10;
	v28 =	vand.u32 $0xFFFF, v28;
	[tilespmem:v7+s16+$0x0] =	vst.idx.add.f32.msk $0xffff, v18;
	v7 =	vmovc v9;
	v9 =	vmovc v16  }
0xc6: {  	vm0 =	vgt.f32 v22, $0.0e+00;
	v30 =	vmul.f32 $2.000000030e-01, v22;
	v34 =	vmul.f32 $2.000000030e-01, v20;
	v17 =	vpop (erf);
	[tilespmem:v10+s16+$0x0] =	vst.idx.add.f32.msk $0xffff, v32  }
0xc7: {  	vm1 =	vgt.f32 v20, $0.0e+00;
	v16 =	vmov v23;
	v21 =	vld.idx.msk [tilespmem:v33+s2+$0x0], $0xffff;
	(erf) = vpow2.f32 v26;
	[tilespmem:s21+$0xFFFFFFE0] =	vst v17;
	v18 =	vpop (erf)  }
.Ltmp3:
0xc8: {  	v22 =	vsel vm0, v22, v30;
	v30 =	vsel vm1, v20, v34;
	v23 =	vld.idx.msk [tilespmem:v13+s14+$0x0], $0xffff;
	[tilespmem:s21+$0xFFFFFFF0] =	vst v18;
	(erf) = vpow2.f32 v31;
	(pc) =	sbr.rel @p0 .LBB2_8-.Ltmp3, $4  }
0xc9: {  	v10 =	vmovc v12;
	v12 =	vmov v15;
	v26 =	vadd.f32 v25, v24;
	v20 =	vld.idx.msk [tilespmem:v27+s2+$0x0], $0xffff;
	v27 =	vsub.f32 v22, v5  }
0xca: {  	v15 =	vmov v29;
	v22 =	vld.idx.msk [tilespmem:v28+s2+$0x0], $0xffff;
	v28 =	vsub.f32 v30, v5  }
0xcb: {  	vm0 =	vgt.f32 v26, $0.0e+00;
	v29 =	vmul.f32 $2.000000030e-01, v26;
	v24 =	vld.idx.msk [tilespmem:v14+s14+$0x0], $0xffff;
	v27 =	vmul.f32 $1.442695020e+00, v27  }
0xcc: {  	s24 =	sadd.s32 $0x40, s24;
	v25 =	vld.idx.msk [tilespmem:v16+s14+$0x0], $0xffff;
	v28 =	vmul.f32 $1.442695020e+00, v28  }
0xcd: {  	_ = 	snop  }
0xce: {  	v21 =	vadd.f32 v23, v21;
	_ =	sdelay $0x1  }
0xcf: {  	v23 =	vmul.f32 $2.000000030e-01, v21  }
0xd0: {  	v19 =	vld.idx.msk [tilespmem:v19+s2+$0x0], $0xffff;
	vm1 =	vgt.f32 v21, $0.0e+00  }
0xd1: {  	v30 =	vld.idx.msk [tilespmem:v15+s14+$0x0], $0xffff;
	v21 =	vsel vm1, v21, v23  }
0xd2: {  	v21 =	vsub.f32 v21, v5  }
0xd3: {  	v26 =	vsel vm0, v26, v29  }
0xd4: {  	(erf) = vpow2.f32 v27;
	v22 =	vadd.f32 v24, v22;
	v21 =	vmul.f32 $1.442695020e+00, v21  }
0xd5: {  	(erf) = vpow2.f32 v28;
	v23 =	vsub.f32 v26, v5;
	v20 =	vadd.f32 v25, v20  }
0xd6: {  	v24 =	vmul.f32 $2.000000030e-01, v22;
	v19 =	vadd.f32 v30, v19;
	vm0 =	vgt.f32 v22, $0.0e+00  }
0xd7: {  	v23 =	vmul.f32 $1.442695020e+00, v23;
	v25 =	vmul.f32 $2.000000030e-01, v20;
	vm1 =	vgt.f32 v20, $0.0e+00  }
0xd8: {  	s21 =	sadd.s32 $0x40, s21;
	v22 =	vsel vm0, v22, v24;
	v24 =	vmul.f32 $2.000000030e-01, v19;
	(erf) = vpow2.f32 v21;
	v21 =	vpop (erf)  }
0xd9: {  	vm0 =	vgt.f32 v19, $0.0e+00;
	v20 =	vsel vm1, v20, v25;
	v22 =	vsub.f32 v22, v5;
	[tilespmem:s21+$0x10] =	vst v21  }
0xda: {  	v19 =	vsel vm0, v19, v24;
	[tilespmem:v11+s16+$0x0] =	vst.idx.add.f32.msk $0xffff, v21;
	v11 =	vsub.f32 v20, v5  }
0xdb: {  	[tilespmem:v6+s16+$0x0] =	vst.idx.add.f32.msk $0xffff, v17;
	v19 =	vsub.f32 v19, v5;
	(erf) = vpow2.f32 v23;
	v20 =	vmul.f32 $1.442695020e+00, v22  }
0xdc: {  	[tilespmem:v7+s16+$0x0] =	vst.idx.add.f32.msk $0xffff, v18;
	v23 =	vpop (erf);
	v6 =	vmul.f32 $1.442695020e+00, v11  }
0xdd: {  	v7 =	vmul.f32 $1.442695020e+00, v19;
	[tilespmem:s22+$0x0] =	vst v23;
	(erf) = vpow2.f32 v20  }
0xde: {  	[tilespmem:v10+s16+$0x0] =	vst.idx.add.f32.msk $0xffff, v23;
	v11 =	vpop (erf)  }
0xdf: {  	(erf) = vpow2.f32 v6;
	[tilespmem:s21+$0xFFFFFFE0] =	vst v11  }
0xe0: {  	v6 =	vpop (erf);
	[tilespmem:v8+s16+$0x0] =	vst.idx.add.f32.msk $0xffff, v11  }
0xe1: {  	s28 =	sadd.s32 $0x40, s21;
	(erf) = vpow2.f32 v7;
	v7 =	vpop (erf);
	[tilespmem:s21+$0xFFFFFFF0] =	vst v6  }
0xe2: {  	[tilespmem:s28+$0x10] =	vst v7  }
0xe3: {  	[tilespmem:v9+s16+$0x0] =	vst.idx.add.f32.msk $0xffff, v6  }
0xe4: {  	v10 =	vpop (erf);
	[tilespmem:v13+s16+$0x0] =	vst.idx.add.f32.msk $0xffff, v7  }
0xe5: {  	[tilespmem:s21+$0x0] =	vst v10  }
0xe6: {  	[tilespmem:v12+s16+$0x0] =	vst.idx.add.f32.msk $0xffff, v10;
	v6 =	vpop (erf)  }
0xe7: {  	[tilespmem:s28+$0xFFFFFFE0] =	vst v6  }
0xe8: {  	v7 =	vpop (erf);
	[tilespmem:v14+s16+$0x0] =	vst.idx.add.f32.msk $0xffff, v6  }
0xe9: {  	[tilespmem:s28+$0xFFFFFFF0] =	vst v7  }
0xea: {  	v8 =	vpop (erf);
	[tilespmem:v16+s16+$0x0] =	vst.idx.add.f32.msk $0xffff, v7  }
0xeb: {  	[tilespmem:s28+$0x0] =	vst v8  }
0xec: {  	[tilespmem:v15+s16+$0x0] =	vst.idx.add.f32.msk $0xffff, v8  }
0xed: {  	[hbm4b:s8+s2] =	stream.linear.scatter [tilespmem:s17], [sflag:$0x1], $0xD80, $0x38;
	[tilespmem:$0x9300] =	vst v63  }
0xee: {  	_ =	swait.ge [sflag:s13], $0xD80  }
0xef: {  	[sflag:s13] =	ssyncset.done $0x0  }
0xf0: {  	[sflag:s13] =	ssyncadd.s32 $0xFFFFF280  }
0xf1: {  	[tilespmem:s15], [sflag:$0x1] =	stream.linear.gather [hbm4b:s9+s2], $0xD80, $0x38;
	[tilespmem:$0x9300] =	vst v63  }
0xf2: {  	_ =	swait.ge [sflag:s13], $0xD80  }
0xf3: {  	[sflag:s13] =	ssyncset.done $0x0  }
0xf4: {  	s29 =	simm.s32 $0x7820;
	[sflag:s13] =	ssyncadd.s32 $0xFFFFF280  }
0xf5: {  	v6 =	vld [tilespmem:s29+$0x10];
	_ =	sdelay $0x2  }
0xf6: {  	v7 =	vld [tilespmem:s29+$0xFFFFFFF0]  }
0xf7: {  	v8 =	vld [tilespmem:s29+$0xFFFFFFE0]  }
0xf8: {  	v9 =	vand.u32 $0xFFFF, v6  }
0xf9: {  	v14 =	vshrl.u32 v6, $0x10;
	_ =	sdelay $0x1  }
0xfa: {  	v10 =	vand.u32 $0xFFFF, v7  }
0xfb: {  	v11 =	vld [tilespmem:s29+$0x0];
	v12 =	vand.u32 $0xFFFF, v8  }
0xfc: {  	v6 =	vshrl.u32 v8, $0x10;
	v9 =	vld.idx.msk [tilespmem:v9+s2+$0x0], $0xffff  }
0xfd: {  	s30 =	simm.s32 $0x7860;
	v13 =	vld.idx.msk [tilespmem:v14+s14+$0x0], $0xffff  }
0xfe: {  	v8 =	vld [tilespmem:s30+$0x10]  }
0xff: {  	v7 =	vshrl.u32 v7, $0x10;
	v15 =	vld.idx.msk [tilespmem:v10+s2+$0x0], $0xffff  }
0x100: {  	v17 =	vand.u32 $0xFFFF, v11;
	v12 =	vld.idx.msk [tilespmem:v12+s2+$0x0], $0xffff  }
0x101: {  	v10 =	vshrl.u32 v11, $0x10;
	v19 =	vld.idx.msk [tilespmem:v6+s14+$0x0], $0xffff  }
0x102: {  	v16 =	vld [tilespmem:s30+$0xFFFFFFF0];
	v9 =	vadd.f32 v13, v9  }
0x103: {  	v18 =	vld [tilespmem:s30+$0xFFFFFFE0]  }
0x104: {  	v13 =	vld.idx.msk [tilespmem:v7+s14+$0x0], $0xffff;
	v21 =	vmul.f32 $2.000000030e-01, v9  }
0x105: {  	v20 =	vand.u32 $0xFFFF, v8;
	v17 =	vld.idx.msk [tilespmem:v17+s2+$0x0], $0xffff;
	vm0 =	vgt.f32 v9, $0.0e+00  }
0x106: {  	v11 =	vshrl.u32 v8, $0x10;
	v12 =	vadd.f32 v19, v12;
	v19 =	vld.idx.msk [tilespmem:v10+s14+$0x0], $0xffff;
	v8 =	vsel vm0, v9, v21  }
0x107: {  	v24 =	vsub.f32 v8, v5  }
0x108: {  	v23 =	vand.u32 $0xFFFF, v16;
	v21 =	vand.u32 $0xFFFF, v18  }
0x109: {  	v22 =	vld [tilespmem:s30+$0x0];
	v9 =	vshrl.u32 v16, $0x10;
	v13 =	vadd.f32 v13, v15;
	v16 =	vmul.f32 $1.442695020e+00, v24  }
0x10a: {  	vm0 =	vgt.f32 v12, $0.0e+00;
	v8 =	vshrl.u32 v18, $0x10;
	v15 =	vld.idx.msk [tilespmem:v20+s2+$0x0], $0xffff;
	v18 =	vmul.f32 $2.000000030e-01, v12  }
0x10b: {  	s31 =	simm.s32 $0x78A0;
	v20 =	vld.idx.msk [tilespmem:v11+s14+$0x0], $0xffff;
	v17 =	vadd.f32 v19, v17;
	v24 =	vmul.f32 $2.000000030e-01, v13;
	(erf) = vpow2.f32 v16  }
0x10c: {  	v27 =	vld [tilespmem:s31+$0xFFFFFFF0];
	vm1 =	vgt.f32 v13, $0.0e+00;
	v12 =	vsel vm0, v12, v18  }
0x10d: {  	v19 =	vld [tilespmem:s31+$0x10];
	v12 =	vsub.f32 v12, v5;
	v13 =	vsel vm1, v13, v24;
	v24 =	vmul.f32 $2.000000030e-01, v17  }
0x10e: {  	v26 =	vand.u32 $0xFFFF, v22;
	vm0 =	vgt.f32 v17, $0.0e+00;
	v16 =	vld.idx.msk [tilespmem:v21+s2+$0x0], $0xffff  }
0x10f: {  	v18 =	vld.idx.msk [tilespmem:v8+s14+$0x0], $0xffff;
	v13 =	vsub.f32 v13, v5;
	v21 =	vmul.f32 $1.442695020e+00, v12;
	v17 =	vsel vm0, v17, v24  }
0x110: {  	v23 =	vld.idx.msk [tilespmem:v23+s2+$0x0], $0xffff;
	v12 =	vshrl.u32 v22, $0x10;
	v15 =	vadd.f32 v20, v15;
	v17 =	vsub.f32 v17, v5  }
0x111: {  	v25 =	vld.idx.msk [tilespmem:v9+s14+$0x0], $0xffff;
	v13 =	vmul.f32 $1.442695020e+00, v13;
	(erf) = vpow2.f32 v21  }
0x112: {  	v20 =	vand.u32 $0xFFFF, v19;
	v22 =	vmul.f32 $2.000000030e-01, v15  }
0x113: {  	v21 =	vld [tilespmem:s31+$0xFFFFFFE0];
	vm0 =	vgt.f32 v15, $0.0e+00;
	(erf) = vpow2.f32 v13;
	v28 =	vmul.f32 $1.442695020e+00, v17  }
0x114: {  	s21 =	simm.s32 $0x85A0;
	v13 =	vshrl.u32 v19, $0x10;
	v19 =	vld.idx.msk [tilespmem:v26+s2+$0x0], $0xffff;
	v15 =	vsel vm0, v15, v22;
	v18 =	vadd.f32 v18, v16;
	v17 =	vpop (erf)  }
0x115: {  	v22 =	vld.idx.msk [tilespmem:v12+s14+$0x0], $0xffff;
	v15 =	vsub.f32 v15, v5;
	[tilespmem:s21+$0x10] =	vst v17  }
0x116: {  	v26 =	vand.u32 $0xFFFF, v27;
	v25 =	vadd.f32 v25, v23;
	[tilespmem:v14+s16+$0x0] =	vst.idx.add.f32.msk $0xffff, v17;
	v17 =	vmul.f32 $2.000000030e-01, v18  }
0x117: {  	v16 =	vshrl.u32 v27, $0x10;
	v30 =	vmul.f32 $1.442695020e+00, v15  }
0x118: {  	v24 =	vld [tilespmem:s31+$0x0];
	v27 =	vmul.f32 $2.000000030e-01, v25;
	v29 =	vand.u32 $0xFFFF, v21  }
0x119: {  	vm0 =	vgt.f32 v18, $0.0e+00;
	v23 =	vld.idx.msk [tilespmem:v13+s14+$0x0], $0xffff;
	(erf) = vpow2.f32 v30;
	v14 =	vshrl.u32 v21, $0x10  }
0x11a: {  	vm1 =	vgt.f32 v25, $0.0e+00;
	v21 =	vld.idx.msk [tilespmem:v20+s2+$0x0], $0xffff;
	v18 =	vsel vm0, v18, v17;
	v17 =	vpop (erf);
	(erf) = vpow2.f32 v28  }
0x11b: {  	v25 =	vsel vm1, v25, v27;
	v20 =	vld.idx.msk [tilespmem:v26+s2+$0x0], $0xffff;
	v26 =	vadd.f32 v22, v19;
	v27 =	vsub.f32 v18, v5  }
0x11c: {  	v30 =	vsub.f32 v25, v5;
	v25 =	vld.idx.msk [tilespmem:v16+s14+$0x0], $0xffff  }
0x11d: {  	v15 =	vshrl.u32 v24, $0x10;
	v22 =	vld.idx.msk [tilespmem:v29+s2+$0x0], $0xffff;
	v29 =	vmul.f32 $2.000000030e-01, v26;
	[tilespmem:s21+$0xFFFFFFE0] =	vst v17;
	v18 =	vpop (erf);
	v27 =	vmul.f32 $1.442695020e+00, v27  }
0x11e: {  	s23 =	simm.s32 $0x80;
	s24 =	simm.s32 $0x78E0;
	s22 =	simm.s32 $0x85A0;
	v19 =	vand.u32 $0xFFFF, v24;
	vm0 =	vgt.f32 v26, $0.0e+00;
	v28 =	vmul.f32 $1.442695020e+00, v30;
	v24 =	vld.idx.msk [tilespmem:v14+s14+$0x0], $0xffff;
	[tilespmem:s21+$0xFFFFFFF0] =	vst v18  }
.LBB2_10:
0x11f: {  	v30 =	vld [tilespmem:s24+$0x10];
	v26 =	vsel vm0, v26, v29;
	(erf) = vpow2.f32 v27  }
0x120: {  	v21 =	vadd.f32 v23, v21;
	v27 =	vld [tilespmem:s24+$0xFFFFFFF0];
	v33 =	vsub.f32 v26, v5;
	(erf) = vpow2.f32 v28  }
0x121: {  	s23 =	sadd.s32 $0x40, s23;
	v26 =	vld [tilespmem:s24+$0x0]  }
0x122: {  	s21 =	sadd.s32 $0x40, s21;
	p0 =	slt.u32 s23, $0xD40;
	v29 =	vmul.f32 $2.000000030e-01, v21;
	v28 =	vld [tilespmem:s24+$0xFFFFFFE0];
	v31 =	vmul.f32 $1.442695020e+00, v33;
	v23 =	vpop (erf)  }
0x123: {  	vm0 =	vgt.f32 v21, $0.0e+00;
	v22 =	vadd.f32 v24, v22;
	v24 =	vld.idx.msk [tilespmem:v19+s2+$0x0], $0xffff;
	[tilespmem:s21+$0x10] =	vst v23;
	v32 =	vpop (erf)  }
0x124: {  	v20 =	vadd.f32 v25, v20;
	v19 =	vsel vm0, v21, v29;
	v33 =	vand.u32 $0xFFFF, v30;
	[tilespmem:v11+s16+$0x0] =	vst.idx.add.f32.msk $0xffff, v23  }
0x125: {  	v21 =	vsub.f32 v19, v5;
	v11 =	vmovc v13;
	v13 =	vshrl.u32 v30, $0x10;
	v23 =	vshrl.u32 v27, $0x10;
	v25 =	vld.idx.msk [tilespmem:v15+s14+$0x0], $0xffff;
	[tilespmem:s22+$0x0] =	vst v32;
	s22 =	smov.u32 s21  }
0x126: {  	v27 =	vand.u32 $0xFFFF, v27;
	v29 =	vshrl.u32 v26, $0x10;
	v19 =	vand.u32 $0xFFFF, v26;
	[tilespmem:v6+s16+$0x0] =	vst.idx.add.f32.msk $0xffff, v17;
	v6 =	vmovc v8;
	v8 =	vmovc v14  }
0x127: {  	v26 =	vmul.f32 $1.442695020e+00, v21;
	v14 =	vshrl.u32 v28, $0x10;
	v28 =	vand.u32 $0xFFFF, v28;
	[tilespmem:v7+s16+$0x0] =	vst.idx.add.f32.msk $0xffff, v18;
	v7 =	vmovc v9;
	v9 =	vmovc v16  }
0x128: {  	vm0 =	vgt.f32 v22, $0.0e+00;
	v30 =	vmul.f32 $2.000000030e-01, v22;
	v34 =	vmul.f32 $2.000000030e-01, v20;
	v17 =	vpop (erf);
	[tilespmem:v10+s16+$0x0] =	vst.idx.add.f32.msk $0xffff, v32  }
0x129: {  	vm1 =	vgt.f32 v20, $0.0e+00;
	v16 =	vmov v23;
	v21 =	vld.idx.msk [tilespmem:v33+s2+$0x0], $0xffff;
	(erf) = vpow2.f32 v26;
	[tilespmem:s21+$0xFFFFFFE0] =	vst v17;
	v18 =	vpop (erf)  }
.Ltmp4:
0x12a: {  	v22 =	vsel vm0, v22, v30;
	v30 =	vsel vm1, v20, v34;
	v23 =	vld.idx.msk [tilespmem:v13+s14+$0x0], $0xffff;
	[tilespmem:s21+$0xFFFFFFF0] =	vst v18;
	(erf) = vpow2.f32 v31;
	(pc) =	sbr.rel @p0 .LBB2_10-.Ltmp4, $4  }
0x12b: {  	v10 =	vmovc v12;
	v12 =	vmov v15;
	v26 =	vadd.f32 v25, v24;
	v20 =	vld.idx.msk [tilespmem:v27+s2+$0x0], $0xffff;
	v27 =	vsub.f32 v22, v5  }
0x12c: {  	v15 =	vmov v29;
	v22 =	vld.idx.msk [tilespmem:v28+s2+$0x0], $0xffff;
	v28 =	vsub.f32 v30, v5  }
0x12d: {  	vm0 =	vgt.f32 v26, $0.0e+00;
	v29 =	vmul.f32 $2.000000030e-01, v26;
	v24 =	vld.idx.msk [tilespmem:v14+s14+$0x0], $0xffff;
	v27 =	vmul.f32 $1.442695020e+00, v27  }
0x12e: {  	s24 =	sadd.s32 $0x40, s24;
	v25 =	vld.idx.msk [tilespmem:v16+s14+$0x0], $0xffff;
	v28 =	vmul.f32 $1.442695020e+00, v28  }
0x12f: {  	_ =	sdelay $0x3  }
0x130: {  	v21 =	vadd.f32 v23, v21;
	v19 =	vld.idx.msk [tilespmem:v19+s2+$0x0], $0xffff  }
0x131: {  	v30 =	vld.idx.msk [tilespmem:v15+s14+$0x0], $0xffff  }
0x132: {  	v23 =	vmul.f32 $2.000000030e-01, v21  }
0x133: {  	v26 =	vsel vm0, v26, v29;
	(erf) = vpow2.f32 v27;
	vm1 =	vgt.f32 v21, $0.0e+00  }
0x134: {  	v57 =	vsub.f32 v26, v5;
	v22 =	vadd.f32 v24, v22;
	v21 =	vsel vm1, v21, v23  }
0x135: {  	(erf) = vpow2.f32 v28;
	v20 =	vadd.f32 v25, v20;
	v21 =	vsub.f32 v21, v5  }
0x136: {  	v23 =	vmul.f32 $1.442695020e+00, v57;
	v24 =	vmul.f32 $2.000000030e-01, v22;
	v19 =	vadd.f32 v30, v19  }
0x137: {  	vm13 =	vgt.f32 v22, $0.0e+00;
	v25 =	vmul.f32 $2.000000030e-01, v20;
	v21 =	vmul.f32 $1.442695020e+00, v21  }
0x138: {  	vm14 =	vgt.f32 v20, $0.0e+00;
	v22 =	vsel vm13, v22, v24;
	v59 =	vmul.f32 $2.000000030e-01, v19  }
0x139: {  	[tilespmem:v6+s16+$0x0] =	vst.idx.add.f32.msk $0xffff, v17;
	v20 =	vsel vm14, v20, v25;
	v22 =	vsub.f32 v22, v5;
	(erf) = vpow2.f32 v21  }
0x13a: {  	s21 =	sadd.s32 $0x40, s21;
	[tilespmem:v7+s16+$0x0] =	vst.idx.add.f32.msk $0xffff, v18;
	v58 =	vpop (erf);
	vm15 =	vgt.f32 v19, $0.0e+00;
	v61 =	vsub.f32 v20, v5  }
0x13b: {  	[tilespmem:s21+$0x10] =	vst v58;
	v19 =	vsel vm15, v19, v59;
	(erf) = vpow2.f32 v23;
	v62 =	vmul.f32 $1.442695020e+00, v22  }
0x13c: {  	v60 =	vpop (erf);
	[tilespmem:v11+s16+$0x0] =	vst.idx.add.f32.msk $0xffff, v58;
	v5 =	vsub.f32 v19, v5;
	v6 =	vmul.f32 $1.442695020e+00, v61  }
0x13d: {  	[tilespmem:s22+$0x0] =	vst v60;
	(erf) = vpow2.f32 v62  }
0x13e: {  	[tilespmem:v10+s16+$0x0] =	vst.idx.add.f32.msk $0xffff, v60;
	v7 =	vpop (erf);
	v5 =	vmul.f32 $1.442695020e+00, v5;
	(erf) = vpow2.f32 v6  }
0x13f: {  	[tilespmem:s21+$0xFFFFFFE0] =	vst v7  }
0x140: {  	[tilespmem:v8+s16+$0x0] =	vst.idx.add.f32.msk $0xffff, v7;
	v6 =	vpop (erf)  }
0x141: {  	(erf) = vpow2.f32 v5;
	[tilespmem:s21+$0xFFFFFFF0] =	vst v6  }
0x142: {  	s31 =	sadd.s32 $0x40, s21;
	[tilespmem:v9+s16+$0x0] =	vst.idx.add.f32.msk $0xffff, v6;
	v5 =	vpop (erf)  }
0x143: {  	[tilespmem:s31+$0x10] =	vst v5  }
0x144: {  	v63 =	vpop (erf);
	[tilespmem:v13+s16+$0x0] =	vst.idx.add.f32.msk $0xffff, v5  }
0x145: {  	[tilespmem:s21+$0x0] =	vst v63  }
0x146: {  	v5 =	vpop (erf);
	[tilespmem:v12+s16+$0x0] =	vst.idx.add.f32.msk $0xffff, v63  }
0x147: {  	[tilespmem:s31+$0xFFFFFFE0] =	vst v5;
	v6 =	vpop (erf)  }
0x148: {  	[tilespmem:s31+$0xFFFFFFF0] =	vst v6  }
0x149: {  	[tilespmem:v14+s16+$0x0] =	vst.idx.add.f32.msk $0xffff, v5  }
0x14a: {  	v7 =	vpop (erf);
	[tilespmem:v16+s16+$0x0] =	vst.idx.add.f32.msk $0xffff, v6  }
0x14b: {  	[tilespmem:s31+$0x0] =	vst v7  }
0x14c: {  	[tilespmem:v15+s16+$0x0] =	vst.idx.add.f32.msk $0xffff, v7  }
0x14d: {  	[hbm4b:s10+s2] =	stream.linear.scatter [tilespmem:s17], [sflag:$0x1], $0xD80, $0x38;
	[tilespmem:$0x9300] =	vst v63  }
0x14e: {  	s20 =	sadd.s32 $0x1, s20;
	_ =	swait.ge [sflag:s13], $0xD80  }
0x14f: {  	p0 =	sne.s32 s20, s12;
	[sflag:s13] =	ssyncset.done $0x0  }
.Ltmp5:
0x150: {  	[sflag:s13] =	ssyncadd.s32 $0xFFFFF280;
	(pc) =	sbr.rel @p0 .LBB2_1-.Ltmp5, $4  }
0x151: {  	[hbm4b:s11+s18] =	stream.strided.scatter [tilespmem:s16], [sflag:$0x1], $0x2800, s19, s18, $0x38;
	[tilespmem:$0x9300] =	vst v63  }
0x152: {  	_ =	swait.ge [sflag:s13], $0x2800  }
0x153: {  	[sflag:s13] =	ssyncset.done $0x0  }
0x154: {  	[sflag:s13] =	ssyncadd.s32 $0xFFFFD800  }
0x155: {  	_ =	sfence.sel $0x180000  }
0x156: {  	[bflag:$0x0] =	sbarrier.arrive $0xFFFF  }
0x157: {  	p0 =	sne.s32 s1, $0x0;
	_ =	strace $0x9000004D  }
0x158: {  	s0 =	sadd.s32 @!p0 $0x100000, s0;
	[bflag:$0x2] =	sbarrier.arrive $0xFFFF  }
0x159: {  	[sflag:s0] =	ssyncadd.tile.s32 @!p0 $0x1;
	_ =	shalt  }
.Lfunc_end2:
_tile_overlayer_lowered:
.L_overlay_start_2:
0x15a: {  	(tag) =	ssettag $0x2  }
0x15b: {  	s0 =	rddreg [dreg:$0x0];
	s2 =	stileid.u32  }
0x15c: {  	s1 =	rddreg [dreg:$0x1];
	p0 =	sne.s32 s2, $0x0  }
0x15d: {  	s3 =	rddreg [dreg:$0x2];
	[bflag:$0x3] =	sbarrier.arrive $0xFFFF;
	s2 =	simm.s32 @!p0 $0x1C01  }
0x15e: {  	[timem:s3], [sflag:s2] =	dma.local @!p0 [hbm:s0], s1  }
0x15f: {  	s0 =	simm.s32 @!p0 $0x1  }
0x160: {  	_ =	swait.ge @!p0 [sflag:s0], s1  }
0x161: {  	s1 =	ssub.s32 @!p0 $0x0, s1;
	[sflag:s0] =	ssyncset.done @!p0 $0x0  }
0x162: {  	[sflag:s0] =	ssyncadd.s32 @!p0 s1  }
0x163: {  	[bflag:$0x3] =	sbarrier.arrive $0xFFFF  }
0x164: {  	_ =	shalt  }

// kernel: kernel.18.cloned.1.call-start
scs
__scs_entry_jumppad:
0x0: {  	(pc) =	sbr.rel $0x88, $3  }
0x1: {  	(tag) =	ssettag $0x0;
	lr =	simm.s32 $0x1  }
0x2: {  	[smem:$0x3F94] =	sst lr;
	_ =	strace $0xD0000000  }
0x3: {  	_ = 	snop  }
0x4: {  	_ = 	snop  }
0x5: {  	_ = 	snop  }
0x6: {  	_ = 	snop  }
0x7: {  	_ = 	snop  }
__scs_overlays_trampoline_lowered:
0x8: {  	[smem:$0x3FA3] =	sst s0  }
0x9: {  	[smem:$0x3FA4] =	sst s1  }
0xa: {  	[smem:$0x3FA5] =	sst s2  }
0xb: {  	[smem:$0x3FA6] =	sst s3  }
0xc: {  	[smem:$0x3FA7] =	sst s4  }
0xd: {  	[smem:$0x3FA8] =	sst s5  }
0xe: {  	[smem:$0x3FA9] =	sst s6  }
0xf: {  	[smem:$0x3FAA] =	sst s7  }
0x10: {  	[smem:$0x3FAB] =	sst s8  }
0x11: {  	[smem:$0x3FAC] =	sst s9;
	s0 =	simm.s32 @!p0 $0x0  }
0x12: {  	s1 =	sld [smem:$0x3F92];
	s0 =	simm.s32 @p0 $0x1  }
0x13: {  	[smem:$0x3FAD] =	sst s0;
	s0 =	simm.s32 @!p1 $0x0  }
0x14: {  	s2 =	sld [smem:$0x3F91];
	s0 =	simm.s32 @p1 $0x1  }
0x15: {  	[smem:$0x3FAE] =	sst s0;
	s0 =	simm.s32 @!p2 $0x0  }
0x16: {  	s3 =	sld [smem:$0x3FDB];
	s0 =	simm.s32 @p2 $0x1  }
0x17: {  	s4 =	simm.s32 $0x1BF5;
	[smem:$0x3FB0] =	sst s0  }
0x18: {  	s0 =	sld [smem:$0x3F93];
	_ =	swait.ge [sflag:s4], $0x0  }
0x19: {  	s7 =	sld [smem:$0x3F94]  }
0x1a: {  	s8 =	sadd.s32 $0xFFFFE003, lr  }
0x1b: {  	s9 =	sadd.s32 $0xFFFFFEF7, lr;
	s5 =	simm.s32 $0xFFFFFFFF;
	p2 =	slt.u32 s8, $0xFFFFF086  }
0x1c: {  	p1 =	slt.u32 s9, $0xF7A;
	s5 =	simm.s32 @!p2 $0x0  }
0x1d: {  	s5 =	simm.s32 @p1 $0x1;
	p0 =	seq.s32 s7, s2  }
0x1e: {  	s7 =	smul.u32 @!p0 $0xF7A, s2;
	p2 =	seq.s32 @!p0 s5, $0x0  }
0x1f: {  	s9 =	smul.u32 $0xF7A, s1;
	s8 =	simm.s32 @!p0 $0x1BF5;
	p2 =	por !p2, p0  }
0x20: {  	[sflag:s8] =	ssyncset.s32 @!p0 $0xFFFFF086;
	s6 =	sadd.s32 @!p0 s3, s7;
	s7 =	simm.s32 @!p0 $0x108  }
0x21: {  	s3 =	sadd.s32 s3, s9;
	s6 =	sadd.s32 @!p0 $0x88, s6;
	s7 =	simm.s32 @p2 $0x1082  }
0x22: {  	[simem:s7], [sflag:s8] =	dma.local @!p0 [hbm:s6], $0xF7A  }
0x23: {  	s9 =	sor.u32 $0xD0000000, s2;
	s6 =	simm.s32 $0x108;
	_ =	swait.ge @!p0 [sflag:s8], $0x0  }
0x24: {  	s3 =	sadd.s32 $0x88, s3;
	s6 =	simm.s32 @!p1 $0x1082;
	[sflag:s4] =	ssyncset.s32 $0xFFFFF086  }
0x25: {  	[simem:s6], [sflag:s4] =	dma.local [hbm:s3], $0xF7A  }
0x26: {  	[smem:$0x3F94] =	sst s1;
	(tag) =	ssettag s2;
	_ =	strace s9  }
0x27: {  	s1 =	sld [smem:$0x3FA4]  }
0x28: {  	s2 =	sld [smem:$0x3FA5]  }
0x29: {  	s4 =	sld [smem:$0x3FA7]  }
0x2a: {  	p0 =	seq.s32 s5, $0x0;
	s5 =	sld [smem:$0x3FA8]  }
0x2b: {  	s6 =	sld [smem:$0x3FA9]  }
0x2c: {  	s7 =	sld [smem:$0x3FAA]  }
0x2d: {  	s3 =	simm.s32 $0x108;
	s8 =	sld [smem:$0x3FAB]  }
0x2e: {  	s3 =	simm.s32 @!p0 $0x1082;
	s9 =	sld [smem:$0x3FAC]  }
0x2f: {  	lr =	sadd.s32 s0, s3;
	s0 =	sld [smem:$0x3FA3]  }
0x30: {  	s3 =	sld [smem:$0x3FA6]  }
0x31: {  	[smem:$0x3FAF] =	sst s10  }
0x32: {  	s10 =	sld [smem:$0x3FAD];
	_ =	sdelay $0x3  }
0x33: {  	p0 =	seq.s32 s10, $0x1;
	s10 =	sld [smem:$0x3FAF];
	_ =	sdelay $0x3  }
0x34: {  	[smem:$0x3FAF] =	sst s10  }
0x35: {  	s10 =	sld [smem:$0x3FAE];
	_ =	sdelay $0x3  }
0x36: {  	p1 =	seq.s32 s10, $0x1;
	s10 =	sld [smem:$0x3FAF];
	_ =	sdelay $0x3  }
0x37: {  	[smem:$0x3FAF] =	sst s10  }
0x38: {  	s10 =	sld [smem:$0x3FB0]  }
0x39: {  	_ = 	snop;
	(pc) =	sbr.ind lr, $3  }
0x3a: {  	_ = 	snop  }
0x3b: {  	_ = 	snop  }
0x3c: {  	p2 =	seq.s32 s10, $0x1;
	s10 =	sld [smem:$0x3FAF]  }
0x3d: {  	_ =	shalt  }
0x3e: {  	_ =	shalt  }
0x3f: {  	_ =	shalt  }
0x40: {  	_ =	shalt  }
0x41: {  	_ =	shalt  }
0x42: {  	_ =	shalt  }
0x43: {  	_ =	shalt  }
0x44: {  	_ =	shalt  }
0x45: {  	_ =	shalt  }
0x46: {  	_ =	shalt  }
0x47: {  	_ =	shalt  }
0x48: {  	_ =	shalt  }
0x49: {  	_ =	shalt  }
0x4a: {  	_ =	shalt  }
0x4b: {  	_ =	shalt  }
0x4c: {  	_ =	shalt  }
0x4d: {  	_ =	shalt  }
0x4e: {  	_ =	shalt  }
0x4f: {  	_ =	shalt  }
0x50: {  	_ =	shalt  }
0x51: {  	_ =	shalt  }
0x52: {  	_ =	shalt  }
0x53: {  	_ =	shalt  }
0x54: {  	_ =	shalt  }
0x55: {  	_ =	shalt  }
0x56: {  	_ =	shalt  }
0x57: {  	_ =	shalt  }
0x58: {  	_ =	shalt  }
0x59: {  	_ =	shalt  }
0x5a: {  	_ =	shalt  }
0x5b: {  	_ =	shalt  }
0x5c: {  	_ =	shalt  }
0x5d: {  	_ =	shalt  }
0x5e: {  	_ =	shalt  }
0x5f: {  	_ =	shalt  }
0x60: {  	_ =	shalt  }
0x61: {  	_ =	shalt  }
0x62: {  	_ =	shalt  }
0x63: {  	_ =	shalt  }
0x64: {  	_ =	shalt  }
0x65: {  	_ =	shalt  }
0x66: {  	_ =	shalt  }
0x67: {  	_ =	shalt  }
0x68: {  	_ =	shalt  }
0x69: {  	_ =	shalt  }
0x6a: {  	_ =	shalt  }
0x6b: {  	_ =	shalt  }
0x6c: {  	_ =	shalt  }
0x6d: {  	_ =	shalt  }
0x6e: {  	_ =	shalt  }
0x6f: {  	_ =	shalt  }
0x70: {  	_ =	shalt  }
0x71: {  	_ =	shalt  }
0x72: {  	_ =	shalt  }
0x73: {  	_ =	shalt  }
0x74: {  	_ =	shalt  }
0x75: {  	_ =	shalt  }
0x76: {  	_ =	shalt  }
0x77: {  	_ =	shalt  }
0x78: {  	_ =	shalt  }
0x79: {  	_ =	shalt  }
0x7a: {  	_ =	shalt  }
0x7b: {  	_ =	shalt  }
0x7c: {  	_ =	shalt  }
0x7d: {  	_ =	shalt  }
0x7e: {  	_ =	shalt  }
0x7f: {  	_ =	shalt  }
0x80: {  	_ =	shalt  }
0x81: {  	_ =	shalt  }
0x82: {  	_ =	shalt  }
0x83: {  	_ =	shalt  }
0x84: {  	_ =	shalt  }
0x85: {  	_ =	shalt  }
0x86: {  	_ =	shalt  }
0x87: {  	_ =	shalt  }
.Lfunc_end0:
.L_simem_size_0:
called_computation.3_lowered:
.L_overlay_start_0:
0x88: {  	s2 =	sld [smem:$0x3FD9]  }
0x89: {  	s3 =	sld [smem:$0x3FFE];
	_ =	sdelay $0x1  }
0x8a: {  	s1 =	srdreg.scid  }
0x8b: {  	s0 =	sand.u32 $0x1, s1  }
0x8c: {  	s16 =	sshll.u32 s0, $0xA;
	s2 =	sadd.s32 s3, s2  }
0x8d: {  	s2 =	sadd.s32 s2, s16  }
0x8e: {  	[smem:$0x3FBB] =	sst s2  }
0x8f: {  	_ = 	snop  }
0x90: {  	(tm) =	ssettm $0x1  }
0x91: {  	s17 =	sld [smem:$0x3FFB];
	_ =	sdelay $0x3  }
0x92: {  	_ =	strace s17  }
0x93: {  	s2 =	sld [smem:$0x3FFC];
	_ =	sdelay $0x3  }
0x94: {  	_ =	strace s2  }
0x95: {  	s2 =	sld [smem:$0x3FFD];
	_ =	sdelay $0x3  }
0x96: {  	_ =	strace s2  }
0x97: {  	_ =	strace $0x8FFFFFFF  }
0x98: {  	s18 =	sld [smem:$0x3FDB];
	_ =	sdelay $0x1  }
0x99: {  	s19 =	simm.s32 $_scs_section_size  }
0x9a: {  	s4 =	simm.s32 $_size__tile_overlayer_lowered;
	s5 =	simm.s32 $_tile_overlayer_lowered  }
0x9b: {  	s22 =	simm.s32 $0x1BFF;
	s21 =	sshll.u32 s5, $0x1;
	s2 =	sadd.s32 s19, s18  }
0x9c: {  	s6 =	simm.s32 $0x0;
	s20 =	sshll.u32 s4, $0x1;
	s4 =	sadd.s32 s21, s2  }
0x9d: {  	[timem:s6], [sflag:s22] =	dma.local [hbm:s4], s20  }
0x9e: {  	_ =	swait.ge [sflag:s22], s20  }
0x9f: {  	s3 =	ssub.s32 $0x0, s20;
	[sflag:s22] =	ssyncset.done $0x0  }
0xa0: {  	[sflag:s22] =	ssyncadd.s32 s3;
	_ =	sdelay $0x1  }
0xa1: {  	s23 =	simm.s32 $0x1B8B  }
0xa2: {  	_ =	swait.ge [sflag:s23], $0x1  }
0xa3: {  	[sflag:s23] =	ssyncset.done $0x0  }
0xa4: {  	s25 =	simm.s32 $0x1B8E;
	s24 =	sld [smem:$0x3FFE];
	[sflag:s23] =	ssyncadd.s32 $0xFFFFFFFF  }
0xa5: {  	s26 =	simm.s32 $execute0_lowered;
	[smem:$0x3FD2] =	sst s25  }
0xa6: {  	s4 =	sshll.u32 s26, $0x1;
	_ =	strace $0x8000004F;
	[dreg:$0x1] =	wrdreg $0xFFFFFFFF  }
0xa7: {  	s28 =	simm.s32 $_size_execute0_lowered;
	s2 =	sadd.s32 s2, s4;
	[dreg:$0x0] =	wrdreg $0x0  }
0xa8: {  	s4 =	sshll.u32 s28, $0x1;
	[dreg:$0x2] =	wrdreg s2  }
0xa9: {  	[dreg:$0x3] =	wrdreg s4  }
0xaa: {  	[dreg:$0x4] =	wrdreg $0xC0  }
0xab: {  	_ =	task [dreg:s6], $0x5FFFF  }
0xac: {  	[dreg:$0x1] =	wrdreg $0xFFFFFFFF  }
0xad: {  	[dreg:$0x0] =	wrdreg $0x60  }
0xae: {  	[dreg:$0x2] =	wrdreg s24  }
0xaf: {  	[dreg:$0x3] =	wrdreg $0x9  }
0xb0: {  	_ =	task.clear_ibuf [dreg:s6], $0x4FFFF;
	_ =	strace $0x9000004F  }
0xb1: {  	s29 =	simm.s32 $0x9;
	_ =	strace $0x80000051  }
0xb2: {  	_ =	swait.ge [sflag:s29], $0x1  }
0xb3: {  	[sflag:s29] =	ssyncadd.s32 $0xFFFFFFFF  }
0xb4: {  	_ =	strace $0x90000051  }
0xb5: {  	_ =	sfence  }
0xb6: {  	s30 =	sld [smem:$0x0];
	_ =	sdelay $0x2  }
0xb7: {  	s31 =	sshll.u32 s1, $0xD;
	s1 =	sshrl.u32 s1, $0x2  }
0xb8: {  	s3 =	sand.u32 $0x4000, s31;
	s1 =	sadd.s32 s1, s30  }
0xb9: {  	s0 =	sor.u32 s3, s0;
	s1 =	sshll.u32 s1, $0x11  }
0xba: {  	s0 =	sor.u32 s1, s0  }
0xbb: {  	s0 =	sadd.s32 $0x8F2B, s0  }
0xbc: {  	[sflag:s0] =	ssyncadd.remote.s32 $0x1  }
0xbd: {  	_ =	sfence.sel $0xFFFF  }
0xbe: {  	[dreg:$0x0] =	wrdreg $0xFFFFFFFF;
	(pc) =	sbr.abs _section_cstart, $3  }
0xbf: {  	[dreg:$0x1] =	wrdreg $0xFFFFFFFF  }
0xc0: {  	_ =	task.clear_ibuf [dreg:s6], $0x2FFFF;
	_ =	strace $0x9FFFFFFF  }
0xc1: {  	(tm) =	ssettm $0x7FFFFFFF  }
tec
execute0_lowered:
.L_overlay_start_1:
0x0: {  	(tag) =	ssettag $0x1  }
0x1: {  	s0 =	rddreg [dreg:$0x0]  }
0x2: {  	s1 =	srdreg.scid;
	s8 =	stileid.u32;
	s2 =	simm.s32 $0x0  }
0x3: {  	s14 =	simm.s32 $0x80;
	s15 =	simm.s32 $0x400;
	s16 =	simm.s32 $0x3  }
0x4: {  	s17 =	simm.s32 $0x2800;
	s18 =	simm.s32 $0xF000;
	s19 =	simm.s32 $0x12600  }
0x5: {  	s20 =	simm.s32 $0x1;
	s21 =	simm.s32 $0x10B00;
	s22 =	simm.s32 $0x14100  }
0x6: {  	s23 =	simm.s32 $0x5000;
	s28 =	simm.s32 $0x2;
	s29 =	simm.s32 $0x0  }
0x7: {  	s1 =	sand.u32 $0x1, s1;
	s4 =	sshll.u32 s8, $0x1;
	[smem:$0x7FF] =	sst s2  }
0x8: {  	s6 =	sadd.s32 $0xF400, s0;
	s8 =	sshll.u32 s8, $0x8;
	s12 =	sadd.s32 $0x37600, s0  }
0x9: {  	s3 =	sshll.u32 s1, $0x5;
	_ =	strace $0x80000050;
	s1 =	ssub.s32 $0x2, s1  }
0xa: {  	s8 =	sand.u32 $0x300, s8;
	s5 =	sor.u32 s4, s3;
	s3 =	sadd.s32 $0x4600, s0  }
0xb: {  	s9 =	sshrl.u32 s1, $0x1;
	s4 =	sshrl.u32 s5, $0x3;
	s5 =	sor.u32 $0x41, s5  }
0xc: {  	s1 =	ssub.s32 s1, s9;
	s7 =	smul.u32 $0x14000, s4;
	s26 =	sshrl.u32 s5, $0x3  }
0xd: {  	s4 =	sadd.s32 $0x23400, s0;
	s5 =	sshll.u32 s5, $0x7;
	s13 =	smul.u32 $0x14000, s26  }
0xe: {  	s30 =	sand.u32 $0x380, s5;
	s26 =	simm.s32 $0xC800;
	s10 =	sor.u32 s8, s7  }
0xf: {  	s7 =	sadd.s32 $0xE4A0, s0;
	s8 =	sadd.s32 $0x2D2A0, s0;
	s24 =	sshrl.u32 s10, $0x3  }
0x10: {  	s31 =	sadd.s32 $0xA0000, s10;
	s0 =	sor.u32 s30, s13;
	s13 =	smax.u32 s1, $0x1  }
0x11: {  	s25 =	sadd.s32 s6, s24;
	s11 =	sor.u32 $0x10, s24;
	s9 =	sadd.s32 s12, s24  }
0x12: {  	s5 =	sshrl.u32 s31, $0x3;
	s0 =	sshrl.u32 s0, $0x3;
	s24 =	simm.s32 $0xA000  }
0x13: {  	[dreg:$0x2] =	wrdreg s25;
	s6 =	sadd.s32 s6, s11;
	s10 =	sadd.s32 s12, s11  }
0x14: {  	v0 =	vimm.f32 $0.0e+00;
	s11 =	sadd.s32 s12, s5;
	s12 =	sadd.s32 s12, s0;
	s25 =	simm.s32 $0x7800  }
.LBB2_1:
0x15: {  	s0 =	rddreg [dreg:$0x2]  }
0x16: {  	[tilespmem:s2], [sflag:$0x3] =	stream.strided.gather [hbm4b:s0+s14], $0x2800, s15, s14, $0x38;
	[tilespmem:$0x15C00] =	vst v63  }
0x17: {  	_ =	swait.ge [sflag:s16], $0x2800  }
0x18: {  	[sflag:s16] =	ssyncset.done $0x0  }
0x19: {  	[sflag:s16] =	ssyncadd.s32 $0xFFFFD800  }
0x1a: {  	[tilespmem:s17], [sflag:$0x3] =	stream.strided.gather [hbm4b:s6+s14], $0x2800, s15, s14, $0x38;
	[tilespmem:$0x15C00] =	vst v63  }
0x1b: {  	_ =	swait.ge [sflag:s16], $0x2800  }
0x1c: {  	[sflag:s16] =	ssyncset.done $0x0  }
0x1d: {  	s1 =	simm.s32 $0x40;
	s0 =	simm.s32 $0x0;
	[sflag:s16] =	ssyncadd.s32 $0xFFFFD800  }
.LBB2_2:
0x1e: {  	p0 =	sne.s32 s1, $0x9FC0;
	[tilespmem:s0+$0xC800] =	vst v0;
	s5 =	smov.u32 s1;
	s1 =	sadd.s32 $0x40, s1  }
.Ltmp0:
0x1f: {  	[tilespmem:s0+$0xA000] =	vst v0;
	(pc) =	sbr.rel @p0 .LBB2_2-.Ltmp0, $3  }
0x20: {  	[tilespmem:s0+$0x5000] =	vst v0  }
0x21: {  	[tilespmem:s0+$0x7800] =	vst v0;
	_ =	sdelay $0x1  }
0x22: {  	s0 =	sshra.s32 s5, $0x2  }
0x23: {  	[tilespmem:s0+$0xC800] =	vst v0  }
0x24: {  	[tilespmem:s0+$0xA000] =	vst v0  }
0x25: {  	[tilespmem:s0+$0x5000] =	vst v0  }
0x26: {  	[tilespmem:s0+$0x7800] =	vst v0;
	s30 =	simm.s32 $0x0  }
0x27: {  	[tilespmem:s18], [sflag:$0x1] =	stream.linear.gather [hbm4b:s3+s30], $0x1B00, $0x38;
	[tilespmem:$0x15C00] =	vst v63  }
0x28: {  	_ = 	snop  }
0x29: {  	[tilespmem:s19], [sflag:$0x1] =	stream.linear.gather [hbm4b:s4+s30], $0x1B00, $0x38;
	[tilespmem:$0x15C00] =	vst v63  }
.LBB2_4:
0x2a: {  	_ =	swait.ge [sflag:s20], $0x1B00  }
0x2b: {  	s0 =	smul.u32 $0x3600, s30;
	[sflag:s20] =	ssyncset.done $0x0  }
0x2c: {  	[sflag:s20] =	ssyncadd.s32 $0xFFFFE500  }
0x2d: {  	s31 =	sshrl.u32 s0, $0x3;
	_ =	swait.ge [sflag:s20], $0x1B00  }
0x2e: {  	s0 =	sadd.s32 $0x360, s31;
	[sflag:s20] =	ssyncset.done $0x0  }
0x2f: {  	s1 =	sadd.s32 s3, s0;
	[sflag:s20] =	ssyncadd.s32 $0xFFFFE500  }
0x30: {  	[tilespmem:s21], [sflag:$0x2] =	stream.linear.gather [hbm4b:s1+s2], $0x1B00, $0x38;
	[tilespmem:$0x15C00] =	vst v63  }
0x31: {  	s5 =	simm.s32 $0xF020;
	s0 =	sadd.s32 s4, s0  }
0x32: {  	[tilespmem:s22], [sflag:$0x2] =	stream.linear.gather [hbm4b:s0+s2], $0x1B00, $0x38;
	[tilespmem:$0x15C00] =	vst v63  }
0x33: {  	v1 =	vld [tilespmem:s5+$0x10]  }
0x34: {  	v3 =	vld [tilespmem:s5+$0xFFFFFFE0];
	_ =	sdelay $0x3  }
0x35: {  	v2 =	vld [tilespmem:s5+$0xFFFFFFF0];
	v5 =	vand.u32 $0xFFFF, v1  }
0x36: {  	v7 =	vand.u32 $0xFFFF, v3  }
0x37: {  	v4 =	vld [tilespmem:s5+$0x0]  }
0x38: {  	s1 =	simm.s32 $0x12620  }
0x39: {  	v10 =	vld [tilespmem:s1+$0x10]  }
0x3a: {  	v6 =	vand.u32 $0xFFFF, v2;
	v9 =	vld.idx.msk [tilespmem:v5+s2+$0x0], $0xffff  }
0x3b: {  	v12 =	vld.idx.msk [tilespmem:v7+s2+$0x0], $0xffff  }
0x3c: {  	v14 =	vld [tilespmem:s1+$0xFFFFFFE0];
	v8 =	vand.u32 $0xFFFF, v4  }
0x3d: {  	v16 =	vld [tilespmem:s1+$0xFFFFFFF0];
	v13 =	vshrl.u32 v1, $0x10  }
0x3e: {  	v17 =	vld [tilespmem:s1+$0x0];
	v3 =	vshrl.u32 v3, $0x10  }
0x3f: {  	s0 =	simm.s32 $0x12660;
	v11 =	vld.idx.msk [tilespmem:v6+s2+$0x0], $0xffff;
	v1 =	vunpack.i.l.bf16.f32 v9  }
0x40: {  	v61 =	vld [tilespmem:s0+$0x10];
	v18 =	vunpack.i.l.bf16.f32 v12;
	v1 =	vmul.f32 v1, v10  }
0x41: {  	v15 =	vld.idx.msk [tilespmem:v8+s2+$0x0], $0xffff;
	v9 =	vunpack.i.u.bf16.f32 v9;
	v18 =	vmul.f32 v18, v14  }
0x42: {  	v2 =	vshrl.u32 v2, $0x10;
	v9 =	vmul.f32 v9, v10;
	[tilespmem:v13+s23+$0x0] =	vst.idx.add.f32.msk $0xffff, v1  }
0x43: {  	v12 =	vunpack.i.u.bf16.f32 v12;
	[tilespmem:v3+s23+$0x0] =	vst.idx.add.f32.msk $0xffff, v18  }
0x44: {  	v1 =	vshrl.u32 v4, $0x10;
	v4 =	vunpack.i.l.bf16.f32 v11;
	[tilespmem:v13+s24+$0x0] =	vst.idx.add.f32.msk $0xffff, v9;
	v9 =	vmul.f32 v12, v14  }
0x45: {  	v11 =	vunpack.i.u.bf16.f32 v11;
	v4 =	vmul.f32 v4, v16;
	v5 =	vld.idx.msk [tilespmem:v5+s17+$0x0], $0xffff  }
0x46: {  	v54 =	vunpack.i.l.bf16.f32 v15;
	v11 =	vmul.f32 v11, v16;
	[tilespmem:v3+s24+$0x0] =	vst.idx.add.f32.msk $0xffff, v9  }
0x47: {  	v12 =	vmul.f32 v54, v17;
	v9 =	vunpack.i.u.bf16.f32 v15;
	[tilespmem:v2+s23+$0x0] =	vst.idx.add.f32.msk $0xffff, v4  }
0x48: {  	v4 =	vmul.f32 v9, v17;
	[tilespmem:v2+s24+$0x0] =	vst.idx.add.f32.msk $0xffff, v11  }
0x49: {  	[tilespmem:v1+s23+$0x0] =	vst.idx.add.f32.msk $0xffff, v12  }
0x4a: {  	[tilespmem:v1+s24+$0x0] =	vst.idx.add.f32.msk $0xffff, v4;
	v4 =	vunpack.i.l.bf16.f32 v5  }
0x4b: {  	v7 =	vld.idx.msk [tilespmem:v7+s17+$0x0], $0xffff;
	v4 =	vmul.f32 v4, v10  }
0x4c: {  	v6 =	vld.idx.msk [tilespmem:v6+s17+$0x0], $0xffff  }
0x4d: {  	s5 =	simm.s32 $0xF060;
	v5 =	vunpack.i.u.bf16.f32 v5;
	[tilespmem:v13+s25+$0x0] =	vst.idx.add.f32.msk $0xffff, v4  }
0x4e: {  	v4 =	vmul.f32 v5, v10;
	v5 =	vld [tilespmem:s5+$0x10]  }
0x4f: {  	v9 =	vld [tilespmem:s5+$0xFFFFFFF0]  }
0x50: {  	v10 =	vld [tilespmem:s5+$0xFFFFFFE0]  }
0x51: {  	v11 =	vld [tilespmem:s5+$0x0];
	v55 =	vunpack.i.l.bf16.f32 v6  }
0x52: {  	v56 =	vld.idx.msk [tilespmem:v8+s17+$0x0], $0xffff;
	v8 =	vmul.f32 v55, v16  }
0x53: {  	v6 =	vunpack.i.u.bf16.f32 v6;
	[tilespmem:v13+s26+$0x0] =	vst.idx.add.f32.msk $0xffff, v4;
	v57 =	vand.u32 $0xFFFF, v5  }
0x54: {  	v6 =	vmul.f32 v6, v16;
	v4 =	vunpack.i.l.bf16.f32 v7;
	[tilespmem:v2+s25+$0x0] =	vst.idx.add.f32.msk $0xffff, v8  }
0x55: {  	v4 =	vmul.f32 v4, v14;
	v8 =	vld [tilespmem:s0+$0xFFFFFFE0];
	v59 =	vand.u32 $0xFFFF, v10  }
0x56: {  	v58 =	vand.u32 $0xFFFF, v9;
	v7 =	vunpack.i.u.bf16.f32 v7;
	[tilespmem:v2+s26+$0x0] =	vst.idx.add.f32.msk $0xffff, v6  }
0x57: {  	v7 =	vmul.f32 v7, v14;
	[tilespmem:v3+s25+$0x0] =	vst.idx.add.f32.msk $0xffff, v4  }
0x58: {  	v2 =	vld.idx.msk [tilespmem:v57+s2+$0x0], $0xffff  }
0x59: {  	[tilespmem:v3+s26+$0x0] =	vst.idx.add.f32.msk $0xffff, v7  }
0x5a: {  	v4 =	vand.u32 $0xFFFF, v11;
	v3 =	vld.idx.msk [tilespmem:v59+s2+$0x0], $0xffff  }
0x5b: {  	v60 =	vld.idx.msk [tilespmem:v58+s2+$0x0], $0xffff;
	v20 =	vshrl.u32 v5, $0x10;
	v5 =	vunpack.i.l.bf16.f32 v56  }
0x5c: {  	v6 =	vld [tilespmem:s0+$0x0];
	v21 =	vmul.f32 v5, v17  }
0x5d: {  	v7 =	vld [tilespmem:s0+$0xFFFFFFF0];
	v5 =	vshrl.u32 v10, $0x10;
	v22 =	vunpack.i.l.bf16.f32 v2  }
0x5e: {  	[tilespmem:v1+s25+$0x0] =	vst.idx.add.f32.msk $0xffff, v21;
	v2 =	vunpack.i.u.bf16.f32 v2;
	v10 =	vmul.f32 v22, v61  }
0x5f: {  	v19 =	vld.idx.msk [tilespmem:v4+s2+$0x0], $0xffff;
	v62 =	vmul.f32 v2, v61;
	v2 =	vshrl.u32 v9, $0x10;
	v9 =	vunpack.i.l.bf16.f32 v3  }
0x60: {  	v9 =	vmul.f32 v9, v8;
	[tilespmem:v20+s23+$0x0] =	vst.idx.add.f32.msk $0xffff, v10  }
0x61: {  	v10 =	vunpack.i.u.bf16.f32 v3;
	[tilespmem:v20+s24+$0x0] =	vst.idx.add.f32.msk $0xffff, v62  }
0x62: {  	v3 =	vshrl.u32 v11, $0x10;
	v11 =	vunpack.i.l.bf16.f32 v60;
	v10 =	vmul.f32 v10, v8;
	[tilespmem:v5+s23+$0x0] =	vst.idx.add.f32.msk $0xffff, v9  }
0x63: {  	v16 =	vunpack.i.u.bf16.f32 v60;
	v11 =	vmul.f32 v11, v7;
	v14 =	vld.idx.msk [tilespmem:v57+s17+$0x0], $0xffff  }
0x64: {  	v16 =	vmul.f32 v16, v7;
	[tilespmem:v5+s24+$0x0] =	vst.idx.add.f32.msk $0xffff, v10  }
0x65: {  	v9 =	vunpack.i.l.bf16.f32 v19;
	[tilespmem:v2+s23+$0x0] =	vst.idx.add.f32.msk $0xffff, v11  }
0x66: {  	v9 =	vmul.f32 v9, v6;
	v10 =	vunpack.i.u.bf16.f32 v19;
	[tilespmem:v2+s24+$0x0] =	vst.idx.add.f32.msk $0xffff, v16  }
0x67: {  	v10 =	vmul.f32 v10, v6;
	v11 =	vld.idx.msk [tilespmem:v59+s17+$0x0], $0xffff  }
0x68: {  	[tilespmem:v3+s23+$0x0] =	vst.idx.add.f32.msk $0xffff, v9;
	v9 =	vunpack.i.l.bf16.f32 v14  }
0x69: {  	[tilespmem:v3+s24+$0x0] =	vst.idx.add.f32.msk $0xffff, v10;
	v14 =	vunpack.i.u.bf16.f32 v14;
	v9 =	vmul.f32 v9, v61  }
0x6a: {  	v10 =	vld.idx.msk [tilespmem:v58+s17+$0x0], $0xffff;
	v63 =	vmul.f32 v14, v61  }
0x6b: {  	v13 =	vunpack.i.u.bf16.f32 v56;
	[tilespmem:v20+s25+$0x0] =	vst.idx.add.f32.msk $0xffff, v9  }
0x6c: {  	s1 =	simm.s32 $0x40;
	s5 =	simm.s32 $0xF0A0;
	v9 =	vmul.f32 v13, v17;
	[tilespmem:v20+s26+$0x0] =	vst.idx.add.f32.msk $0xffff, v63  }
.LBB2_5:
0x6d: {  	v12 =	vld [tilespmem:s5+$0x10]  }
0x6e: {  	v13 =	vld [tilespmem:s5+$0xFFFFFFF0]  }
0x6f: {  	s1 =	sadd.s32 $0x40, s1;
	v15 =	vunpack.i.u.bf16.f32 v11;
	v11 =	vunpack.i.l.bf16.f32 v11;
	v14 =	vld [tilespmem:s5+$0x0]  }
0x70: {  	p0 =	slt.u32 s1, $0x1AC0;
	v11 =	vmul.f32 v11, v8;
	v17 =	vunpack.i.u.bf16.f32 v10;
	v10 =	vunpack.i.l.bf16.f32 v10;
	v16 =	vld [tilespmem:s5+$0xFFFFFFE0]  }
0x71: {  	v8 =	vmul.f32 v15, v8;
	v10 =	vmul.f32 v10, v7;
	v15 =	vld.idx.msk [tilespmem:v4+s17+$0x0], $0xffff  }
0x72: {  	v7 =	vmul.f32 v17, v7;
	v18 =	vand.u32 $0xFFFF, v12;
	[tilespmem:v5+s25+$0x0] =	vst.idx.add.f32.msk $0xffff, v11  }
0x73: {  	v11 =	vshrl.u32 v13, $0x10;
	v13 =	vand.u32 $0xFFFF, v13;
	[tilespmem:v5+s26+$0x0] =	vst.idx.add.f32.msk $0xffff, v8  }
0x74: {  	v8 =	vshrl.u32 v14, $0x10;
	v4 =	vand.u32 $0xFFFF, v14;
	[tilespmem:v2+s25+$0x0] =	vst.idx.add.f32.msk $0xffff, v10  }
0x75: {  	v5 =	vshrl.u32 v16, $0x10;
	v10 =	vand.u32 $0xFFFF, v16;
	[tilespmem:v2+s26+$0x0] =	vst.idx.add.f32.msk $0xffff, v7;
	v2 =	vmov v11  }
0x76: {  	[tilespmem:v1+s26+$0x0] =	vst.idx.add.f32.msk $0xffff, v9;
	v1 =	vmov v3;
	v3 =	vmov v8  }
0x77: {  	v7 =	vunpack.i.u.bf16.f32 v15;
	v8 =	vunpack.i.l.bf16.f32 v15;
	v11 =	vld.idx.msk [tilespmem:v18+s2+$0x0], $0xffff  }
0x78: {  	s0 =	sadd.s32 $0x40, s0;
	v15 =	vmul.f32 v8, v6;
	v9 =	vmul.f32 v7, v6;
	v14 =	vld.idx.msk [tilespmem:v13+s2+$0x0], $0xffff  }
0x79: {  	v16 =	vld [tilespmem:s0+$0x10]  }
0x7a: {  	v17 =	vld.idx.msk [tilespmem:v10+s2+$0x0], $0xffff  }
0x7b: {  	v12 =	vshrl.u32 v12, $0x10;
	v19 =	vld.idx.msk [tilespmem:v4+s2+$0x0], $0xffff  }
0x7c: {  	v8 =	vld [tilespmem:s0+$0xFFFFFFE0]  }
0x7d: {  	v20 =	vunpack.i.l.bf16.f32 v11;
	v7 =	vld [tilespmem:s0+$0xFFFFFFF0]  }
0x7e: {  	v11 =	vunpack.i.u.bf16.f32 v11;
	v21 =	vunpack.i.u.bf16.f32 v14;
	v6 =	vld [tilespmem:s0+$0x0];
	v20 =	vmul.f32 v20, v16  }
0x7f: {  	v14 =	vunpack.i.l.bf16.f32 v14;
	v11 =	vmul.f32 v11, v16;
	[tilespmem:v1+s25+$0x0] =	vst.idx.add.f32.msk $0xffff, v15  }
0x80: {  	v15 =	vunpack.i.u.bf16.f32 v17;
	v17 =	vunpack.i.l.bf16.f32 v17;
	[tilespmem:v12+s23+$0x0] =	vst.idx.add.f32.msk $0xffff, v20  }
0x81: {  	v20 =	vunpack.i.u.bf16.f32 v19;
	v19 =	vunpack.i.l.bf16.f32 v19;
	v17 =	vmul.f32 v17, v8;
	[tilespmem:v12+s24+$0x0] =	vst.idx.add.f32.msk $0xffff, v11  }
0x82: {  	v11 =	vmul.f32 v15, v8;
	v14 =	vmul.f32 v14, v7;
	v15 =	vld.idx.msk [tilespmem:v18+s17+$0x0], $0xffff  }
0x83: {  	[tilespmem:v5+s23+$0x0] =	vst.idx.add.f32.msk $0xffff, v17;
	v17 =	vmul.f32 v21, v7;
	v18 =	vmul.f32 v19, v6  }
0x84: {  	[tilespmem:v5+s24+$0x0] =	vst.idx.add.f32.msk $0xffff, v11;
	v11 =	vmul.f32 v20, v6  }
0x85: {  	[tilespmem:v2+s23+$0x0] =	vst.idx.add.f32.msk $0xffff, v14  }
0x86: {  	[tilespmem:v2+s24+$0x0] =	vst.idx.add.f32.msk $0xffff, v17  }
0x87: {  	[tilespmem:v3+s23+$0x0] =	vst.idx.add.f32.msk $0xffff, v18  }
.Ltmp1:
0x88: {  	v14 =	vunpack.i.l.bf16.f32 v15;
	[tilespmem:v3+s24+$0x0] =	vst.idx.add.f32.msk $0xffff, v11;
	(pc) =	sbr.rel @p0 .LBB2_5-.Ltmp1, $4  }
0x89: {  	v15 =	vunpack.i.u.bf16.f32 v15;
	v14 =	vmul.f32 v14, v16;
	v11 =	vld.idx.msk [tilespmem:v10+s17+$0x0], $0xffff  }
0x8a: {  	v10 =	vld.idx.msk [tilespmem:v13+s17+$0x0], $0xffff;
	v13 =	vmul.f32 v15, v16  }
0x8b: {  	[tilespmem:v12+s25+$0x0] =	vst.idx.add.f32.msk $0xffff, v14  }
0x8c: {  	s5 =	sadd.s32 $0x40, s5;
	[tilespmem:v12+s26+$0x0] =	vst.idx.add.f32.msk $0xffff, v13  }
0x8d: {  	_ =	sdelay $0x3  }
0x8e: {  	v4 =	vld.idx.msk [tilespmem:v4+s17+$0x0], $0xffff;
	v12 =	vunpack.i.l.bf16.f32 v11  }
0x8f: {  	v11 =	vunpack.i.u.bf16.f32 v11;
	v12 =	vmul.f32 v12, v8  }
0x90: {  	v13 =	vunpack.i.l.bf16.f32 v10;
	v8 =	vmul.f32 v11, v8  }
0x91: {  	v10 =	vunpack.i.u.bf16.f32 v10;
	v11 =	vmul.f32 v13, v7;
	[tilespmem:v5+s25+$0x0] =	vst.idx.add.f32.msk $0xffff, v12  }
0x92: {  	v7 =	vmul.f32 v10, v7;
	[tilespmem:v5+s26+$0x0] =	vst.idx.add.f32.msk $0xffff, v8  }
0x93: {  	[tilespmem:v2+s25+$0x0] =	vst.idx.add.f32.msk $0xffff, v11;
	v5 =	vunpack.i.l.bf16.f32 v4  }
0x94: {  	[tilespmem:v2+s26+$0x0] =	vst.idx.add.f32.msk $0xffff, v7;
	v2 =	vunpack.i.u.bf16.f32 v4;
	v4 =	vmul.f32 v5, v6  }
0x95: {  	[tilespmem:v1+s26+$0x0] =	vst.idx.add.f32.msk $0xffff, v9;
	v1 =	vmul.f32 v2, v6  }
0x96: {  	[tilespmem:v3+s25+$0x0] =	vst.idx.add.f32.msk $0xffff, v4  }
0x97: {  	[tilespmem:v3+s26+$0x0] =	vst.idx.add.f32.msk $0xffff, v1  }
0x98: {  	_ =	swait.ge [sflag:s28], $0x1B00  }
0x99: {  	[sflag:s28] =	ssyncset.done $0x0  }
0x9a: {  	[sflag:s28] =	ssyncadd.s32 $0xFFFFE500  }
0x9b: {  	_ =	swait.ge [sflag:s28], $0x1B00  }
0x9c: {  	s0 =	sadd.s32 $0x6C0, s31;
	[sflag:s28] =	ssyncset.done $0x0  }
0x9d: {  	s1 =	sadd.s32 s3, s0;
	[sflag:s28] =	ssyncadd.s32 $0xFFFFE500  }
0x9e: {  	[tilespmem:s18], [sflag:$0x1] =	stream.linear.gather [hbm4b:s1+s2], $0x1B00, $0x38;
	[tilespmem:$0x15C00] =	vst v63  }
0x9f: {  	s0 =	sadd.s32 s4, s0;
	s1 =	simm.s32 $0x10B20  }
0xa0: {  	[tilespmem:s19], [sflag:$0x1] =	stream.linear.gather [hbm4b:s0+s2], $0x1B00, $0x38;
	[tilespmem:$0x15C00] =	vst v63  }
0xa1: {  	v1 =	vld [tilespmem:s1+$0x10]  }
0xa2: {  	v3 =	vld [tilespmem:s1+$0xFFFFFFE0];
	_ =	sdelay $0x3  }
0xa3: {  	v2 =	vld [tilespmem:s1+$0xFFFFFFF0];
	v5 =	vand.u32 $0xFFFF, v1  }
0xa4: {  	v7 =	vand.u32 $0xFFFF, v3  }
0xa5: {  	v4 =	vld [tilespmem:s1+$0x0]  }
0xa6: {  	s5 =	simm.s32 $0x14120  }
0xa7: {  	v10 =	vld [tilespmem:s5+$0x10]  }
0xa8: {  	v6 =	vand.u32 $0xFFFF, v2;
	v9 =	vld.idx.msk [tilespmem:v5+s2+$0x0], $0xffff  }
0xa9: {  	v53 =	vld.idx.msk [tilespmem:v7+s2+$0x0], $0xffff  }
0xaa: {  	v14 =	vld [tilespmem:s5+$0xFFFFFFE0];
	v8 =	vand.u32 $0xFFFF, v4  }
0xab: {  	v16 =	vld [tilespmem:s5+$0xFFFFFFF0];
	v54 =	vshrl.u32 v1, $0x10  }
0xac: {  	v17 =	vld [tilespmem:s5+$0x0];
	v3 =	vshrl.u32 v3, $0x10  }
0xad: {  	s0 =	simm.s32 $0x14160;
	v11 =	vld.idx.msk [tilespmem:v6+s2+$0x0], $0xffff;
	v1 =	vunpack.i.l.bf16.f32 v9  }
0xae: {  	v62 =	vld [tilespmem:s0+$0x10];
	v18 =	vunpack.i.l.bf16.f32 v53;
	v1 =	vmul.f32 v1, v10  }
0xaf: {  	v15 =	vld.idx.msk [tilespmem:v8+s2+$0x0], $0xffff;
	v9 =	vunpack.i.u.bf16.f32 v9;
	v18 =	vmul.f32 v18, v14  }
0xb0: {  	v2 =	vshrl.u32 v2, $0x10;
	v9 =	vmul.f32 v9, v10;
	[tilespmem:v54+s23+$0x0] =	vst.idx.add.f32.msk $0xffff, v1  }
0xb1: {  	v12 =	vunpack.i.u.bf16.f32 v53;
	[tilespmem:v3+s23+$0x0] =	vst.idx.add.f32.msk $0xffff, v18  }
0xb2: {  	v1 =	vshrl.u32 v4, $0x10;
	v4 =	vunpack.i.l.bf16.f32 v11;
	[tilespmem:v54+s24+$0x0] =	vst.idx.add.f32.msk $0xffff, v9;
	v9 =	vmul.f32 v12, v14  }
0xb3: {  	v11 =	vunpack.i.u.bf16.f32 v11;
	v4 =	vmul.f32 v4, v16;
	v5 =	vld.idx.msk [tilespmem:v5+s17+$0x0], $0xffff  }
0xb4: {  	v55 =	vunpack.i.l.bf16.f32 v15;
	v11 =	vmul.f32 v11, v16;
	[tilespmem:v3+s24+$0x0] =	vst.idx.add.f32.msk $0xffff, v9  }
0xb5: {  	v12 =	vmul.f32 v55, v17;
	v9 =	vunpack.i.u.bf16.f32 v15;
	[tilespmem:v2+s23+$0x0] =	vst.idx.add.f32.msk $0xffff, v4  }
0xb6: {  	v4 =	vmul.f32 v9, v17;
	[tilespmem:v2+s24+$0x0] =	vst.idx.add.f32.msk $0xffff, v11  }
0xb7: {  	[tilespmem:v1+s23+$0x0] =	vst.idx.add.f32.msk $0xffff, v12  }
0xb8: {  	s31 =	simm.s32 $0x10B60;
	[tilespmem:v1+s24+$0x0] =	vst.idx.add.f32.msk $0xffff, v4;
	v4 =	vunpack.i.l.bf16.f32 v5  }
0xb9: {  	v9 =	vld [tilespmem:s31+$0xFFFFFFF0];
	v4 =	vmul.f32 v4, v10  }
0xba: {  	v6 =	vld.idx.msk [tilespmem:v6+s17+$0x0], $0xffff  }
0xbb: {  	v5 =	vunpack.i.u.bf16.f32 v5;
	[tilespmem:v54+s25+$0x0] =	vst.idx.add.f32.msk $0xffff, v4  }
0xbc: {  	v4 =	vmul.f32 v5, v10;
	v5 =	vld [tilespmem:s31+$0x10]  }
0xbd: {  	v10 =	vld [tilespmem:s31+$0xFFFFFFE0]  }
0xbe: {  	v7 =	vld.idx.msk [tilespmem:v7+s17+$0x0], $0xffff  }
0xbf: {  	v11 =	vld [tilespmem:s31+$0x0];
	v56 =	vunpack.i.l.bf16.f32 v6  }
0xc0: {  	v57 =	vld.idx.msk [tilespmem:v8+s17+$0x0], $0xffff;
	v59 =	vand.u32 $0xFFFF, v9;
	v8 =	vmul.f32 v56, v16  }
0xc1: {  	v6 =	vunpack.i.u.bf16.f32 v6;
	[tilespmem:v54+s26+$0x0] =	vst.idx.add.f32.msk $0xffff, v4;
	v58 =	vand.u32 $0xFFFF, v5  }
0xc2: {  	v6 =	vmul.f32 v6, v16;
	[tilespmem:v2+s25+$0x0] =	vst.idx.add.f32.msk $0xffff, v8;
	v60 =	vand.u32 $0xFFFF, v10  }
0xc3: {  	v8 =	vld [tilespmem:s0+$0xFFFFFFE0]  }
0xc4: {  	[tilespmem:v2+s26+$0x0] =	vst.idx.add.f32.msk $0xffff, v6  }
0xc5: {  	v4 =	vunpack.i.l.bf16.f32 v7;
	v61 =	vld.idx.msk [tilespmem:v59+s2+$0x0], $0xffff  }
0xc6: {  	v7 =	vunpack.i.u.bf16.f32 v7;
	v4 =	vmul.f32 v4, v14;
	v2 =	vld.idx.msk [tilespmem:v58+s2+$0x0], $0xffff  }
0xc7: {  	v7 =	vmul.f32 v7, v14;
	v19 =	vld.idx.msk [tilespmem:v60+s2+$0x0], $0xffff  }
0xc8: {  	[tilespmem:v3+s25+$0x0] =	vst.idx.add.f32.msk $0xffff, v4;
	v4 =	vand.u32 $0xFFFF, v11  }
0xc9: {  	v21 =	vshrl.u32 v5, $0x10;
	[tilespmem:v3+s26+$0x0] =	vst.idx.add.f32.msk $0xffff, v7;
	v3 =	vunpack.i.l.bf16.f32 v57  }
0xca: {  	v6 =	vld [tilespmem:s0+$0x0];
	v5 =	vshrl.u32 v10, $0x10;
	v3 =	vmul.f32 v3, v17  }
0xcb: {  	v7 =	vld [tilespmem:s0+$0xFFFFFFF0];
	v22 =	vunpack.i.l.bf16.f32 v2  }
0xcc: {  	[tilespmem:v1+s25+$0x0] =	vst.idx.add.f32.msk $0xffff, v3;
	v3 =	vshrl.u32 v9, $0x10;
	v9 =	vunpack.i.l.bf16.f32 v19;
	v10 =	vmul.f32 v22, v62  }
0xcd: {  	v20 =	vld.idx.msk [tilespmem:v4+s2+$0x0], $0xffff;
	v2 =	vunpack.i.u.bf16.f32 v2;
	v9 =	vmul.f32 v9, v8  }
0xce: {  	v2 =	vmul.f32 v2, v62;
	[tilespmem:v21+s23+$0x0] =	vst.idx.add.f32.msk $0xffff, v10  }
0xcf: {  	v10 =	vunpack.i.u.bf16.f32 v19;
	[tilespmem:v5+s23+$0x0] =	vst.idx.add.f32.msk $0xffff, v9  }
0xd0: {  	[tilespmem:v21+s24+$0x0] =	vst.idx.add.f32.msk $0xffff, v2;
	v2 =	vshrl.u32 v11, $0x10;
	v11 =	vunpack.i.l.bf16.f32 v61;
	v10 =	vmul.f32 v10, v8  }
0xd1: {  	v14 =	vld.idx.msk [tilespmem:v58+s17+$0x0], $0xffff;
	v11 =	vmul.f32 v11, v7  }
0xd2: {  	v16 =	vunpack.i.u.bf16.f32 v61;
	[tilespmem:v5+s24+$0x0] =	vst.idx.add.f32.msk $0xffff, v10  }
0xd3: {  	v16 =	vmul.f32 v16, v7;
	v9 =	vunpack.i.l.bf16.f32 v20;
	[tilespmem:v3+s23+$0x0] =	vst.idx.add.f32.msk $0xffff, v11  }
0xd4: {  	v9 =	vmul.f32 v9, v6;
	v10 =	vunpack.i.u.bf16.f32 v20;
	v11 =	vld.idx.msk [tilespmem:v60+s17+$0x0], $0xffff  }
0xd5: {  	v10 =	vmul.f32 v10, v6;
	[tilespmem:v3+s24+$0x0] =	vst.idx.add.f32.msk $0xffff, v16  }
0xd6: {  	[tilespmem:v2+s23+$0x0] =	vst.idx.add.f32.msk $0xffff, v9;
	v9 =	vunpack.i.l.bf16.f32 v14  }
0xd7: {  	[tilespmem:v2+s24+$0x0] =	vst.idx.add.f32.msk $0xffff, v10;
	v14 =	vunpack.i.u.bf16.f32 v14;
	v9 =	vmul.f32 v9, v62  }
0xd8: {  	v10 =	vld.idx.msk [tilespmem:v59+s17+$0x0], $0xffff;
	v63 =	vmul.f32 v14, v62  }
0xd9: {  	v13 =	vunpack.i.u.bf16.f32 v57;
	[tilespmem:v21+s25+$0x0] =	vst.idx.add.f32.msk $0xffff, v9  }
0xda: {  	s1 =	simm.s32 $0x40;
	s5 =	simm.s32 $0x10BA0;
	v9 =	vmul.f32 v13, v17;
	[tilespmem:v21+s26+$0x0] =	vst.idx.add.f32.msk $0xffff, v63  }
.LBB2_7:
0xdb: {  	v12 =	vld [tilespmem:s5+$0x10]  }
0xdc: {  	v13 =	vld [tilespmem:s5+$0xFFFFFFF0]  }
0xdd: {  	s1 =	sadd.s32 $0x40, s1;
	v15 =	vunpack.i.u.bf16.f32 v11;
	v11 =	vunpack.i.l.bf16.f32 v11;
	v14 =	vld [tilespmem:s5+$0x0]  }
0xde: {  	p0 =	slt.u32 s1, $0x1AC0;
	v11 =	vmul.f32 v11, v8;
	v17 =	vunpack.i.u.bf16.f32 v10;
	v10 =	vunpack.i.l.bf16.f32 v10;
	v16 =	vld [tilespmem:s5+$0xFFFFFFE0]  }
0xdf: {  	v8 =	vmul.f32 v15, v8;
	v10 =	vmul.f32 v10, v7;
	v15 =	vld.idx.msk [tilespmem:v4+s17+$0x0], $0xffff  }
0xe0: {  	v7 =	vmul.f32 v17, v7;
	v18 =	vand.u32 $0xFFFF, v12;
	[tilespmem:v5+s25+$0x0] =	vst.idx.add.f32.msk $0xffff, v11  }
0xe1: {  	v11 =	vshrl.u32 v13, $0x10;
	v13 =	vand.u32 $0xFFFF, v13;
	[tilespmem:v5+s26+$0x0] =	vst.idx.add.f32.msk $0xffff, v8  }
0xe2: {  	v8 =	vshrl.u32 v14, $0x10;
	v4 =	vand.u32 $0xFFFF, v14;
	[tilespmem:v3+s25+$0x0] =	vst.idx.add.f32.msk $0xffff, v10  }
0xe3: {  	v5 =	vshrl.u32 v16, $0x10;
	v10 =	vand.u32 $0xFFFF, v16;
	[tilespmem:v3+s26+$0x0] =	vst.idx.add.f32.msk $0xffff, v7;
	v3 =	vmov v11  }
0xe4: {  	[tilespmem:v1+s26+$0x0] =	vst.idx.add.f32.msk $0xffff, v9;
	v1 =	vmov v2;
	v2 =	vmov v8  }
0xe5: {  	v7 =	vunpack.i.u.bf16.f32 v15;
	v8 =	vunpack.i.l.bf16.f32 v15;
	v11 =	vld.idx.msk [tilespmem:v18+s2+$0x0], $0xffff  }
0xe6: {  	s0 =	sadd.s32 $0x40, s0;
	v15 =	vmul.f32 v8, v6;
	v9 =	vmul.f32 v7, v6;
	v14 =	vld.idx.msk [tilespmem:v13+s2+$0x0], $0xffff  }
0xe7: {  	v16 =	vld [tilespmem:s0+$0x10]  }
0xe8: {  	v17 =	vld.idx.msk [tilespmem:v10+s2+$0x0], $0xffff  }
0xe9: {  	v12 =	vshrl.u32 v12, $0x10;
	v19 =	vld.idx.msk [tilespmem:v4+s2+$0x0], $0xffff  }
0xea: {  	v8 =	vld [tilespmem:s0+$0xFFFFFFE0]  }
0xeb: {  	v20 =	vunpack.i.l.bf16.f32 v11;
	v7 =	vld [tilespmem:s0+$0xFFFFFFF0]  }
0xec: {  	v11 =	vunpack.i.u.bf16.f32 v11;
	v21 =	vunpack.i.u.bf16.f32 v14;
	v6 =	vld [tilespmem:s0+$0x0];
	v20 =	vmul.f32 v20, v16  }
0xed: {  	v14 =	vunpack.i.l.bf16.f32 v14;
	v11 =	vmul.f32 v11, v16;
	[tilespmem:v1+s25+$0x0] =	vst.idx.add.f32.msk $0xffff, v15  }
0xee: {  	v15 =	vunpack.i.u.bf16.f32 v17;
	v17 =	vunpack.i.l.bf16.f32 v17;
	[tilespmem:v12+s23+$0x0] =	vst.idx.add.f32.msk $0xffff, v20  }
0xef: {  	v20 =	vunpack.i.u.bf16.f32 v19;
	v19 =	vunpack.i.l.bf16.f32 v19;
	v17 =	vmul.f32 v17, v8;
	[tilespmem:v12+s24+$0x0] =	vst.idx.add.f32.msk $0xffff, v11  }
0xf0: {  	v11 =	vmul.f32 v15, v8;
	v14 =	vmul.f32 v14, v7;
	v15 =	vld.idx.msk [tilespmem:v18+s17+$0x0], $0xffff  }
0xf1: {  	[tilespmem:v5+s23+$0x0] =	vst.idx.add.f32.msk $0xffff, v17;
	v17 =	vmul.f32 v21, v7;
	v18 =	vmul.f32 v19, v6  }
0xf2: {  	[tilespmem:v5+s24+$0x0] =	vst.idx.add.f32.msk $0xffff, v11;
	v11 =	vmul.f32 v20, v6  }
0xf3: {  	[tilespmem:v3+s23+$0x0] =	vst.idx.add.f32.msk $0xffff, v14  }
0xf4: {  	[tilespmem:v3+s24+$0x0] =	vst.idx.add.f32.msk $0xffff, v17  }
0xf5: {  	[tilespmem:v2+s23+$0x0] =	vst.idx.add.f32.msk $0xffff, v18  }
.Ltmp2:
0xf6: {  	v14 =	vunpack.i.l.bf16.f32 v15;
	[tilespmem:v2+s24+$0x0] =	vst.idx.add.f32.msk $0xffff, v11;
	(pc) =	sbr.rel @p0 .LBB2_7-.Ltmp2, $4  }
0xf7: {  	v15 =	vunpack.i.u.bf16.f32 v15;
	v14 =	vmul.f32 v14, v16;
	v11 =	vld.idx.msk [tilespmem:v10+s17+$0x0], $0xffff  }
0xf8: {  	v10 =	vld.idx.msk [tilespmem:v13+s17+$0x0], $0xffff;
	v13 =	vmul.f32 v15, v16  }
0xf9: {  	[tilespmem:v12+s25+$0x0] =	vst.idx.add.f32.msk $0xffff, v14  }
0xfa: {  	s5 =	sadd.s32 $0x40, s5;
	[tilespmem:v12+s26+$0x0] =	vst.idx.add.f32.msk $0xffff, v13  }
0xfb: {  	_ =	sdelay $0x3  }
0xfc: {  	v4 =	vld.idx.msk [tilespmem:v4+s17+$0x0], $0xffff  }
0xfd: {  	v12 =	vunpack.i.l.bf16.f32 v11  }
0xfe: {  	v12 =	vmul.f32 v12, v8;
	v13 =	vunpack.i.l.bf16.f32 v10  }
0xff: {  	[tilespmem:v1+s26+$0x0] =	vst.idx.add.f32.msk $0xffff, v9;
	s30 =	sadd.s32 $0x1, s30;
	v59 =	vunpack.i.u.bf16.f32 v10;
	v60 =	vmul.f32 v13, v7  }
0x100: {  	v57 =	vunpack.i.u.bf16.f32 v11;
	p0 =	sne.s32 s30, $0x17;
	v61 =	vmul.f32 v59, v7;
	[tilespmem:v5+s25+$0x0] =	vst.idx.add.f32.msk $0xffff, v12  }
.Ltmp3:
0x101: {  	v58 =	vmul.f32 v57, v8;
	[tilespmem:v3+s25+$0x0] =	vst.idx.add.f32.msk $0xffff, v60;
	v62 =	vunpack.i.l.bf16.f32 v4;
	(pc) =	sbr.rel @p0 .LBB2_4-.Ltmp3, $4  }
0x102: {  	[tilespmem:v3+s26+$0x0] =	vst.idx.add.f32.msk $0xffff, v61;
	v3 =	vunpack.i.u.bf16.f32 v4;
	v63 =	vmul.f32 v62, v6  }
0x103: {  	[tilespmem:v5+s26+$0x0] =	vst.idx.add.f32.msk $0xffff, v58;
	v1 =	vmul.f32 v3, v6  }
0x104: {  	[tilespmem:v2+s25+$0x0] =	vst.idx.add.f32.msk $0xffff, v63  }
0x105: {  	[tilespmem:v2+s26+$0x0] =	vst.idx.add.f32.msk $0xffff, v1  }
0x106: {  	_ =	swait.ge [sflag:s20], $0x1B00  }
0x107: {  	[sflag:s20] =	ssyncset.done $0x0  }
0x108: {  	[sflag:s20] =	ssyncadd.s32 $0xFFFFE500  }
0x109: {  	_ =	swait.ge [sflag:s20], $0x1B00  }
0x10a: {  	[sflag:s20] =	ssyncset.done $0x0  }
0x10b: {  	[sflag:s20] =	ssyncadd.s32 $0xFFFFE500  }
0x10c: {  	[tilespmem:s21], [sflag:$0x2] =	stream.linear.gather [hbm4b:s7+s2], $0x1B00, $0x38;
	[tilespmem:$0x15C00] =	vst v63  }
0x10d: {  	s0 =	simm.s32 $0xF020  }
0x10e: {  	[tilespmem:s22], [sflag:$0x2] =	stream.linear.gather [hbm4b:s8+s2], $0x1B00, $0x38;
	[tilespmem:$0x15C00] =	vst v63  }
0x10f: {  	v1 =	vld [tilespmem:s0+$0x10]  }
0x110: {  	v3 =	vld [tilespmem:s0+$0xFFFFFFE0];
	_ =	sdelay $0x3  }
0x111: {  	v2 =	vld [tilespmem:s0+$0xFFFFFFF0];
	v5 =	vand.u32 $0xFFFF, v1  }
0x112: {  	v7 =	vand.u32 $0xFFFF, v3  }
0x113: {  	v4 =	vld [tilespmem:s0+$0x0]  }
0x114: {  	s30 =	simm.s32 $0x12620  }
0x115: {  	v10 =	vld [tilespmem:s30+$0x10]  }
0x116: {  	v6 =	vand.u32 $0xFFFF, v2;
	v9 =	vld.idx.msk [tilespmem:v5+s2+$0x0], $0xffff  }
0x117: {  	v12 =	vld.idx.msk [tilespmem:v7+s2+$0x0], $0xffff  }
0x118: {  	v14 =	vld [tilespmem:s30+$0xFFFFFFE0];
	v8 =	vand.u32 $0xFFFF, v4  }
0x119: {  	v16 =	vld [tilespmem:s30+$0xFFFFFFF0];
	v13 =	vshrl.u32 v1, $0x10  }
0x11a: {  	v17 =	vld [tilespmem:s30+$0x0];
	v3 =	vshrl.u32 v3, $0x10  }
0x11b: {  	s0 =	simm.s32 $0x12660;
	v11 =	vld.idx.msk [tilespmem:v6+s2+$0x0], $0xffff;
	v1 =	vunpack.i.l.bf16.f32 v9  }
0x11c: {  	v61 =	vld [tilespmem:s0+$0x10];
	v18 =	vunpack.i.l.bf16.f32 v12;
	v1 =	vmul.f32 v1, v10  }
0x11d: {  	v15 =	vld.idx.msk [tilespmem:v8+s2+$0x0], $0xffff;
	v9 =	vunpack.i.u.bf16.f32 v9;
	v18 =	vmul.f32 v18, v14  }
0x11e: {  	v2 =	vshrl.u32 v2, $0x10;
	v9 =	vmul.f32 v9, v10;
	[tilespmem:v13+s23+$0x0] =	vst.idx.add.f32.msk $0xffff, v1  }
0x11f: {  	v12 =	vunpack.i.u.bf16.f32 v12;
	[tilespmem:v3+s23+$0x0] =	vst.idx.add.f32.msk $0xffff, v18  }
0x120: {  	v1 =	vshrl.u32 v4, $0x10;
	v4 =	vunpack.i.l.bf16.f32 v11;
	[tilespmem:v13+s24+$0x0] =	vst.idx.add.f32.msk $0xffff, v9;
	v9 =	vmul.f32 v12, v14  }
0x121: {  	v11 =	vunpack.i.u.bf16.f32 v11;
	v4 =	vmul.f32 v4, v16;
	v5 =	vld.idx.msk [tilespmem:v5+s17+$0x0], $0xffff  }
0x122: {  	v54 =	vunpack.i.l.bf16.f32 v15;
	v11 =	vmul.f32 v11, v16;
	[tilespmem:v3+s24+$0x0] =	vst.idx.add.f32.msk $0xffff, v9  }
0x123: {  	v12 =	vmul.f32 v54, v17;
	v9 =	vunpack.i.u.bf16.f32 v15;
	[tilespmem:v2+s23+$0x0] =	vst.idx.add.f32.msk $0xffff, v4  }
0x124: {  	v4 =	vmul.f32 v9, v17;
	[tilespmem:v2+s24+$0x0] =	vst.idx.add.f32.msk $0xffff, v11  }
0x125: {  	[tilespmem:v1+s23+$0x0] =	vst.idx.add.f32.msk $0xffff, v12  }
0x126: {  	[tilespmem:v1+s24+$0x0] =	vst.idx.add.f32.msk $0xffff, v4;
	v4 =	vunpack.i.l.bf16.f32 v5  }
0x127: {  	v7 =	vld.idx.msk [tilespmem:v7+s17+$0x0], $0xffff;
	v4 =	vmul.f32 v4, v10  }
0x128: {  	v6 =	vld.idx.msk [tilespmem:v6+s17+$0x0], $0xffff  }
0x129: {  	s31 =	simm.s32 $0xF060;
	v5 =	vunpack.i.u.bf16.f32 v5;
	[tilespmem:v13+s25+$0x0] =	vst.idx.add.f32.msk $0xffff, v4  }
0x12a: {  	v4 =	vmul.f32 v5, v10;
	v5 =	vld [tilespmem:s31+$0x10]  }
0x12b: {  	v9 =	vld [tilespmem:s31+$0xFFFFFFF0]  }
0x12c: {  	v10 =	vld [tilespmem:s31+$0xFFFFFFE0]  }
0x12d: {  	v11 =	vld [tilespmem:s31+$0x0];
	v55 =	vunpack.i.l.bf16.f32 v6  }
0x12e: {  	v56 =	vld.idx.msk [tilespmem:v8+s17+$0x0], $0xffff;
	v8 =	vmul.f32 v55, v16  }
0x12f: {  	v6 =	vunpack.i.u.bf16.f32 v6;
	[tilespmem:v13+s26+$0x0] =	vst.idx.add.f32.msk $0xffff, v4;
	v57 =	vand.u32 $0xFFFF, v5  }
0x130: {  	v6 =	vmul.f32 v6, v16;
	v4 =	vunpack.i.l.bf16.f32 v7;
	[tilespmem:v2+s25+$0x0] =	vst.idx.add.f32.msk $0xffff, v8  }
0x131: {  	v4 =	vmul.f32 v4, v14;
	v8 =	vld [tilespmem:s0+$0xFFFFFFE0];
	v59 =	vand.u32 $0xFFFF, v10  }
0x132: {  	v58 =	vand.u32 $0xFFFF, v9;
	v7 =	vunpack.i.u.bf16.f32 v7;
	[tilespmem:v2+s26+$0x0] =	vst.idx.add.f32.msk $0xffff, v6  }
0x133: {  	v7 =	vmul.f32 v7, v14;
	[tilespmem:v3+s25+$0x0] =	vst.idx.add.f32.msk $0xffff, v4  }
0x134: {  	v2 =	vld.idx.msk [tilespmem:v57+s2+$0x0], $0xffff  }
0x135: {  	[tilespmem:v3+s26+$0x0] =	vst.idx.add.f32.msk $0xffff, v7  }
0x136: {  	v4 =	vand.u32 $0xFFFF, v11;
	v3 =	vld.idx.msk [tilespmem:v59+s2+$0x0], $0xffff  }
0x137: {  	v60 =	vld.idx.msk [tilespmem:v58+s2+$0x0], $0xffff;
	v20 =	vshrl.u32 v5, $0x10;
	v5 =	vunpack.i.l.bf16.f32 v56  }
0x138: {  	v6 =	vld [tilespmem:s0+$0x0];
	v21 =	vmul.f32 v5, v17  }
0x139: {  	v7 =	vld [tilespmem:s0+$0xFFFFFFF0];
	v5 =	vshrl.u32 v10, $0x10;
	v22 =	vunpack.i.l.bf16.f32 v2  }
0x13a: {  	[tilespmem:v1+s25+$0x0] =	vst.idx.add.f32.msk $0xffff, v21;
	v2 =	vunpack.i.u.bf16.f32 v2;
	v10 =	vmul.f32 v22, v61  }
0x13b: {  	v19 =	vld.idx.msk [tilespmem:v4+s2+$0x0], $0xffff;
	v62 =	vmul.f32 v2, v61;
	v2 =	vshrl.u32 v9, $0x10;
	v9 =	vunpack.i.l.bf16.f32 v3  }
0x13c: {  	v9 =	vmul.f32 v9, v8;
	[tilespmem:v20+s23+$0x0] =	vst.idx.add.f32.msk $0xffff, v10  }
0x13d: {  	v10 =	vunpack.i.u.bf16.f32 v3;
	[tilespmem:v20+s24+$0x0] =	vst.idx.add.f32.msk $0xffff, v62  }
0x13e: {  	v3 =	vshrl.u32 v11, $0x10;
	v11 =	vunpack.i.l.bf16.f32 v60;
	v10 =	vmul.f32 v10, v8;
	[tilespmem:v5+s23+$0x0] =	vst.idx.add.f32.msk $0xffff, v9  }
0x13f: {  	v16 =	vunpack.i.u.bf16.f32 v60;
	v11 =	vmul.f32 v11, v7;
	v14 =	vld.idx.msk [tilespmem:v57+s17+$0x0], $0xffff  }
0x140: {  	v16 =	vmul.f32 v16, v7;
	[tilespmem:v5+s24+$0x0] =	vst.idx.add.f32.msk $0xffff, v10  }
0x141: {  	v9 =	vunpack.i.l.bf16.f32 v19;
	[tilespmem:v2+s23+$0x0] =	vst.idx.add.f32.msk $0xffff, v11  }
0x142: {  	v9 =	vmul.f32 v9, v6;
	v10 =	vunpack.i.u.bf16.f32 v19;
	[tilespmem:v2+s24+$0x0] =	vst.idx.add.f32.msk $0xffff, v16  }
0x143: {  	v10 =	vmul.f32 v10, v6;
	v11 =	vld.idx.msk [tilespmem:v59+s17+$0x0], $0xffff  }
0x144: {  	[tilespmem:v3+s23+$0x0] =	vst.idx.add.f32.msk $0xffff, v9;
	v9 =	vunpack.i.l.bf16.f32 v14  }
0x145: {  	[tilespmem:v3+s24+$0x0] =	vst.idx.add.f32.msk $0xffff, v10;
	v14 =	vunpack.i.u.bf16.f32 v14;
	v9 =	vmul.f32 v9, v61  }
0x146: {  	v10 =	vld.idx.msk [tilespmem:v58+s17+$0x0], $0xffff;
	v63 =	vmul.f32 v14, v61  }
0x147: {  	v13 =	vunpack.i.u.bf16.f32 v56;
	[tilespmem:v20+s25+$0x0] =	vst.idx.add.f32.msk $0xffff, v9  }
0x148: {  	s1 =	simm.s32 $0x40;
	s5 =	simm.s32 $0xF0A0;
	v9 =	vmul.f32 v13, v17;
	[tilespmem:v20+s26+$0x0] =	vst.idx.add.f32.msk $0xffff, v63  }
.LBB2_10:
0x149: {  	v12 =	vld [tilespmem:s5+$0x10]  }
0x14a: {  	v13 =	vld [tilespmem:s5+$0xFFFFFFF0]  }
0x14b: {  	s1 =	sadd.s32 $0x40, s1;
	v15 =	vunpack.i.u.bf16.f32 v11;
	v11 =	vunpack.i.l.bf16.f32 v11;
	v14 =	vld [tilespmem:s5+$0x0]  }
0x14c: {  	p0 =	slt.u32 s1, $0x1AC0;
	v11 =	vmul.f32 v11, v8;
	v17 =	vunpack.i.u.bf16.f32 v10;
	v10 =	vunpack.i.l.bf16.f32 v10;
	v16 =	vld [tilespmem:s5+$0xFFFFFFE0]  }
0x14d: {  	v8 =	vmul.f32 v15, v8;
	v10 =	vmul.f32 v10, v7;
	v15 =	vld.idx.msk [tilespmem:v4+s17+$0x0], $0xffff  }
0x14e: {  	v7 =	vmul.f32 v17, v7;
	v18 =	vand.u32 $0xFFFF, v12;
	[tilespmem:v5+s25+$0x0] =	vst.idx.add.f32.msk $0xffff, v11  }
0x14f: {  	v11 =	vshrl.u32 v13, $0x10;
	v13 =	vand.u32 $0xFFFF, v13;
	[tilespmem:v5+s26+$0x0] =	vst.idx.add.f32.msk $0xffff, v8  }
0x150: {  	v8 =	vshrl.u32 v14, $0x10;
	v4 =	vand.u32 $0xFFFF, v14;
	[tilespmem:v2+s25+$0x0] =	vst.idx.add.f32.msk $0xffff, v10  }
0x151: {  	v5 =	vshrl.u32 v16, $0x10;
	v10 =	vand.u32 $0xFFFF, v16;
	[tilespmem:v2+s26+$0x0] =	vst.idx.add.f32.msk $0xffff, v7;
	v2 =	vmov v11  }
0x152: {  	[tilespmem:v1+s26+$0x0] =	vst.idx.add.f32.msk $0xffff, v9;
	v1 =	vmov v3;
	v3 =	vmov v8  }
0x153: {  	v7 =	vunpack.i.u.bf16.f32 v15;
	v8 =	vunpack.i.l.bf16.f32 v15;
	v11 =	vld.idx.msk [tilespmem:v18+s2+$0x0], $0xffff  }
0x154: {  	s0 =	sadd.s32 $0x40, s0;
	v15 =	vmul.f32 v8, v6;
	v9 =	vmul.f32 v7, v6;
	v14 =	vld.idx.msk [tilespmem:v13+s2+$0x0], $0xffff  }
0x155: {  	v16 =	vld [tilespmem:s0+$0x10]  }
0x156: {  	v17 =	vld.idx.msk [tilespmem:v10+s2+$0x0], $0xffff  }
0x157: {  	v12 =	vshrl.u32 v12, $0x10;
	v19 =	vld.idx.msk [tilespmem:v4+s2+$0x0], $0xffff  }
0x158: {  	v8 =	vld [tilespmem:s0+$0xFFFFFFE0]  }
0x159: {  	v20 =	vunpack.i.l.bf16.f32 v11;
	v7 =	vld [tilespmem:s0+$0xFFFFFFF0]  }
0x15a: {  	v11 =	vunpack.i.u.bf16.f32 v11;
	v21 =	vunpack.i.u.bf16.f32 v14;
	v6 =	vld [tilespmem:s0+$0x0];
	v20 =	vmul.f32 v20, v16  }
0x15b: {  	v14 =	vunpack.i.l.bf16.f32 v14;
	v11 =	vmul.f32 v11, v16;
	[tilespmem:v1+s25+$0x0] =	vst.idx.add.f32.msk $0xffff, v15  }
0x15c: {  	v15 =	vunpack.i.u.bf16.f32 v17;
	v17 =	vunpack.i.l.bf16.f32 v17;
	[tilespmem:v12+s23+$0x0] =	vst.idx.add.f32.msk $0xffff, v20  }
0x15d: {  	v20 =	vunpack.i.u.bf16.f32 v19;
	v19 =	vunpack.i.l.bf16.f32 v19;
	v17 =	vmul.f32 v17, v8;
	[tilespmem:v12+s24+$0x0] =	vst.idx.add.f32.msk $0xffff, v11  }
0x15e: {  	v11 =	vmul.f32 v15, v8;
	v14 =	vmul.f32 v14, v7;
	v15 =	vld.idx.msk [tilespmem:v18+s17+$0x0], $0xffff  }
0x15f: {  	[tilespmem:v5+s23+$0x0] =	vst.idx.add.f32.msk $0xffff, v17;
	v17 =	vmul.f32 v21, v7;
	v18 =	vmul.f32 v19, v6  }
0x160: {  	[tilespmem:v5+s24+$0x0] =	vst.idx.add.f32.msk $0xffff, v11;
	v11 =	vmul.f32 v20, v6  }
0x161: {  	[tilespmem:v2+s23+$0x0] =	vst.idx.add.f32.msk $0xffff, v14  }
0x162: {  	[tilespmem:v2+s24+$0x0] =	vst.idx.add.f32.msk $0xffff, v17  }
0x163: {  	[tilespmem:v3+s23+$0x0] =	vst.idx.add.f32.msk $0xffff, v18  }
.Ltmp4:
0x164: {  	v14 =	vunpack.i.l.bf16.f32 v15;
	[tilespmem:v3+s24+$0x0] =	vst.idx.add.f32.msk $0xffff, v11;
	(pc) =	sbr.rel @p0 .LBB2_10-.Ltmp4, $4  }
0x165: {  	v15 =	vunpack.i.u.bf16.f32 v15;
	v14 =	vmul.f32 v14, v16;
	v11 =	vld.idx.msk [tilespmem:v10+s17+$0x0], $0xffff  }
0x166: {  	v10 =	vld.idx.msk [tilespmem:v13+s17+$0x0], $0xffff;
	v13 =	vmul.f32 v15, v16  }
0x167: {  	[tilespmem:v12+s25+$0x0] =	vst.idx.add.f32.msk $0xffff, v14  }
0x168: {  	s5 =	sadd.s32 $0x40, s5;
	[tilespmem:v12+s26+$0x0] =	vst.idx.add.f32.msk $0xffff, v13  }
0x169: {  	_ =	sdelay $0x3  }
0x16a: {  	v4 =	vld.idx.msk [tilespmem:v4+s17+$0x0], $0xffff;
	v12 =	vunpack.i.l.bf16.f32 v11  }
0x16b: {  	v11 =	vunpack.i.u.bf16.f32 v11;
	v12 =	vmul.f32 v12, v8  }
0x16c: {  	v13 =	vunpack.i.l.bf16.f32 v10;
	v8 =	vmul.f32 v11, v8  }
0x16d: {  	v10 =	vunpack.i.u.bf16.f32 v10;
	v11 =	vmul.f32 v13, v7;
	[tilespmem:v5+s25+$0x0] =	vst.idx.add.f32.msk $0xffff, v12  }
0x16e: {  	v7 =	vmul.f32 v10, v7;
	[tilespmem:v5+s26+$0x0] =	vst.idx.add.f32.msk $0xffff, v8  }
0x16f: {  	[tilespmem:v2+s25+$0x0] =	vst.idx.add.f32.msk $0xffff, v11;
	v5 =	vunpack.i.l.bf16.f32 v4  }
0x170: {  	[tilespmem:v2+s26+$0x0] =	vst.idx.add.f32.msk $0xffff, v7;
	v2 =	vunpack.i.u.bf16.f32 v4;
	v4 =	vmul.f32 v5, v6  }
0x171: {  	[tilespmem:v1+s26+$0x0] =	vst.idx.add.f32.msk $0xffff, v9;
	v1 =	vmul.f32 v2, v6  }
0x172: {  	[tilespmem:v3+s25+$0x0] =	vst.idx.add.f32.msk $0xffff, v4  }
0x173: {  	[tilespmem:v3+s26+$0x0] =	vst.idx.add.f32.msk $0xffff, v1  }
0x174: {  	_ =	swait.ge [sflag:s28], $0x1B00  }
0x175: {  	[sflag:s28] =	ssyncset.done $0x0  }
0x176: {  	[sflag:s28] =	ssyncadd.s32 $0xFFFFE500  }
0x177: {  	_ =	swait.ge [sflag:s28], $0x1B00  }
0x178: {  	[sflag:s28] =	ssyncset.done $0x0  }
0x179: {  	s0 =	simm.s32 $0x10B20;
	[sflag:s28] =	ssyncadd.s32 $0xFFFFE500  }
0x17a: {  	v1 =	vld [tilespmem:s0+$0x10]  }
0x17b: {  	v3 =	vld [tilespmem:s0+$0xFFFFFFE0];
	_ =	sdelay $0x3  }
0x17c: {  	v2 =	vld [tilespmem:s0+$0xFFFFFFF0];
	v5 =	vand.u32 $0xFFFF, v1  }
0x17d: {  	v7 =	vand.u32 $0xFFFF, v3  }
0x17e: {  	v4 =	vld [tilespmem:s0+$0x0]  }
0x17f: {  	s30 =	simm.s32 $0x14120  }
0x180: {  	v10 =	vld [tilespmem:s30+$0x10]  }
0x181: {  	v6 =	vand.u32 $0xFFFF, v2;
	v9 =	vld.idx.msk [tilespmem:v5+s2+$0x0], $0xffff  }
0x182: {  	v52 =	vld.idx.msk [tilespmem:v7+s2+$0x0], $0xffff  }
0x183: {  	v14 =	vld [tilespmem:s30+$0xFFFFFFE0];
	v8 =	vand.u32 $0xFFFF, v4  }
0x184: {  	v16 =	vld [tilespmem:s30+$0xFFFFFFF0];
	v53 =	vshrl.u32 v1, $0x10  }
0x185: {  	v17 =	vld [tilespmem:s30+$0x0];
	v3 =	vshrl.u32 v3, $0x10  }
0x186: {  	s0 =	simm.s32 $0x14160;
	v11 =	vld.idx.msk [tilespmem:v6+s2+$0x0], $0xffff;
	v1 =	vunpack.i.l.bf16.f32 v9  }
0x187: {  	v61 =	vld [tilespmem:s0+$0x10];
	v18 =	vunpack.i.l.bf16.f32 v52;
	v1 =	vmul.f32 v1, v10  }
0x188: {  	v15 =	vld.idx.msk [tilespmem:v8+s2+$0x0], $0xffff;
	v9 =	vunpack.i.u.bf16.f32 v9;
	v18 =	vmul.f32 v18, v14  }
0x189: {  	v2 =	vshrl.u32 v2, $0x10;
	v9 =	vmul.f32 v9, v10;
	[tilespmem:v53+s23+$0x0] =	vst.idx.add.f32.msk $0xffff, v1  }
0x18a: {  	v12 =	vunpack.i.u.bf16.f32 v52;
	[tilespmem:v3+s23+$0x0] =	vst.idx.add.f32.msk $0xffff, v18  }
0x18b: {  	v1 =	vshrl.u32 v4, $0x10;
	v4 =	vunpack.i.l.bf16.f32 v11;
	[tilespmem:v53+s24+$0x0] =	vst.idx.add.f32.msk $0xffff, v9;
	v9 =	vmul.f32 v12, v14  }
0x18c: {  	v11 =	vunpack.i.u.bf16.f32 v11;
	v4 =	vmul.f32 v4, v16;
	v5 =	vld.idx.msk [tilespmem:v5+s17+$0x0], $0xffff  }
0x18d: {  	v54 =	vunpack.i.l.bf16.f32 v15;
	v11 =	vmul.f32 v11, v16;
	[tilespmem:v3+s24+$0x0] =	vst.idx.add.f32.msk $0xffff, v9  }
0x18e: {  	v12 =	vmul.f32 v54, v17;
	v9 =	vunpack.i.u.bf16.f32 v15;
	[tilespmem:v2+s23+$0x0] =	vst.idx.add.f32.msk $0xffff, v4  }
0x18f: {  	v4 =	vmul.f32 v9, v17;
	[tilespmem:v2+s24+$0x0] =	vst.idx.add.f32.msk $0xffff, v11  }
0x190: {  	[tilespmem:v1+s23+$0x0] =	vst.idx.add.f32.msk $0xffff, v12  }
0x191: {  	[tilespmem:v1+s24+$0x0] =	vst.idx.add.f32.msk $0xffff, v4;
	v4 =	vunpack.i.l.bf16.f32 v5  }
0x192: {  	v7 =	vld.idx.msk [tilespmem:v7+s17+$0x0], $0xffff;
	v4 =	vmul.f32 v4, v10  }
0x193: {  	v6 =	vld.idx.msk [tilespmem:v6+s17+$0x0], $0xffff  }
0x194: {  	s31 =	simm.s32 $0x10B60;
	v5 =	vunpack.i.u.bf16.f32 v5;
	[tilespmem:v53+s25+$0x0] =	vst.idx.add.f32.msk $0xffff, v4  }
0x195: {  	v4 =	vmul.f32 v5, v10;
	v5 =	vld [tilespmem:s31+$0x10]  }
0x196: {  	v9 =	vld [tilespmem:s31+$0xFFFFFFF0]  }
0x197: {  	v10 =	vld [tilespmem:s31+$0xFFFFFFE0]  }
0x198: {  	v11 =	vld [tilespmem:s31+$0x0];
	v55 =	vunpack.i.l.bf16.f32 v6  }
0x199: {  	v56 =	vld.idx.msk [tilespmem:v8+s17+$0x0], $0xffff;
	v8 =	vmul.f32 v55, v16  }
0x19a: {  	v6 =	vunpack.i.u.bf16.f32 v6;
	[tilespmem:v53+s26+$0x0] =	vst.idx.add.f32.msk $0xffff, v4;
	v57 =	vand.u32 $0xFFFF, v5  }
0x19b: {  	v6 =	vmul.f32 v6, v16;
	v4 =	vunpack.i.l.bf16.f32 v7;
	[tilespmem:v2+s25+$0x0] =	vst.idx.add.f32.msk $0xffff, v8  }
0x19c: {  	v4 =	vmul.f32 v4, v14;
	v8 =	vld [tilespmem:s0+$0xFFFFFFE0];
	v59 =	vand.u32 $0xFFFF, v10  }
0x19d: {  	v58 =	vand.u32 $0xFFFF, v9;
	v7 =	vunpack.i.u.bf16.f32 v7;
	[tilespmem:v2+s26+$0x0] =	vst.idx.add.f32.msk $0xffff, v6  }
0x19e: {  	v7 =	vmul.f32 v7, v14;
	[tilespmem:v3+s25+$0x0] =	vst.idx.add.f32.msk $0xffff, v4  }
0x19f: {  	v2 =	vld.idx.msk [tilespmem:v57+s2+$0x0], $0xffff  }
0x1a0: {  	[tilespmem:v3+s26+$0x0] =	vst.idx.add.f32.msk $0xffff, v7  }
0x1a1: {  	v4 =	vand.u32 $0xFFFF, v11;
	v3 =	vld.idx.msk [tilespmem:v59+s2+$0x0], $0xffff  }
0x1a2: {  	v60 =	vld.idx.msk [tilespmem:v58+s2+$0x0], $0xffff;
	v20 =	vshrl.u32 v5, $0x10;
	v5 =	vunpack.i.l.bf16.f32 v56  }
0x1a3: {  	v6 =	vld [tilespmem:s0+$0x0];
	v21 =	vmul.f32 v5, v17  }
0x1a4: {  	v7 =	vld [tilespmem:s0+$0xFFFFFFF0];
	v5 =	vshrl.u32 v10, $0x10;
	v22 =	vunpack.i.l.bf16.f32 v2  }
0x1a5: {  	[tilespmem:v1+s25+$0x0] =	vst.idx.add.f32.msk $0xffff, v21;
	v2 =	vunpack.i.u.bf16.f32 v2;
	v10 =	vmul.f32 v22, v61  }
0x1a6: {  	v19 =	vld.idx.msk [tilespmem:v4+s2+$0x0], $0xffff;
	v62 =	vmul.f32 v2, v61;
	v2 =	vshrl.u32 v9, $0x10;
	v9 =	vunpack.i.l.bf16.f32 v3  }
0x1a7: {  	v9 =	vmul.f32 v9, v8;
	[tilespmem:v20+s23+$0x0] =	vst.idx.add.f32.msk $0xffff, v10  }
0x1a8: {  	v10 =	vunpack.i.u.bf16.f32 v3;
	[tilespmem:v20+s24+$0x0] =	vst.idx.add.f32.msk $0xffff, v62  }
0x1a9: {  	v3 =	vshrl.u32 v11, $0x10;
	v11 =	vunpack.i.l.bf16.f32 v60;
	v10 =	vmul.f32 v10, v8;
	[tilespmem:v5+s23+$0x0] =	vst.idx.add.f32.msk $0xffff, v9  }
0x1aa: {  	v16 =	vunpack.i.u.bf16.f32 v60;
	v11 =	vmul.f32 v11, v7;
	v14 =	vld.idx.msk [tilespmem:v57+s17+$0x0], $0xffff  }
0x1ab: {  	v16 =	vmul.f32 v16, v7;
	[tilespmem:v5+s24+$0x0] =	vst.idx.add.f32.msk $0xffff, v10  }
0x1ac: {  	v9 =	vunpack.i.l.bf16.f32 v19;
	[tilespmem:v2+s23+$0x0] =	vst.idx.add.f32.msk $0xffff, v11  }
0x1ad: {  	v9 =	vmul.f32 v9, v6;
	v10 =	vunpack.i.u.bf16.f32 v19;
	[tilespmem:v2+s24+$0x0] =	vst.idx.add.f32.msk $0xffff, v16  }
0x1ae: {  	v10 =	vmul.f32 v10, v6;
	v11 =	vld.idx.msk [tilespmem:v59+s17+$0x0], $0xffff  }
0x1af: {  	[tilespmem:v3+s23+$0x0] =	vst.idx.add.f32.msk $0xffff, v9;
	v9 =	vunpack.i.l.bf16.f32 v14  }
0x1b0: {  	[tilespmem:v3+s24+$0x0] =	vst.idx.add.f32.msk $0xffff, v10;
	v14 =	vunpack.i.u.bf16.f32 v14;
	v9 =	vmul.f32 v9, v61  }
0x1b1: {  	v10 =	vld.idx.msk [tilespmem:v58+s17+$0x0], $0xffff;
	v63 =	vmul.f32 v14, v61  }
0x1b2: {  	v13 =	vunpack.i.u.bf16.f32 v56;
	[tilespmem:v20+s25+$0x0] =	vst.idx.add.f32.msk $0xffff, v9  }
0x1b3: {  	s1 =	simm.s32 $0x40;
	s5 =	simm.s32 $0x10BA0;
	v9 =	vmul.f32 v13, v17;
	[tilespmem:v20+s26+$0x0] =	vst.idx.add.f32.msk $0xffff, v63  }
.LBB2_12:
0x1b4: {  	v12 =	vld [tilespmem:s5+$0x10]  }
0x1b5: {  	v13 =	vld [tilespmem:s5+$0xFFFFFFF0]  }
0x1b6: {  	s1 =	sadd.s32 $0x40, s1;
	v15 =	vunpack.i.u.bf16.f32 v11;
	v11 =	vunpack.i.l.bf16.f32 v11;
	v14 =	vld [tilespmem:s5+$0x0]  }
0x1b7: {  	p0 =	slt.u32 s1, $0x1AC0;
	v11 =	vmul.f32 v11, v8;
	v17 =	vunpack.i.u.bf16.f32 v10;
	v10 =	vunpack.i.l.bf16.f32 v10;
	v16 =	vld [tilespmem:s5+$0xFFFFFFE0]  }
0x1b8: {  	v8 =	vmul.f32 v15, v8;
	v10 =	vmul.f32 v10, v7;
	v15 =	vld.idx.msk [tilespmem:v4+s17+$0x0], $0xffff  }
0x1b9: {  	v7 =	vmul.f32 v17, v7;
	v18 =	vand.u32 $0xFFFF, v12;
	[tilespmem:v5+s25+$0x0] =	vst.idx.add.f32.msk $0xffff, v11  }
0x1ba: {  	v11 =	vshrl.u32 v13, $0x10;
	v13 =	vand.u32 $0xFFFF, v13;
	[tilespmem:v5+s26+$0x0] =	vst.idx.add.f32.msk $0xffff, v8  }
0x1bb: {  	v8 =	vshrl.u32 v14, $0x10;
	v4 =	vand.u32 $0xFFFF, v14;
	[tilespmem:v2+s25+$0x0] =	vst.idx.add.f32.msk $0xffff, v10  }
0x1bc: {  	v5 =	vshrl.u32 v16, $0x10;
	v10 =	vand.u32 $0xFFFF, v16;
	[tilespmem:v2+s26+$0x0] =	vst.idx.add.f32.msk $0xffff, v7;
	v2 =	vmov v11  }
0x1bd: {  	[tilespmem:v1+s26+$0x0] =	vst.idx.add.f32.msk $0xffff, v9;
	v1 =	vmov v3;
	v3 =	vmov v8  }
0x1be: {  	v7 =	vunpack.i.u.bf16.f32 v15;
	v8 =	vunpack.i.l.bf16.f32 v15;
	v11 =	vld.idx.msk [tilespmem:v18+s2+$0x0], $0xffff  }
0x1bf: {  	s0 =	sadd.s32 $0x40, s0;
	v15 =	vmul.f32 v8, v6;
	v9 =	vmul.f32 v7, v6;
	v14 =	vld.idx.msk [tilespmem:v13+s2+$0x0], $0xffff  }
0x1c0: {  	v16 =	vld [tilespmem:s0+$0x10]  }
0x1c1: {  	v17 =	vld.idx.msk [tilespmem:v10+s2+$0x0], $0xffff  }
0x1c2: {  	v12 =	vshrl.u32 v12, $0x10;
	v19 =	vld.idx.msk [tilespmem:v4+s2+$0x0], $0xffff  }
0x1c3: {  	v8 =	vld [tilespmem:s0+$0xFFFFFFE0]  }
0x1c4: {  	v20 =	vunpack.i.l.bf16.f32 v11;
	v7 =	vld [tilespmem:s0+$0xFFFFFFF0]  }
0x1c5: {  	v11 =	vunpack.i.u.bf16.f32 v11;
	v21 =	vunpack.i.u.bf16.f32 v14;
	v6 =	vld [tilespmem:s0+$0x0];
	v20 =	vmul.f32 v20, v16  }
0x1c6: {  	v14 =	vunpack.i.l.bf16.f32 v14;
	v11 =	vmul.f32 v11, v16;
	[tilespmem:v1+s25+$0x0] =	vst.idx.add.f32.msk $0xffff, v15  }
0x1c7: {  	v15 =	vunpack.i.u.bf16.f32 v17;
	v17 =	vunpack.i.l.bf16.f32 v17;
	[tilespmem:v12+s23+$0x0] =	vst.idx.add.f32.msk $0xffff, v20  }
0x1c8: {  	v20 =	vunpack.i.u.bf16.f32 v19;
	v19 =	vunpack.i.l.bf16.f32 v19;
	v17 =	vmul.f32 v17, v8;
	[tilespmem:v12+s24+$0x0] =	vst.idx.add.f32.msk $0xffff, v11  }
0x1c9: {  	v11 =	vmul.f32 v15, v8;
	v14 =	vmul.f32 v14, v7;
	v15 =	vld.idx.msk [tilespmem:v18+s17+$0x0], $0xffff  }
0x1ca: {  	[tilespmem:v5+s23+$0x0] =	vst.idx.add.f32.msk $0xffff, v17;
	v17 =	vmul.f32 v21, v7;
	v18 =	vmul.f32 v19, v6  }
0x1cb: {  	[tilespmem:v5+s24+$0x0] =	vst.idx.add.f32.msk $0xffff, v11;
	v11 =	vmul.f32 v20, v6  }
0x1cc: {  	[tilespmem:v2+s23+$0x0] =	vst.idx.add.f32.msk $0xffff, v14  }
0x1cd: {  	[tilespmem:v2+s24+$0x0] =	vst.idx.add.f32.msk $0xffff, v17  }
0x1ce: {  	[tilespmem:v3+s23+$0x0] =	vst.idx.add.f32.msk $0xffff, v18  }
.Ltmp5:
0x1cf: {  	v14 =	vunpack.i.l.bf16.f32 v15;
	[tilespmem:v3+s24+$0x0] =	vst.idx.add.f32.msk $0xffff, v11;
	(pc) =	sbr.rel @p0 .LBB2_12-.Ltmp5, $4  }
0x1d0: {  	v15 =	vunpack.i.u.bf16.f32 v15;
	v14 =	vmul.f32 v14, v16;
	v11 =	vld.idx.msk [tilespmem:v10+s17+$0x0], $0xffff  }
0x1d1: {  	v10 =	vld.idx.msk [tilespmem:v13+s17+$0x0], $0xffff;
	v13 =	vmul.f32 v15, v16  }
0x1d2: {  	[tilespmem:v12+s25+$0x0] =	vst.idx.add.f32.msk $0xffff, v14  }
0x1d3: {  	s5 =	sadd.s32 $0x40, s5;
	[tilespmem:v12+s26+$0x0] =	vst.idx.add.f32.msk $0xffff, v13  }
0x1d4: {  	_ =	sdelay $0x3  }
0x1d5: {  	v4 =	vld.idx.msk [tilespmem:v4+s17+$0x0], $0xffff  }
0x1d6: {  	v12 =	vunpack.i.l.bf16.f32 v11  }
0x1d7: {  	v12 =	vmul.f32 v12, v8;
	v13 =	vunpack.i.l.bf16.f32 v10  }
0x1d8: {  	[tilespmem:v1+s26+$0x0] =	vst.idx.add.f32.msk $0xffff, v9;
	v59 =	vunpack.i.u.bf16.f32 v10;
	v60 =	vmul.f32 v13, v7  }
0x1d9: {  	v57 =	vunpack.i.u.bf16.f32 v11;
	v61 =	vmul.f32 v59, v7;
	[tilespmem:v5+s25+$0x0] =	vst.idx.add.f32.msk $0xffff, v12  }
0x1da: {  	v58 =	vmul.f32 v57, v8;
	[tilespmem:v2+s25+$0x0] =	vst.idx.add.f32.msk $0xffff, v60;
	v62 =	vunpack.i.l.bf16.f32 v4  }
0x1db: {  	[tilespmem:v2+s26+$0x0] =	vst.idx.add.f32.msk $0xffff, v61;
	v2 =	vunpack.i.u.bf16.f32 v4;
	v63 =	vmul.f32 v62, v6  }
0x1dc: {  	[tilespmem:v5+s26+$0x0] =	vst.idx.add.f32.msk $0xffff, v58;
	v1 =	vmul.f32 v2, v6  }
0x1dd: {  	[tilespmem:v3+s25+$0x0] =	vst.idx.add.f32.msk $0xffff, v63  }
0x1de: {  	[tilespmem:v3+s26+$0x0] =	vst.idx.add.f32.msk $0xffff, v1  }
0x1df: {  	[hbm4b:s9+s14] =	stream.strided.scatter [tilespmem:s23], [sflag:$0x3], $0x2800, s15, s14, $0x38;
	[tilespmem:$0x15C00] =	vst v63  }
0x1e0: {  	_ =	swait.ge [sflag:s16], $0x2800  }
0x1e1: {  	[sflag:s16] =	ssyncset.done $0x0  }
0x1e2: {  	[sflag:s16] =	ssyncadd.s32 $0xFFFFD800  }
0x1e3: {  	[hbm4b:s10+s14] =	stream.strided.scatter [tilespmem:s25], [sflag:$0x3], $0x2800, s15, s14, $0x38;
	[tilespmem:$0x15C00] =	vst v63  }
0x1e4: {  	_ =	swait.ge [sflag:s16], $0x2800  }
0x1e5: {  	[sflag:s16] =	ssyncset.done $0x0  }
0x1e6: {  	[sflag:s16] =	ssyncadd.s32 $0xFFFFD800  }
0x1e7: {  	[hbm4b:s11+s14] =	stream.strided.scatter [tilespmem:s24], [sflag:$0x3], $0x2800, s15, s14, $0x38;
	[tilespmem:$0x15C00] =	vst v63  }
0x1e8: {  	s29 =	sadd.s32 $0x1, s29;
	_ =	swait.ge [sflag:s16], $0x2800  }
0x1e9: {  	p0 =	sne.s32 s29, s13;
	[sflag:s16] =	ssyncset.done $0x0  }
.Ltmp6:
0x1ea: {  	[sflag:s16] =	ssyncadd.s32 $0xFFFFD800;
	(pc) =	sbr.rel @p0 .LBB2_1-.Ltmp6, $4  }
0x1eb: {  	[hbm4b:s12+s14] =	stream.strided.scatter [tilespmem:s26], [sflag:$0x3], $0x2800, s15, s14, $0x38;
	[tilespmem:$0x15C00] =	vst v63  }
0x1ec: {  	_ =	swait.ge [sflag:s16], $0x2800  }
0x1ed: {  	[sflag:s16] =	ssyncset.done $0x0  }
0x1ee: {  	[sflag:s16] =	ssyncadd.s32 $0xFFFFD800  }
0x1ef: {  	_ =	sfence.sel $0x180000  }
0x1f0: {  	[bflag:$0x0] =	sbarrier.arrive $0xFFFF  }
0x1f1: {  	_ =	strace $0x90000050  }
0x1f2: {  	s0 =	stileid.u32;
	[bflag:$0x2] =	sbarrier.arrive $0xFFFF  }
0x1f3: {  	p0 =	sne.s32 s0, $0x0;
	s0 =	rddreg [dreg:$0x1]  }
0x1f4: {  	s0 =	sadd.s32 @!p0 $0x100000, s0  }
0x1f5: {  	[sflag:s0] =	ssyncadd.tile.s32 @!p0 $0x1;
	_ =	shalt  }
.Lfunc_end2:
_tile_overlayer_lowered:
.L_overlay_start_2:
0x1f6: {  	(tag) =	ssettag $0x2  }
0x1f7: {  	s0 =	rddreg [dreg:$0x0];
	s2 =	stileid.u32  }
0x1f8: {  	s1 =	rddreg [dreg:$0x1];
	p0 =	sne.s32 s2, $0x0  }
0x1f9: {  	s3 =	rddreg [dreg:$0x2];
	[bflag:$0x3] =	sbarrier.arrive $0xFFFF;
	s2 =	simm.s32 @!p0 $0x1C03  }
0x1fa: {  	[timem:s3], [sflag:s2] =	dma.local @!p0 [hbm:s0], s1  }
0x1fb: {  	s0 =	simm.s32 @!p0 $0x3  }
0x1fc: {  	_ =	swait.ge @!p0 [sflag:s0], s1  }
0x1fd: {  	s1 =	ssub.s32 @!p0 $0x0, s1;
	[sflag:s0] =	ssyncset.done @!p0 $0x0  }
0x1fe: {  	[sflag:s0] =	ssyncadd.s32 @!p0 s1  }
0x1ff: {  	[bflag:$0x3] =	sbarrier.arrive $0xFFFF  }
0x200: {  	_ =	shalt  }

// kernel: kernel.9.cloned.1.call-start
scs
__scs_entry_jumppad:
0x0: {  	(pc) =	sbr.rel $0x88, $3  }
0x1: {  	(tag) =	ssettag $0x0;
	lr =	simm.s32 $0x1  }
0x2: {  	[smem:$0x3F94] =	sst lr;
	_ =	strace $0xD0000000  }
0x3: {  	_ = 	snop  }
0x4: {  	_ = 	snop  }
0x5: {  	_ = 	snop  }
0x6: {  	_ = 	snop  }
0x7: {  	_ = 	snop  }
__scs_overlays_trampoline_lowered:
0x8: {  	[smem:$0x3FA3] =	sst s0  }
0x9: {  	[smem:$0x3FA4] =	sst s1  }
0xa: {  	[smem:$0x3FA5] =	sst s2  }
0xb: {  	[smem:$0x3FA6] =	sst s3  }
0xc: {  	[smem:$0x3FA7] =	sst s4  }
0xd: {  	[smem:$0x3FA8] =	sst s5  }
0xe: {  	[smem:$0x3FA9] =	sst s6  }
0xf: {  	[smem:$0x3FAA] =	sst s7  }
0x10: {  	[smem:$0x3FAB] =	sst s8  }
0x11: {  	[smem:$0x3FAC] =	sst s9;
	s0 =	simm.s32 @!p0 $0x0  }
0x12: {  	s1 =	sld [smem:$0x3F92];
	s0 =	simm.s32 @p0 $0x1  }
0x13: {  	[smem:$0x3FAD] =	sst s0;
	s0 =	simm.s32 @!p1 $0x0  }
0x14: {  	s2 =	sld [smem:$0x3F91];
	s0 =	simm.s32 @p1 $0x1  }
0x15: {  	[smem:$0x3FAE] =	sst s0;
	s0 =	simm.s32 @!p2 $0x0  }
0x16: {  	s3 =	sld [smem:$0x3FDB];
	s0 =	simm.s32 @p2 $0x1  }
0x17: {  	s4 =	simm.s32 $0x1BF5;
	[smem:$0x3FB0] =	sst s0  }
0x18: {  	s0 =	sld [smem:$0x3F93];
	_ =	swait.ge [sflag:s4], $0x0  }
0x19: {  	s7 =	sld [smem:$0x3F94]  }
0x1a: {  	s8 =	sadd.s32 $0xFFFFE003, lr  }
0x1b: {  	s9 =	sadd.s32 $0xFFFFFEF7, lr;
	s5 =	simm.s32 $0xFFFFFFFF;
	p2 =	slt.u32 s8, $0xFFFFF086  }
0x1c: {  	p1 =	slt.u32 s9, $0xF7A;
	s5 =	simm.s32 @!p2 $0x0  }
0x1d: {  	s5 =	simm.s32 @p1 $0x1;
	p0 =	seq.s32 s7, s2  }
0x1e: {  	s7 =	smul.u32 @!p0 $0xF7A, s2;
	p2 =	seq.s32 @!p0 s5, $0x0  }
0x1f: {  	s9 =	smul.u32 $0xF7A, s1;
	s8 =	simm.s32 @!p0 $0x1BF5;
	p2 =	por !p2, p0  }
0x20: {  	[sflag:s8] =	ssyncset.s32 @!p0 $0xFFFFF086;
	s6 =	sadd.s32 @!p0 s3, s7;
	s7 =	simm.s32 @!p0 $0x108  }
0x21: {  	s3 =	sadd.s32 s3, s9;
	s6 =	sadd.s32 @!p0 $0x88, s6;
	s7 =	simm.s32 @p2 $0x1082  }
0x22: {  	[simem:s7], [sflag:s8] =	dma.local @!p0 [hbm:s6], $0xF7A  }
0x23: {  	s9 =	sor.u32 $0xD0000000, s2;
	s6 =	simm.s32 $0x108;
	_ =	swait.ge @!p0 [sflag:s8], $0x0  }
0x24: {  	s3 =	sadd.s32 $0x88, s3;
	s6 =	simm.s32 @!p1 $0x1082;
	[sflag:s4] =	ssyncset.s32 $0xFFFFF086  }
0x25: {  	[simem:s6], [sflag:s4] =	dma.local [hbm:s3], $0xF7A  }
0x26: {  	[smem:$0x3F94] =	sst s1;
	(tag) =	ssettag s2;
	_ =	strace s9  }
0x27: {  	s1 =	sld [smem:$0x3FA4]  }
0x28: {  	s2 =	sld [smem:$0x3FA5]  }
0x29: {  	s4 =	sld [smem:$0x3FA7]  }
0x2a: {  	p0 =	seq.s32 s5, $0x0;
	s5 =	sld [smem:$0x3FA8]  }
0x2b: {  	s6 =	sld [smem:$0x3FA9]  }
0x2c: {  	s7 =	sld [smem:$0x3FAA]  }
0x2d: {  	s3 =	simm.s32 $0x108;
	s8 =	sld [smem:$0x3FAB]  }
0x2e: {  	s3 =	simm.s32 @!p0 $0x1082;
	s9 =	sld [smem:$0x3FAC]  }
0x2f: {  	lr =	sadd.s32 s0, s3;
	s0 =	sld [smem:$0x3FA3]  }
0x30: {  	s3 =	sld [smem:$0x3FA6]  }
0x31: {  	[smem:$0x3FAF] =	sst s10  }
0x32: {  	s10 =	sld [smem:$0x3FAD];
	_ =	sdelay $0x3  }
0x33: {  	p0 =	seq.s32 s10, $0x1;
	s10 =	sld [smem:$0x3FAF];
	_ =	sdelay $0x3  }
0x34: {  	[smem:$0x3FAF] =	sst s10  }
0x35: {  	s10 =	sld [smem:$0x3FAE];
	_ =	sdelay $0x3  }
0x36: {  	p1 =	seq.s32 s10, $0x1;
	s10 =	sld [smem:$0x3FAF];
	_ =	sdelay $0x3  }
0x37: {  	[smem:$0x3FAF] =	sst s10  }
0x38: {  	s10 =	sld [smem:$0x3FB0]  }
0x39: {  	_ = 	snop;
	(pc) =	sbr.ind lr, $3  }
0x3a: {  	_ = 	snop  }
0x3b: {  	_ = 	snop  }
0x3c: {  	p2 =	seq.s32 s10, $0x1;
	s10 =	sld [smem:$0x3FAF]  }
0x3d: {  	_ =	shalt  }
0x3e: {  	_ =	shalt  }
0x3f: {  	_ =	shalt  }
0x40: {  	_ =	shalt  }
0x41: {  	_ =	shalt  }
0x42: {  	_ =	shalt  }
0x43: {  	_ =	shalt  }
0x44: {  	_ =	shalt  }
0x45: {  	_ =	shalt  }
0x46: {  	_ =	shalt  }
0x47: {  	_ =	shalt  }
0x48: {  	_ =	shalt  }
0x49: {  	_ =	shalt  }
0x4a: {  	_ =	shalt  }
0x4b: {  	_ =	shalt  }
0x4c: {  	_ =	shalt  }
0x4d: {  	_ =	shalt  }
0x4e: {  	_ =	shalt  }
0x4f: {  	_ =	shalt  }
0x50: {  	_ =	shalt  }
0x51: {  	_ =	shalt  }
0x52: {  	_ =	shalt  }
0x53: {  	_ =	shalt  }
0x54: {  	_ =	shalt  }
0x55: {  	_ =	shalt  }
0x56: {  	_ =	shalt  }
0x57: {  	_ =	shalt  }
0x58: {  	_ =	shalt  }
0x59: {  	_ =	shalt  }
0x5a: {  	_ =	shalt  }
0x5b: {  	_ =	shalt  }
0x5c: {  	_ =	shalt  }
0x5d: {  	_ =	shalt  }
0x5e: {  	_ =	shalt  }
0x5f: {  	_ =	shalt  }
0x60: {  	_ =	shalt  }
0x61: {  	_ =	shalt  }
0x62: {  	_ =	shalt  }
0x63: {  	_ =	shalt  }
0x64: {  	_ =	shalt  }
0x65: {  	_ =	shalt  }
0x66: {  	_ =	shalt  }
0x67: {  	_ =	shalt  }
0x68: {  	_ =	shalt  }
0x69: {  	_ =	shalt  }
0x6a: {  	_ =	shalt  }
0x6b: {  	_ =	shalt  }
0x6c: {  	_ =	shalt  }
0x6d: {  	_ =	shalt  }
0x6e: {  	_ =	shalt  }
0x6f: {  	_ =	shalt  }
0x70: {  	_ =	shalt  }
0x71: {  	_ =	shalt  }
0x72: {  	_ =	shalt  }
0x73: {  	_ =	shalt  }
0x74: {  	_ =	shalt  }
0x75: {  	_ =	shalt  }
0x76: {  	_ =	shalt  }
0x77: {  	_ =	shalt  }
0x78: {  	_ =	shalt  }
0x79: {  	_ =	shalt  }
0x7a: {  	_ =	shalt  }
0x7b: {  	_ =	shalt  }
0x7c: {  	_ =	shalt  }
0x7d: {  	_ =	shalt  }
0x7e: {  	_ =	shalt  }
0x7f: {  	_ =	shalt  }
0x80: {  	_ =	shalt  }
0x81: {  	_ =	shalt  }
0x82: {  	_ =	shalt  }
0x83: {  	_ =	shalt  }
0x84: {  	_ =	shalt  }
0x85: {  	_ =	shalt  }
0x86: {  	_ =	shalt  }
0x87: {  	_ =	shalt  }
.Lfunc_end0:
.L_simem_size_0:
called_computation_lowered:
.L_overlay_start_0:
0x88: {  	s2 =	sld [smem:$0x3FD9]  }
0x89: {  	s3 =	sld [smem:$0x3FFE];
	_ =	sdelay $0x1  }
0x8a: {  	s1 =	srdreg.scid  }
0x8b: {  	s0 =	sand.u32 $0x1, s1  }
0x8c: {  	s16 =	sshll.u32 s0, $0xA;
	s2 =	sadd.s32 s3, s2  }
0x8d: {  	s2 =	sadd.s32 s2, s16  }
0x8e: {  	[smem:$0x3FBB] =	sst s2  }
0x8f: {  	_ = 	snop  }
0x90: {  	(tm) =	ssettm $0x1  }
0x91: {  	s17 =	sld [smem:$0x3FFB];
	_ =	sdelay $0x3  }
0x92: {  	_ =	strace s17  }
0x93: {  	s2 =	sld [smem:$0x3FFC];
	_ =	sdelay $0x3  }
0x94: {  	_ =	strace s2  }
0x95: {  	s2 =	sld [smem:$0x3FFD];
	_ =	sdelay $0x3  }
0x96: {  	_ =	strace s2  }
0x97: {  	_ =	strace $0x8FFFFFFF  }
0x98: {  	s18 =	sld [smem:$0x3FDB];
	_ =	sdelay $0x1  }
0x99: {  	s19 =	simm.s32 $_scs_section_size  }
0x9a: {  	s4 =	simm.s32 $_size__tile_overlayer_lowered;
	s5 =	simm.s32 $_tile_overlayer_lowered  }
0x9b: {  	s22 =	simm.s32 $0x1BFF;
	s21 =	sshll.u32 s5, $0x1;
	s2 =	sadd.s32 s19, s18  }
0x9c: {  	s6 =	simm.s32 $0x0;
	s20 =	sshll.u32 s4, $0x1;
	s4 =	sadd.s32 s21, s2  }
0x9d: {  	[timem:s6], [sflag:s22] =	dma.local [hbm:s4], s20  }
0x9e: {  	_ =	swait.ge [sflag:s22], s20  }
0x9f: {  	s3 =	ssub.s32 $0x0, s20;
	[sflag:s22] =	ssyncset.done $0x0  }
0xa0: {  	[sflag:s22] =	ssyncadd.s32 s3;
	_ =	sdelay $0x1  }
0xa1: {  	s23 =	simm.s32 $0x1B8B  }
0xa2: {  	_ =	swait.ge [sflag:s23], $0x1  }
0xa3: {  	[sflag:s23] =	ssyncset.done $0x0  }
0xa4: {  	s25 =	simm.s32 $0x1B8E;
	s24 =	sld [smem:$0x3FFE];
	[sflag:s23] =	ssyncadd.s32 $0xFFFFFFFF  }
0xa5: {  	s26 =	simm.s32 $execute0_lowered;
	[smem:$0x3FD2] =	sst s25  }
0xa6: {  	s4 =	sshll.u32 s26, $0x1;
	_ =	strace $0x80000046;
	[dreg:$0x1] =	wrdreg $0xFFFFFFFF  }
0xa7: {  	s28 =	simm.s32 $_size_execute0_lowered;
	s2 =	sadd.s32 s2, s4;
	[dreg:$0x0] =	wrdreg $0x0  }
0xa8: {  	s4 =	sshll.u32 s28, $0x1;
	[dreg:$0x2] =	wrdreg s2  }
0xa9: {  	[dreg:$0x3] =	wrdreg s4  }
0xaa: {  	[dreg:$0x4] =	wrdreg $0xC0  }
0xab: {  	_ =	task [dreg:s6], $0x5FFFF  }
0xac: {  	[dreg:$0x1] =	wrdreg $0xFFFFFFFF  }
0xad: {  	[dreg:$0x0] =	wrdreg $0x60  }
0xae: {  	[dreg:$0x2] =	wrdreg s24  }
0xaf: {  	[dreg:$0x3] =	wrdreg $0x9  }
0xb0: {  	_ =	task.clear_ibuf [dreg:s6], $0x4FFFF;
	_ =	strace $0x90000046  }
0xb1: {  	s29 =	simm.s32 $0x9;
	_ =	strace $0x80000048  }
0xb2: {  	_ =	swait.ge [sflag:s29], $0x1  }
0xb3: {  	[sflag:s29] =	ssyncadd.s32 $0xFFFFFFFF  }
0xb4: {  	_ =	strace $0x90000048  }
0xb5: {  	_ =	sfence  }
0xb6: {  	s30 =	sld [smem:$0x0];
	_ =	sdelay $0x2  }
0xb7: {  	s31 =	sshll.u32 s1, $0xD;
	s1 =	sshrl.u32 s1, $0x2  }
0xb8: {  	s3 =	sand.u32 $0x4000, s31;
	s1 =	sadd.s32 s1, s30  }
0xb9: {  	s0 =	sor.u32 s3, s0;
	s1 =	sshll.u32 s1, $0x11  }
0xba: {  	s0 =	sor.u32 s1, s0  }
0xbb: {  	s0 =	sadd.s32 $0x8F2B, s0  }
0xbc: {  	[sflag:s0] =	ssyncadd.remote.s32 $0x1  }
0xbd: {  	_ =	sfence.sel $0xFFFF  }
0xbe: {  	[dreg:$0x0] =	wrdreg $0xFFFFFFFF;
	(pc) =	sbr.abs _section_cstart, $3  }
0xbf: {  	[dreg:$0x1] =	wrdreg $0xFFFFFFFF  }
0xc0: {  	_ =	task.clear_ibuf [dreg:s6], $0x2FFFF;
	_ =	strace $0x9FFFFFFF  }
0xc1: {  	(tm) =	ssettm $0x7FFFFFFF  }
tec
execute0_lowered:
.L_overlay_start_1:
0x0: {  	(tag) =	ssettag $0x1  }
0x1: {  	s5 =	rddreg [dreg:$0x0];
	s1 =	srdreg.scid  }
0x2: {  	s0 =	rddreg [dreg:$0x1];
	s2 =	simm.s32 $0x0;
	s15 =	simm.s32 $0x7800  }
0x3: {  	v0 =	vimm.s32 $0xEFCDAB89;
	v1 =	vimm.s32 $0x67452301;
	s16 =	simm.s32 $0x5000;
	s17 =	simm.s32 $0x8580;
	s18 =	simm.s32 $0x80  }
0x4: {  	v2 =	vimm.s32 $0xDCFE98BA;
	v3 =	vimm.s32 $0x54761032;
	s19 =	simm.s32 $0x400;
	s20 =	simm.s32 $0x0;
	s6 =	sand.u32 $0x1, s1  }
0x5: {  	v4 =	vimm.s32 $0xBA98FEDC;
	v5 =	vimm.s32 $0x32107654;
	s1 =	stileid.u32;
	[smem:$0x7FF] =	sst s2;
	s10 =	sadd.s32 $0x4600, s5  }
0x6: {  	v6 =	vimm.s32 $0xFEDCBA98;
	s11 =	sadd.s32 $0x23400, s5;
	s3 =	sshll.u32 s6, $0x4;
	_ =	strace $0x80000047  }
0x7: {  	v7 =	vimm.s32 $0x76543210;
	v0 =	vunpack.c.l.s4.s8 v0;
	v1 =	vunpack.c.l.s4.s8 v1;
	s9 =	sshll.u32 s1, $0x7;
	s6 =	ssub.s32 $0x2, s6;
	s7 =	sor.u32 s1, s3  }
0x8: {  	v2 =	vunpack.c.l.s4.s8 v2;
	v3 =	vunpack.c.l.s4.s8 v3;
	v4 =	vunpack.c.l.s4.s8 v4;
	s3 =	sadd.s32 $0xE800, s5;
	s4 =	sshrl.u32 s7, $0x3;
	s7 =	smul.u32 $0x2880, s7  }
0x9: {  	v5 =	vunpack.c.l.s4.s8 v5;
	v6 =	vunpack.c.l.s4.s8 v6;
	s9 =	sand.u32 $0x380, s9;
	v0 =	vunpack.c.0.s8.s32 v0;
	s29 =	sshrl.u32 s6, $0x1;
	s8 =	smul.u32 $0x14000, s4  }
0xa: {  	v1 =	vunpack.c.0.s8.s32 v1;
	v2 =	vunpack.c.0.s8.s32 v2;
	v3 =	vunpack.c.0.s8.s32 v3;
	s13 =	ssub.s32 s6, s29;
	s4 =	sadd.s32 $0xEE00, s5;
	s30 =	sshrl.u32 s7, $0x3  }
0xb: {  	v7 =	vunpack.c.l.s4.s8 v7;
	v4 =	vunpack.c.0.s8.s32 v4;
	v5 =	vunpack.c.0.s8.s32 v5;
	s8 =	sor.u32 s9, s8;
	s6 =	sadd.s32 s11, s30;
	s31 =	sadd.s32 $0x1B0, s30  }
0xc: {  	v0 =	vcombine.low v1, v0;
	v1 =	vcombine.low v3, v2;
	v2 =	vunpack.c.0.s8.s32 v6;
	s14 =	sadd.s32 $0x360, s30;
	s8 =	sshrl.u32 s8, $0x3;
	s7 =	sadd.s32 s10, s31  }
0xd: {  	v3 =	vcombine.low v5, v4;
	v4 =	vunpack.c.0.s8.s32 v7;
	s9 =	sadd.s32 s10, s14;
	s12 =	sadd.s32 s8, s5;
	s5 =	sadd.s32 s10, s30  }
0xe: {  	v0 =	vand.u32 $0xF, v0;
	v1 =	vand.u32 $0xF, v1;
	v5 =	vand.u32 $0xF, v2;
	s8 =	sadd.s32 s11, s31;
	s10 =	sadd.s32 s11, s14;
	s14 =	simm.s32 $0x2800  }
0xf: {  	v2 =	vand.u32 $0xF, v3;
	v3 =	vcombine.low v5, v4;
	v4 =	vimm.f32 $0.0e+00;
	s11 =	sadd.s32 $0x2D600, s12;
	s12 =	smax.u32 s13, $0x1;
	s13 =	simm.s32 $0x1  }
.LBB2_1:
0x10: {  	[tilespmem:s2], [sflag:$0x1] =	stream.linear.gather [hbm4b:s3+s2], $0x2800, $0x38;
	[tilespmem:$0x9300] =	vst v63  }
0x11: {  	_ =	swait.ge [sflag:s13], $0x2800  }
0x12: {  	[sflag:s13] =	ssyncset.done $0x0  }
0x13: {  	[sflag:s13] =	ssyncadd.s32 $0xFFFFD800  }
0x14: {  	[tilespmem:s14], [sflag:$0x1] =	stream.linear.gather [hbm4b:s4+s2], $0x2800, $0x38;
	[tilespmem:$0x9300] =	vst v63  }
0x15: {  	_ =	swait.ge [sflag:s13], $0x2800  }
0x16: {  	[sflag:s13] =	ssyncset.done $0x0  }
0x17: {  	s22 =	simm.s32 $0x0;
	[sflag:s13] =	ssyncadd.s32 $0xFFFFD800  }
0x18: {  	v6 =	vld [tilespmem:s22+$0x2800]  }
0x19: {  	v5 =	vimm.f32 $-3.000000010e+38;
	s21 =	simm.s32 $0x40;
	v7 =	vimm.f32 $-3.000000010e+38;
	v8 =	vld [tilespmem:s22+$0x0]  }
.LBB2_2:
0x1a: {  	p0 =	sne.s32 s21, $0x9FC0  }
.Ltmp0:
0x1b: {  	_ = 	snop;
	(pc) =	sbr.rel @p0 .LBB2_2-.Ltmp0, $4  }
0x1c: {  	_ = 	snop  }
0x1d: {  	s22 =	sshra.s32 s21, $0x2;
	s21 =	sadd.s32 $0x40, s21;
	v5 =	vmax.f32 v5, v6  }
0x1e: {  	v6 =	vld [tilespmem:s22+$0x2800];
	v7 =	vmax.f32 v7, v8  }
0x1f: {  	v8 =	vld [tilespmem:s22+$0x0]  }
0x20: {  	_ =	sdelay $0x3  }
0x21: {  	v5 =	vmax.f32 v5, v6;
	v6 =	vmax.f32 v7, v8  }
0x22: {  	v8 =	vperm.xlane v5, v0;
	v7 =	vperm.xlane v6, v0;
	_ =	sdelay $0x1  }
0x23: {  	v5 =	vmax.f32 v5, v8;
	v6 =	vmax.f32 v6, v7  }
0x24: {  	v8 =	vperm.xlane v5, v1;
	v7 =	vperm.xlane v6, v1;
	_ =	sdelay $0x1  }
0x25: {  	v6 =	vmax.f32 v6, v7;
	v7 =	vmax.f32 v5, v8  }
0x26: {  	v5 =	vperm.xlane v6, v2;
	v8 =	vperm.xlane v7, v2;
	_ =	sdelay $0x1  }
0x27: {  	v5 =	vmax.f32 v6, v5;
	v8 =	vmax.f32 v7, v8  }
0x28: {  	s21 =	simm.s32 $0x40;
	s22 =	simm.s32 $0x0;
	v9 =	vperm.xlane v5, v3;
	v11 =	vperm.xlane v8, v3  }
.LBB2_4:
0x29: {  	p0 =	sne.s32 s21, $0x9FC0;
	[tilespmem:s22+$0x5000] =	vst v4;
	s22 =	smov.u32 s21;
	s21 =	sadd.s32 $0x40, s21  }
.Ltmp1:
0x2a: {  	(pc) =	sbr.rel @p0 .LBB2_4-.Ltmp1, $2  }
0x2b: {  	_ =	sdelay $0x2  }
0x2c: {  	s22 =	sshra.s32 s22, $0x2  }
0x2d: {  	[tilespmem:s22+$0x5000] =	vst v4  }
0x2e: {  	[tilespmem:s15], [sflag:$0x1] =	stream.linear.gather [hbm4b:s5+s2], $0xD80, $0x38;
	[tilespmem:$0x9300] =	vst v63  }
0x2f: {  	_ =	swait.ge [sflag:s13], $0xD80  }
0x30: {  	[sflag:s13] =	ssyncset.done $0x0  }
0x31: {  	s21 =	simm.s32 $0x7820;
	[sflag:s13] =	ssyncadd.s32 $0xFFFFF280  }
0x32: {  	v6 =	vld [tilespmem:s21+$0x10];
	_ =	sdelay $0x2  }
0x33: {  	v7 =	vld [tilespmem:s21+$0xFFFFFFF0]  }
0x34: {  	v10 =	vld [tilespmem:s21+$0xFFFFFFE0]  }
0x35: {  	v12 =	vand.u32 $0xFFFF, v6  }
0x36: {  	v14 =	vshrl.u32 v6, $0x10  }
0x37: {  	s30 =	simm.s32 $0x7860;
	v15 =	vld [tilespmem:s21+$0x0]  }
0x38: {  	v18 =	vld [tilespmem:s30+$0x10];
	v13 =	vand.u32 $0xFFFF, v7  }
0x39: {  	v19 =	vld [tilespmem:s30+$0xFFFFFFF0];
	v16 =	vand.u32 $0xFFFF, v10  }
0x3a: {  	v6 =	vshrl.u32 v10, $0x10;
	v12 =	vld.idx.msk [tilespmem:v12+s2+$0x0], $0xffff  }
0x3b: {  	v7 =	vshrl.u32 v7, $0x10;
	v17 =	vld.idx.msk [tilespmem:v14+s14+$0x0], $0xffff  }
0x3c: {  	v21 =	vld [tilespmem:s30+$0xFFFFFFE0]  }
0x3d: {  	v13 =	vld.idx.msk [tilespmem:v13+s2+$0x0], $0xffff  }
0x3e: {  	v20 =	vand.u32 $0xFFFF, v15;
	v16 =	vld.idx.msk [tilespmem:v16+s2+$0x0], $0xffff  }
0x3f: {  	v10 =	vshrl.u32 v15, $0x10;
	v15 =	vld.idx.msk [tilespmem:v6+s14+$0x0], $0xffff  }
0x40: {  	v5 =	vmax.f32 v5, v9;
	v8 =	vmax.f32 v8, v11;
	v9 =	vld.idx.msk [tilespmem:v7+s14+$0x0], $0xffff;
	v12 =	vadd.f32 v17, v12  }
0x41: {  	v5 =	vadd.f32 v8, v5;
	v17 =	vand.u32 $0xFFFF, v18  }
0x42: {  	v11 =	vshrl.u32 v18, $0x10;
	v8 =	vmul.f32 $2.000000030e-01, v12  }
0x43: {  	v5 =	vmax.f32 v5, $0.0e+00;
	v20 =	vld.idx.msk [tilespmem:v20+s2+$0x0], $0xffff;
	vm0 =	vgt.f32 v12, $0.0e+00  }
0x44: {  	v18 =	vld [tilespmem:s30+$0x0];
	v15 =	vadd.f32 v15, v16;
	v8 =	vsel vm0, v12, v8;
	v12 =	vand.u32 $0xFFFF, v21  }
0x45: {  	v22 =	vand.u32 $0xFFFF, v19;
	v16 =	vld.idx.msk [tilespmem:v10+s14+$0x0], $0xffff;
	v13 =	vadd.f32 v9, v13;
	v23 =	vsub.f32 v8, v5  }
0x46: {  	v9 =	vshrl.u32 v19, $0x10;
	v8 =	vshrl.u32 v21, $0x10;
	v17 =	vld.idx.msk [tilespmem:v17+s2+$0x0], $0xffff;
	v21 =	vmul.f32 $2.000000030e-01, v15  }
0x47: {  	s31 =	simm.s32 $0x78A0;
	v24 =	vmul.f32 $2.000000030e-01, v13;
	vm0 =	vgt.f32 v15, $0.0e+00;
	v19 =	vmul.f32 $1.442695020e+00, v23;
	v23 =	vld.idx.msk [tilespmem:v11+s14+$0x0], $0xffff  }
0x48: {  	v27 =	vld [tilespmem:s31+$0xFFFFFFF0];
	vm1 =	vgt.f32 v13, $0.0e+00;
	v15 =	vsel vm0, v15, v21  }
0x49: {  	(erf) = vpow2.f32 v19;
	v19 =	vld.idx.msk [tilespmem:v12+s2+$0x0], $0xffff;
	v12 =	vsel vm1, v13, v24;
	v13 =	vsub.f32 v15, v5  }
0x4a: {  	v15 =	vadd.f32 v16, v20;
	v20 =	vld [tilespmem:s31+$0x10]  }
0x4b: {  	v25 =	vand.u32 $0xFFFF, v18;
	v16 =	vld.idx.msk [tilespmem:v8+s14+$0x0], $0xffff;
	v12 =	vsub.f32 v12, v5;
	v13 =	vmul.f32 $1.442695020e+00, v13  }
0x4c: {  	v22 =	vld.idx.msk [tilespmem:v22+s2+$0x0], $0xffff;
	v21 =	vmul.f32 $2.000000030e-01, v15;
	vm0 =	vgt.f32 v15, $0.0e+00;
	v17 =	vadd.f32 v23, v17  }
0x4d: {  	v24 =	vld.idx.msk [tilespmem:v9+s14+$0x0], $0xffff;
	v26 =	vmul.f32 $1.442695020e+00, v12;
	v12 =	vshrl.u32 v18, $0x10;
	(erf) = vpow2.f32 v13  }
0x4e: {  	v18 =	vld [tilespmem:s31+$0xFFFFFFE0];
	v15 =	vsel vm0, v15, v21;
	v21 =	vmul.f32 $2.000000030e-01, v17  }
0x4f: {  	v13 =	vsub.f32 v15, v5;
	(erf) = vpow2.f32 v26;
	vm0 =	vgt.f32 v17, $0.0e+00  }
0x50: {  	v15 =	vand.u32 $0xFFFF, v20;
	v19 =	vadd.f32 v16, v19;
	v16 =	vsel vm0, v17, v21  }
0x51: {  	v25 =	vld.idx.msk [tilespmem:v25+s2+$0x0], $0xffff;
	v29 =	vmul.f32 $1.442695020e+00, v13;
	v13 =	vshrl.u32 v20, $0x10;
	v17 =	vsub.f32 v16, v5  }
0x52: {  	s21 =	simm.s32 $0x85A0;
	v26 =	vand.u32 $0xFFFF, v27;
	v22 =	vadd.f32 v24, v22;
	v24 =	vld.idx.msk [tilespmem:v12+s14+$0x0], $0xffff;
	v20 =	vpop (erf)  }
0x53: {  	v28 =	vld [tilespmem:s31+$0x0];
	v30 =	vand.u32 $0xFFFF, v18;
	v16 =	vshrl.u32 v27, $0x10;
	[tilespmem:s21+$0x10] =	vst v20;
	v27 =	vmul.f32 $1.442695020e+00, v17  }
0x54: {  	[tilespmem:v14+s16+$0x0] =	vst.idx.add.f32.msk $0xffff, v20;
	v14 =	vshrl.u32 v18, $0x10;
	v18 =	vmul.f32 $2.000000030e-01, v19  }
0x55: {  	vm0 =	vgt.f32 v19, $0.0e+00;
	v21 =	vld.idx.msk [tilespmem:v15+s2+$0x0], $0xffff;
	v20 =	vmul.f32 $2.000000030e-01, v22;
	(erf) = vpow2.f32 v27  }
0x56: {  	vm1 =	vgt.f32 v22, $0.0e+00;
	v23 =	vld.idx.msk [tilespmem:v13+s14+$0x0], $0xffff;
	v18 =	vsel vm0, v19, v18;
	v17 =	vpop (erf);
	(erf) = vpow2.f32 v29  }
0x57: {  	v19 =	vsel vm1, v22, v20;
	v20 =	vld.idx.msk [tilespmem:v26+s2+$0x0], $0xffff;
	v26 =	vadd.f32 v24, v25;
	v31 =	vsub.f32 v18, v5  }
0x58: {  	v22 =	vld.idx.msk [tilespmem:v30+s2+$0x0], $0xffff;
	v30 =	vsub.f32 v19, v5  }
0x59: {  	v15 =	vshrl.u32 v28, $0x10;
	v25 =	vld.idx.msk [tilespmem:v16+s14+$0x0], $0xffff;
	[tilespmem:s21+$0xFFFFFFE0] =	vst v17;
	v29 =	vmul.f32 $2.000000030e-01, v26;
	v18 =	vpop (erf);
	v27 =	vmul.f32 $1.442695020e+00, v31  }
0x5a: {  	s23 =	simm.s32 $0x80;
	s24 =	simm.s32 $0x78E0;
	s22 =	simm.s32 $0x85A0;
	v19 =	vand.u32 $0xFFFF, v28;
	vm0 =	vgt.f32 v26, $0.0e+00;
	v24 =	vld.idx.msk [tilespmem:v14+s14+$0x0], $0xffff;
	v28 =	vmul.f32 $1.442695020e+00, v30;
	[tilespmem:s21+$0xFFFFFFF0] =	vst v18  }
.LBB2_6:
0x5b: {  	v30 =	vld [tilespmem:s24+$0x10];
	v26 =	vsel vm0, v26, v29;
	(erf) = vpow2.f32 v27  }
0x5c: {  	v21 =	vadd.f32 v23, v21;
	v27 =	vld [tilespmem:s24+$0xFFFFFFF0];
	v33 =	vsub.f32 v26, v5;
	(erf) = vpow2.f32 v28  }
0x5d: {  	s23 =	sadd.s32 $0x40, s23;
	v26 =	vld [tilespmem:s24+$0x0]  }
0x5e: {  	s21 =	sadd.s32 $0x40, s21;
	p0 =	slt.u32 s23, $0xD40;
	v29 =	vmul.f32 $2.000000030e-01, v21;
	v28 =	vld [tilespmem:s24+$0xFFFFFFE0];
	v31 =	vmul.f32 $1.442695020e+00, v33;
	v23 =	vpop (erf)  }
0x5f: {  	vm0 =	vgt.f32 v21, $0.0e+00;
	v22 =	vadd.f32 v24, v22;
	v24 =	vld.idx.msk [tilespmem:v19+s2+$0x0], $0xffff;
	[tilespmem:s21+$0x10] =	vst v23;
	v32 =	vpop (erf)  }
0x60: {  	v20 =	vadd.f32 v25, v20;
	v19 =	vsel vm0, v21, v29;
	v33 =	vand.u32 $0xFFFF, v30;
	[tilespmem:v11+s16+$0x0] =	vst.idx.add.f32.msk $0xffff, v23  }
0x61: {  	v21 =	vsub.f32 v19, v5;
	v11 =	vmovc v13;
	v13 =	vshrl.u32 v30, $0x10;
	v23 =	vshrl.u32 v27, $0x10;
	v25 =	vld.idx.msk [tilespmem:v15+s14+$0x0], $0xffff;
	[tilespmem:s22+$0x0] =	vst v32;
	s22 =	smov.u32 s21  }
0x62: {  	v27 =	vand.u32 $0xFFFF, v27;
	v29 =	vshrl.u32 v26, $0x10;
	v19 =	vand.u32 $0xFFFF, v26;
	[tilespmem:v6+s16+$0x0] =	vst.idx.add.f32.msk $0xffff, v17;
	v6 =	vmovc v8;
	v8 =	vmovc v14  }
0x63: {  	v26 =	vmul.f32 $1.442695020e+00, v21;
	v14 =	vshrl.u32 v28, $0x10;
	v28 =	vand.u32 $0xFFFF, v28;
	[tilespmem:v7+s16+$0x0] =	vst.idx.add.f32.msk $0xffff, v18;
	v7 =	vmovc v9;
	v9 =	vmovc v16  }
0x64: {  	vm0 =	vgt.f32 v22, $0.0e+00;
	v30 =	vmul.f32 $2.000000030e-01, v22;
	v34 =	vmul.f32 $2.000000030e-01, v20;
	v17 =	vpop (erf);
	[tilespmem:v10+s16+$0x0] =	vst.idx.add.f32.msk $0xffff, v32  }
0x65: {  	vm1 =	vgt.f32 v20, $0.0e+00;
	v16 =	vmov v23;
	v21 =	vld.idx.msk [tilespmem:v33+s2+$0x0], $0xffff;
	(erf) = vpow2.f32 v26;
	[tilespmem:s21+$0xFFFFFFE0] =	vst v17;
	v18 =	vpop (erf)  }
.Ltmp2:
0x66: {  	v22 =	vsel vm0, v22, v30;
	v30 =	vsel vm1, v20, v34;
	v23 =	vld.idx.msk [tilespmem:v13+s14+$0x0], $0xffff;
	[tilespmem:s21+$0xFFFFFFF0] =	vst v18;
	(erf) = vpow2.f32 v31;
	(pc) =	sbr.rel @p0 .LBB2_6-.Ltmp2, $4  }
0x67: {  	v10 =	vmovc v12;
	v12 =	vmov v15;
	v26 =	vadd.f32 v25, v24;
	v20 =	vld.idx.msk [tilespmem:v27+s2+$0x0], $0xffff;
	v27 =	vsub.f32 v22, v5  }
0x68: {  	v15 =	vmov v29;
	v22 =	vld.idx.msk [tilespmem:v28+s2+$0x0], $0xffff;
	v28 =	vsub.f32 v30, v5  }
0x69: {  	vm0 =	vgt.f32 v26, $0.0e+00;
	v29 =	vmul.f32 $2.000000030e-01, v26;
	v24 =	vld.idx.msk [tilespmem:v14+s14+$0x0], $0xffff;
	v27 =	vmul.f32 $1.442695020e+00, v27  }
0x6a: {  	s24 =	sadd.s32 $0x40, s24;
	v25 =	vld.idx.msk [tilespmem:v16+s14+$0x0], $0xffff;
	v28 =	vmul.f32 $1.442695020e+00, v28  }
0x6b: {  	_ = 	snop  }
0x6c: {  	v21 =	vadd.f32 v23, v21;
	_ =	sdelay $0x1  }
0x6d: {  	v23 =	vmul.f32 $2.000000030e-01, v21  }
0x6e: {  	v19 =	vld.idx.msk [tilespmem:v19+s2+$0x0], $0xffff;
	vm1 =	vgt.f32 v21, $0.0e+00  }
0x6f: {  	v30 =	vld.idx.msk [tilespmem:v15+s14+$0x0], $0xffff;
	v21 =	vsel vm1, v21, v23  }
0x70: {  	v21 =	vsub.f32 v21, v5  }
0x71: {  	v26 =	vsel vm0, v26, v29  }
0x72: {  	(erf) = vpow2.f32 v27;
	v22 =	vadd.f32 v24, v22;
	v21 =	vmul.f32 $1.442695020e+00, v21  }
0x73: {  	(erf) = vpow2.f32 v28;
	v23 =	vsub.f32 v26, v5;
	v20 =	vadd.f32 v25, v20  }
0x74: {  	v24 =	vmul.f32 $2.000000030e-01, v22;
	v19 =	vadd.f32 v30, v19;
	vm0 =	vgt.f32 v22, $0.0e+00  }
0x75: {  	v23 =	vmul.f32 $1.442695020e+00, v23;
	v25 =	vmul.f32 $2.000000030e-01, v20;
	vm1 =	vgt.f32 v20, $0.0e+00  }
0x76: {  	s21 =	sadd.s32 $0x40, s21;
	v22 =	vsel vm0, v22, v24;
	v24 =	vmul.f32 $2.000000030e-01, v19;
	(erf) = vpow2.f32 v21;
	v21 =	vpop (erf)  }
0x77: {  	vm0 =	vgt.f32 v19, $0.0e+00;
	v20 =	vsel vm1, v20, v25;
	v22 =	vsub.f32 v22, v5;
	[tilespmem:s21+$0x10] =	vst v21  }
0x78: {  	v19 =	vsel vm0, v19, v24;
	[tilespmem:v11+s16+$0x0] =	vst.idx.add.f32.msk $0xffff, v21;
	v11 =	vsub.f32 v20, v5  }
0x79: {  	[tilespmem:v6+s16+$0x0] =	vst.idx.add.f32.msk $0xffff, v17;
	v19 =	vsub.f32 v19, v5;
	(erf) = vpow2.f32 v23;
	v20 =	vmul.f32 $1.442695020e+00, v22  }
0x7a: {  	[tilespmem:v7+s16+$0x0] =	vst.idx.add.f32.msk $0xffff, v18;
	v23 =	vpop (erf);
	v6 =	vmul.f32 $1.442695020e+00, v11  }
0x7b: {  	v7 =	vmul.f32 $1.442695020e+00, v19;
	[tilespmem:s22+$0x0] =	vst v23;
	(erf) = vpow2.f32 v20  }
0x7c: {  	[tilespmem:v10+s16+$0x0] =	vst.idx.add.f32.msk $0xffff, v23;
	v11 =	vpop (erf)  }
0x7d: {  	(erf) = vpow2.f32 v6;
	[tilespmem:s21+$0xFFFFFFE0] =	vst v11  }
0x7e: {  	v6 =	vpop (erf);
	[tilespmem:v8+s16+$0x0] =	vst.idx.add.f32.msk $0xffff, v11  }
0x7f: {  	s28 =	sadd.s32 $0x40, s21;
	(erf) = vpow2.f32 v7;
	v7 =	vpop (erf);
	[tilespmem:s21+$0xFFFFFFF0] =	vst v6  }
0x80: {  	[tilespmem:s28+$0x10] =	vst v7  }
0x81: {  	[tilespmem:v9+s16+$0x0] =	vst.idx.add.f32.msk $0xffff, v6  }
0x82: {  	v10 =	vpop (erf);
	[tilespmem:v13+s16+$0x0] =	vst.idx.add.f32.msk $0xffff, v7  }
0x83: {  	[tilespmem:s21+$0x0] =	vst v10  }
0x84: {  	[tilespmem:v12+s16+$0x0] =	vst.idx.add.f32.msk $0xffff, v10;
	v6 =	vpop (erf)  }
0x85: {  	[tilespmem:s28+$0xFFFFFFE0] =	vst v6  }
0x86: {  	v7 =	vpop (erf);
	[tilespmem:v14+s16+$0x0] =	vst.idx.add.f32.msk $0xffff, v6  }
0x87: {  	[tilespmem:s28+$0xFFFFFFF0] =	vst v7  }
0x88: {  	v8 =	vpop (erf);
	[tilespmem:v16+s16+$0x0] =	vst.idx.add.f32.msk $0xffff, v7  }
0x89: {  	[tilespmem:s28+$0x0] =	vst v8  }
0x8a: {  	[tilespmem:v15+s16+$0x0] =	vst.idx.add.f32.msk $0xffff, v8  }
0x8b: {  	[hbm4b:s6+s2] =	stream.linear.scatter [tilespmem:s17], [sflag:$0x1], $0xD80, $0x38;
	[tilespmem:$0x9300] =	vst v63  }
0x8c: {  	_ =	swait.ge [sflag:s13], $0xD80  }
0x8d: {  	[sflag:s13] =	ssyncset.done $0x0  }
0x8e: {  	[sflag:s13] =	ssyncadd.s32 $0xFFFFF280  }
0x8f: {  	[tilespmem:s15], [sflag:$0x1] =	stream.linear.gather [hbm4b:s7+s2], $0xD80, $0x38;
	[tilespmem:$0x9300] =	vst v63  }
0x90: {  	_ =	swait.ge [sflag:s13], $0xD80  }
0x91: {  	[sflag:s13] =	ssyncset.done $0x0  }
0x92: {  	s29 =	simm.s32 $0x7820;
	[sflag:s13] =	ssyncadd.s32 $0xFFFFF280  }
0x93: {  	v6 =	vld [tilespmem:s29+$0x10];
	_ =	sdelay $0x2  }
0x94: {  	v7 =	vld [tilespmem:s29+$0xFFFFFFF0]  }
0x95: {  	v8 =	vld [tilespmem:s29+$0xFFFFFFE0]  }
0x96: {  	v9 =	vand.u32 $0xFFFF, v6  }
0x97: {  	v14 =	vshrl.u32 v6, $0x10;
	_ =	sdelay $0x1  }
0x98: {  	v10 =	vand.u32 $0xFFFF, v7  }
0x99: {  	v11 =	vld [tilespmem:s29+$0x0];
	v12 =	vand.u32 $0xFFFF, v8  }
0x9a: {  	v6 =	vshrl.u32 v8, $0x10;
	v9 =	vld.idx.msk [tilespmem:v9+s2+$0x0], $0xffff  }
0x9b: {  	s30 =	simm.s32 $0x7860;
	v13 =	vld.idx.msk [tilespmem:v14+s14+$0x0], $0xffff  }
0x9c: {  	v8 =	vld [tilespmem:s30+$0x10]  }
0x9d: {  	v7 =	vshrl.u32 v7, $0x10;
	v15 =	vld.idx.msk [tilespmem:v10+s2+$0x0], $0xffff  }
0x9e: {  	v17 =	vand.u32 $0xFFFF, v11;
	v12 =	vld.idx.msk [tilespmem:v12+s2+$0x0], $0xffff  }
0x9f: {  	v10 =	vshrl.u32 v11, $0x10;
	v19 =	vld.idx.msk [tilespmem:v6+s14+$0x0], $0xffff  }
0xa0: {  	v16 =	vld [tilespmem:s30+$0xFFFFFFF0];
	v9 =	vadd.f32 v13, v9  }
0xa1: {  	v18 =	vld [tilespmem:s30+$0xFFFFFFE0]  }
0xa2: {  	v13 =	vld.idx.msk [tilespmem:v7+s14+$0x0], $0xffff;
	v21 =	vmul.f32 $2.000000030e-01, v9  }
0xa3: {  	v20 =	vand.u32 $0xFFFF, v8;
	v17 =	vld.idx.msk [tilespmem:v17+s2+$0x0], $0xffff;
	vm0 =	vgt.f32 v9, $0.0e+00  }
0xa4: {  	v11 =	vshrl.u32 v8, $0x10;
	v12 =	vadd.f32 v19, v12;
	v19 =	vld.idx.msk [tilespmem:v10+s14+$0x0], $0xffff;
	v8 =	vsel vm0, v9, v21  }
0xa5: {  	v24 =	vsub.f32 v8, v5  }
0xa6: {  	v23 =	vand.u32 $0xFFFF, v16;
	v21 =	vand.u32 $0xFFFF, v18  }
0xa7: {  	v22 =	vld [tilespmem:s30+$0x0];
	v9 =	vshrl.u32 v16, $0x10;
	v13 =	vadd.f32 v13, v15;
	v16 =	vmul.f32 $1.442695020e+00, v24  }
0xa8: {  	vm0 =	vgt.f32 v12, $0.0e+00;
	v8 =	vshrl.u32 v18, $0x10;
	v15 =	vld.idx.msk [tilespmem:v20+s2+$0x0], $0xffff;
	v18 =	vmul.f32 $2.000000030e-01, v12  }
0xa9: {  	s31 =	simm.s32 $0x78A0;
	v20 =	vld.idx.msk [tilespmem:v11+s14+$0x0], $0xffff;
	v17 =	vadd.f32 v19, v17;
	v24 =	vmul.f32 $2.000000030e-01, v13;
	(erf) = vpow2.f32 v16  }
0xaa: {  	v27 =	vld [tilespmem:s31+$0xFFFFFFF0];
	vm1 =	vgt.f32 v13, $0.0e+00;
	v12 =	vsel vm0, v12, v18  }
0xab: {  	v19 =	vld [tilespmem:s31+$0x10];
	v12 =	vsub.f32 v12, v5;
	v13 =	vsel vm1, v13, v24;
	v24 =	vmul.f32 $2.000000030e-01, v17  }
0xac: {  	v26 =	vand.u32 $0xFFFF, v22;
	vm0 =	vgt.f32 v17, $0.0e+00;
	v16 =	vld.idx.msk [tilespmem:v21+s2+$0x0], $0xffff  }
0xad: {  	v18 =	vld.idx.msk [tilespmem:v8+s14+$0x0], $0xffff;
	v13 =	vsub.f32 v13, v5;
	v21 =	vmul.f32 $1.442695020e+00, v12;
	v17 =	vsel vm0, v17, v24  }
0xae: {  	v23 =	vld.idx.msk [tilespmem:v23+s2+$0x0], $0xffff;
	v12 =	vshrl.u32 v22, $0x10;
	v15 =	vadd.f32 v20, v15;
	v17 =	vsub.f32 v17, v5  }
0xaf: {  	v25 =	vld.idx.msk [tilespmem:v9+s14+$0x0], $0xffff;
	v13 =	vmul.f32 $1.442695020e+00, v13;
	(erf) = vpow2.f32 v21  }
0xb0: {  	v20 =	vand.u32 $0xFFFF, v19;
	v22 =	vmul.f32 $2.000000030e-01, v15  }
0xb1: {  	v21 =	vld [tilespmem:s31+$0xFFFFFFE0];
	vm0 =	vgt.f32 v15, $0.0e+00;
	(erf) = vpow2.f32 v13;
	v28 =	vmul.f32 $1.442695020e+00, v17  }
0xb2: {  	s21 =	simm.s32 $0x85A0;
	v13 =	vshrl.u32 v19, $0x10;
	v19 =	vld.idx.msk [tilespmem:v26+s2+$0x0], $0xffff;
	v15 =	vsel vm0, v15, v22;
	v18 =	vadd.f32 v18, v16;
	v17 =	vpop (erf)  }
0xb3: {  	v22 =	vld.idx.msk [tilespmem:v12+s14+$0x0], $0xffff;
	v15 =	vsub.f32 v15, v5;
	[tilespmem:s21+$0x10] =	vst v17  }
0xb4: {  	v26 =	vand.u32 $0xFFFF, v27;
	v25 =	vadd.f32 v25, v23;
	[tilespmem:v14+s16+$0x0] =	vst.idx.add.f32.msk $0xffff, v17;
	v17 =	vmul.f32 $2.000000030e-01, v18  }
0xb5: {  	v16 =	vshrl.u32 v27, $0x10;
	v30 =	vmul.f32 $1.442695020e+00, v15  }
0xb6: {  	v24 =	vld [tilespmem:s31+$0x0];
	v27 =	vmul.f32 $2.000000030e-01, v25;
	v29 =	vand.u32 $0xFFFF, v21  }
0xb7: {  	vm0 =	vgt.f32 v18, $0.0e+00;
	v23 =	vld.idx.msk [tilespmem:v13+s14+$0x0], $0xffff;
	(erf) = vpow2.f32 v30;
	v14 =	vshrl.u32 v21, $0x10  }
0xb8: {  	vm1 =	vgt.f32 v25, $0.0e+00;
	v21 =	vld.idx.msk [tilespmem:v20+s2+$0x0], $0xffff;
	v18 =	vsel vm0, v18, v17;
	v17 =	vpop (erf);
	(erf) = vpow2.f32 v28  }
0xb9: {  	v25 =	vsel vm1, v25, v27;
	v20 =	vld.idx.msk [tilespmem:v26+s2+$0x0], $0xffff;
	v26 =	vadd.f32 v22, v19;
	v27 =	vsub.f32 v18, v5  }
0xba: {  	v30 =	vsub.f32 v25, v5;
	v25 =	vld.idx.msk [tilespmem:v16+s14+$0x0], $0xffff  }
0xbb: {  	v15 =	vshrl.u32 v24, $0x10;
	v22 =	vld.idx.msk [tilespmem:v29+s2+$0x0], $0xffff;
	v29 =	vmul.f32 $2.000000030e-01, v26;
	[tilespmem:s21+$0xFFFFFFE0] =	vst v17;
	v18 =	vpop (erf);
	v27 =	vmul.f32 $1.442695020e+00, v27  }
0xbc: {  	s23 =	simm.s32 $0x80;
	s24 =	simm.s32 $0x78E0;
	s22 =	simm.s32 $0x85A0;
	v19 =	vand.u32 $0xFFFF, v24;
	vm0 =	vgt.f32 v26, $0.0e+00;
	v28 =	vmul.f32 $1.442695020e+00, v30;
	v24 =	vld.idx.msk [tilespmem:v14+s14+$0x0], $0xffff;
	[tilespmem:s21+$0xFFFFFFF0] =	vst v18  }
.LBB2_8:
0xbd: {  	v30 =	vld [tilespmem:s24+$0x10];
	v26 =	vsel vm0, v26, v29;
	(erf) = vpow2.f32 v27  }
0xbe: {  	v21 =	vadd.f32 v23, v21;
	v27 =	vld [tilespmem:s24+$0xFFFFFFF0];
	v33 =	vsub.f32 v26, v5;
	(erf) = vpow2.f32 v28  }
0xbf: {  	s23 =	sadd.s32 $0x40, s23;
	v26 =	vld [tilespmem:s24+$0x0]  }
0xc0: {  	s21 =	sadd.s32 $0x40, s21;
	p0 =	slt.u32 s23, $0xD40;
	v29 =	vmul.f32 $2.000000030e-01, v21;
	v28 =	vld [tilespmem:s24+$0xFFFFFFE0];
	v31 =	vmul.f32 $1.442695020e+00, v33;
	v23 =	vpop (erf)  }
0xc1: {  	vm0 =	vgt.f32 v21, $0.0e+00;
	v22 =	vadd.f32 v24, v22;
	v24 =	vld.idx.msk [tilespmem:v19+s2+$0x0], $0xffff;
	[tilespmem:s21+$0x10] =	vst v23;
	v32 =	vpop (erf)  }
0xc2: {  	v20 =	vadd.f32 v25, v20;
	v19 =	vsel vm0, v21, v29;
	v33 =	vand.u32 $0xFFFF, v30;
	[tilespmem:v11+s16+$0x0] =	vst.idx.add.f32.msk $0xffff, v23  }
0xc3: {  	v21 =	vsub.f32 v19, v5;
	v11 =	vmovc v13;
	v13 =	vshrl.u32 v30, $0x10;
	v23 =	vshrl.u32 v27, $0x10;
	v25 =	vld.idx.msk [tilespmem:v15+s14+$0x0], $0xffff;
	[tilespmem:s22+$0x0] =	vst v32;
	s22 =	smov.u32 s21  }
0xc4: {  	v27 =	vand.u32 $0xFFFF, v27;
	v29 =	vshrl.u32 v26, $0x10;
	v19 =	vand.u32 $0xFFFF, v26;
	[tilespmem:v6+s16+$0x0] =	vst.idx.add.f32.msk $0xffff, v17;
	v6 =	vmovc v8;
	v8 =	vmovc v14  }
0xc5: {  	v26 =	vmul.f32 $1.442695020e+00, v21;
	v14 =	vshrl.u32 v28, $0x10;
	v28 =	vand.u32 $0xFFFF, v28;
	[tilespmem:v7+s16+$0x0] =	vst.idx.add.f32.msk $0xffff, v18;
	v7 =	vmovc v9;
	v9 =	vmovc v16  }
0xc6: {  	vm0 =	vgt.f32 v22, $0.0e+00;
	v30 =	vmul.f32 $2.000000030e-01, v22;
	v34 =	vmul.f32 $2.000000030e-01, v20;
	v17 =	vpop (erf);
	[tilespmem:v10+s16+$0x0] =	vst.idx.add.f32.msk $0xffff, v32  }
0xc7: {  	vm1 =	vgt.f32 v20, $0.0e+00;
	v16 =	vmov v23;
	v21 =	vld.idx.msk [tilespmem:v33+s2+$0x0], $0xffff;
	(erf) = vpow2.f32 v26;
	[tilespmem:s21+$0xFFFFFFE0] =	vst v17;
	v18 =	vpop (erf)  }
.Ltmp3:
0xc8: {  	v22 =	vsel vm0, v22, v30;
	v30 =	vsel vm1, v20, v34;
	v23 =	vld.idx.msk [tilespmem:v13+s14+$0x0], $0xffff;
	[tilespmem:s21+$0xFFFFFFF0] =	vst v18;
	(erf) = vpow2.f32 v31;
	(pc) =	sbr.rel @p0 .LBB2_8-.Ltmp3, $4  }
0xc9: {  	v10 =	vmovc v12;
	v12 =	vmov v15;
	v26 =	vadd.f32 v25, v24;
	v20 =	vld.idx.msk [tilespmem:v27+s2+$0x0], $0xffff;
	v27 =	vsub.f32 v22, v5  }
0xca: {  	v15 =	vmov v29;
	v22 =	vld.idx.msk [tilespmem:v28+s2+$0x0], $0xffff;
	v28 =	vsub.f32 v30, v5  }
0xcb: {  	vm0 =	vgt.f32 v26, $0.0e+00;
	v29 =	vmul.f32 $2.000000030e-01, v26;
	v24 =	vld.idx.msk [tilespmem:v14+s14+$0x0], $0xffff;
	v27 =	vmul.f32 $1.442695020e+00, v27  }
0xcc: {  	s24 =	sadd.s32 $0x40, s24;
	v25 =	vld.idx.msk [tilespmem:v16+s14+$0x0], $0xffff;
	v28 =	vmul.f32 $1.442695020e+00, v28  }
0xcd: {  	_ = 	snop  }
0xce: {  	v21 =	vadd.f32 v23, v21;
	_ =	sdelay $0x1  }
0xcf: {  	v23 =	vmul.f32 $2.000000030e-01, v21  }
0xd0: {  	v19 =	vld.idx.msk [tilespmem:v19+s2+$0x0], $0xffff;
	vm1 =	vgt.f32 v21, $0.0e+00  }
0xd1: {  	v30 =	vld.idx.msk [tilespmem:v15+s14+$0x0], $0xffff;
	v21 =	vsel vm1, v21, v23  }
0xd2: {  	v21 =	vsub.f32 v21, v5  }
0xd3: {  	v26 =	vsel vm0, v26, v29  }
0xd4: {  	(erf) = vpow2.f32 v27;
	v22 =	vadd.f32 v24, v22;
	v21 =	vmul.f32 $1.442695020e+00, v21  }
0xd5: {  	(erf) = vpow2.f32 v28;
	v23 =	vsub.f32 v26, v5;
	v20 =	vadd.f32 v25, v20  }
0xd6: {  	v24 =	vmul.f32 $2.000000030e-01, v22;
	v19 =	vadd.f32 v30, v19;
	vm0 =	vgt.f32 v22, $0.0e+00  }
0xd7: {  	v23 =	vmul.f32 $1.442695020e+00, v23;
	v25 =	vmul.f32 $2.000000030e-01, v20;
	vm1 =	vgt.f32 v20, $0.0e+00  }
0xd8: {  	s21 =	sadd.s32 $0x40, s21;
	v22 =	vsel vm0, v22, v24;
	v24 =	vmul.f32 $2.000000030e-01, v19;
	(erf) = vpow2.f32 v21;
	v21 =	vpop (erf)  }
0xd9: {  	vm0 =	vgt.f32 v19, $0.0e+00;
	v20 =	vsel vm1, v20, v25;
	v22 =	vsub.f32 v22, v5;
	[tilespmem:s21+$0x10] =	vst v21  }
0xda: {  	v19 =	vsel vm0, v19, v24;
	[tilespmem:v11+s16+$0x0] =	vst.idx.add.f32.msk $0xffff, v21;
	v11 =	vsub.f32 v20, v5  }
0xdb: {  	[tilespmem:v6+s16+$0x0] =	vst.idx.add.f32.msk $0xffff, v17;
	v19 =	vsub.f32 v19, v5;
	(erf) = vpow2.f32 v23;
	v20 =	vmul.f32 $1.442695020e+00, v22  }
0xdc: {  	[tilespmem:v7+s16+$0x0] =	vst.idx.add.f32.msk $0xffff, v18;
	v23 =	vpop (erf);
	v6 =	vmul.f32 $1.442695020e+00, v11  }
0xdd: {  	v7 =	vmul.f32 $1.442695020e+00, v19;
	[tilespmem:s22+$0x0] =	vst v23;
	(erf) = vpow2.f32 v20  }
0xde: {  	[tilespmem:v10+s16+$0x0] =	vst.idx.add.f32.msk $0xffff, v23;
	v11 =	vpop (erf)  }
0xdf: {  	(erf) = vpow2.f32 v6;
	[tilespmem:s21+$0xFFFFFFE0] =	vst v11  }
0xe0: {  	v6 =	vpop (erf);
	[tilespmem:v8+s16+$0x0] =	vst.idx.add.f32.msk $0xffff, v11  }
0xe1: {  	s28 =	sadd.s32 $0x40, s21;
	(erf) = vpow2.f32 v7;
	v7 =	vpop (erf);
	[tilespmem:s21+$0xFFFFFFF0] =	vst v6  }
0xe2: {  	[tilespmem:s28+$0x10] =	vst v7  }
0xe3: {  	[tilespmem:v9+s16+$0x0] =	vst.idx.add.f32.msk $0xffff, v6  }
0xe4: {  	v10 =	vpop (erf);
	[tilespmem:v13+s16+$0x0] =	vst.idx.add.f32.msk $0xffff, v7  }
0xe5: {  	[tilespmem:s21+$0x0] =	vst v10  }
0xe6: {  	[tilespmem:v12+s16+$0x0] =	vst.idx.add.f32.msk $0xffff, v10;
	v6 =	vpop (erf)  }
0xe7: {  	[tilespmem:s28+$0xFFFFFFE0] =	vst v6  }
0xe8: {  	v7 =	vpop (erf);
	[tilespmem:v14+s16+$0x0] =	vst.idx.add.f32.msk $0xffff, v6  }
0xe9: {  	[tilespmem:s28+$0xFFFFFFF0] =	vst v7  }
0xea: {  	v8 =	vpop (erf);
	[tilespmem:v16+s16+$0x0] =	vst.idx.add.f32.msk $0xffff, v7  }
0xeb: {  	[tilespmem:s28+$0x0] =	vst v8  }
0xec: {  	[tilespmem:v15+s16+$0x0] =	vst.idx.add.f32.msk $0xffff, v8  }
0xed: {  	[hbm4b:s8+s2] =	stream.linear.scatter [tilespmem:s17], [sflag:$0x1], $0xD80, $0x38;
	[tilespmem:$0x9300] =	vst v63  }
0xee: {  	_ =	swait.ge [sflag:s13], $0xD80  }
0xef: {  	[sflag:s13] =	ssyncset.done $0x0  }
0xf0: {  	[sflag:s13] =	ssyncadd.s32 $0xFFFFF280  }
0xf1: {  	[tilespmem:s15], [sflag:$0x1] =	stream.linear.gather [hbm4b:s9+s2], $0xD80, $0x38;
	[tilespmem:$0x9300] =	vst v63  }
0xf2: {  	_ =	swait.ge [sflag:s13], $0xD80  }
0xf3: {  	[sflag:s13] =	ssyncset.done $0x0  }
0xf4: {  	s29 =	simm.s32 $0x7820;
	[sflag:s13] =	ssyncadd.s32 $0xFFFFF280  }
0xf5: {  	v6 =	vld [tilespmem:s29+$0x10];
	_ =	sdelay $0x2  }
0xf6: {  	v7 =	vld [tilespmem:s29+$0xFFFFFFF0]  }
0xf7: {  	v8 =	vld [tilespmem:s29+$0xFFFFFFE0]  }
0xf8: {  	v9 =	vand.u32 $0xFFFF, v6  }
0xf9: {  	v14 =	vshrl.u32 v6, $0x10;
	_ =	sdelay $0x1  }
0xfa: {  	v10 =	vand.u32 $0xFFFF, v7  }
0xfb: {  	v11 =	vld [tilespmem:s29+$0x0];
	v12 =	vand.u32 $0xFFFF, v8  }
0xfc: {  	v6 =	vshrl.u32 v8, $0x10;
	v9 =	vld.idx.msk [tilespmem:v9+s2+$0x0], $0xffff  }
0xfd: {  	s30 =	simm.s32 $0x7860;
	v13 =	vld.idx.msk [tilespmem:v14+s14+$0x0], $0xffff  }
0xfe: {  	v8 =	vld [tilespmem:s30+$0x10]  }
0xff: {  	v7 =	vshrl.u32 v7, $0x10;
	v15 =	vld.idx.msk [tilespmem:v10+s2+$0x0], $0xffff  }
0x100: {  	v17 =	vand.u32 $0xFFFF, v11;
	v12 =	vld.idx.msk [tilespmem:v12+s2+$0x0], $0xffff  }
0x101: {  	v10 =	vshrl.u32 v11, $0x10;
	v19 =	vld.idx.msk [tilespmem:v6+s14+$0x0], $0xffff  }
0x102: {  	v16 =	vld [tilespmem:s30+$0xFFFFFFF0];
	v9 =	vadd.f32 v13, v9  }
0x103: {  	v18 =	vld [tilespmem:s30+$0xFFFFFFE0]  }
0x104: {  	v13 =	vld.idx.msk [tilespmem:v7+s14+$0x0], $0xffff;
	v21 =	vmul.f32 $2.000000030e-01, v9  }
0x105: {  	v20 =	vand.u32 $0xFFFF, v8;
	v17 =	vld.idx.msk [tilespmem:v17+s2+$0x0], $0xffff;
	vm0 =	vgt.f32 v9, $0.0e+00  }
0x106: {  	v11 =	vshrl.u32 v8, $0x10;
	v12 =	vadd.f32 v19, v12;
	v19 =	vld.idx.msk [tilespmem:v10+s14+$0x0], $0xffff;
	v8 =	vsel vm0, v9, v21  }
0x107: {  	v24 =	vsub.f32 v8, v5  }
0x108: {  	v23 =	vand.u32 $0xFFFF, v16;
	v21 =	vand.u32 $0xFFFF, v18  }
0x109: {  	v22 =	vld [tilespmem:s30+$0x0];
	v9 =	vshrl.u32 v16, $0x10;
	v13 =	vadd.f32 v13, v15;
	v16 =	vmul.f32 $1.442695020e+00, v24  }
0x10a: {  	vm0 =	vgt.f32 v12, $0.0e+00;
	v8 =	vshrl.u32 v18, $0x10;
	v15 =	vld.idx.msk [tilespmem:v20+s2+$0x0], $0xffff;
	v18 =	vmul.f32 $2.000000030e-01, v12  }
0x10b: {  	s31 =	simm.s32 $0x78A0;
	v20 =	vld.idx.msk [tilespmem:v11+s14+$0x0], $0xffff;
	v17 =	vadd.f32 v19, v17;
	v24 =	vmul.f32 $2.000000030e-01, v13;
	(erf) = vpow2.f32 v16  }
0x10c: {  	v27 =	vld [tilespmem:s31+$0xFFFFFFF0];
	vm1 =	vgt.f32 v13, $0.0e+00;
	v12 =	vsel vm0, v12, v18  }
0x10d: {  	v19 =	vld [tilespmem:s31+$0x10];
	v12 =	vsub.f32 v12, v5;
	v13 =	vsel vm1, v13, v24;
	v24 =	vmul.f32 $2.000000030e-01, v17  }
0x10e: {  	v26 =	vand.u32 $0xFFFF, v22;
	vm0 =	vgt.f32 v17, $0.0e+00;
	v16 =	vld.idx.msk [tilespmem:v21+s2+$0x0], $0xffff  }
0x10f: {  	v18 =	vld.idx.msk [tilespmem:v8+s14+$0x0], $0xffff;
	v13 =	vsub.f32 v13, v5;
	v21 =	vmul.f32 $1.442695020e+00, v12;
	v17 =	vsel vm0, v17, v24  }
0x110: {  	v23 =	vld.idx.msk [tilespmem:v23+s2+$0x0], $0xffff;
	v12 =	vshrl.u32 v22, $0x10;
	v15 =	vadd.f32 v20, v15;
	v17 =	vsub.f32 v17, v5  }
0x111: {  	v25 =	vld.idx.msk [tilespmem:v9+s14+$0x0], $0xffff;
	v13 =	vmul.f32 $1.442695020e+00, v13;
	(erf) = vpow2.f32 v21  }
0x112: {  	v20 =	vand.u32 $0xFFFF, v19;
	v22 =	vmul.f32 $2.000000030e-01, v15  }
0x113: {  	v21 =	vld [tilespmem:s31+$0xFFFFFFE0];
	vm0 =	vgt.f32 v15, $0.0e+00;
	(erf) = vpow2.f32 v13;
	v28 =	vmul.f32 $1.442695020e+00, v17  }
0x114: {  	s21 =	simm.s32 $0x85A0;
	v13 =	vshrl.u32 v19, $0x10;
	v19 =	vld.idx.msk [tilespmem:v26+s2+$0x0], $0xffff;
	v15 =	vsel vm0, v15, v22;
	v18 =	vadd.f32 v18, v16;
	v17 =	vpop (erf)  }
0x115: {  	v22 =	vld.idx.msk [tilespmem:v12+s14+$0x0], $0xffff;
	v15 =	vsub.f32 v15, v5;
	[tilespmem:s21+$0x10] =	vst v17  }
0x116: {  	v26 =	vand.u32 $0xFFFF, v27;
	v25 =	vadd.f32 v25, v23;
	[tilespmem:v14+s16+$0x0] =	vst.idx.add.f32.msk $0xffff, v17;
	v17 =	vmul.f32 $2.000000030e-01, v18  }
0x117: {  	v16 =	vshrl.u32 v27, $0x10;
	v30 =	vmul.f32 $1.442695020e+00, v15  }
0x118: {  	v24 =	vld [tilespmem:s31+$0x0];
	v27 =	vmul.f32 $2.000000030e-01, v25;
	v29 =	vand.u32 $0xFFFF, v21  }
0x119: {  	vm0 =	vgt.f32 v18, $0.0e+00;
	v23 =	vld.idx.msk [tilespmem:v13+s14+$0x0], $0xffff;
	(erf) = vpow2.f32 v30;
	v14 =	vshrl.u32 v21, $0x10  }
0x11a: {  	vm1 =	vgt.f32 v25, $0.0e+00;
	v21 =	vld.idx.msk [tilespmem:v20+s2+$0x0], $0xffff;
	v18 =	vsel vm0, v18, v17;
	v17 =	vpop (erf);
	(erf) = vpow2.f32 v28  }
0x11b: {  	v25 =	vsel vm1, v25, v27;
	v20 =	vld.idx.msk [tilespmem:v26+s2+$0x0], $0xffff;
	v26 =	vadd.f32 v22, v19;
	v27 =	vsub.f32 v18, v5  }
0x11c: {  	v30 =	vsub.f32 v25, v5;
	v25 =	vld.idx.msk [tilespmem:v16+s14+$0x0], $0xffff  }
0x11d: {  	v15 =	vshrl.u32 v24, $0x10;
	v22 =	vld.idx.msk [tilespmem:v29+s2+$0x0], $0xffff;
	v29 =	vmul.f32 $2.000000030e-01, v26;
	[tilespmem:s21+$0xFFFFFFE0] =	vst v17;
	v18 =	vpop (erf);
	v27 =	vmul.f32 $1.442695020e+00, v27  }
0x11e: {  	s23 =	simm.s32 $0x80;
	s24 =	simm.s32 $0x78E0;
	s22 =	simm.s32 $0x85A0;
	v19 =	vand.u32 $0xFFFF, v24;
	vm0 =	vgt.f32 v26, $0.0e+00;
	v28 =	vmul.f32 $1.442695020e+00, v30;
	v24 =	vld.idx.msk [tilespmem:v14+s14+$0x0], $0xffff;
	[tilespmem:s21+$0xFFFFFFF0] =	vst v18  }
.LBB2_10:
0x11f: {  	v30 =	vld [tilespmem:s24+$0x10];
	v26 =	vsel vm0, v26, v29;
	(erf) = vpow2.f32 v27  }
0x120: {  	v21 =	vadd.f32 v23, v21;
	v27 =	vld [tilespmem:s24+$0xFFFFFFF0];
	v33 =	vsub.f32 v26, v5;
	(erf) = vpow2.f32 v28  }
0x121: {  	s23 =	sadd.s32 $0x40, s23;
	v26 =	vld [tilespmem:s24+$0x0]  }
0x122: {  	s21 =	sadd.s32 $0x40, s21;
	p0 =	slt.u32 s23, $0xD40;
	v29 =	vmul.f32 $2.000000030e-01, v21;
	v28 =	vld [tilespmem:s24+$0xFFFFFFE0];
	v31 =	vmul.f32 $1.442695020e+00, v33;
	v23 =	vpop (erf)  }
0x123: {  	vm0 =	vgt.f32 v21, $0.0e+00;
	v22 =	vadd.f32 v24, v22;
	v24 =	vld.idx.msk [tilespmem:v19+s2+$0x0], $0xffff;
	[tilespmem:s21+$0x10] =	vst v23;
	v32 =	vpop (erf)  }
0x124: {  	v20 =	vadd.f32 v25, v20;
	v19 =	vsel vm0, v21, v29;
	v33 =	vand.u32 $0xFFFF, v30;
	[tilespmem:v11+s16+$0x0] =	vst.idx.add.f32.msk $0xffff, v23  }
0x125: {  	v21 =	vsub.f32 v19, v5;
	v11 =	vmovc v13;
	v13 =	vshrl.u32 v30, $0x10;
	v23 =	vshrl.u32 v27, $0x10;
	v25 =	vld.idx.msk [tilespmem:v15+s14+$0x0], $0xffff;
	[tilespmem:s22+$0x0] =	vst v32;
	s22 =	smov.u32 s21  }
0x126: {  	v27 =	vand.u32 $0xFFFF, v27;
	v29 =	vshrl.u32 v26, $0x10;
	v19 =	vand.u32 $0xFFFF, v26;
	[tilespmem:v6+s16+$0x0] =	vst.idx.add.f32.msk $0xffff, v17;
	v6 =	vmovc v8;
	v8 =	vmovc v14  }
0x127: {  	v26 =	vmul.f32 $1.442695020e+00, v21;
	v14 =	vshrl.u32 v28, $0x10;
	v28 =	vand.u32 $0xFFFF, v28;
	[tilespmem:v7+s16+$0x0] =	vst.idx.add.f32.msk $0xffff, v18;
	v7 =	vmovc v9;
	v9 =	vmovc v16  }
0x128: {  	vm0 =	vgt.f32 v22, $0.0e+00;
	v30 =	vmul.f32 $2.000000030e-01, v22;
	v34 =	vmul.f32 $2.000000030e-01, v20;
	v17 =	vpop (erf);
	[tilespmem:v10+s16+$0x0] =	vst.idx.add.f32.msk $0xffff, v32  }
0x129: {  	vm1 =	vgt.f32 v20, $0.0e+00;
	v16 =	vmov v23;
	v21 =	vld.idx.msk [tilespmem:v33+s2+$0x0], $0xffff;
	(erf) = vpow2.f32 v26;
	[tilespmem:s21+$0xFFFFFFE0] =	vst v17;
	v18 =	vpop (erf)  }
.Ltmp4:
0x12a: {  	v22 =	vsel vm0, v22, v30;
	v30 =	vsel vm1, v20, v34;
	v23 =	vld.idx.msk [tilespmem:v13+s14+$0x0], $0xffff;
	[tilespmem:s21+$0xFFFFFFF0] =	vst v18;
	(erf) = vpow2.f32 v31;
	(pc) =	sbr.rel @p0 .LBB2_10-.Ltmp4, $4  }
0x12b: {  	v10 =	vmovc v12;
	v12 =	vmov v15;
	v26 =	vadd.f32 v25, v24;
	v20 =	vld.idx.msk [tilespmem:v27+s2+$0x0], $0xffff;
	v27 =	vsub.f32 v22, v5  }
0x12c: {  	v15 =	vmov v29;
	v22 =	vld.idx.msk [tilespmem:v28+s2+$0x0], $0xffff;
	v28 =	vsub.f32 v30, v5  }
0x12d: {  	vm0 =	vgt.f32 v26, $0.0e+00;
	v29 =	vmul.f32 $2.000000030e-01, v26;
	v24 =	vld.idx.msk [tilespmem:v14+s14+$0x0], $0xffff;
	v27 =	vmul.f32 $1.442695020e+00, v27  }
0x12e: {  	s24 =	sadd.s32 $0x40, s24;
	v25 =	vld.idx.msk [tilespmem:v16+s14+$0x0], $0xffff;
	v28 =	vmul.f32 $1.442695020e+00, v28  }
0x12f: {  	_ =	sdelay $0x3  }
0x130: {  	v21 =	vadd.f32 v23, v21;
	v19 =	vld.idx.msk [tilespmem:v19+s2+$0x0], $0xffff  }
0x131: {  	v30 =	vld.idx.msk [tilespmem:v15+s14+$0x0], $0xffff  }
0x132: {  	v23 =	vmul.f32 $2.000000030e-01, v21  }
0x133: {  	v26 =	vsel vm0, v26, v29;
	(erf) = vpow2.f32 v27;
	vm1 =	vgt.f32 v21, $0.0e+00  }
0x134: {  	v57 =	vsub.f32 v26, v5;
	v22 =	vadd.f32 v24, v22;
	v21 =	vsel vm1, v21, v23  }
0x135: {  	(erf) = vpow2.f32 v28;
	v20 =	vadd.f32 v25, v20;
	v21 =	vsub.f32 v21, v5  }
0x136: {  	v23 =	vmul.f32 $1.442695020e+00, v57;
	v24 =	vmul.f32 $2.000000030e-01, v22;
	v19 =	vadd.f32 v30, v19  }
0x137: {  	vm13 =	vgt.f32 v22, $0.0e+00;
	v25 =	vmul.f32 $2.000000030e-01, v20;
	v21 =	vmul.f32 $1.442695020e+00, v21  }
0x138: {  	vm14 =	vgt.f32 v20, $0.0e+00;
	v22 =	vsel vm13, v22, v24;
	v59 =	vmul.f32 $2.000000030e-01, v19  }
0x139: {  	[tilespmem:v6+s16+$0x0] =	vst.idx.add.f32.msk $0xffff, v17;
	v20 =	vsel vm14, v20, v25;
	v22 =	vsub.f32 v22, v5;
	(erf) = vpow2.f32 v21  }
0x13a: {  	s21 =	sadd.s32 $0x40, s21;
	[tilespmem:v7+s16+$0x0] =	vst.idx.add.f32.msk $0xffff, v18;
	v58 =	vpop (erf);
	vm15 =	vgt.f32 v19, $0.0e+00;
	v61 =	vsub.f32 v20, v5  }
0x13b: {  	[tilespmem:s21+$0x10] =	vst v58;
	v19 =	vsel vm15, v19, v59;
	(erf) = vpow2.f32 v23;
	v62 =	vmul.f32 $1.442695020e+00, v22  }
0x13c: {  	v60 =	vpop (erf);
	[tilespmem:v11+s16+$0x0] =	vst.idx.add.f32.msk $0xffff, v58;
	v5 =	vsub.f32 v19, v5;
	v6 =	vmul.f32 $1.442695020e+00, v61  }
0x13d: {  	[tilespmem:s22+$0x0] =	vst v60;
	(erf) = vpow2.f32 v62  }
0x13e: {  	[tilespmem:v10+s16+$0x0] =	vst.idx.add.f32.msk $0xffff, v60;
	v7 =	vpop (erf);
	v5 =	vmul.f32 $1.442695020e+00, v5;
	(erf) = vpow2.f32 v6  }
0x13f: {  	[tilespmem:s21+$0xFFFFFFE0] =	vst v7  }
0x140: {  	[tilespmem:v8+s16+$0x0] =	vst.idx.add.f32.msk $0xffff, v7;
	v6 =	vpop (erf)  }
0x141: {  	(erf) = vpow2.f32 v5;
	[tilespmem:s21+$0xFFFFFFF0] =	vst v6  }
0x142: {  	s31 =	sadd.s32 $0x40, s21;
	[tilespmem:v9+s16+$0x0] =	vst.idx.add.f32.msk $0xffff, v6;
	v5 =	vpop (erf)  }
0x143: {  	[tilespmem:s31+$0x10] =	vst v5  }
0x144: {  	v63 =	vpop (erf);
	[tilespmem:v13+s16+$0x0] =	vst.idx.add.f32.msk $0xffff, v5  }
0x145: {  	[tilespmem:s21+$0x0] =	vst v63  }
0x146: {  	v5 =	vpop (erf);
	[tilespmem:v12+s16+$0x0] =	vst.idx.add.f32.msk $0xffff, v63  }
0x147: {  	[tilespmem:s31+$0xFFFFFFE0] =	vst v5;
	v6 =	vpop (erf)  }
0x148: {  	[tilespmem:s31+$0xFFFFFFF0] =	vst v6  }
0x149: {  	[tilespmem:v14+s16+$0x0] =	vst.idx.add.f32.msk $0xffff, v5  }
0x14a: {  	v7 =	vpop (erf);
	[tilespmem:v16+s16+$0x0] =	vst.idx.add.f32.msk $0xffff, v6  }
0x14b: {  	[tilespmem:s31+$0x0] =	vst v7  }
0x14c: {  	[tilespmem:v15+s16+$0x0] =	vst.idx.add.f32.msk $0xffff, v7  }
0x14d: {  	[hbm4b:s10+s2] =	stream.linear.scatter [tilespmem:s17], [sflag:$0x1], $0xD80, $0x38;
	[tilespmem:$0x9300] =	vst v63  }
0x14e: {  	s20 =	sadd.s32 $0x1, s20;
	_ =	swait.ge [sflag:s13], $0xD80  }
0x14f: {  	p0 =	sne.s32 s20, s12;
	[sflag:s13] =	ssyncset.done $0x0  }
.Ltmp5:
0x150: {  	[sflag:s13] =	ssyncadd.s32 $0xFFFFF280;
	(pc) =	sbr.rel @p0 .LBB2_1-.Ltmp5, $4  }
0x151: {  	[hbm4b:s11+s18] =	stream.strided.scatter [tilespmem:s16], [sflag:$0x1], $0x2800, s19, s18, $0x38;
	[tilespmem:$0x9300] =	vst v63  }
0x152: {  	_ =	swait.ge [sflag:s13], $0x2800  }
0x153: {  	[sflag:s13] =	ssyncset.done $0x0  }
0x154: {  	[sflag:s13] =	ssyncadd.s32 $0xFFFFD800  }
0x155: {  	_ =	sfence.sel $0x180000  }
0x156: {  	[bflag:$0x0] =	sbarrier.arrive $0xFFFF  }
0x157: {  	p0 =	sne.s32 s1, $0x0;
	_ =	strace $0x90000047  }
0x158: {  	s0 =	sadd.s32 @!p0 $0x100000, s0;
	[bflag:$0x2] =	sbarrier.arrive $0xFFFF  }
0x159: {  	[sflag:s0] =	ssyncadd.tile.s32 @!p0 $0x1;
	_ =	shalt  }
.Lfunc_end2:
_tile_overlayer_lowered:
.L_overlay_start_2:
0x15a: {  	(tag) =	ssettag $0x2  }
0x15b: {  	s0 =	rddreg [dreg:$0x0];
	s2 =	stileid.u32  }
0x15c: {  	s1 =	rddreg [dreg:$0x1];
	p0 =	sne.s32 s2, $0x0  }
0x15d: {  	s3 =	rddreg [dreg:$0x2];
	[bflag:$0x3] =	sbarrier.arrive $0xFFFF;
	s2 =	simm.s32 @!p0 $0x1C01  }
0x15e: {  	[timem:s3], [sflag:s2] =	dma.local @!p0 [hbm:s0], s1  }
0x15f: {  	s0 =	simm.s32 @!p0 $0x1  }
0x160: {  	_ =	swait.ge @!p0 [sflag:s0], s1  }
0x161: {  	s1 =	ssub.s32 @!p0 $0x0, s1;
	[sflag:s0] =	ssyncset.done @!p0 $0x0  }
0x162: {  	[sflag:s0] =	ssyncadd.s32 @!p0 s1  }
0x163: {  	[bflag:$0x3] =	sbarrier.arrive $0xFFFF  }
0x164: {  	_ =	shalt  }

</sc_bundles>
